<compile_context>
chip_gen: v7x
topology: tpu7x:2x2x1
jax: 0.10.2.dev20260603
libtpu: 0.0.44.dev20260713+nightly
codegen_flags: <defaults>
</compile_context>

<pallas_src>
import functools

import jax
import jax.numpy as jnp
from jax import lax
from jax.experimental import pallas as pl
from jax.experimental.pallas import tpu as pltpu
from jax.experimental.pallas import tpu_sc as plsc

D = 128
K = 16
NC = 2
NS = 16
NW = NC * NS
CH = 8
CHK = CH * K
SCH = 64
ZR = 32
NB = 4


def _sc_gather_sum(features, nodes_p, n0_p, n1_p, b, bpo):
    npw = -(-b // (SCH * NW)) * SCH
    assert b % 8 == 0 and b >= npw
    last_base = b - npw
    n_chunks = npw // CH
    s_chunks = npw // SCH
    z_copies = npw // ZR
    mesh = plsc.VectorSubcoreMesh(core_axis_name="c", subcore_axis_name="s")
    f32 = jnp.float32

    @functools.partial(
        pl.kernel,
        out_type=(
            jax.ShapeDtypeStruct((bpo, D), f32),
            jax.ShapeDtypeStruct((bpo, D), f32),
            jax.ShapeDtypeStruct((bpo, D), f32),
        ),
        mesh=mesh,
        scratch_types=[
            pltpu.VMEM((npw,), jnp.int32),
            pltpu.VMEM((npw * K,), jnp.int32),
            pltpu.VMEM((NB, CHK, D), f32),
            pltpu.VMEM((ZR, D), f32),
            pltpu.VMEM((NB, CHK), jnp.int32),
            pltpu.VMEM_SHARED((NS * npw, D), f32),
            pltpu.SemaphoreType.DMA,
            pltpu.SemaphoreType.DMA,
            pltpu.SemaphoreType.DMA,
            pltpu.SemaphoreType.DMA,
            pltpu.SemaphoreType.DMA,
            pltpu.SemaphoreType.DMA,
            pltpu.SemaphoreType.DMA,
            pltpu.SemaphoreType.DMA,
            pltpu.SemaphoreType.DMA,
            pltpu.SemaphoreType.DMA,
        ],
    )
    def sc_kernel(feat_hbm, nodes_hbm, n0_hbm, n1_hbm,
                  s_hbm, n0s_hbm, n1s_hbm,
                  sidx_v, nidx_v, rows_v, zer_v, aidx_v, acc_sh,
                  sg0, sg1, sg2, sg3, sa0, sa1, sa2, sa3, sem_s, sem_o):
        sem_g = (sg0, sg1, sg2, sg3)
        sem_a = (sa0, sa1, sa2, sa3)
        sid = lax.axis_index("s")
        wid = sid * NC + lax.axis_index("c")
        nbase = jnp.minimum(wid * npw, last_base)
        abase = sid * npw

        for r in range(ZR):
            for j in range(D // 16):
                zer_v[r, pl.ds(j * 16, 16)] = jnp.zeros((16,), f32)

        def zero_slab():
            for zi in range(z_copies):
                pltpu.sync_copy(zer_v, acc_sh.at[pl.ds(abase + zi * ZR, ZR)])

        zero_slab()

        pltpu.sync_copy(nodes_hbm.at[pl.ds(nbase, npw)], sidx_v)

        def one_table(tbl_hbm, out_hbm):
            ibase = nbase * K
            pltpu.sync_copy(tbl_hbm.at[pl.ds(ibase, npw * K)], nidx_v)

            def issue_gather(ci, b):
                pltpu.async_copy(
                    feat_hbm.at[nidx_v.at[pl.ds(ci * CHK, CHK)]],
                    rows_v.at[b], sem_g[b])

            def wait_gather(b):
                pltpu.make_async_copy(
                    feat_hbm.at[nidx_v.at[pl.ds(0, CHK)]],
                    rows_v.at[b], sem_g[b]).wait()

            def issue_add(ci, b):
                for j in range(CH):
                    aidx_v[b, pl.ds(j * K, K)] = lax.full(
                        (16,), abase + ci * CH + j, jnp.int32)
                pltpu.async_copy(rows_v.at[b], acc_sh.at[aidx_v.at[b]],
                                 sem_a[b], add=True)

            def wait_add(b):
                pltpu.make_async_copy(rows_v.at[b], acc_sh.at[aidx_v.at[b]],
                                      sem_a[b]).wait()

            for b in range(NB):
                issue_gather(b, b)

            @pl.loop(0, n_chunks, step=NB)
            def _(g):
                for b in range(NB):
                    ci = g + b
                    pb = (b - 1) % NB
                    pci = ci - 1

                    @pl.when((pci >= 0) & (pci + NB < n_chunks))
                    def _():
                        wait_add(pb)
                        issue_gather(pci + NB, pb)

                    wait_gather(b)
                    issue_add(ci, b)

            for b in range(NB):
                wait_add(b)
            pltpu.async_copy(acc_sh.at[pl.ds(abase, npw)],
                             out_hbm.at[pl.ds(nbase, npw)], sem_o)

        one_table(n0_hbm, n0s_hbm)

        s_parts = []
        off = 0
        while off < npw:
            sz = min(CHK, npw - off)
            s_parts.append((off, sz))
            off += sz
        for b, (soff, sz) in enumerate(s_parts):
            pltpu.async_copy(feat_hbm.at[sidx_v.at[pl.ds(soff, sz)]],
                             rows_v.at[b, pl.ds(0, sz)], sem_g[b])
        for b, (soff, sz) in enumerate(s_parts):
            pltpu.make_async_copy(feat_hbm.at[sidx_v.at[pl.ds(soff, sz)]],
                                  rows_v.at[b, pl.ds(0, sz)], sem_g[b]).wait()
            pltpu.async_copy(rows_v.at[b, pl.ds(0, sz)],
                             s_hbm.at[pl.ds(nbase + soff, sz)], sem_s)

        pltpu.make_async_copy(acc_sh.at[pl.ds(abase, npw)],
                              n0s_hbm.at[pl.ds(nbase, npw)], sem_o).wait()
        zero_slab()
        for b, (soff, sz) in enumerate(s_parts):
            pltpu.make_async_copy(rows_v.at[b, pl.ds(0, sz)],
                                  s_hbm.at[pl.ds(nbase + soff, sz)],
                                  sem_s).wait()
        one_table(n1_hbm, n1s_hbm)
        pltpu.make_async_copy(acc_sh.at[pl.ds(abase, npw)],
                              n1s_hbm.at[pl.ds(nbase, npw)], sem_o).wait()

    return sc_kernel(features, nodes_p, n0_p, n1_p)


def _tc_matmul(weight, s, n0s, n1s):
    bp = s.shape[0]
    blk = 512
    dn = (((1,), (1,)), ((), ()))

    def body(w_ref, s_ref, n0_ref, n1_ref, o_ref):
        w = w_ref[...]
        acc = lax.dot_general(w[:, 0:D], s_ref[...], dn,
                              preferred_element_type=jnp.float32)
        wn = w[:, D:3 * D] * jnp.float32(1.0 / K)
        acc = acc + lax.dot_general(wn[:, 0:D], n0_ref[...], dn,
                                    preferred_element_type=jnp.float32)
        acc = acc + lax.dot_general(wn[:, D:2 * D], n1_ref[...], dn,
                                    preferred_element_type=jnp.float32)
        o_ref[...] = jnp.maximum(acc, 0.0)

    return pl.pallas_call(
        body,
        grid=(bp // blk,),
        in_specs=[
            pl.BlockSpec((D, 3 * D), lambda i: (0, 0)),
            pl.BlockSpec((blk, D), lambda i: (i, 0)),
            pl.BlockSpec((blk, D), lambda i: (i, 0)),
            pl.BlockSpec((blk, D), lambda i: (i, 0)),
        ],
        out_specs=pl.BlockSpec((D, blk), lambda i: (0, i)),
        out_shape=jax.ShapeDtypeStruct((D, bp), jnp.float32),
    )(weight, s, n0s, n1s)


def kernel(nodes, neigh0, neigh1, features, weight):
    b = nodes.shape[0]
    bpo = -(-b // 512) * 512
    s, n0s, n1s = _sc_gather_sum(
        features, nodes.astype(jnp.int32),
        neigh0.astype(jnp.int32).reshape(-1),
        neigh1.astype(jnp.int32).reshape(-1), b, bpo)
    out = _tc_matmul(weight, s, n0s, n1s)
    return out[:, :b]

# --- scband reference (transcript-rebuilt; emitter-appended) ---
"""Pipeline reference for scband-encoder-89275190215129 (READ-ONLY COPY).

The authoritative reference and input builder live on the scoring server;
editing this copy changes nothing except your own understanding.
"""

import jax, jax.numpy as jnp
import numpy as np

N_NODES = 100000
D_FEAT = 128
BATCH = 10000
NUM_SAMPLE = 16
EMBED_DIM = 128


def setup_inputs(seed: int = 0) -> dict:
    key = jax.random.key(seed)
    k1, k2, k3, k4, k5 = jax.random.split(key, 5)
    nodes = jax.random.randint(k1, (BATCH,), 0, N_NODES)
    # adj_lists0 / adj_lists1 materialized as fixed num_sample sampled neighbor ids per node
    neigh0 = jax.random.randint(k2, (BATCH, NUM_SAMPLE), 0, N_NODES)
    neigh1 = jax.random.randint(k3, (BATCH, NUM_SAMPLE), 0, N_NODES)
    # learned params: node feature table (the `features` embedding) and the encoder weight
    features = jax.random.normal(k4, (N_NODES, D_FEAT), dtype=jnp.float32)
    weight = jax.random.normal(k5, (EMBED_DIM, 3 * D_FEAT), dtype=jnp.float32)
    return {"nodes": nodes, "neigh0": neigh0, "neigh1": neigh1, "features": features, "weight": weight}


def reference(nodes, neigh0, neigh1, features, weight):
    # MeanAggregator over adj_lists0: gather sampled neighbor feats then mean
    neigh_feats0 = jnp.take(features, neigh0, axis=0).mean(axis=1)
    # MeanAggregator over adj_lists1
    neigh_feats1 = jnp.take(features, neigh1, axis=0).mean(axis=1)
    # self features lookup (gcn=False path)
    self_feats = jnp.take(features, nodes, axis=0)
    combined = jnp.concatenate([self_feats, neigh_feats0, neigh_feats1], axis=1)
    # F.relu(self.weight.mm(combined.t())) -> [embed_dim, batch]
    out = jax.nn.relu(weight @ combined.T)
    return out

if __name__ == "__main__":
    import jax
    _d = setup_inputs()
    print(jax.jit(kernel)(*tuple(_d.values())))

</pallas_src>

<mosaic_0001>
#map = affine_map<(d0, d1) -> (0, 0)>
#map1 = affine_map<(d0, d1) -> (0)>
module attributes {stable_mosaic.version = 14 : i64} {
  func.func @sc_kernel(%arg0: i32, %arg1: i32, %arg2: memref<100000x128xf32, #tpu.memory_space<hbm>>, %arg3: memref<10000xi32, #tpu.memory_space<hbm>>, %arg4: memref<160000xi32, #tpu.memory_space<hbm>>, %arg5: memref<160000xi32, #tpu.memory_space<hbm>>, %arg6: memref<10240x128xf32, #tpu.memory_space<hbm>>, %arg7: memref<10240x128xf32, #tpu.memory_space<hbm>>, %arg8: memref<10240x128xf32, #tpu.memory_space<hbm>>, %arg9: memref<320xi32, #tpu.memory_space<vmem>>, %arg10: memref<5120xi32, #tpu.memory_space<vmem>>, %arg11: memref<4x128x128xf32, #tpu.memory_space<vmem>>, %arg12: memref<32x128xf32, #tpu.memory_space<vmem>>, %arg13: memref<4x128xi32, #tpu.memory_space<vmem>>, %arg14: memref<5120x128xf32, #tpu.memory_space<vmem_shared>>, %arg15: memref<!tpu.dma_semaphore, #tpu.memory_space<semaphore_mem>>, %arg16: memref<!tpu.dma_semaphore, #tpu.memory_space<semaphore_mem>>, %arg17: memref<!tpu.dma_semaphore, #tpu.memory_space<semaphore_mem>>, %arg18: memref<!tpu.dma_semaphore, #tpu.memory_space<semaphore_mem>>, %arg19: memref<!tpu.dma_semaphore, #tpu.memory_space<semaphore_mem>>, %arg20: memref<!tpu.dma_semaphore, #tpu.memory_space<semaphore_mem>>, %arg21: memref<!tpu.dma_semaphore, #tpu.memory_space<semaphore_mem>>, %arg22: memref<!tpu.dma_semaphore, #tpu.memory_space<semaphore_mem>>, %arg23: memref<!tpu.dma_semaphore, #tpu.memory_space<semaphore_mem>>, %arg24: memref<!tpu.dma_semaphore, #tpu.memory_space<semaphore_mem>>) attributes {dimension_semantics = [#tpu.dimension_semantics<core_parallel>, #tpu.dimension_semantics<subcore_parallel>], iteration_bounds = array<i64: 2, 16>, scalar_prefetch = 0 : i64, scratch_operands = 16 : i64, tpu.core_type = #tpu.core_type<sc_vector_subcore>, window_params = [{transform_indices = #map}, {transform_indices = #map1}, {transform_indices = #map1}, {transform_indices = #map1}, {transform_indices = #map}, {transform_indices = #map}, {transform_indices = #map}]} {
    %mul3A = arith.constant 2 : i32
    %mul3A_0 = arith.muli %arg1, %mul3A : i32
    %add3A = arith.addi %mul3A_0, %arg0 : i32
    %mul3A_1 = arith.constant 320 : i32
    %mul3A_2 = arith.muli %add3A, %mul3A_1 : i32
    %min3A = arith.constant 9680 : i32
    %min3A_3 = arith.minsi %mul3A_2, %min3A : i32
    %mul3A_4 = arith.constant 320 : i32
    %mul3A_5 = arith.muli %arg1, %mul3A_4 : i32
    %broadcast_in_dim3A = arith.constant 0.000000e+00 : f32
    %broadcast_in_dim3A_6 = vector.broadcast %broadcast_in_dim3A : f32 to vector<16xf32>
    %swap3A = arith.constant 0 : i32
    %swap3A_7 = arith.index_cast %swap3A : i32 to index
    %swap3A_8 = arith.constant 0 : index
    %swap3A_9 = tpu.vector_load %arg12[%swap3A_7, %swap3A_8] {strides = array<i32>} : memref<32x128xf32, #tpu.memory_space<vmem>>, vector<1x16xf32>,
    %swap3A_10 = vector.shape_cast %swap3A_9 : vector<1x16xf32> to vector<16xf32>
    %swap3A_11 = vector.shape_cast %broadcast_in_dim3A_6 : vector<16xf32> to vector<1x16xf32>
    tpu.vector_store %arg12[%swap3A_7, %swap3A_8], %swap3A_11 {strides = array<i32>} : memref<32x128xf32, #tpu.memory_space<vmem>>, vector<1x16xf32>,
    %broadcast_in_dim3A_12 = arith.constant 0.000000e+00 : f32
    %broadcast_in_dim3A_13 = vector.broadcast %broadcast_in_dim3A_12 : f32 to vector<16xf32>
    %swap3A_14 = arith.constant 0 : i32
    %swap3A_15 = arith.index_cast %swap3A_14 : i32 to index
    %swap3A_16 = arith.constant 16 : index
    %swap3A_17 = tpu.vector_load %arg12[%swap3A_15, %swap3A_16] {strides = array<i32>} : memref<32x128xf32, #tpu.memory_space<vmem>>, vector<1x16xf32>,
    %swap3A_18 = vector.shape_cast %swap3A_17 : vector<1x16xf32> to vector<16xf32>
    %swap3A_19 = vector.shape_cast %broadcast_in_dim3A_13 : vector<16xf32> to vector<1x16xf32>
    tpu.vector_store %arg12[%swap3A_15, %swap3A_16], %swap3A_19 {strides = array<i32>} : memref<32x128xf32, #tpu.memory_space<vmem>>, vector<1x16xf32>,
    %broadcast_in_dim3A_20 = arith.constant 0.000000e+00 : f32
    %broadcast_in_dim3A_21 = vector.broadcast %broadcast_in_dim3A_20 : f32 to vector<16xf32>
    %swap3A_22 = arith.constant 0 : i32
    %swap3A_23 = arith.index_cast %swap3A_22 : i32 to index
    %swap3A_24 = arith.constant 32 : index
    %swap3A_25 = tpu.vector_load %arg12[%swap3A_23, %swap3A_24] {strides = array<i32>} : memref<32x128xf32, #tpu.memory_space<vmem>>, vector<1x16xf32>,
    %swap3A_26 = vector.shape_cast %swap3A_25 : vector<1x16xf32> to vector<16xf32>
    %swap3A_27 = vector.shape_cast %broadcast_in_dim3A_21 : vector<16xf32> to vector<1x16xf32>
    tpu.vector_store %arg12[%swap3A_23, %swap3A_24], %swap3A_27 {strides = array<i32>} : memref<32x128xf32, #tpu.memory_space<vmem>>, vector<1x16xf32>,
    %broadcast_in_dim3A_28 = arith.constant 0.000000e+00 : f32
    %broadcast_in_dim3A_29 = vector.broadcast %broadcast_in_dim3A_28 : f32 to vector<16xf32>
    %swap3A_30 = arith.constant 0 : i32
    %swap3A_31 = arith.index_cast %swap3A_30 : i32 to index
    %swap3A_32 = arith.constant 48 : index
    %swap3A_33 = tpu.vector_load %arg12[%swap3A_31, %swap3A_32] {strides = array<i32>} : memref<32x128xf32, #tpu.memory_space<vmem>>, vector<1x16xf32>,
    %swap3A_34 = vector.shape_cast %swap3A_33 : vector<1x16xf32> to vector<16xf32>
    %swap3A_35 = vector.shape_cast %broadcast_in_dim3A_29 : vector<16xf32> to vector<1x16xf32>
    tpu.vector_store %arg12[%swap3A_31, %swap3A_32], %swap3A_35 {strides = array<i32>} : memref<32x128xf32, #tpu.memory_space<vmem>>, vector<1x16xf32>,
    %broadcast_in_dim3A_36 = arith.constant 0.000000e+00 : f32
    %broadcast_in_dim3A_37 = vector.broadcast %broadcast_in_dim3A_36 : f32 to vector<16xf32>
    %swap3A_38 = arith.constant 0 : i32
    %swap3A_39 = arith.index_cast %swap3A_38 : i32 to index
    %swap3A_40 = arith.constant 64 : index
    %swap3A_41 = tpu.vector_load %arg12[%swap3A_39, %swap3A_40] {strides = array<i32>} : memref<32x128xf32, #tpu.memory_space<vmem>>, vector<1x16xf32>,
    %swap3A_42 = vector.shape_cast %swap3A_41 : vector<1x16xf32> to vector<16xf32>
    %swap3A_43 = vector.shape_cast %broadcast_in_dim3A_37 : vector<16xf32> to vector<1x16xf32>
    tpu.vector_store %arg12[%swap3A_39, %swap3A_40], %swap3A_43 {strides = array<i32>} : memref<32x128xf32, #tpu.memory_space<vmem>>, vector<1x16xf32>,
    %broadcast_in_dim3A_44 = arith.constant 0.000000e+00 : f32
    %broadcast_in_dim3A_45 = vector.broadcast %broadcast_in_dim3A_44 : f32 to vector<16xf32>
    %swap3A_46 = arith.constant 0 : i32
    %swap3A_47 = arith.index_cast %swap3A_46 : i32 to index
    %swap3A_48 = arith.constant 80 : index
    %swap3A_49 = tpu.vector_load %arg12[%swap3A_47, %swap3A_48] {strides = array<i32>} : memref<32x128xf32, #tpu.memory_space<vmem>>, vector<1x16xf32>,
    %swap3A_50 = vector.shape_cast %swap3A_49 : vector<1x16xf32> to vector<16xf32>
    %swap3A_51 = vector.shape_cast %broadcast_in_dim3A_45 : vector<16xf32> to vector<1x16xf32>
    tpu.vector_store %arg12[%swap3A_47, %swap3A_48], %swap3A_51 {strides = array<i32>} : memref<32x128xf32, #tpu.memory_space<vmem>>, vector<1x16xf32>,
    %broadcast_in_dim3A_52 = arith.constant 0.000000e+00 : f32
    %broadcast_in_dim3A_53 = vector.broadcast %broadcast_in_dim3A_52 : f32 to vector<16xf32>
    %swap3A_54 = arith.constant 0 : i32
    %swap3A_55 = arith.index_cast %swap3A_54 : i32 to index
    %swap3A_56 = arith.constant 96 : index
    %swap3A_57 = tpu.vector_load %arg12[%swap3A_55, %swap3A_56] {strides = array<i32>} : memref<32x128xf32, #tpu.memory_space<vmem>>, vector<1x16xf32>,
    %swap3A_58 = vector.shape_cast %swap3A_57 : vector<1x16xf32> to vector<16xf32>
    %swap3A_59 = vector.shape_cast %broadcast_in_dim3A_53 : vector<16xf32> to vector<1x16xf32>
    tpu.vector_store %arg12[%swap3A_55, %swap3A_56], %swap3A_59 {strides = array<i32>} : memref<32x128xf32, #tpu.memory_space<vmem>>, vector<1x16xf32>,
    %broadcast_in_dim3A_60 = arith.constant 0.000000e+00 : f32
    %broadcast_in_dim3A_61 = vector.broadcast %broadcast_in_dim3A_60 : f32 to vector<16xf32>
    %swap3A_62 = arith.constant 0 : i32
    %swap3A_63 = arith.index_cast %swap3A_62 : i32 to index
    %swap3A_64 = arith.constant 112 : index
    %swap3A_65 = tpu.vector_load %arg12[%swap3A_63, %swap3A_64] {strides = array<i32>} : memref<32x128xf32, #tpu.memory_space<vmem>>, vector<1x16xf32>,
    %swap3A_66 = vector.shape_cast %swap3A_65 : vector<1x16xf32> to vector<16xf32>
    %swap3A_67 = vector.shape_cast %broadcast_in_dim3A_61 : vector<16xf32> to vector<1x16xf32>
    tpu.vector_store %arg12[%swap3A_63, %swap3A_64], %swap3A_67 {strides = array<i32>} : memref<32x128xf32, #tpu.memory_space<vmem>>, vector<1x16xf32>,
    %broadcast_in_dim3A_68 = arith.constant 0.000000e+00 : f32
    %broadcast_in_dim3A_69 = vector.broadcast %broadcast_in_dim3A_68 : f32 to vector<16xf32>
    %swap3A_70 = arith.constant 1 : i32
    %swap3A_71 = arith.index_cast %swap3A_70 : i32 to index
    %swap3A_72 = arith.constant 0 : index
    %swap3A_73 = tpu.vector_load %arg12[%swap3A_71, %swap3A_72] {strides = array<i32>} : memref<32x128xf32, #tpu.memory_space<vmem>>, vector<1x16xf32>,
    %swap3A_74 = vector.shape_cast %swap3A_73 : vector<1x16xf32> to vector<16xf32>
    %swap3A_75 = vector.shape_cast %broadcast_in_dim3A_69 : vector<16xf32> to vector<1x16xf32>
    tpu.vector_store %arg12[%swap3A_71, %swap3A_72], %swap3A_75 {strides = array<i32>} : memref<32x128xf32, #tpu.memory_space<vmem>>, vector<1x16xf32>,
    %broadcast_in_dim3A_76 = arith.constant 0.000000e+00 : f32
    %broadcast_in_dim3A_77 = vector.broadcast %broadcast_in_dim3A_76 : f32 to vector<16xf32>
    %swap3A_78 = arith.constant 1 : i32
    %swap3A_79 = arith.index_cast %swap3A_78 : i32 to index
    %swap3A_80 = arith.constant 16 : index
    %swap3A_81 = tpu.vector_load %arg12[%swap3A_79, %swap3A_80] {strides = array<i32>} : memref<32x128xf32, #tpu.memory_space<vmem>>, vector<1x16xf32>,
    %swap3A_82 = vector.shape_cast %swap3A_81 : vector<1x16xf32> to vector<16xf32>
    %swap3A_83 = vector.shape_cast %broadcast_in_dim3A_77 : vector<16xf32> to vector<1x16xf32>
    tpu.vector_store %arg12[%swap3A_79, %swap3A_80], %swap3A_83 {strides = array<i32>} : memref<32x128xf32, #tpu.memory_space<vmem>>, vector<1x16xf32>,
    %broadcast_in_dim3A_84 = arith.constant 0.000000e+00 : f32
    %broadcast_in_dim3A_85 = vector.broadcast %broadcast_in_dim3A_84 : f32 to vector<16xf32>
    %swap3A_86 = arith.constant 1 : i32
    %swap3A_87 = arith.index_cast %swap3A_86 : i32 to index
    %swap3A_88 = arith.constant 32 : index
    %swap3A_89 = tpu.vector_load %arg12[%swap3A_87, %swap3A_88] {strides = array<i32>} : memref<32x128xf32, #tpu.memory_space<vmem>>, vector<1x16xf32>,
    %swap3A_90 = vector.shape_cast %swap3A_89 : vector<1x16xf32> to vector<16xf32>
    %swap3A_91 = vector.shape_cast %broadcast_in_dim3A_85 : vector<16xf32> to vector<1x16xf32>
    tpu.vector_store %arg12[%swap3A_87, %swap3A_88], %swap3A_91 {strides = array<i32>} : memref<32x128xf32, #tpu.memory_space<vmem>>, vector<1x16xf32>,
    %broadcast_in_dim3A_92 = arith.constant 0.000000e+00 : f32
    %broadcast_in_dim3A_93 = vector.broadcast %broadcast_in_dim3A_92 : f32 to vector<16xf32>
    %swap3A_94 = arith.constant 1 : i32
    %swap3A_95 = arith.index_cast %swap3A_94 : i32 to index
    %swap3A_96 = arith.constant 48 : index
    %swap3A_97 = tpu.vector_load %arg12[%swap3A_95, %swap3A_96] {strides = array<i32>} : memref<32x128xf32, #tpu.memory_space<vmem>>, vector<1x16xf32>,
    %swap3A_98 = vector.shape_cast %swap3A_97 : vector<1x16xf32> to vector<16xf32>
    %swap3A_99 = vector.shape_cast %broadcast_in_dim3A_93 : vector<16xf32> to vector<1x16xf32>
    tpu.vector_store %arg12[%swap3A_95, %swap3A_96], %swap3A_99 {strides = array<i32>} : memref<32x128xf32, #tpu.memory_space<vmem>>, vector<1x16xf32>,
    %broadcast_in_dim3A_100 = arith.constant 0.000000e+00 : f32
    %broadcast_in_dim3A_101 = vector.broadcast %broadcast_in_dim3A_100 : f32 to vector<16xf32>
    %swap3A_102 = arith.constant 1 : i32
    %swap3A_103 = arith.index_cast %swap3A_102 : i32 to index
    %swap3A_104 = arith.constant 64 : index
    %swap3A_105 = tpu.vector_load %arg12[%swap3A_103, %swap3A_104] {strides = array<i32>} : memref<32x128xf32, #tpu.memory_space<vmem>>, vector<1x16xf32>,
    %swap3A_106 = vector.shape_cast %swap3A_105 : vector<1x16xf32> to vector<16xf32>
    %swap3A_107 = vector.shape_cast %broadcast_in_dim3A_101 : vector<16xf32> to vector<1x16xf32>
    tpu.vector_store %arg12[%swap3A_103, %swap3A_104], %swap3A_107 {strides = array<i32>} : memref<32x128xf32, #tpu.memory_space<vmem>>, vector<1x16xf32>,
    %broadcast_in_dim3A_108 = arith.constant 0.000000e+00 : f32
    %broadcast_in_dim3A_109 = vector.broadcast %broadcast_in_dim3A_108 : f32 to vector<16xf32>
    %swap3A_110 = arith.constant 1 : i32
    %swap3A_111 = arith.index_cast %swap3A_110 : i32 to index
    %swap3A_112 = arith.constant 80 : index
    %swap3A_113 = tpu.vector_load %arg12[%swap3A_111, %swap3A_112] {strides = array<i32>} : memref<32x128xf32, #tpu.memory_space<vmem>>, vector<1x16xf32>,
    %swap3A_114 = vector.shape_cast %swap3A_113 : vector<1x16xf32> to vector<16xf32>
    %swap3A_115 = vector.shape_cast %broadcast_in_dim3A_109 : vector<16xf32> to vector<1x16xf32>
    tpu.vector_store %arg12[%swap3A_111, %swap3A_112], %swap3A_115 {strides = array<i32>} : memref<32x128xf32, #tpu.memory_space<vmem>>, vector<1x16xf32>,
    %broadcast_in_dim3A_116 = arith.constant 0.000000e+00 : f32
    %broadcast_in_dim3A_117 = vector.broadcast %broadcast_in_dim3A_116 : f32 to vector<16xf32>
    %swap3A_118 = arith.constant 1 : i32
    %swap3A_119 = arith.index_cast %swap3A_118 : i32 to index
    %swap3A_120 = arith.constant 96 : index
    %swap3A_121 = tpu.vector_load %arg12[%swap3A_119, %swap3A_120] {strides = array<i32>} : memref<32x128xf32, #tpu.memory_space<vmem>>, vector<1x16xf32>,
    %swap3A_122 = vector.shape_cast %swap3A_121 : vector<1x16xf32> to vector<16xf32>
    %swap3A_123 = vector.shape_cast %broadcast_in_dim3A_117 : vector<16xf32> to vector<1x16xf32>
    tpu.vector_store %arg12[%swap3A_119, %swap3A_120], %swap3A_123 {strides = array<i32>} : memref<32x128xf32, #tpu.memory_space<vmem>>, vector<1x16xf32>,
    %broadcast_in_dim3A_124 = arith.constant 0.000000e+00 : f32
    %broadcast_in_dim3A_125 = vector.broadcast %broadcast_in_dim3A_124 : f32 to vector<16xf32>
    %swap3A_126 = arith.constant 1 : i32
    %swap3A_127 = arith.index_cast %swap3A_126 : i32 to index
    %swap3A_128 = arith.constant 112 : index
    %swap3A_129 = tpu.vector_load %arg12[%swap3A_127, %swap3A_128] {strides = array<i32>} : memref<32x128xf32, #tpu.memory_space<vmem>>, vector<1x16xf32>,
    %swap3A_130 = vector.shape_cast %swap3A_129 : vector<1x16xf32> to vector<16xf32>
    %swap3A_131 = vector.shape_cast %broadcast_in_dim3A_125 : vector<16xf32> to vector<1x16xf32>
    tpu.vector_store %arg12[%swap3A_127, %swap3A_128], %swap3A_131 {strides = array<i32>} : memref<32x128xf32, #tpu.memory_space<vmem>>, vector<1x16xf32>,
    %broadcast_in_dim3A_132 = arith.constant 0.000000e+00 : f32
    %broadcast_in_dim3A_133 = vector.broadcast %broadcast_in_dim3A_132 : f32 to vector<16xf32>
    %swap3A_134 = arith.constant 2 : i32
    %swap3A_135 = arith.index_cast %swap3A_134 : i32 to index
    %swap3A_136 = arith.constant 0 : index
    %swap3A_137 = tpu.vector_load %arg12[%swap3A_135, %swap3A_136] {strides = array<i32>} : memref<32x128xf32, #tpu.memory_space<vmem>>, vector<1x16xf32>,
    %swap3A_138 = vector.shape_cast %swap3A_137 : vector<1x16xf32> to vector<16xf32>
    %swap3A_139 = vector.shape_cast %broadcast_in_dim3A_133 : vector<16xf32> to vector<1x16xf32>
    tpu.vector_store %arg12[%swap3A_135, %swap3A_136], %swap3A_139 {strides = array<i32>} : memref<32x128xf32, #tpu.memory_space<vmem>>, vector<1x16xf32>,
    %broadcast_in_dim3A_140 = arith.constant 0.000000e+00 : f32
    %broadcast_in_dim3A_141 = vector.broadcast %broadcast_in_dim3A_140 : f32 to vector<16xf32>
    %swap3A_142 = arith.constant 2 : i32
    %swap3A_143 = arith.index_cast %swap3A_142 : i32 to index
    %swap3A_144 = arith.constant 16 : index
    %swap3A_145 = tpu.vector_load %arg12[%swap3A_143, %swap3A_144] {strides = array<i32>} : memref<32x128xf32, #tpu.memory_space<vmem>>, vector<1x16xf32>,
    %swap3A_146 = vector.shape_cast %swap3A_145 : vector<1x16xf32> to vector<16xf32>
    %swap3A_147 = vector.shape_cast %broadcast_in_dim3A_141 : vector<16xf32> to vector<1x16xf32>
    tpu.vector_store %arg12[%swap3A_143, %swap3A_144], %swap3A_147 {strides = array<i32>} : memref<32x128xf32, #tpu.memory_space<vmem>>, vector<1x16xf32>,
    %broadcast_in_dim3A_148 = arith.constant 0.000000e+00 : f32
    %broadcast_in_dim3A_149 = vector.broadcast %broadcast_in_dim3A_148 : f32 to vector<16xf32>
    %swap3A_150 = arith.constant 2 : i32
    %swap3A_151 = arith.index_cast %swap3A_150 : i32 to index
    %swap3A_152 = arith.constant 32 : index
    %swap3A_153 = tpu.vector_load %arg12[%swap3A_151, %swap3A_152] {strides = array<i32>} : memref<32x128xf32, #tpu.memory_space<vmem>>, vector<1x16xf32>,
    %swap3A_154 = vector.shape_cast %swap3A_153 : vector<1x16xf32> to vector<16xf32>
    %swap3A_155 = vector.shape_cast %broadcast_in_dim3A_149 : vector<16xf32> to vector<1x16xf32>
    tpu.vector_store %arg12[%swap3A_151, %swap3A_152], %swap3A_155 {strides = array<i32>} : memref<32x128xf32, #tpu.memory_space<vmem>>, vector<1x16xf32>,
    %broadcast_in_dim3A_156 = arith.constant 0.000000e+00 : f32
    %broadcast_in_dim3A_157 = vector.broadcast %broadcast_in_dim3A_156 : f32 to vector<16xf32>
    %swap3A_158 = arith.constant 2 : i32
    %swap3A_159 = arith.index_cast %swap3A_158 : i32 to index
    %swap3A_160 = arith.constant 48 : index
    %swap3A_161 = tpu.vector_load %arg12[%swap3A_159, %swap3A_160] {strides = array<i32>} : memref<32x128xf32, #tpu.memory_space<vmem>>, vector<1x16xf32>,
    %swap3A_162 = vector.shape_cast %swap3A_161 : vector<1x16xf32> to vector<16xf32>
    %swap3A_163 = vector.shape_cast %broadcast_in_dim3A_157 : vector<16xf32> to vector<1x16xf32>
    tpu.vector_store %arg12[%swap3A_159, %swap3A_160], %swap3A_163 {strides = array<i32>} : memref<32x128xf32, #tpu.memory_space<vmem>>, vector<1x16xf32>,
    %broadcast_in_dim3A_164 = arith.constant 0.000000e+00 : f32
    %broadcast_in_dim3A_165 = vector.broadcast %broadcast_in_dim3A_164 : f32 to vector<16xf32>
    %swap3A_166 = arith.constant 2 : i32
    %swap3A_167 = arith.index_cast %swap3A_166 : i32 to index
    %swap3A_168 = arith.constant 64 : index
    %swap3A_169 = tpu.vector_load %arg12[%swap3A_167, %swap3A_168] {strides = array<i32>} : memref<32x128xf32, #tpu.memory_space<vmem>>, vector<1x16xf32>,
    %swap3A_170 = vector.shape_cast %swap3A_169 : vector<1x16xf32> to vector<16xf32>
    %swap3A_171 = vector.shape_cast %broadcast_in_dim3A_165 : vector<16xf32> to vector<1x16xf32>
    tpu.vector_store %arg12[%swap3A_167, %swap3A_168], %swap3A_171 {strides = array<i32>} : memref<32x128xf32, #tpu.memory_space<vmem>>, vector<1x16xf32>,
    %broadcast_in_dim3A_172 = arith.constant 0.000000e+00 : f32
    %broadcast_in_dim3A_173 = vector.broadcast %broadcast_in_dim3A_172 : f32 to vector<16xf32>
    %swap3A_174 = arith.constant 2 : i32
    %swap3A_175 = arith.index_cast %swap3A_174 : i32 to index
    %swap3A_176 = arith.constant 80 : index
    %swap3A_177 = tpu.vector_load %arg12[%swap3A_175, %swap3A_176] {strides = array<i32>} : memref<32x128xf32, #tpu.memory_space<vmem>>, vector<1x16xf32>,
    %swap3A_178 = vector.shape_cast %swap3A_177 : vector<1x16xf32> to vector<16xf32>
    %swap3A_179 = vector.shape_cast %broadcast_in_dim3A_173 : vector<16xf32> to vector<1x16xf32>
    tpu.vector_store %arg12[%swap3A_175, %swap3A_176], %swap3A_179 {strides = array<i32>} : memref<32x128xf32, #tpu.memory_space<vmem>>, vector<1x16xf32>,
    %broadcast_in_dim3A_180 = arith.constant 0.000000e+00 : f32
    %broadcast_in_dim3A_181 = vector.broadcast %broadcast_in_dim3A_180 : f32 to vector<16xf32>
    %swap3A_182 = arith.constant 2 : i32
    %swap3A_183 = arith.index_cast %swap3A_182 : i32 to index
    %swap3A_184 = arith.constant 96 : index
    %swap3A_185 = tpu.vector_load %arg12[%swap3A_183, %swap3A_184] {strides = array<i32>} : memref<32x128xf32, #tpu.memory_space<vmem>>, vector<1x16xf32>,
    %swap3A_186 = vector.shape_cast %swap3A_185 : vector<1x16xf32> to vector<16xf32>
    %swap3A_187 = vector.shape_cast %broadcast_in_dim3A_181 : vector<16xf32> to vector<1x16xf32>
    tpu.vector_store %arg12[%swap3A_183, %swap3A_184], %swap3A_187 {strides = array<i32>} : memref<32x128xf32, #tpu.memory_space<vmem>>, vector<1x16xf32>,
    %broadcast_in_dim3A_188 = arith.constant 0.000000e+00 : f32
    %broadcast_in_dim3A_189 = vector.broadcast %broadcast_in_dim3A_188 : f32 to vector<16xf32>
    %swap3A_190 = arith.constant 2 : i32
    %swap3A_191 = arith.index_cast %swap3A_190 : i32 to index
    %swap3A_192 = arith.constant 112 : index
    %swap3A_193 = tpu.vector_load %arg12[%swap3A_191, %swap3A_192] {strides = array<i32>} : memref<32x128xf32, #tpu.memory_space<vmem>>, vector<1x16xf32>,
    %swap3A_194 = vector.shape_cast %swap3A_193 : vector<1x16xf32> to vector<16xf32>
    %swap3A_195 = vector.shape_cast %broadcast_in_dim3A_189 : vector<16xf32> to vector<1x16xf32>
    tpu.vector_store %arg12[%swap3A_191, %swap3A_192], %swap3A_195 {strides = array<i32>} : memref<32x128xf32, #tpu.memory_space<vmem>>, vector<1x16xf32>,
    %broadcast_in_dim3A_196 = arith.constant 0.000000e+00 : f32
    %broadcast_in_dim3A_197 = vector.broadcast %broadcast_in_dim3A_196 : f32 to vector<16xf32>
    %swap3A_198 = arith.constant 3 : i32
    %swap3A_199 = arith.index_cast %swap3A_198 : i32 to index
    %swap3A_200 = arith.constant 0 : index
    %swap3A_201 = tpu.vector_load %arg12[%swap3A_199, %swap3A_200] {strides = array<i32>} : memref<32x128xf32, #tpu.memory_space<vmem>>, vector<1x16xf32>,
    %swap3A_202 = vector.shape_cast %swap3A_201 : vector<1x16xf32> to vector<16xf32>
    %swap3A_203 = vector.shape_cast %broadcast_in_dim3A_197 : vector<16xf32> to vector<1x16xf32>
    tpu.vector_store %arg12[%swap3A_199, %swap3A_200], %swap3A_203 {strides = array<i32>} : memref<32x128xf32, #tpu.memory_space<vmem>>, vector<1x16xf32>,
    %broadcast_in_dim3A_204 = arith.constant 0.000000e+00 : f32
    %broadcast_in_dim3A_205 = vector.broadcast %broadcast_in_dim3A_204 : f32 to vector<16xf32>
    %swap3A_206 = arith.constant 3 : i32
    %swap3A_207 = arith.index_cast %swap3A_206 : i32 to index
    %swap3A_208 = arith.constant 16 : index
    %swap3A_209 = tpu.vector_load %arg12[%swap3A_207, %swap3A_208] {strides = array<i32>} : memref<32x128xf32, #tpu.memory_space<vmem>>, vector<1x16xf32>,
    %swap3A_210 = vector.shape_cast %swap3A_209 : vector<1x16xf32> to vector<16xf32>
    %swap3A_211 = vector.shape_cast %broadcast_in_dim3A_205 : vector<16xf32> to vector<1x16xf32>
    tpu.vector_store %arg12[%swap3A_207, %swap3A_208], %swap3A_211 {strides = array<i32>} : memref<32x128xf32, #tpu.memory_space<vmem>>, vector<1x16xf32>,
    %broadcast_in_dim3A_212 = arith.constant 0.000000e+00 : f32
    %broadcast_in_dim3A_213 = vector.broadcast %broadcast_in_dim3A_212 : f32 to vector<16xf32>
    %swap3A_214 = arith.constant 3 : i32
    %swap3A_215 = arith.index_cast %swap3A_214 : i32 to index
    %swap3A_216 = arith.constant 32 : index
    %swap3A_217 = tpu.vector_load %arg12[%swap3A_215, %swap3A_216] {strides = array<i32>} : memref<32x128xf32, #tpu.memory_space<vmem>>, vector<1x16xf32>,
    %swap3A_218 = vector.shape_cast %swap3A_217 : vector<1x16xf32> to vector<16xf32>
    %swap3A_219 = vector.shape_cast %broadcast_in_dim3A_213 : vector<16xf32> to vector<1x16xf32>
    tpu.vector_store %arg12[%swap3A_215, %swap3A_216], %swap3A_219 {strides = array<i32>} : memref<32x128xf32, #tpu.memory_space<vmem>>, vector<1x16xf32>,
    %broadcast_in_dim3A_220 = arith.constant 0.000000e+00 : f32
    %broadcast_in_dim3A_221 = vector.broadcast %broadcast_in_dim3A_220 : f32 to vector<16xf32>
    %swap3A_222 = arith.constant 3 : i32
    %swap3A_223 = arith.index_cast %swap3A_222 : i32 to index
    %swap3A_224 = arith.constant 48 : index
    %swap3A_225 = tpu.vector_load %arg12[%swap3A_223, %swap3A_224] {strides = array<i32>} : memref<32x128xf32, #tpu.memory_space<vmem>>, vector<1x16xf32>,
    %swap3A_226 = vector.shape_cast %swap3A_225 : vector<1x16xf32> to vector<16xf32>
    %swap3A_227 = vector.shape_cast %broadcast_in_dim3A_221 : vector<16xf32> to vector<1x16xf32>
    tpu.vector_store %arg12[%swap3A_223, %swap3A_224], %swap3A_227 {strides = array<i32>} : memref<32x128xf32, #tpu.memory_space<vmem>>, vector<1x16xf32>,
    %broadcast_in_dim3A_228 = arith.constant 0.000000e+00 : f32
    %broadcast_in_dim3A_229 = vector.broadcast %broadcast_in_dim3A_228 : f32 to vector<16xf32>
    %swap3A_230 = arith.constant 3 : i32
    %swap3A_231 = arith.index_cast %swap3A_230 : i32 to index
    %swap3A_232 = arith.constant 64 : index
    %swap3A_233 = tpu.vector_load %arg12[%swap3A_231, %swap3A_232] {strides = array<i32>} : memref<32x128xf32, #tpu.memory_space<vmem>>, vector<1x16xf32>,
    %swap3A_234 = vector.shape_cast %swap3A_233 : vector<1x16xf32> to vector<16xf32>
    %swap3A_235 = vector.shape_cast %broadcast_in_dim3A_229 : vector<16xf32> to vector<1x16xf32>
    tpu.vector_store %arg12[%swap3A_231, %swap3A_232], %swap3A_235 {strides = array<i32>} : memref<32x128xf32, #tpu.memory_space<vmem>>, vector<1x16xf32>,
    %broadcast_in_dim3A_236 = arith.constant 0.000000e+00 : f32
    %broadcast_in_dim3A_237 = vector.broadcast %broadcast_in_dim3A_236 : f32 to vector<16xf32>
    %swap3A_238 = arith.constant 3 : i32
    %swap3A_239 = arith.index_cast %swap3A_238 : i32 to index
    %swap3A_240 = arith.constant 80 : index
    %swap3A_241 = tpu.vector_load %arg12[%swap3A_239, %swap3A_240] {strides = array<i32>} : memref<32x128xf32, #tpu.memory_space<vmem>>, vector<1x16xf32>,
    %swap3A_242 = vector.shape_cast %swap3A_241 : vector<1x16xf32> to vector<16xf32>
    %swap3A_243 = vector.shape_cast %broadcast_in_dim3A_237 : vector<16xf32> to vector<1x16xf32>
    tpu.vector_store %arg12[%swap3A_239, %swap3A_240], %swap3A_243 {strides = array<i32>} : memref<32x128xf32, #tpu.memory_space<vmem>>, vector<1x16xf32>,
    %broadcast_in_dim3A_244 = arith.constant 0.000000e+00 : f32
    %broadcast_in_dim3A_245 = vector.broadcast %broadcast_in_dim3A_244 : f32 to vector<16xf32>
    %swap3A_246 = arith.constant 3 : i32
    %swap3A_247 = arith.index_cast %swap3A_246 : i32 to index
    %swap3A_248 = arith.constant 96 : index
    %swap3A_249 = tpu.vector_load %arg12[%swap3A_247, %swap3A_248] {strides = array<i32>} : memref<32x128xf32, #tpu.memory_space<vmem>>, vector<1x16xf32>,
    %swap3A_250 = vector.shape_cast %swap3A_249 : vector<1x16xf32> to vector<16xf32>
    %swap3A_251 = vector.shape_cast %broadcast_in_dim3A_245 : vector<16xf32> to vector<1x16xf32>
    tpu.vector_store %arg12[%swap3A_247, %swap3A_248], %swap3A_251 {strides = array<i32>} : memref<32x128xf32, #tpu.memory_space<vmem>>, vector<1x16xf32>,
    %broadcast_in_dim3A_252 = arith.constant 0.000000e+00 : f32
    %broadcast_in_dim3A_253 = vector.broadcast %broadcast_in_dim3A_252 : f32 to vector<16xf32>
    %swap3A_254 = arith.constant 3 : i32
    %swap3A_255 = arith.index_cast %swap3A_254 : i32 to index
    %swap3A_256 = arith.constant 112 : index
    %swap3A_257 = tpu.vector_load %arg12[%swap3A_255, %swap3A_256] {strides = array<i32>} : memref<32x128xf32, #tpu.memory_space<vmem>>, vector<1x16xf32>,
    %swap3A_258 = vector.shape_cast %swap3A_257 : vector<1x16xf32> to vector<16xf32>
    %swap3A_259 = vector.shape_cast %broadcast_in_dim3A_253 : vector<16xf32> to vector<1x16xf32>
    tpu.vector_store %arg12[%swap3A_255, %swap3A_256], %swap3A_259 {strides = array<i32>} : memref<32x128xf32, #tpu.memory_space<vmem>>, vector<1x16xf32>,
    %broadcast_in_dim3A_260 = arith.constant 0.000000e+00 : f32
    %broadcast_in_dim3A_261 = vector.broadcast %broadcast_in_dim3A_260 : f32 to vector<16xf32>
    %swap3A_262 = arith.constant 4 : i32
    %swap3A_263 = arith.index_cast %swap3A_262 : i32 to index
    %swap3A_264 = arith.constant 0 : index
    %swap3A_265 = tpu.vector_load %arg12[%swap3A_263, %swap3A_264] {strides = array<i32>} : memref<32x128xf32, #tpu.memory_space<vmem>>, vector<1x16xf32>,
    %swap3A_266 = vector.shape_cast %swap3A_265 : vector<1x16xf32> to vector<16xf32>
    %swap3A_267 = vector.shape_cast %broadcast_in_dim3A_261 : vector<16xf32> to vector<1x16xf32>
    tpu.vector_store %arg12[%swap3A_263, %swap3A_264], %swap3A_267 {strides = array<i32>} : memref<32x128xf32, #tpu.memory_space<vmem>>, vector<1x16xf32>,
    %broadcast_in_dim3A_268 = arith.constant 0.000000e+00 : f32
    %broadcast_in_dim3A_269 = vector.broadcast %broadcast_in_dim3A_268 : f32 to vector<16xf32>
    %swap3A_270 = arith.constant 4 : i32
    %swap3A_271 = arith.index_cast %swap3A_270 : i32 to index
    %swap3A_272 = arith.constant 16 : index
    %swap3A_273 = tpu.vector_load %arg12[%swap3A_271, %swap3A_272] {strides = array<i32>} : memref<32x128xf32, #tpu.memory_space<vmem>>, vector<1x16xf32>,
    %swap3A_274 = vector.shape_cast %swap3A_273 : vector<1x16xf32> to vector<16xf32>
    %swap3A_275 = vector.shape_cast %broadcast_in_dim3A_269 : vector<16xf32> to vector<1x16xf32>
    tpu.vector_store %arg12[%swap3A_271, %swap3A_272], %swap3A_275 {strides = array<i32>} : memref<32x128xf32, #tpu.memory_space<vmem>>, vector<1x16xf32>,
    %broadcast_in_dim3A_276 = arith.constant 0.000000e+00 : f32
    %broadcast_in_dim3A_277 = vector.broadcast %broadcast_in_dim3A_276 : f32 to vector<16xf32>
    %swap3A_278 = arith.constant 4 : i32
    %swap3A_279 = arith.index_cast %swap3A_278 : i32 to index
    %swap3A_280 = arith.constant 32 : index
    %swap3A_281 = tpu.vector_load %arg12[%swap3A_279, %swap3A_280] {strides = array<i32>} : memref<32x128xf32, #tpu.memory_space<vmem>>, vector<1x16xf32>,
    %swap3A_282 = vector.shape_cast %swap3A_281 : vector<1x16xf32> to vector<16xf32>
    %swap3A_283 = vector.shape_cast %broadcast_in_dim3A_277 : vector<16xf32> to vector<1x16xf32>
    tpu.vector_store %arg12[%swap3A_279, %swap3A_280], %swap3A_283 {strides = array<i32>} : memref<32x128xf32, #tpu.memory_space<vmem>>, vector<1x16xf32>,
    %broadcast_in_dim3A_284 = arith.constant 0.000000e+00 : f32
    %broadcast_in_dim3A_285 = vector.broadcast %broadcast_in_dim3A_284 : f32 to vector<16xf32>
    %swap3A_286 = arith.constant 4 : i32
    %swap3A_287 = arith.index_cast %swap3A_286 : i32 to index
    %swap3A_288 = arith.constant 48 : index
    %swap3A_289 = tpu.vector_load %arg12[%swap3A_287, %swap3A_288] {strides = array<i32>} : memref<32x128xf32, #tpu.memory_space<vmem>>, vector<1x16xf32>,
    %swap3A_290 = vector.shape_cast %swap3A_289 : vector<1x16xf32> to vector<16xf32>
    %swap3A_291 = vector.shape_cast %broadcast_in_dim3A_285 : vector<16xf32> to vector<1x16xf32>
    tpu.vector_store %arg12[%swap3A_287, %swap3A_288], %swap3A_291 {strides = array<i32>} : memref<32x128xf32, #tpu.memory_space<vmem>>, vector<1x16xf32>,
    %broadcast_in_dim3A_292 = arith.constant 0.000000e+00 : f32
    %broadcast_in_dim3A_293 = vector.broadcast %broadcast_in_dim3A_292 : f32 to vector<16xf32>
    %swap3A_294 = arith.constant 4 : i32
    %swap3A_295 = arith.index_cast %swap3A_294 : i32 to index
    %swap3A_296 = arith.constant 64 : index
    %swap3A_297 = tpu.vector_load %arg12[%swap3A_295, %swap3A_296] {strides = array<i32>} : memref<32x128xf32, #tpu.memory_space<vmem>>, vector<1x16xf32>,
    %swap3A_298 = vector.shape_cast %swap3A_297 : vector<1x16xf32> to vector<16xf32>
    %swap3A_299 = vector.shape_cast %broadcast_in_dim3A_293 : vector<16xf32> to vector<1x16xf32>
    tpu.vector_store %arg12[%swap3A_295, %swap3A_296], %swap3A_299 {strides = array<i32>} : memref<32x128xf32, #tpu.memory_space<vmem>>, vector<1x16xf32>,
    %broadcast_in_dim3A_300 = arith.constant 0.000000e+00 : f32
    %broadcast_in_dim3A_301 = vector.broadcast %broadcast_in_dim3A_300 : f32 to vector<16xf32>
    %swap3A_302 = arith.constant 4 : i32
    %swap3A_303 = arith.index_cast %swap3A_302 : i32 to index
    %swap3A_304 = arith.constant 80 : index
    %swap3A_305 = tpu.vector_load %arg12[%swap3A_303, %swap3A_304] {strides = array<i32>} : memref<32x128xf32, #tpu.memory_space<vmem>>, vector<1x16xf32>,
    %swap3A_306 = vector.shape_cast %swap3A_305 : vector<1x16xf32> to vector<16xf32>
    %swap3A_307 = vector.shape_cast %broadcast_in_dim3A_301 : vector<16xf32> to vector<1x16xf32>
    tpu.vector_store %arg12[%swap3A_303, %swap3A_304], %swap3A_307 {strides = array<i32>} : memref<32x128xf32, #tpu.memory_space<vmem>>, vector<1x16xf32>,
    %broadcast_in_dim3A_308 = arith.constant 0.000000e+00 : f32
    %broadcast_in_dim3A_309 = vector.broadcast %broadcast_in_dim3A_308 : f32 to vector<16xf32>
    %swap3A_310 = arith.constant 4 : i32
    %swap3A_311 = arith.index_cast %swap3A_310 : i32 to index
    %swap3A_312 = arith.constant 96 : index
    %swap3A_313 = tpu.vector_load %arg12[%swap3A_311, %swap3A_312] {strides = array<i32>} : memref<32x128xf32, #tpu.memory_space<vmem>>, vector<1x16xf32>,
    %swap3A_314 = vector.shape_cast %swap3A_313 : vector<1x16xf32> to vector<16xf32>
    %swap3A_315 = vector.shape_cast %broadcast_in_dim3A_309 : vector<16xf32> to vector<1x16xf32>
    tpu.vector_store %arg12[%swap3A_311, %swap3A_312], %swap3A_315 {strides = array<i32>} : memref<32x128xf32, #tpu.memory_space<vmem>>, vector<1x16xf32>,
    %broadcast_in_dim3A_316 = arith.constant 0.000000e+00 : f32
    %broadcast_in_dim3A_317 = vector.broadcast %broadcast_in_dim3A_316 : f32 to vector<16xf32>
    %swap3A_318 = arith.constant 4 : i32
    %swap3A_319 = arith.index_cast %swap3A_318 : i32 to index
    %swap3A_320 = arith.constant 112 : index
    %swap3A_321 = tpu.vector_load %arg12[%swap3A_319, %swap3A_320] {strides = array<i32>} : memref<32x128xf32, #tpu.memory_space<vmem>>, vector<1x16xf32>,
    %swap3A_322 = vector.shape_cast %swap3A_321 : vector<1x16xf32> to vector<16xf32>
    %swap3A_323 = vector.shape_cast %broadcast_in_dim3A_317 : vector<16xf32> to vector<1x16xf32>
    tpu.vector_store %arg12[%swap3A_319, %swap3A_320], %swap3A_323 {strides = array<i32>} : memref<32x128xf32, #tpu.memory_space<vmem>>, vector<1x16xf32>,
    %broadcast_in_dim3A_324 = arith.constant 0.000000e+00 : f32
    %broadcast_in_dim3A_325 = vector.broadcast %broadcast_in_dim3A_324 : f32 to vector<16xf32>
    %swap3A_326 = arith.constant 5 : i32
    %swap3A_327 = arith.index_cast %swap3A_326 : i32 to index
    %swap3A_328 = arith.constant 0 : index
    %swap3A_329 = tpu.vector_load %arg12[%swap3A_327, %swap3A_328] {strides = array<i32>} : memref<32x128xf32, #tpu.memory_space<vmem>>, vector<1x16xf32>,
    %swap3A_330 = vector.shape_cast %swap3A_329 : vector<1x16xf32> to vector<16xf32>
    %swap3A_331 = vector.shape_cast %broadcast_in_dim3A_325 : vector<16xf32> to vector<1x16xf32>
    tpu.vector_store %arg12[%swap3A_327, %swap3A_328], %swap3A_331 {strides = array<i32>} : memref<32x128xf32, #tpu.memory_space<vmem>>, vector<1x16xf32>,
    %broadcast_in_dim3A_332 = arith.constant 0.000000e+00 : f32
    %broadcast_in_dim3A_333 = vector.broadcast %broadcast_in_dim3A_332 : f32 to vector<16xf32>
    %swap3A_334 = arith.constant 5 : i32
    %swap3A_335 = arith.index_cast %swap3A_334 : i32 to index
    %swap3A_336 = arith.constant 16 : index
    %swap3A_337 = tpu.vector_load %arg12[%swap3A_335, %swap3A_336] {strides = array<i32>} : memref<32x128xf32, #tpu.memory_space<vmem>>, vector<1x16xf32>,
    %swap3A_338 = vector.shape_cast %swap3A_337 : vector<1x16xf32> to vector<16xf32>
    %swap3A_339 = vector.shape_cast %broadcast_in_dim3A_333 : vector<16xf32> to vector<1x16xf32>
    tpu.vector_store %arg12[%swap3A_335, %swap3A_336], %swap3A_339 {strides = array<i32>} : memref<32x128xf32, #tpu.memory_space<vmem>>, vector<1x16xf32>,
    %broadcast_in_dim3A_340 = arith.constant 0.000000e+00 : f32
    %broadcast_in_dim3A_341 = vector.broadcast %broadcast_in_dim3A_340 : f32 to vector<16xf32>
    %swap3A_342 = arith.constant 5 : i32
    %swap3A_343 = arith.index_cast %swap3A_342 : i32 to index
    %swap3A_344 = arith.constant 32 : index
    %swap3A_345 = tpu.vector_load %arg12[%swap3A_343, %swap3A_344] {strides = array<i32>} : memref<32x128xf32, #tpu.memory_space<vmem>>, vector<1x16xf32>,
    %swap3A_346 = vector.shape_cast %swap3A_345 : vector<1x16xf32> to vector<16xf32>
    %swap3A_347 = vector.shape_cast %broadcast_in_dim3A_341 : vector<16xf32> to vector<1x16xf32>
    tpu.vector_store %arg12[%swap3A_343, %swap3A_344], %swap3A_347 {strides = array<i32>} : memref<32x128xf32, #tpu.memory_space<vmem>>, vector<1x16xf32>,
    %broadcast_in_dim3A_348 = arith.constant 0.000000e+00 : f32
    %broadcast_in_dim3A_349 = vector.broadcast %broadcast_in_dim3A_348 : f32 to vector<16xf32>
    %swap3A_350 = arith.constant 5 : i32
    %swap3A_351 = arith.index_cast %swap3A_350 : i32 to index
    %swap3A_352 = arith.constant 48 : index
    %swap3A_353 = tpu.vector_load %arg12[%swap3A_351, %swap3A_352] {strides = array<i32>} : memref<32x128xf32, #tpu.memory_space<vmem>>, vector<1x16xf32>,
    %swap3A_354 = vector.shape_cast %swap3A_353 : vector<1x16xf32> to vector<16xf32>
    %swap3A_355 = vector.shape_cast %broadcast_in_dim3A_349 : vector<16xf32> to vector<1x16xf32>
    tpu.vector_store %arg12[%swap3A_351, %swap3A_352], %swap3A_355 {strides = array<i32>} : memref<32x128xf32, #tpu.memory_space<vmem>>, vector<1x16xf32>,
    %broadcast_in_dim3A_356 = arith.constant 0.000000e+00 : f32
    %broadcast_in_dim3A_357 = vector.broadcast %broadcast_in_dim3A_356 : f32 to vector<16xf32>
    %swap3A_358 = arith.constant 5 : i32
    %swap3A_359 = arith.index_cast %swap3A_358 : i32 to index
    %swap3A_360 = arith.constant 64 : index
    %swap3A_361 = tpu.vector_load %arg12[%swap3A_359, %swap3A_360] {strides = array<i32>} : memref<32x128xf32, #tpu.memory_space<vmem>>, vector<1x16xf32>,
    %swap3A_362 = vector.shape_cast %swap3A_361 : vector<1x16xf32> to vector<16xf32>
    %swap3A_363 = vector.shape_cast %broadcast_in_dim3A_357 : vector<16xf32> to vector<1x16xf32>
    tpu.vector_store %arg12[%swap3A_359, %swap3A_360], %swap3A_363 {strides = array<i32>} : memref<32x128xf32, #tpu.memory_space<vmem>>, vector<1x16xf32>,
    %broadcast_in_dim3A_364 = arith.constant 0.000000e+00 : f32
    %broadcast_in_dim3A_365 = vector.broadcast %broadcast_in_dim3A_364 : f32 to vector<16xf32>
    %swap3A_366 = arith.constant 5 : i32
    %swap3A_367 = arith.index_cast %swap3A_366 : i32 to index
    %swap3A_368 = arith.constant 80 : index
    %swap3A_369 = tpu.vector_load %arg12[%swap3A_367, %swap3A_368] {strides = array<i32>} : memref<32x128xf32, #tpu.memory_space<vmem>>, vector<1x16xf32>,
    %swap3A_370 = vector.shape_cast %swap3A_369 : vector<1x16xf32> to vector<16xf32>
    %swap3A_371 = vector.shape_cast %broadcast_in_dim3A_365 : vector<16xf32> to vector<1x16xf32>
    tpu.vector_store %arg12[%swap3A_367, %swap3A_368], %swap3A_371 {strides = array<i32>} : memref<32x128xf32, #tpu.memory_space<vmem>>, vector<1x16xf32>,
    %broadcast_in_dim3A_372 = arith.constant 0.000000e+00 : f32
    %broadcast_in_dim3A_373 = vector.broadcast %broadcast_in_dim3A_372 : f32 to vector<16xf32>
    %swap3A_374 = arith.constant 5 : i32
    %swap3A_375 = arith.index_cast %swap3A_374 : i32 to index
    %swap3A_376 = arith.constant 96 : index
    %swap3A_377 = tpu.vector_load %arg12[%swap3A_375, %swap3A_376] {strides = array<i32>} : memref<32x128xf32, #tpu.memory_space<vmem>>, vector<1x16xf32>,
    %swap3A_378 = vector.shape_cast %swap3A_377 : vector<1x16xf32> to vector<16xf32>
    %swap3A_379 = vector.shape_cast %broadcast_in_dim3A_373 : vector<16xf32> to vector<1x16xf32>
    tpu.vector_store %arg12[%swap3A_375, %swap3A_376], %swap3A_379 {strides = array<i32>} : memref<32x128xf32, #tpu.memory_space<vmem>>, vector<1x16xf32>,
    %broadcast_in_dim3A_380 = arith.constant 0.000000e+00 : f32
    %broadcast_in_dim3A_381 = vector.broadcast %broadcast_in_dim3A_380 : f32 to vector<16xf32>
    %swap3A_382 = arith.constant 5 : i32
    %swap3A_383 = arith.index_cast %swap3A_382 : i32 to index
    %swap3A_384 = arith.constant 112 : index
    %swap3A_385 = tpu.vector_load %arg12[%swap3A_383, %swap3A_384] {strides = array<i32>} : memref<32x128xf32, #tpu.memory_space<vmem>>, vector<1x16xf32>,
    %swap3A_386 = vector.shape_cast %swap3A_385 : vector<1x16xf32> to vector<16xf32>
    %swap3A_387 = vector.shape_cast %broadcast_in_dim3A_381 : vector<16xf32> to vector<1x16xf32>
    tpu.vector_store %arg12[%swap3A_383, %swap3A_384], %swap3A_387 {strides = array<i32>} : memref<32x128xf32, #tpu.memory_space<vmem>>, vector<1x16xf32>,
    %broadcast_in_dim3A_388 = arith.constant 0.000000e+00 : f32
    %broadcast_in_dim3A_389 = vector.broadcast %broadcast_in_dim3A_388 : f32 to vector<16xf32>
    %swap3A_390 = arith.constant 6 : i32
    %swap3A_391 = arith.index_cast %swap3A_390 : i32 to index
    %swap3A_392 = arith.constant 0 : index
    %swap3A_393 = tpu.vector_load %arg12[%swap3A_391, %swap3A_392] {strides = array<i32>} : memref<32x128xf32, #tpu.memory_space<vmem>>, vector<1x16xf32>,
    %swap3A_394 = vector.shape_cast %swap3A_393 : vector<1x16xf32> to vector<16xf32>
    %swap3A_395 = vector.shape_cast %broadcast_in_dim3A_389 : vector<16xf32> to vector<1x16xf32>
    tpu.vector_store %arg12[%swap3A_391, %swap3A_392], %swap3A_395 {strides = array<i32>} : memref<32x128xf32, #tpu.memory_space<vmem>>, vector<1x16xf32>,
    %broadcast_in_dim3A_396 = arith.constant 0.000000e+00 : f32
    %broadcast_in_dim3A_397 = vector.broadcast %broadcast_in_dim3A_396 : f32 to vector<16xf32>
    %swap3A_398 = arith.constant 6 : i32
    %swap3A_399 = arith.index_cast %swap3A_398 : i32 to index
    %swap3A_400 = arith.constant 16 : index
    %swap3A_401 = tpu.vector_load %arg12[%swap3A_399, %swap3A_400] {strides = array<i32>} : memref<32x128xf32, #tpu.memory_space<vmem>>, vector<1x16xf32>,
    %swap3A_402 = vector.shape_cast %swap3A_401 : vector<1x16xf32> to vector<16xf32>
    %swap3A_403 = vector.shape_cast %broadcast_in_dim3A_397 : vector<16xf32> to vector<1x16xf32>
    tpu.vector_store %arg12[%swap3A_399, %swap3A_400], %swap3A_403 {strides = array<i32>} : memref<32x128xf32, #tpu.memory_space<vmem>>, vector<1x16xf32>,
    %broadcast_in_dim3A_404 = arith.constant 0.000000e+00 : f32
    %broadcast_in_dim3A_405 = vector.broadcast %broadcast_in_dim3A_404 : f32 to vector<16xf32>
    %swap3A_406 = arith.constant 6 : i32
    %swap3A_407 = arith.index_cast %swap3A_406 : i32 to index
    %swap3A_408 = arith.constant 32 : index
    %swap3A_409 = tpu.vector_load %arg12[%swap3A_407, %swap3A_408] {strides = array<i32>} : memref<32x128xf32, #tpu.memory_space<vmem>>, vector<1x16xf32>,
    %swap3A_410 = vector.shape_cast %swap3A_409 : vector<1x16xf32> to vector<16xf32>
    %swap3A_411 = vector.shape_cast %broadcast_in_dim3A_405 : vector<16xf32> to vector<1x16xf32>
    tpu.vector_store %arg12[%swap3A_407, %swap3A_408], %swap3A_411 {strides = array<i32>} : memref<32x128xf32, #tpu.memory_space<vmem>>, vector<1x16xf32>,
    %broadcast_in_dim3A_412 = arith.constant 0.000000e+00 : f32
    %broadcast_in_dim3A_413 = vector.broadcast %broadcast_in_dim3A_412 : f32 to vector<16xf32>
    %swap3A_414 = arith.constant 6 : i32
    %swap3A_415 = arith.index_cast %swap3A_414 : i32 to index
    %swap3A_416 = arith.constant 48 : index
    %swap3A_417 = tpu.vector_load %arg12[%swap3A_415, %swap3A_416] {strides = array<i32>} : memref<32x128xf32, #tpu.memory_space<vmem>>, vector<1x16xf32>,
    %swap3A_418 = vector.shape_cast %swap3A_417 : vector<1x16xf32> to vector<16xf32>
    %swap3A_419 = vector.shape_cast %broadcast_in_dim3A_413 : vector<16xf32> to vector<1x16xf32>
    tpu.vector_store %arg12[%swap3A_415, %swap3A_416], %swap3A_419 {strides = array<i32>} : memref<32x128xf32, #tpu.memory_space<vmem>>, vector<1x16xf32>,
    %broadcast_in_dim3A_420 = arith.constant 0.000000e+00 : f32
    %broadcast_in_dim3A_421 = vector.broadcast %broadcast_in_dim3A_420 : f32 to vector<16xf32>
    %swap3A_422 = arith.constant 6 : i32
    %swap3A_423 = arith.index_cast %swap3A_422 : i32 to index
    %swap3A_424 = arith.constant 64 : index
    %swap3A_425 = tpu.vector_load %arg12[%swap3A_423, %swap3A_424] {strides = array<i32>} : memref<32x128xf32, #tpu.memory_space<vmem>>, vector<1x16xf32>,
    %swap3A_426 = vector.shape_cast %swap3A_425 : vector<1x16xf32> to vector<16xf32>
    %swap3A_427 = vector.shape_cast %broadcast_in_dim3A_421 : vector<16xf32> to vector<1x16xf32>
    tpu.vector_store %arg12[%swap3A_423, %swap3A_424], %swap3A_427 {strides = array<i32>} : memref<32x128xf32, #tpu.memory_space<vmem>>, vector<1x16xf32>,
    %broadcast_in_dim3A_428 = arith.constant 0.000000e+00 : f32
    %broadcast_in_dim3A_429 = vector.broadcast %broadcast_in_dim3A_428 : f32 to vector<16xf32>
    %swap3A_430 = arith.constant 6 : i32
    %swap3A_431 = arith.index_cast %swap3A_430 : i32 to index
    %swap3A_432 = arith.constant 80 : index
    %swap3A_433 = tpu.vector_load %arg12[%swap3A_431, %swap3A_432] {strides = array<i32>} : memref<32x128xf32, #tpu.memory_space<vmem>>, vector<1x16xf32>,
    %swap3A_434 = vector.shape_cast %swap3A_433 : vector<1x16xf32> to vector<16xf32>
    %swap3A_435 = vector.shape_cast %broadcast_in_dim3A_429 : vector<16xf32> to vector<1x16xf32>
    tpu.vector_store %arg12[%swap3A_431, %swap3A_432], %swap3A_435 {strides = array<i32>} : memref<32x128xf32, #tpu.memory_space<vmem>>, vector<1x16xf32>,
    %broadcast_in_dim3A_436 = arith.constant 0.000000e+00 : f32
    %broadcast_in_dim3A_437 = vector.broadcast %broadcast_in_dim3A_436 : f32 to vector<16xf32>
    %swap3A_438 = arith.constant 6 : i32
    %swap3A_439 = arith.index_cast %swap3A_438 : i32 to index
    %swap3A_440 = arith.constant 96 : index
    %swap3A_441 = tpu.vector_load %arg12[%swap3A_439, %swap3A_440] {strides = array<i32>} : memref<32x128xf32, #tpu.memory_space<vmem>>, vector<1x16xf32>,
    %swap3A_442 = vector.shape_cast %swap3A_441 : vector<1x16xf32> to vector<16xf32>
    %swap3A_443 = vector.shape_cast %broadcast_in_dim3A_437 : vector<16xf32> to vector<1x16xf32>
    tpu.vector_store %arg12[%swap3A_439, %swap3A_440], %swap3A_443 {strides = array<i32>} : memref<32x128xf32, #tpu.memory_space<vmem>>, vector<1x16xf32>,
    %broadcast_in_dim3A_444 = arith.constant 0.000000e+00 : f32
    %broadcast_in_dim3A_445 = vector.broadcast %broadcast_in_dim3A_444 : f32 to vector<16xf32>
    %swap3A_446 = arith.constant 6 : i32
    %swap3A_447 = arith.index_cast %swap3A_446 : i32 to index
    %swap3A_448 = arith.constant 112 : index
    %swap3A_449 = tpu.vector_load %arg12[%swap3A_447, %swap3A_448] {strides = array<i32>} : memref<32x128xf32, #tpu.memory_space<vmem>>, vector<1x16xf32>,
    %swap3A_450 = vector.shape_cast %swap3A_449 : vector<1x16xf32> to vector<16xf32>
    %swap3A_451 = vector.shape_cast %broadcast_in_dim3A_445 : vector<16xf32> to vector<1x16xf32>
    tpu.vector_store %arg12[%swap3A_447, %swap3A_448], %swap3A_451 {strides = array<i32>} : memref<32x128xf32, #tpu.memory_space<vmem>>, vector<1x16xf32>,
    %broadcast_in_dim3A_452 = arith.constant 0.000000e+00 : f32
    %broadcast_in_dim3A_453 = vector.broadcast %broadcast_in_dim3A_452 : f32 to vector<16xf32>
    %swap3A_454 = arith.constant 7 : i32
    %swap3A_455 = arith.index_cast %swap3A_454 : i32 to index
    %swap3A_456 = arith.constant 0 : index
    %swap3A_457 = tpu.vector_load %arg12[%swap3A_455, %swap3A_456] {strides = array<i32>} : memref<32x128xf32, #tpu.memory_space<vmem>>, vector<1x16xf32>,
    %swap3A_458 = vector.shape_cast %swap3A_457 : vector<1x16xf32> to vector<16xf32>
    %swap3A_459 = vector.shape_cast %broadcast_in_dim3A_453 : vector<16xf32> to vector<1x16xf32>
    tpu.vector_store %arg12[%swap3A_455, %swap3A_456], %swap3A_459 {strides = array<i32>} : memref<32x128xf32, #tpu.memory_space<vmem>>, vector<1x16xf32>,
    %broadcast_in_dim3A_460 = arith.constant 0.000000e+00 : f32
    %broadcast_in_dim3A_461 = vector.broadcast %broadcast_in_dim3A_460 : f32 to vector<16xf32>
    %swap3A_462 = arith.constant 7 : i32
    %swap3A_463 = arith.index_cast %swap3A_462 : i32 to index
    %swap3A_464 = arith.constant 16 : index
    %swap3A_465 = tpu.vector_load %arg12[%swap3A_463, %swap3A_464] {strides = array<i32>} : memref<32x128xf32, #tpu.memory_space<vmem>>, vector<1x16xf32>,
    %swap3A_466 = vector.shape_cast %swap3A_465 : vector<1x16xf32> to vector<16xf32>
    %swap3A_467 = vector.shape_cast %broadcast_in_dim3A_461 : vector<16xf32> to vector<1x16xf32>
    tpu.vector_store %arg12[%swap3A_463, %swap3A_464], %swap3A_467 {strides = array<i32>} : memref<32x128xf32, #tpu.memory_space<vmem>>, vector<1x16xf32>,
    %broadcast_in_dim3A_468 = arith.constant 0.000000e+00 : f32
    %broadcast_in_dim3A_469 = vector.broadcast %broadcast_in_dim3A_468 : f32 to vector<16xf32>
    %swap3A_470 = arith.constant 7 : i32
    %swap3A_471 = arith.index_cast %swap3A_470 : i32 to index
    %swap3A_472 = arith.constant 32 : index
    %swap3A_473 = tpu.vector_load %arg12[%swap3A_471, %swap3A_472] {strides = array<i32>} : memref<32x128xf32, #tpu.memory_space<vmem>>, vector<1x16xf32>,
    %swap3A_474 = vector.shape_cast %swap3A_473 : vector<1x16xf32> to vector<16xf32>
    %swap3A_475 = vector.shape_cast %broadcast_in_dim3A_469 : vector<16xf32> to vector<1x16xf32>
    tpu.vector_store %arg12[%swap3A_471, %swap3A_472], %swap3A_475 {strides = array<i32>} : memref<32x128xf32, #tpu.memory_space<vmem>>, vector<1x16xf32>,
    %broadcast_in_dim3A_476 = arith.constant 0.000000e+00 : f32
    %broadcast_in_dim3A_477 = vector.broadcast %broadcast_in_dim3A_476 : f32 to vector<16xf32>
    %swap3A_478 = arith.constant 7 : i32
    %swap3A_479 = arith.index_cast %swap3A_478 : i32 to index
    %swap3A_480 = arith.constant 48 : index
    %swap3A_481 = tpu.vector_load %arg12[%swap3A_479, %swap3A_480] {strides = array<i32>} : memref<32x128xf32, #tpu.memory_space<vmem>>, vector<1x16xf32>,
    %swap3A_482 = vector.shape_cast %swap3A_481 : vector<1x16xf32> to vector<16xf32>
    %swap3A_483 = vector.shape_cast %broadcast_in_dim3A_477 : vector<16xf32> to vector<1x16xf32>
    tpu.vector_store %arg12[%swap3A_479, %swap3A_480], %swap3A_483 {strides = array<i32>} : memref<32x128xf32, #tpu.memory_space<vmem>>, vector<1x16xf32>,
    %broadcast_in_dim3A_484 = arith.constant 0.000000e+00 : f32
    %broadcast_in_dim3A_485 = vector.broadcast %broadcast_in_dim3A_484 : f32 to vector<16xf32>
    %swap3A_486 = arith.constant 7 : i32
    %swap3A_487 = arith.index_cast %swap3A_486 : i32 to index
    %swap3A_488 = arith.constant 64 : index
    %swap3A_489 = tpu.vector_load %arg12[%swap3A_487, %swap3A_488] {strides = array<i32>} : memref<32x128xf32, #tpu.memory_space<vmem>>, vector<1x16xf32>,
    %swap3A_490 = vector.shape_cast %swap3A_489 : vector<1x16xf32> to vector<16xf32>
    %swap3A_491 = vector.shape_cast %broadcast_in_dim3A_485 : vector<16xf32> to vector<1x16xf32>
    tpu.vector_store %arg12[%swap3A_487, %swap3A_488], %swap3A_491 {strides = array<i32>} : memref<32x128xf32, #tpu.memory_space<vmem>>, vector<1x16xf32>,
    %broadcast_in_dim3A_492 = arith.constant 0.000000e+00 : f32
    %broadcast_in_dim3A_493 = vector.broadcast %broadcast_in_dim3A_492 : f32 to vector<16xf32>
    %swap3A_494 = arith.constant 7 : i32
    %swap3A_495 = arith.index_cast %swap3A_494 : i32 to index
    %swap3A_496 = arith.constant 80 : index
    %swap3A_497 = tpu.vector_load %arg12[%swap3A_495, %swap3A_496] {strides = array<i32>} : memref<32x128xf32, #tpu.memory_space<vmem>>, vector<1x16xf32>,
    %swap3A_498 = vector.shape_cast %swap3A_497 : vector<1x16xf32> to vector<16xf32>
    %swap3A_499 = vector.shape_cast %broadcast_in_dim3A_493 : vector<16xf32> to vector<1x16xf32>
    tpu.vector_store %arg12[%swap3A_495, %swap3A_496], %swap3A_499 {strides = array<i32>} : memref<32x128xf32, #tpu.memory_space<vmem>>, vector<1x16xf32>,
    %broadcast_in_dim3A_500 = arith.constant 0.000000e+00 : f32
    %broadcast_in_dim3A_501 = vector.broadcast %broadcast_in_dim3A_500 : f32 to vector<16xf32>
    %swap3A_502 = arith.constant 7 : i32
    %swap3A_503 = arith.index_cast %swap3A_502 : i32 to index
    %swap3A_504 = arith.constant 96 : index
    %swap3A_505 = tpu.vector_load %arg12[%swap3A_503, %swap3A_504] {strides = array<i32>} : memref<32x128xf32, #tpu.memory_space<vmem>>, vector<1x16xf32>,
    %swap3A_506 = vector.shape_cast %swap3A_505 : vector<1x16xf32> to vector<16xf32>
    %swap3A_507 = vector.shape_cast %broadcast_in_dim3A_501 : vector<16xf32> to vector<1x16xf32>
    tpu.vector_store %arg12[%swap3A_503, %swap3A_504], %swap3A_507 {strides = array<i32>} : memref<32x128xf32, #tpu.memory_space<vmem>>, vector<1x16xf32>,
    %broadcast_in_dim3A_508 = arith.constant 0.000000e+00 : f32
    %broadcast_in_dim3A_509 = vector.broadcast %broadcast_in_dim3A_508 : f32 to vector<16xf32>
    %swap3A_510 = arith.constant 7 : i32
    %swap3A_511 = arith.index_cast %swap3A_510 : i32 to index
    %swap3A_512 = arith.constant 112 : index
    %swap3A_513 = tpu.vector_load %arg12[%swap3A_511, %swap3A_512] {strides = array<i32>} : memref<32x128xf32, #tpu.memory_space<vmem>>, vector<1x16xf32>,
    %swap3A_514 = vector.shape_cast %swap3A_513 : vector<1x16xf32> to vector<16xf32>
    %swap3A_515 = vector.shape_cast %broadcast_in_dim3A_509 : vector<16xf32> to vector<1x16xf32>
    tpu.vector_store %arg12[%swap3A_511, %swap3A_512], %swap3A_515 {strides = array<i32>} : memref<32x128xf32, #tpu.memory_space<vmem>>, vector<1x16xf32>,
    %broadcast_in_dim3A_516 = arith.constant 0.000000e+00 : f32
    %broadcast_in_dim3A_517 = vector.broadcast %broadcast_in_dim3A_516 : f32 to vector<16xf32>
    %swap3A_518 = arith.constant 8 : i32
    %swap3A_519 = arith.index_cast %swap3A_518 : i32 to index
    %swap3A_520 = arith.constant 0 : index
    %swap3A_521 = tpu.vector_load %arg12[%swap3A_519, %swap3A_520] {strides = array<i32>} : memref<32x128xf32, #tpu.memory_space<vmem>>, vector<1x16xf32>,
    %swap3A_522 = vector.shape_cast %swap3A_521 : vector<1x16xf32> to vector<16xf32>
    %swap3A_523 = vector.shape_cast %broadcast_in_dim3A_517 : vector<16xf32> to vector<1x16xf32>
    tpu.vector_store %arg12[%swap3A_519, %swap3A_520], %swap3A_523 {strides = array<i32>} : memref<32x128xf32, #tpu.memory_space<vmem>>, vector<1x16xf32>,
    %broadcast_in_dim3A_524 = arith.constant 0.000000e+00 : f32
    %broadcast_in_dim3A_525 = vector.broadcast %broadcast_in_dim3A_524 : f32 to vector<16xf32>
    %swap3A_526 = arith.constant 8 : i32
    %swap3A_527 = arith.index_cast %swap3A_526 : i32 to index
    %swap3A_528 = arith.constant 16 : index
    %swap3A_529 = tpu.vector_load %arg12[%swap3A_527, %swap3A_528] {strides = array<i32>} : memref<32x128xf32, #tpu.memory_space<vmem>>, vector<1x16xf32>,
    %swap3A_530 = vector.shape_cast %swap3A_529 : vector<1x16xf32> to vector<16xf32>
    %swap3A_531 = vector.shape_cast %broadcast_in_dim3A_525 : vector<16xf32> to vector<1x16xf32>
    tpu.vector_store %arg12[%swap3A_527, %swap3A_528], %swap3A_531 {strides = array<i32>} : memref<32x128xf32, #tpu.memory_space<vmem>>, vector<1x16xf32>,
    %broadcast_in_dim3A_532 = arith.constant 0.000000e+00 : f32
    %broadcast_in_dim3A_533 = vector.broadcast %broadcast_in_dim3A_532 : f32 to vector<16xf32>
    %swap3A_534 = arith.constant 8 : i32
    %swap3A_535 = arith.index_cast %swap3A_534 : i32 to index
    %swap3A_536 = arith.constant 32 : index
    %swap3A_537 = tpu.vector_load %arg12[%swap3A_535, %swap3A_536] {strides = array<i32>} : memref<32x128xf32, #tpu.memory_space<vmem>>, vector<1x16xf32>,
    %swap3A_538 = vector.shape_cast %swap3A_537 : vector<1x16xf32> to vector<16xf32>
    %swap3A_539 = vector.shape_cast %broadcast_in_dim3A_533 : vector<16xf32> to vector<1x16xf32>
    tpu.vector_store %arg12[%swap3A_535, %swap3A_536], %swap3A_539 {strides = array<i32>} : memref<32x128xf32, #tpu.memory_space<vmem>>, vector<1x16xf32>,
    %broadcast_in_dim3A_540 = arith.constant 0.000000e+00 : f32
    %broadcast_in_dim3A_541 = vector.broadcast %broadcast_in_dim3A_540 : f32 to vector<16xf32>
    %swap3A_542 = arith.constant 8 : i32
    %swap3A_543 = arith.index_cast %swap3A_542 : i32 to index
    %swap3A_544 = arith.constant 48 : index
    %swap3A_545 = tpu.vector_load %arg12[%swap3A_543, %swap3A_544] {strides = array<i32>} : memref<32x128xf32, #tpu.memory_space<vmem>>, vector<1x16xf32>,
    %swap3A_546 = vector.shape_cast %swap3A_545 : vector<1x16xf32> to vector<16xf32>
    %swap3A_547 = vector.shape_cast %broadcast_in_dim3A_541 : vector<16xf32> to vector<1x16xf32>
    tpu.vector_store %arg12[%swap3A_543, %swap3A_544], %swap3A_547 {strides = array<i32>} : memref<32x128xf32, #tpu.memory_space<vmem>>, vector<1x16xf32>,
    %broadcast_in_dim3A_548 = arith.constant 0.000000e+00 : f32
    %broadcast_in_dim3A_549 = vector.broadcast %broadcast_in_dim3A_548 : f32 to vector<16xf32>
    %swap3A_550 = arith.constant 8 : i32
    %swap3A_551 = arith.index_cast %swap3A_550 : i32 to index
    %swap3A_552 = arith.constant 64 : index
    %swap3A_553 = tpu.vector_load %arg12[%swap3A_551, %swap3A_552] {strides = array<i32>} : memref<32x128xf32, #tpu.memory_space<vmem>>, vector<1x16xf32>,
    %swap3A_554 = vector.shape_cast %swap3A_553 : vector<1x16xf32> to vector<16xf32>
    %swap3A_555 = vector.shape_cast %broadcast_in_dim3A_549 : vector<16xf32> to vector<1x16xf32>
    tpu.vector_store %arg12[%swap3A_551, %swap3A_552], %swap3A_555 {strides = array<i32>} : memref<32x128xf32, #tpu.memory_space<vmem>>, vector<1x16xf32>,
    %broadcast_in_dim3A_556 = arith.constant 0.000000e+00 : f32
    %broadcast_in_dim3A_557 = vector.broadcast %broadcast_in_dim3A_556 : f32 to vector<16xf32>
    %swap3A_558 = arith.constant 8 : i32
    %swap3A_559 = arith.index_cast %swap3A_558 : i32 to index
    %swap3A_560 = arith.constant 80 : index
    %swap3A_561 = tpu.vector_load %arg12[%swap3A_559, %swap3A_560] {strides = array<i32>} : memref<32x128xf32, #tpu.memory_space<vmem>>, vector<1x16xf32>,
    %swap3A_562 = vector.shape_cast %swap3A_561 : vector<1x16xf32> to vector<16xf32>
    %swap3A_563 = vector.shape_cast %broadcast_in_dim3A_557 : vector<16xf32> to vector<1x16xf32>
    tpu.vector_store %arg12[%swap3A_559, %swap3A_560], %swap3A_563 {strides = array<i32>} : memref<32x128xf32, #tpu.memory_space<vmem>>, vector<1x16xf32>,
    %broadcast_in_dim3A_564 = arith.constant 0.000000e+00 : f32
    %broadcast_in_dim3A_565 = vector.broadcast %broadcast_in_dim3A_564 : f32 to vector<16xf32>
    %swap3A_566 = arith.constant 8 : i32
    %swap3A_567 = arith.index_cast %swap3A_566 : i32 to index
    %swap3A_568 = arith.constant 96 : index
    %swap3A_569 = tpu.vector_load %arg12[%swap3A_567, %swap3A_568] {strides = array<i32>} : memref<32x128xf32, #tpu.memory_space<vmem>>, vector<1x16xf32>,
    %swap3A_570 = vector.shape_cast %swap3A_569 : vector<1x16xf32> to vector<16xf32>
    %swap3A_571 = vector.shape_cast %broadcast_in_dim3A_565 : vector<16xf32> to vector<1x16xf32>
    tpu.vector_store %arg12[%swap3A_567, %swap3A_568], %swap3A_571 {strides = array<i32>} : memref<32x128xf32, #tpu.memory_space<vmem>>, vector<1x16xf32>,
    %broadcast_in_dim3A_572 = arith.constant 0.000000e+00 : f32
    %broadcast_in_dim3A_573 = vector.broadcast %broadcast_in_dim3A_572 : f32 to vector<16xf32>
    %swap3A_574 = arith.constant 8 : i32
    %swap3A_575 = arith.index_cast %swap3A_574 : i32 to index
    %swap3A_576 = arith.constant 112 : index
    %swap3A_577 = tpu.vector_load %arg12[%swap3A_575, %swap3A_576] {strides = array<i32>} : memref<32x128xf32, #tpu.memory_space<vmem>>, vector<1x16xf32>,
    %swap3A_578 = vector.shape_cast %swap3A_577 : vector<1x16xf32> to vector<16xf32>
    %swap3A_579 = vector.shape_cast %broadcast_in_dim3A_573 : vector<16xf32> to vector<1x16xf32>
    tpu.vector_store %arg12[%swap3A_575, %swap3A_576], %swap3A_579 {strides = array<i32>} : memref<32x128xf32, #tpu.memory_space<vmem>>, vector<1x16xf32>,
    %broadcast_in_dim3A_580 = arith.constant 0.000000e+00 : f32
    %broadcast_in_dim3A_581 = vector.broadcast %broadcast_in_dim3A_580 : f32 to vector<16xf32>
    %swap3A_582 = arith.constant 9 : i32
    %swap3A_583 = arith.index_cast %swap3A_582 : i32 to index
    %swap3A_584 = arith.constant 0 : index
    %swap3A_585 = tpu.vector_load %arg12[%swap3A_583, %swap3A_584] {strides = array<i32>} : memref<32x128xf32, #tpu.memory_space<vmem>>, vector<1x16xf32>,
    %swap3A_586 = vector.shape_cast %swap3A_585 : vector<1x16xf32> to vector<16xf32>
    %swap3A_587 = vector.shape_cast %broadcast_in_dim3A_581 : vector<16xf32> to vector<1x16xf32>
    tpu.vector_store %arg12[%swap3A_583, %swap3A_584], %swap3A_587 {strides = array<i32>} : memref<32x128xf32, #tpu.memory_space<vmem>>, vector<1x16xf32>,
    %broadcast_in_dim3A_588 = arith.constant 0.000000e+00 : f32
    %broadcast_in_dim3A_589 = vector.broadcast %broadcast_in_dim3A_588 : f32 to vector<16xf32>
    %swap3A_590 = arith.constant 9 : i32
    %swap3A_591 = arith.index_cast %swap3A_590 : i32 to index
    %swap3A_592 = arith.constant 16 : index
    %swap3A_593 = tpu.vector_load %arg12[%swap3A_591, %swap3A_592] {strides = array<i32>} : memref<32x128xf32, #tpu.memory_space<vmem>>, vector<1x16xf32>,
    %swap3A_594 = vector.shape_cast %swap3A_593 : vector<1x16xf32> to vector<16xf32>
    %swap3A_595 = vector.shape_cast %broadcast_in_dim3A_589 : vector<16xf32> to vector<1x16xf32>
    tpu.vector_store %arg12[%swap3A_591, %swap3A_592], %swap3A_595 {strides = array<i32>} : memref<32x128xf32, #tpu.memory_space<vmem>>, vector<1x16xf32>,
    %broadcast_in_dim3A_596 = arith.constant 0.000000e+00 : f32
    %broadcast_in_dim3A_597 = vector.broadcast %broadcast_in_dim3A_596 : f32 to vector<16xf32>
    %swap3A_598 = arith.constant 9 : i32
    %swap3A_599 = arith.index_cast %swap3A_598 : i32 to index
    %swap3A_600 = arith.constant 32 : index
    %swap3A_601 = tpu.vector_load %arg12[%swap3A_599, %swap3A_600] {strides = array<i32>} : memref<32x128xf32, #tpu.memory_space<vmem>>, vector<1x16xf32>,
    %swap3A_602 = vector.shape_cast %swap3A_601 : vector<1x16xf32> to vector<16xf32>
    %swap3A_603 = vector.shape_cast %broadcast_in_dim3A_597 : vector<16xf32> to vector<1x16xf32>
    tpu.vector_store %arg12[%swap3A_599, %swap3A_600], %swap3A_603 {strides = array<i32>} : memref<32x128xf32, #tpu.memory_space<vmem>>, vector<1x16xf32>,
    %broadcast_in_dim3A_604 = arith.constant 0.000000e+00 : f32
    %broadcast_in_dim3A_605 = vector.broadcast %broadcast_in_dim3A_604 : f32 to vector<16xf32>
    %swap3A_606 = arith.constant 9 : i32
    %swap3A_607 = arith.index_cast %swap3A_606 : i32 to index
    %swap3A_608 = arith.constant 48 : index
    %swap3A_609 = tpu.vector_load %arg12[%swap3A_607, %swap3A_608] {strides = array<i32>} : memref<32x128xf32, #tpu.memory_space<vmem>>, vector<1x16xf32>,
    %swap3A_610 = vector.shape_cast %swap3A_609 : vector<1x16xf32> to vector<16xf32>
    %swap3A_611 = vector.shape_cast %broadcast_in_dim3A_605 : vector<16xf32> to vector<1x16xf32>
    tpu.vector_store %arg12[%swap3A_607, %swap3A_608], %swap3A_611 {strides = array<i32>} : memref<32x128xf32, #tpu.memory_space<vmem>>, vector<1x16xf32>,
    %broadcast_in_dim3A_612 = arith.constant 0.000000e+00 : f32
    %broadcast_in_dim3A_613 = vector.broadcast %broadcast_in_dim3A_612 : f32 to vector<16xf32>
    %swap3A_614 = arith.constant 9 : i32
    %swap3A_615 = arith.index_cast %swap3A_614 : i32 to index
    %swap3A_616 = arith.constant 64 : index
    %swap3A_617 = tpu.vector_load %arg12[%swap3A_615, %swap3A_616] {strides = array<i32>} : memref<32x128xf32, #tpu.memory_space<vmem>>, vector<1x16xf32>,
    %swap3A_618 = vector.shape_cast %swap3A_617 : vector<1x16xf32> to vector<16xf32>
    %swap3A_619 = vector.shape_cast %broadcast_in_dim3A_613 : vector<16xf32> to vector<1x16xf32>
    tpu.vector_store %arg12[%swap3A_615, %swap3A_616], %swap3A_619 {strides = array<i32>} : memref<32x128xf32, #tpu.memory_space<vmem>>, vector<1x16xf32>,
    %broadcast_in_dim3A_620 = arith.constant 0.000000e+00 : f32
    %broadcast_in_dim3A_621 = vector.broadcast %broadcast_in_dim3A_620 : f32 to vector<16xf32>
    %swap3A_622 = arith.constant 9 : i32
    %swap3A_623 = arith.index_cast %swap3A_622 : i32 to index
    %swap3A_624 = arith.constant 80 : index
    %swap3A_625 = tpu.vector_load %arg12[%swap3A_623, %swap3A_624] {strides = array<i32>} : memref<32x128xf32, #tpu.memory_space<vmem>>, vector<1x16xf32>,
    %swap3A_626 = vector.shape_cast %swap3A_625 : vector<1x16xf32> to vector<16xf32>
    %swap3A_627 = vector.shape_cast %broadcast_in_dim3A_621 : vector<16xf32> to vector<1x16xf32>
    tpu.vector_store %arg12[%swap3A_623, %swap3A_624], %swap3A_627 {strides = array<i32>} : memref<32x128xf32, #tpu.memory_space<vmem>>, vector<1x16xf32>,
    %broadcast_in_dim3A_628 = arith.constant 0.000000e+00 : f32
    %broadcast_in_dim3A_629 = vector.broadcast %broadcast_in_dim3A_628 : f32 to vector<16xf32>
    %swap3A_630 = arith.constant 9 : i32
    %swap3A_631 = arith.index_cast %swap3A_630 : i32 to index
    %swap3A_632 = arith.constant 96 : index
    %swap3A_633 = tpu.vector_load %arg12[%swap3A_631, %swap3A_632] {strides = array<i32>} : memref<32x128xf32, #tpu.memory_space<vmem>>, vector<1x16xf32>,
    %swap3A_634 = vector.shape_cast %swap3A_633 : vector<1x16xf32> to vector<16xf32>
    %swap3A_635 = vector.shape_cast %broadcast_in_dim3A_629 : vector<16xf32> to vector<1x16xf32>
    tpu.vector_store %arg12[%swap3A_631, %swap3A_632], %swap3A_635 {strides = array<i32>} : memref<32x128xf32, #tpu.memory_space<vmem>>, vector<1x16xf32>,
    %broadcast_in_dim3A_636 = arith.constant 0.000000e+00 : f32
    %broadcast_in_dim3A_637 = vector.broadcast %broadcast_in_dim3A_636 : f32 to vector<16xf32>
    %swap3A_638 = arith.constant 9 : i32
    %swap3A_639 = arith.index_cast %swap3A_638 : i32 to index
    %swap3A_640 = arith.constant 112 : index
    %swap3A_641 = tpu.vector_load %arg12[%swap3A_639, %swap3A_640] {strides = array<i32>} : memref<32x128xf32, #tpu.memory_space<vmem>>, vector<1x16xf32>,
    %swap3A_642 = vector.shape_cast %swap3A_641 : vector<1x16xf32> to vector<16xf32>
    %swap3A_643 = vector.shape_cast %broadcast_in_dim3A_637 : vector<16xf32> to vector<1x16xf32>
    tpu.vector_store %arg12[%swap3A_639, %swap3A_640], %swap3A_643 {strides = array<i32>} : memref<32x128xf32, #tpu.memory_space<vmem>>, vector<1x16xf32>,
    %broadcast_in_dim3A_644 = arith.constant 0.000000e+00 : f32
    %broadcast_in_dim3A_645 = vector.broadcast %broadcast_in_dim3A_644 : f32 to vector<16xf32>
    %swap3A_646 = arith.constant 10 : i32
    %swap3A_647 = arith.index_cast %swap3A_646 : i32 to index
    %swap3A_648 = arith.constant 0 : index
    %swap3A_649 = tpu.vector_load %arg12[%swap3A_647, %swap3A_648] {strides = array<i32>} : memref<32x128xf32, #tpu.memory_space<vmem>>, vector<1x16xf32>,
    %swap3A_650 = vector.shape_cast %swap3A_649 : vector<1x16xf32> to vector<16xf32>
    %swap3A_651 = vector.shape_cast %broadcast_in_dim3A_645 : vector<16xf32> to vector<1x16xf32>
    tpu.vector_store %arg12[%swap3A_647, %swap3A_648], %swap3A_651 {strides = array<i32>} : memref<32x128xf32, #tpu.memory_space<vmem>>, vector<1x16xf32>,
    %broadcast_in_dim3A_652 = arith.constant 0.000000e+00 : f32
    %broadcast_in_dim3A_653 = vector.broadcast %broadcast_in_dim3A_652 : f32 to vector<16xf32>
    %swap3A_654 = arith.constant 10 : i32
    %swap3A_655 = arith.index_cast %swap3A_654 : i32 to index
    %swap3A_656 = arith.constant 16 : index
    %swap3A_657 = tpu.vector_load %arg12[%swap3A_655, %swap3A_656] {strides = array<i32>} : memref<32x128xf32, #tpu.memory_space<vmem>>, vector<1x16xf32>,
    %swap3A_658 = vector.shape_cast %swap3A_657 : vector<1x16xf32> to vector<16xf32>
    %swap3A_659 = vector.shape_cast %broadcast_in_dim3A_653 : vector<16xf32> to vector<1x16xf32>
    tpu.vector_store %arg12[%swap3A_655, %swap3A_656], %swap3A_659 {strides = array<i32>} : memref<32x128xf32, #tpu.memory_space<vmem>>, vector<1x16xf32>,
    %broadcast_in_dim3A_660 = arith.constant 0.000000e+00 : f32
    %broadcast_in_dim3A_661 = vector.broadcast %broadcast_in_dim3A_660 : f32 to vector<16xf32>
    %swap3A_662 = arith.constant 10 : i32
    %swap3A_663 = arith.index_cast %swap3A_662 : i32 to index
    %swap3A_664 = arith.constant 32 : index
    %swap3A_665 = tpu.vector_load %arg12[%swap3A_663, %swap3A_664] {strides = array<i32>} : memref<32x128xf32, #tpu.memory_space<vmem>>, vector<1x16xf32>,
    %swap3A_666 = vector.shape_cast %swap3A_665 : vector<1x16xf32> to vector<16xf32>
    %swap3A_667 = vector.shape_cast %broadcast_in_dim3A_661 : vector<16xf32> to vector<1x16xf32>
    tpu.vector_store %arg12[%swap3A_663, %swap3A_664], %swap3A_667 {strides = array<i32>} : memref<32x128xf32, #tpu.memory_space<vmem>>, vector<1x16xf32>,
    %broadcast_in_dim3A_668 = arith.constant 0.000000e+00 : f32
    %broadcast_in_dim3A_669 = vector.broadcast %broadcast_in_dim3A_668 : f32 to vector<16xf32>
    %swap3A_670 = arith.constant 10 : i32
    %swap3A_671 = arith.index_cast %swap3A_670 : i32 to index
    %swap3A_672 = arith.constant 48 : index
    %swap3A_673 = tpu.vector_load %arg12[%swap3A_671, %swap3A_672] {strides = array<i32>} : memref<32x128xf32, #tpu.memory_space<vmem>>, vector<1x16xf32>,
    %swap3A_674 = vector.shape_cast %swap3A_673 : vector<1x16xf32> to vector<16xf32>
    %swap3A_675 = vector.shape_cast %broadcast_in_dim3A_669 : vector<16xf32> to vector<1x16xf32>
    tpu.vector_store %arg12[%swap3A_671, %swap3A_672], %swap3A_675 {strides = array<i32>} : memref<32x128xf32, #tpu.memory_space<vmem>>, vector<1x16xf32>,
    %broadcast_in_dim3A_676 = arith.constant 0.000000e+00 : f32
    %broadcast_in_dim3A_677 = vector.broadcast %broadcast_in_dim3A_676 : f32 to vector<16xf32>
    %swap3A_678 = arith.constant 10 : i32
    %swap3A_679 = arith.index_cast %swap3A_678 : i32 to index
    %swap3A_680 = arith.constant 64 : index
    %swap3A_681 = tpu.vector_load %arg12[%swap3A_679, %swap3A_680] {strides = array<i32>} : memref<32x128xf32, #tpu.memory_space<vmem>>, vector<1x16xf32>,
    %swap3A_682 = vector.shape_cast %swap3A_681 : vector<1x16xf32> to vector<16xf32>
    %swap3A_683 = vector.shape_cast %broadcast_in_dim3A_677 : vector<16xf32> to vector<1x16xf32>
    tpu.vector_store %arg12[%swap3A_679, %swap3A_680], %swap3A_683 {strides = array<i32>} : memref<32x128xf32, #tpu.memory_space<vmem>>, vector<1x16xf32>,
    %broadcast_in_dim3A_684 = arith.constant 0.000000e+00 : f32
    %broadcast_in_dim3A_685 = vector.broadcast %broadcast_in_dim3A_684 : f32 to vector<16xf32>
    %swap3A_686 = arith.constant 10 : i32
    %swap3A_687 = arith.index_cast %swap3A_686 : i32 to index
    %swap3A_688 = arith.constant 80 : index
    %swap3A_689 = tpu.vector_load %arg12[%swap3A_687, %swap3A_688] {strides = array<i32>} : memref<32x128xf32, #tpu.memory_space<vmem>>, vector<1x16xf32>,
    %swap3A_690 = vector.shape_cast %swap3A_689 : vector<1x16xf32> to vector<16xf32>
    %swap3A_691 = vector.shape_cast %broadcast_in_dim3A_685 : vector<16xf32> to vector<1x16xf32>
    tpu.vector_store %arg12[%swap3A_687, %swap3A_688], %swap3A_691 {strides = array<i32>} : memref<32x128xf32, #tpu.memory_space<vmem>>, vector<1x16xf32>,
    %broadcast_in_dim3A_692 = arith.constant 0.000000e+00 : f32
    %broadcast_in_dim3A_693 = vector.broadcast %broadcast_in_dim3A_692 : f32 to vector<16xf32>
    %swap3A_694 = arith.constant 10 : i32
    %swap3A_695 = arith.index_cast %swap3A_694 : i32 to index
    %swap3A_696 = arith.constant 96 : index
    %swap3A_697 = tpu.vector_load %arg12[%swap3A_695, %swap3A_696] {strides = array<i32>} : memref<32x128xf32, #tpu.memory_space<vmem>>, vector<1x16xf32>,
    %swap3A_698 = vector.shape_cast %swap3A_697 : vector<1x16xf32> to vector<16xf32>
    %swap3A_699 = vector.shape_cast %broadcast_in_dim3A_693 : vector<16xf32> to vector<1x16xf32>
    tpu.vector_store %arg12[%swap3A_695, %swap3A_696], %swap3A_699 {strides = array<i32>} : memref<32x128xf32, #tpu.memory_space<vmem>>, vector<1x16xf32>,
    %broadcast_in_dim3A_700 = arith.constant 0.000000e+00 : f32
    %broadcast_in_dim3A_701 = vector.broadcast %broadcast_in_dim3A_700 : f32 to vector<16xf32>
    %swap3A_702 = arith.constant 10 : i32
    %swap3A_703 = arith.index_cast %swap3A_702 : i32 to index
    %swap3A_704 = arith.constant 112 : index
    %swap3A_705 = tpu.vector_load %arg12[%swap3A_703, %swap3A_704] {strides = array<i32>} : memref<32x128xf32, #tpu.memory_space<vmem>>, vector<1x16xf32>,
    %swap3A_706 = vector.shape_cast %swap3A_705 : vector<1x16xf32> to vector<16xf32>
    %swap3A_707 = vector.shape_cast %broadcast_in_dim3A_701 : vector<16xf32> to vector<1x16xf32>
    tpu.vector_store %arg12[%swap3A_703, %swap3A_704], %swap3A_707 {strides = array<i32>} : memref<32x128xf32, #tpu.memory_space<vmem>>, vector<1x16xf32>,
    %broadcast_in_dim3A_708 = arith.constant 0.000000e+00 : f32
    %broadcast_in_dim3A_709 = vector.broadcast %broadcast_in_dim3A_708 : f32 to vector<16xf32>
    %swap3A_710 = arith.constant 11 : i32
    %swap3A_711 = arith.index_cast %swap3A_710 : i32 to index
    %swap3A_712 = arith.constant 0 : index
    %swap3A_713 = tpu.vector_load %arg12[%swap3A_711, %swap3A_712] {strides = array<i32>} : memref<32x128xf32, #tpu.memory_space<vmem>>, vector<1x16xf32>,
    %swap3A_714 = vector.shape_cast %swap3A_713 : vector<1x16xf32> to vector<16xf32>
    %swap3A_715 = vector.shape_cast %broadcast_in_dim3A_709 : vector<16xf32> to vector<1x16xf32>
    tpu.vector_store %arg12[%swap3A_711, %swap3A_712], %swap3A_715 {strides = array<i32>} : memref<32x128xf32, #tpu.memory_space<vmem>>, vector<1x16xf32>,
    %broadcast_in_dim3A_716 = arith.constant 0.000000e+00 : f32
    %broadcast_in_dim3A_717 = vector.broadcast %broadcast_in_dim3A_716 : f32 to vector<16xf32>
    %swap3A_718 = arith.constant 11 : i32
    %swap3A_719 = arith.index_cast %swap3A_718 : i32 to index
    %swap3A_720 = arith.constant 16 : index
    %swap3A_721 = tpu.vector_load %arg12[%swap3A_719, %swap3A_720] {strides = array<i32>} : memref<32x128xf32, #tpu.memory_space<vmem>>, vector<1x16xf32>,
    %swap3A_722 = vector.shape_cast %swap3A_721 : vector<1x16xf32> to vector<16xf32>
    %swap3A_723 = vector.shape_cast %broadcast_in_dim3A_717 : vector<16xf32> to vector<1x16xf32>
    tpu.vector_store %arg12[%swap3A_719, %swap3A_720], %swap3A_723 {strides = array<i32>} : memref<32x128xf32, #tpu.memory_space<vmem>>, vector<1x16xf32>,
    %broadcast_in_dim3A_724 = arith.constant 0.000000e+00 : f32
    %broadcast_in_dim3A_725 = vector.broadcast %broadcast_in_dim3A_724 : f32 to vector<16xf32>
    %swap3A_726 = arith.constant 11 : i32
    %swap3A_727 = arith.index_cast %swap3A_726 : i32 to index
    %swap3A_728 = arith.constant 32 : index
    %swap3A_729 = tpu.vector_load %arg12[%swap3A_727, %swap3A_728] {strides = array<i32>} : memref<32x128xf32, #tpu.memory_space<vmem>>, vector<1x16xf32>,
    %swap3A_730 = vector.shape_cast %swap3A_729 : vector<1x16xf32> to vector<16xf32>
    %swap3A_731 = vector.shape_cast %broadcast_in_dim3A_725 : vector<16xf32> to vector<1x16xf32>
    tpu.vector_store %arg12[%swap3A_727, %swap3A_728], %swap3A_731 {strides = array<i32>} : memref<32x128xf32, #tpu.memory_space<vmem>>, vector<1x16xf32>,
    %broadcast_in_dim3A_732 = arith.constant 0.000000e+00 : f32
    %broadcast_in_dim3A_733 = vector.broadcast %broadcast_in_dim3A_732 : f32 to vector<16xf32>
    %swap3A_734 = arith.constant 11 : i32
    %swap3A_735 = arith.index_cast %swap3A_734 : i32 to index
    %swap3A_736 = arith.constant 48 : index
    %swap3A_737 = tpu.vector_load %arg12[%swap3A_735, %swap3A_736] {strides = array<i32>} : memref<32x128xf32, #tpu.memory_space<vmem>>, vector<1x16xf32>,
    %swap3A_738 = vector.shape_cast %swap3A_737 : vector<1x16xf32> to vector<16xf32>
    %swap3A_739 = vector.shape_cast %broadcast_in_dim3A_733 : vector<16xf32> to vector<1x16xf32>
    tpu.vector_store %arg12[%swap3A_735, %swap3A_736], %swap3A_739 {strides = array<i32>} : memref<32x128xf32, #tpu.memory_space<vmem>>, vector<1x16xf32>,
    %broadcast_in_dim3A_740 = arith.constant 0.000000e+00 : f32
    %broadcast_in_dim3A_741 = vector.broadcast %broadcast_in_dim3A_740 : f32 to vector<16xf32>
    %swap3A_742 = arith.constant 11 : i32
    %swap3A_743 = arith.index_cast %swap3A_742 : i32 to index
    %swap3A_744 = arith.constant 64 : index
    %swap3A_745 = tpu.vector_load %arg12[%swap3A_743, %swap3A_744] {strides = array<i32>} : memref<32x128xf32, #tpu.memory_space<vmem>>, vector<1x16xf32>,
    %swap3A_746 = vector.shape_cast %swap3A_745 : vector<1x16xf32> to vector<16xf32>
    %swap3A_747 = vector.shape_cast %broadcast_in_dim3A_741 : vector<16xf32> to vector<1x16xf32>
    tpu.vector_store %arg12[%swap3A_743, %swap3A_744], %swap3A_747 {strides = array<i32>} : memref<32x128xf32, #tpu.memory_space<vmem>>, vector<1x16xf32>,
    %broadcast_in_dim3A_748 = arith.constant 0.000000e+00 : f32
    %broadcast_in_dim3A_749 = vector.broadcast %broadcast_in_dim3A_748 : f32 to vector<16xf32>
    %swap3A_750 = arith.constant 11 : i32
    %swap3A_751 = arith.index_cast %swap3A_750 : i32 to index
    %swap3A_752 = arith.constant 80 : index
    %swap3A_753 = tpu.vector_load %arg12[%swap3A_751, %swap3A_752] {strides = array<i32>} : memref<32x128xf32, #tpu.memory_space<vmem>>, vector<1x16xf32>,
    %swap3A_754 = vector.shape_cast %swap3A_753 : vector<1x16xf32> to vector<16xf32>
    %swap3A_755 = vector.shape_cast %broadcast_in_dim3A_749 : vector<16xf32> to vector<1x16xf32>
    tpu.vector_store %arg12[%swap3A_751, %swap3A_752], %swap3A_755 {strides = array<i32>} : memref<32x128xf32, #tpu.memory_space<vmem>>, vector<1x16xf32>,
    %broadcast_in_dim3A_756 = arith.constant 0.000000e+00 : f32
    %broadcast_in_dim3A_757 = vector.broadcast %broadcast_in_dim3A_756 : f32 to vector<16xf32>
    %swap3A_758 = arith.constant 11 : i32
    %swap3A_759 = arith.index_cast %swap3A_758 : i32 to index
    %swap3A_760 = arith.constant 96 : index
    %swap3A_761 = tpu.vector_load %arg12[%swap3A_759, %swap3A_760] {strides = array<i32>} : memref<32x128xf32, #tpu.memory_space<vmem>>, vector<1x16xf32>,
    %swap3A_762 = vector.shape_cast %swap3A_761 : vector<1x16xf32> to vector<16xf32>
    %swap3A_763 = vector.shape_cast %broadcast_in_dim3A_757 : vector<16xf32> to vector<1x16xf32>
    tpu.vector_store %arg12[%swap3A_759, %swap3A_760], %swap3A_763 {strides = array<i32>} : memref<32x128xf32, #tpu.memory_space<vmem>>, vector<1x16xf32>,
    %broadcast_in_dim3A_764 = arith.constant 0.000000e+00 : f32
    %broadcast_in_dim3A_765 = vector.broadcast %broadcast_in_dim3A_764 : f32 to vector<16xf32>
    %swap3A_766 = arith.constant 11 : i32
    %swap3A_767 = arith.index_cast %swap3A_766 : i32 to index
    %swap3A_768 = arith.constant 112 : index
    %swap3A_769 = tpu.vector_load %arg12[%swap3A_767, %swap3A_768] {strides = array<i32>} : memref<32x128xf32, #tpu.memory_space<vmem>>, vector<1x16xf32>,
    %swap3A_770 = vector.shape_cast %swap3A_769 : vector<1x16xf32> to vector<16xf32>
    %swap3A_771 = vector.shape_cast %broadcast_in_dim3A_765 : vector<16xf32> to vector<1x16xf32>
    tpu.vector_store %arg12[%swap3A_767, %swap3A_768], %swap3A_771 {strides = array<i32>} : memref<32x128xf32, #tpu.memory_space<vmem>>, vector<1x16xf32>,
    %broadcast_in_dim3A_772 = arith.constant 0.000000e+00 : f32
    %broadcast_in_dim3A_773 = vector.broadcast %broadcast_in_dim3A_772 : f32 to vector<16xf32>
    %swap3A_774 = arith.constant 12 : i32
    %swap3A_775 = arith.index_cast %swap3A_774 : i32 to index
    %swap3A_776 = arith.constant 0 : index
    %swap3A_777 = tpu.vector_load %arg12[%swap3A_775, %swap3A_776] {strides = array<i32>} : memref<32x128xf32, #tpu.memory_space<vmem>>, vector<1x16xf32>,
    %swap3A_778 = vector.shape_cast %swap3A_777 : vector<1x16xf32> to vector<16xf32>
    %swap3A_779 = vector.shape_cast %broadcast_in_dim3A_773 : vector<16xf32> to vector<1x16xf32>
    tpu.vector_store %arg12[%swap3A_775, %swap3A_776], %swap3A_779 {strides = array<i32>} : memref<32x128xf32, #tpu.memory_space<vmem>>, vector<1x16xf32>,
    %broadcast_in_dim3A_780 = arith.constant 0.000000e+00 : f32
    %broadcast_in_dim3A_781 = vector.broadcast %broadcast_in_dim3A_780 : f32 to vector<16xf32>
    %swap3A_782 = arith.constant 12 : i32
    %swap3A_783 = arith.index_cast %swap3A_782 : i32 to index
    %swap3A_784 = arith.constant 16 : index
    %swap3A_785 = tpu.vector_load %arg12[%swap3A_783, %swap3A_784] {strides = array<i32>} : memref<32x128xf32, #tpu.memory_space<vmem>>, vector<1x16xf32>,
    %swap3A_786 = vector.shape_cast %swap3A_785 : vector<1x16xf32> to vector<16xf32>
    %swap3A_787 = vector.shape_cast %broadcast_in_dim3A_781 : vector<16xf32> to vector<1x16xf32>
    tpu.vector_store %arg12[%swap3A_783, %swap3A_784], %swap3A_787 {strides = array<i32>} : memref<32x128xf32, #tpu.memory_space<vmem>>, vector<1x16xf32>,
    %broadcast_in_dim3A_788 = arith.constant 0.000000e+00 : f32
    %broadcast_in_dim3A_789 = vector.broadcast %broadcast_in_dim3A_788 : f32 to vector<16xf32>
    %swap3A_790 = arith.constant 12 : i32
    %swap3A_791 = arith.index_cast %swap3A_790 : i32 to index
    %swap3A_792 = arith.constant 32 : index
    %swap3A_793 = tpu.vector_load %arg12[%swap3A_791, %swap3A_792] {strides = array<i32>} : memref<32x128xf32, #tpu.memory_space<vmem>>, vector<1x16xf32>,
    %swap3A_794 = vector.shape_cast %swap3A_793 : vector<1x16xf32> to vector<16xf32>
    %swap3A_795 = vector.shape_cast %broadcast_in_dim3A_789 : vector<16xf32> to vector<1x16xf32>
    tpu.vector_store %arg12[%swap3A_791, %swap3A_792], %swap3A_795 {strides = array<i32>} : memref<32x128xf32, #tpu.memory_space<vmem>>, vector<1x16xf32>,
    %broadcast_in_dim3A_796 = arith.constant 0.000000e+00 : f32
    %broadcast_in_dim3A_797 = vector.broadcast %broadcast_in_dim3A_796 : f32 to vector<16xf32>
    %swap3A_798 = arith.constant 12 : i32
    %swap3A_799 = arith.index_cast %swap3A_798 : i32 to index
    %swap3A_800 = arith.constant 48 : index
    %swap3A_801 = tpu.vector_load %arg12[%swap3A_799, %swap3A_800] {strides = array<i32>} : memref<32x128xf32, #tpu.memory_space<vmem>>, vector<1x16xf32>,
    %swap3A_802 = vector.shape_cast %swap3A_801 : vector<1x16xf32> to vector<16xf32>
    %swap3A_803 = vector.shape_cast %broadcast_in_dim3A_797 : vector<16xf32> to vector<1x16xf32>
    tpu.vector_store %arg12[%swap3A_799, %swap3A_800], %swap3A_803 {strides = array<i32>} : memref<32x128xf32, #tpu.memory_space<vmem>>, vector<1x16xf32>,
    %broadcast_in_dim3A_804 = arith.constant 0.000000e+00 : f32
    %broadcast_in_dim3A_805 = vector.broadcast %broadcast_in_dim3A_804 : f32 to vector<16xf32>
    %swap3A_806 = arith.constant 12 : i32
    %swap3A_807 = arith.index_cast %swap3A_806 : i32 to index
    %swap3A_808 = arith.constant 64 : index
    %swap3A_809 = tpu.vector_load %arg12[%swap3A_807, %swap3A_808] {strides = array<i32>} : memref<32x128xf32, #tpu.memory_space<vmem>>, vector<1x16xf32>,
    %swap3A_810 = vector.shape_cast %swap3A_809 : vector<1x16xf32> to vector<16xf32>
    %swap3A_811 = vector.shape_cast %broadcast_in_dim3A_805 : vector<16xf32> to vector<1x16xf32>
    tpu.vector_store %arg12[%swap3A_807, %swap3A_808], %swap3A_811 {strides = array<i32>} : memref<32x128xf32, #tpu.memory_space<vmem>>, vector<1x16xf32>,
    %broadcast_in_dim3A_812 = arith.constant 0.000000e+00 : f32
    %broadcast_in_dim3A_813 = vector.broadcast %broadcast_in_dim3A_812 : f32 to vector<16xf32>
    %swap3A_814 = arith.constant 12 : i32
    %swap3A_815 = arith.index_cast %swap3A_814 : i32 to index
    %swap3A_816 = arith.constant 80 : index
    %swap3A_817 = tpu.vector_load %arg12[%swap3A_815, %swap3A_816] {strides = array<i32>} : memref<32x128xf32, #tpu.memory_space<vmem>>, vector<1x16xf32>,
    %swap3A_818 = vector.shape_cast %swap3A_817 : vector<1x16xf32> to vector<16xf32>
    %swap3A_819 = vector.shape_cast %broadcast_in_dim3A_813 : vector<16xf32> to vector<1x16xf32>
    tpu.vector_store %arg12[%swap3A_815, %swap3A_816], %swap3A_819 {strides = array<i32>} : memref<32x128xf32, #tpu.memory_space<vmem>>, vector<1x16xf32>,
    %broadcast_in_dim3A_820 = arith.constant 0.000000e+00 : f32
    %broadcast_in_dim3A_821 = vector.broadcast %broadcast_in_dim3A_820 : f32 to vector<16xf32>
    %swap3A_822 = arith.constant 12 : i32
    %swap3A_823 = arith.index_cast %swap3A_822 : i32 to index
    %swap3A_824 = arith.constant 96 : index
    %swap3A_825 = tpu.vector_load %arg12[%swap3A_823, %swap3A_824] {strides = array<i32>} : memref<32x128xf32, #tpu.memory_space<vmem>>, vector<1x16xf32>,
    %swap3A_826 = vector.shape_cast %swap3A_825 : vector<1x16xf32> to vector<16xf32>
    %swap3A_827 = vector.shape_cast %broadcast_in_dim3A_821 : vector<16xf32> to vector<1x16xf32>
    tpu.vector_store %arg12[%swap3A_823, %swap3A_824], %swap3A_827 {strides = array<i32>} : memref<32x128xf32, #tpu.memory_space<vmem>>, vector<1x16xf32>,
    %broadcast_in_dim3A_828 = arith.constant 0.000000e+00 : f32
    %broadcast_in_dim3A_829 = vector.broadcast %broadcast_in_dim3A_828 : f32 to vector<16xf32>
    %swap3A_830 = arith.constant 12 : i32
    %swap3A_831 = arith.index_cast %swap3A_830 : i32 to index
    %swap3A_832 = arith.constant 112 : index
    %swap3A_833 = tpu.vector_load %arg12[%swap3A_831, %swap3A_832] {strides = array<i32>} : memref<32x128xf32, #tpu.memory_space<vmem>>, vector<1x16xf32>,
    %swap3A_834 = vector.shape_cast %swap3A_833 : vector<1x16xf32> to vector<16xf32>
    %swap3A_835 = vector.shape_cast %broadcast_in_dim3A_829 : vector<16xf32> to vector<1x16xf32>
    tpu.vector_store %arg12[%swap3A_831, %swap3A_832], %swap3A_835 {strides = array<i32>} : memref<32x128xf32, #tpu.memory_space<vmem>>, vector<1x16xf32>,
    %broadcast_in_dim3A_836 = arith.constant 0.000000e+00 : f32
    %broadcast_in_dim3A_837 = vector.broadcast %broadcast_in_dim3A_836 : f32 to vector<16xf32>
    %swap3A_838 = arith.constant 13 : i32
    %swap3A_839 = arith.index_cast %swap3A_838 : i32 to index
    %swap3A_840 = arith.constant 0 : index
    %swap3A_841 = tpu.vector_load %arg12[%swap3A_839, %swap3A_840] {strides = array<i32>} : memref<32x128xf32, #tpu.memory_space<vmem>>, vector<1x16xf32>,
    %swap3A_842 = vector.shape_cast %swap3A_841 : vector<1x16xf32> to vector<16xf32>
    %swap3A_843 = vector.shape_cast %broadcast_in_dim3A_837 : vector<16xf32> to vector<1x16xf32>
    tpu.vector_store %arg12[%swap3A_839, %swap3A_840], %swap3A_843 {strides = array<i32>} : memref<32x128xf32, #tpu.memory_space<vmem>>, vector<1x16xf32>,
    %broadcast_in_dim3A_844 = arith.constant 0.000000e+00 : f32
    %broadcast_in_dim3A_845 = vector.broadcast %broadcast_in_dim3A_844 : f32 to vector<16xf32>
    %swap3A_846 = arith.constant 13 : i32
    %swap3A_847 = arith.index_cast %swap3A_846 : i32 to index
    %swap3A_848 = arith.constant 16 : index
    %swap3A_849 = tpu.vector_load %arg12[%swap3A_847, %swap3A_848] {strides = array<i32>} : memref<32x128xf32, #tpu.memory_space<vmem>>, vector<1x16xf32>,
    %swap3A_850 = vector.shape_cast %swap3A_849 : vector<1x16xf32> to vector<16xf32>
    %swap3A_851 = vector.shape_cast %broadcast_in_dim3A_845 : vector<16xf32> to vector<1x16xf32>
    tpu.vector_store %arg12[%swap3A_847, %swap3A_848], %swap3A_851 {strides = array<i32>} : memref<32x128xf32, #tpu.memory_space<vmem>>, vector<1x16xf32>,
    %broadcast_in_dim3A_852 = arith.constant 0.000000e+00 : f32
    %broadcast_in_dim3A_853 = vector.broadcast %broadcast_in_dim3A_852 : f32 to vector<16xf32>
    %swap3A_854 = arith.constant 13 : i32
    %swap3A_855 = arith.index_cast %swap3A_854 : i32 to index
    %swap3A_856 = arith.constant 32 : index
    %swap3A_857 = tpu.vector_load %arg12[%swap3A_855, %swap3A_856] {strides = array<i32>} : memref<32x128xf32, #tpu.memory_space<vmem>>, vector<1x16xf32>,
    %swap3A_858 = vector.shape_cast %swap3A_857 : vector<1x16xf32> to vector<16xf32>
    %swap3A_859 = vector.shape_cast %broadcast_in_dim3A_853 : vector<16xf32> to vector<1x16xf32>
    tpu.vector_store %arg12[%swap3A_855, %swap3A_856], %swap3A_859 {strides = array<i32>} : memref<32x128xf32, #tpu.memory_space<vmem>>, vector<1x16xf32>,
    %broadcast_in_dim3A_860 = arith.constant 0.000000e+00 : f32
    %broadcast_in_dim3A_861 = vector.broadcast %broadcast_in_dim3A_860 : f32 to vector<16xf32>
    %swap3A_862 = arith.constant 13 : i32
    %swap3A_863 = arith.index_cast %swap3A_862 : i32 to index
    %swap3A_864 = arith.constant 48 : index
    %swap3A_865 = tpu.vector_load %arg12[%swap3A_863, %swap3A_864] {strides = array<i32>} : memref<32x128xf32, #tpu.memory_space<vmem>>, vector<1x16xf32>,
    %swap3A_866 = vector.shape_cast %swap3A_865 : vector<1x16xf32> to vector<16xf32>
    %swap3A_867 = vector.shape_cast %broadcast_in_dim3A_861 : vector<16xf32> to vector<1x16xf32>
    tpu.vector_store %arg12[%swap3A_863, %swap3A_864], %swap3A_867 {strides = array<i32>} : memref<32x128xf32, #tpu.memory_space<vmem>>, vector<1x16xf32>,
    %broadcast_in_dim3A_868 = arith.constant 0.000000e+00 : f32
    %broadcast_in_dim3A_869 = vector.broadcast %broadcast_in_dim3A_868 : f32 to vector<16xf32>
    %swap3A_870 = arith.constant 13 : i32
    %swap3A_871 = arith.index_cast %swap3A_870 : i32 to index
    %swap3A_872 = arith.constant 64 : index
    %swap3A_873 = tpu.vector_load %arg12[%swap3A_871, %swap3A_872] {strides = array<i32>} : memref<32x128xf32, #tpu.memory_space<vmem>>, vector<1x16xf32>,
    %swap3A_874 = vector.shape_cast %swap3A_873 : vector<1x16xf32> to vector<16xf32>
    %swap3A_875 = vector.shape_cast %broadcast_in_dim3A_869 : vector<16xf32> to vector<1x16xf32>
    tpu.vector_store %arg12[%swap3A_871, %swap3A_872], %swap3A_875 {strides = array<i32>} : memref<32x128xf32, #tpu.memory_space<vmem>>, vector<1x16xf32>,
    %broadcast_in_dim3A_876 = arith.constant 0.000000e+00 : f32
    %broadcast_in_dim3A_877 = vector.broadcast %broadcast_in_dim3A_876 : f32 to vector<16xf32>
    %swap3A_878 = arith.constant 13 : i32
    %swap3A_879 = arith.index_cast %swap3A_878 : i32 to index
    %swap3A_880 = arith.constant 80 : index
    %swap3A_881 = tpu.vector_load %arg12[%swap3A_879, %swap3A_880] {strides = array<i32>} : memref<32x128xf32, #tpu.memory_space<vmem>>, vector<1x16xf32>,
    %swap3A_882 = vector.shape_cast %swap3A_881 : vector<1x16xf32> to vector<16xf32>
    %swap3A_883 = vector.shape_cast %broadcast_in_dim3A_877 : vector<16xf32> to vector<1x16xf32>
    tpu.vector_store %arg12[%swap3A_879, %swap3A_880], %swap3A_883 {strides = array<i32>} : memref<32x128xf32, #tpu.memory_space<vmem>>, vector<1x16xf32>,
    %broadcast_in_dim3A_884 = arith.constant 0.000000e+00 : f32
    %broadcast_in_dim3A_885 = vector.broadcast %broadcast_in_dim3A_884 : f32 to vector<16xf32>
    %swap3A_886 = arith.constant 13 : i32
    %swap3A_887 = arith.index_cast %swap3A_886 : i32 to index
    %swap3A_888 = arith.constant 96 : index
    %swap3A_889 = tpu.vector_load %arg12[%swap3A_887, %swap3A_888] {strides = array<i32>} : memref<32x128xf32, #tpu.memory_space<vmem>>, vector<1x16xf32>,
    %swap3A_890 = vector.shape_cast %swap3A_889 : vector<1x16xf32> to vector<16xf32>
    %swap3A_891 = vector.shape_cast %broadcast_in_dim3A_885 : vector<16xf32> to vector<1x16xf32>
    tpu.vector_store %arg12[%swap3A_887, %swap3A_888], %swap3A_891 {strides = array<i32>} : memref<32x128xf32, #tpu.memory_space<vmem>>, vector<1x16xf32>,
    %broadcast_in_dim3A_892 = arith.constant 0.000000e+00 : f32
    %broadcast_in_dim3A_893 = vector.broadcast %broadcast_in_dim3A_892 : f32 to vector<16xf32>
    %swap3A_894 = arith.constant 13 : i32
    %swap3A_895 = arith.index_cast %swap3A_894 : i32 to index
    %swap3A_896 = arith.constant 112 : index
    %swap3A_897 = tpu.vector_load %arg12[%swap3A_895, %swap3A_896] {strides = array<i32>} : memref<32x128xf32, #tpu.memory_space<vmem>>, vector<1x16xf32>,
    %swap3A_898 = vector.shape_cast %swap3A_897 : vector<1x16xf32> to vector<16xf32>
    %swap3A_899 = vector.shape_cast %broadcast_in_dim3A_893 : vector<16xf32> to vector<1x16xf32>
    tpu.vector_store %arg12[%swap3A_895, %swap3A_896], %swap3A_899 {strides = array<i32>} : memref<32x128xf32, #tpu.memory_space<vmem>>, vector<1x16xf32>,
    %broadcast_in_dim3A_900 = arith.constant 0.000000e+00 : f32
    %broadcast_in_dim3A_901 = vector.broadcast %broadcast_in_dim3A_900 : f32 to vector<16xf32>
    %swap3A_902 = arith.constant 14 : i32
    %swap3A_903 = arith.index_cast %swap3A_902 : i32 to index
    %swap3A_904 = arith.constant 0 : index
    %swap3A_905 = tpu.vector_load %arg12[%swap3A_903, %swap3A_904] {strides = array<i32>} : memref<32x128xf32, #tpu.memory_space<vmem>>, vector<1x16xf32>,
    %swap3A_906 = vector.shape_cast %swap3A_905 : vector<1x16xf32> to vector<16xf32>
    %swap3A_907 = vector.shape_cast %broadcast_in_dim3A_901 : vector<16xf32> to vector<1x16xf32>
    tpu.vector_store %arg12[%swap3A_903, %swap3A_904], %swap3A_907 {strides = array<i32>} : memref<32x128xf32, #tpu.memory_space<vmem>>, vector<1x16xf32>,
    %broadcast_in_dim3A_908 = arith.constant 0.000000e+00 : f32
    %broadcast_in_dim3A_909 = vector.broadcast %broadcast_in_dim3A_908 : f32 to vector<16xf32>
    %swap3A_910 = arith.constant 14 : i32
    %swap3A_911 = arith.index_cast %swap3A_910 : i32 to index
    %swap3A_912 = arith.constant 16 : index
    %swap3A_913 = tpu.vector_load %arg12[%swap3A_911, %swap3A_912] {strides = array<i32>} : memref<32x128xf32, #tpu.memory_space<vmem>>, vector<1x16xf32>,
    %swap3A_914 = vector.shape_cast %swap3A_913 : vector<1x16xf32> to vector<16xf32>
    %swap3A_915 = vector.shape_cast %broadcast_in_dim3A_909 : vector<16xf32> to vector<1x16xf32>
    tpu.vector_store %arg12[%swap3A_911, %swap3A_912], %swap3A_915 {strides = array<i32>} : memref<32x128xf32, #tpu.memory_space<vmem>>, vector<1x16xf32>,
    %broadcast_in_dim3A_916 = arith.constant 0.000000e+00 : f32
    %broadcast_in_dim3A_917 = vector.broadcast %broadcast_in_dim3A_916 : f32 to vector<16xf32>
    %swap3A_918 = arith.constant 14 : i32
    %swap3A_919 = arith.index_cast %swap3A_918 : i32 to index
    %swap3A_920 = arith.constant 32 : index
    %swap3A_921 = tpu.vector_load %arg12[%swap3A_919, %swap3A_920] {strides = array<i32>} : memref<32x128xf32, #tpu.memory_space<vmem>>, vector<1x16xf32>,
    %swap3A_922 = vector.shape_cast %swap3A_921 : vector<1x16xf32> to vector<16xf32>
    %swap3A_923 = vector.shape_cast %broadcast_in_dim3A_917 : vector<16xf32> to vector<1x16xf32>
    tpu.vector_store %arg12[%swap3A_919, %swap3A_920], %swap3A_923 {strides = array<i32>} : memref<32x128xf32, #tpu.memory_space<vmem>>, vector<1x16xf32>,
    %broadcast_in_dim3A_924 = arith.constant 0.000000e+00 : f32
    %broadcast_in_dim3A_925 = vector.broadcast %broadcast_in_dim3A_924 : f32 to vector<16xf32>
    %swap3A_926 = arith.constant 14 : i32
    %swap3A_927 = arith.index_cast %swap3A_926 : i32 to index
    %swap3A_928 = arith.constant 48 : index
    %swap3A_929 = tpu.vector_load %arg12[%swap3A_927, %swap3A_928] {strides = array<i32>} : memref<32x128xf32, #tpu.memory_space<vmem>>, vector<1x16xf32>,
    %swap3A_930 = vector.shape_cast %swap3A_929 : vector<1x16xf32> to vector<16xf32>
    %swap3A_931 = vector.shape_cast %broadcast_in_dim3A_925 : vector<16xf32> to vector<1x16xf32>
    tpu.vector_store %arg12[%swap3A_927, %swap3A_928], %swap3A_931 {strides = array<i32>} : memref<32x128xf32, #tpu.memory_space<vmem>>, vector<1x16xf32>,
    %broadcast_in_dim3A_932 = arith.constant 0.000000e+00 : f32
    %broadcast_in_dim3A_933 = vector.broadcast %broadcast_in_dim3A_932 : f32 to vector<16xf32>
    %swap3A_934 = arith.constant 14 : i32
    %swap3A_935 = arith.index_cast %swap3A_934 : i32 to index
    %swap3A_936 = arith.constant 64 : index
    %swap3A_937 = tpu.vector_load %arg12[%swap3A_935, %swap3A_936] {strides = array<i32>} : memref<32x128xf32, #tpu.memory_space<vmem>>, vector<1x16xf32>,
    %swap3A_938 = vector.shape_cast %swap3A_937 : vector<1x16xf32> to vector<16xf32>
    %swap3A_939 = vector.shape_cast %broadcast_in_dim3A_933 : vector<16xf32> to vector<1x16xf32>
    tpu.vector_store %arg12[%swap3A_935, %swap3A_936], %swap3A_939 {strides = array<i32>} : memref<32x128xf32, #tpu.memory_space<vmem>>, vector<1x16xf32>,
    %broadcast_in_dim3A_940 = arith.constant 0.000000e+00 : f32
    %broadcast_in_dim3A_941 = vector.broadcast %broadcast_in_dim3A_940 : f32 to vector<16xf32>
    %swap3A_942 = arith.constant 14 : i32
    %swap3A_943 = arith.index_cast %swap3A_942 : i32 to index
    %swap3A_944 = arith.constant 80 : index
    %swap3A_945 = tpu.vector_load %arg12[%swap3A_943, %swap3A_944] {strides = array<i32>} : memref<32x128xf32, #tpu.memory_space<vmem>>, vector<1x16xf32>,
    %swap3A_946 = vector.shape_cast %swap3A_945 : vector<1x16xf32> to vector<16xf32>
    %swap3A_947 = vector.shape_cast %broadcast_in_dim3A_941 : vector<16xf32> to vector<1x16xf32>
    tpu.vector_store %arg12[%swap3A_943, %swap3A_944], %swap3A_947 {strides = array<i32>} : memref<32x128xf32, #tpu.memory_space<vmem>>, vector<1x16xf32>,
    %broadcast_in_dim3A_948 = arith.constant 0.000000e+00 : f32
    %broadcast_in_dim3A_949 = vector.broadcast %broadcast_in_dim3A_948 : f32 to vector<16xf32>
    %swap3A_950 = arith.constant 14 : i32
    %swap3A_951 = arith.index_cast %swap3A_950 : i32 to index
    %swap3A_952 = arith.constant 96 : index
    %swap3A_953 = tpu.vector_load %arg12[%swap3A_951, %swap3A_952] {strides = array<i32>} : memref<32x128xf32, #tpu.memory_space<vmem>>, vector<1x16xf32>,
    %swap3A_954 = vector.shape_cast %swap3A_953 : vector<1x16xf32> to vector<16xf32>
    %swap3A_955 = vector.shape_cast %broadcast_in_dim3A_949 : vector<16xf32> to vector<1x16xf32>
    tpu.vector_store %arg12[%swap3A_951, %swap3A_952], %swap3A_955 {strides = array<i32>} : memref<32x128xf32, #tpu.memory_space<vmem>>, vector<1x16xf32>,
    %broadcast_in_dim3A_956 = arith.constant 0.000000e+00 : f32
    %broadcast_in_dim3A_957 = vector.broadcast %broadcast_in_dim3A_956 : f32 to vector<16xf32>
    %swap3A_958 = arith.constant 14 : i32
    %swap3A_959 = arith.index_cast %swap3A_958 : i32 to index
    %swap3A_960 = arith.constant 112 : index
    %swap3A_961 = tpu.vector_load %arg12[%swap3A_959, %swap3A_960] {strides = array<i32>} : memref<32x128xf32, #tpu.memory_space<vmem>>, vector<1x16xf32>,
    %swap3A_962 = vector.shape_cast %swap3A_961 : vector<1x16xf32> to vector<16xf32>
    %swap3A_963 = vector.shape_cast %broadcast_in_dim3A_957 : vector<16xf32> to vector<1x16xf32>
    tpu.vector_store %arg12[%swap3A_959, %swap3A_960], %swap3A_963 {strides = array<i32>} : memref<32x128xf32, #tpu.memory_space<vmem>>, vector<1x16xf32>,
    %broadcast_in_dim3A_964 = arith.constant 0.000000e+00 : f32
    %broadcast_in_dim3A_965 = vector.broadcast %broadcast_in_dim3A_964 : f32 to vector<16xf32>
    %swap3A_966 = arith.constant 15 : i32
    %swap3A_967 = arith.index_cast %swap3A_966 : i32 to index
    %swap3A_968 = arith.constant 0 : index
    %swap3A_969 = tpu.vector_load %arg12[%swap3A_967, %swap3A_968] {strides = array<i32>} : memref<32x128xf32, #tpu.memory_space<vmem>>, vector<1x16xf32>,
    %swap3A_970 = vector.shape_cast %swap3A_969 : vector<1x16xf32> to vector<16xf32>
    %swap3A_971 = vector.shape_cast %broadcast_in_dim3A_965 : vector<16xf32> to vector<1x16xf32>
    tpu.vector_store %arg12[%swap3A_967, %swap3A_968], %swap3A_971 {strides = array<i32>} : memref<32x128xf32, #tpu.memory_space<vmem>>, vector<1x16xf32>,
    %broadcast_in_dim3A_972 = arith.constant 0.000000e+00 : f32
    %broadcast_in_dim3A_973 = vector.broadcast %broadcast_in_dim3A_972 : f32 to vector<16xf32>
    %swap3A_974 = arith.constant 15 : i32
    %swap3A_975 = arith.index_cast %swap3A_974 : i32 to index
    %swap3A_976 = arith.constant 16 : index
    %swap3A_977 = tpu.vector_load %arg12[%swap3A_975, %swap3A_976] {strides = array<i32>} : memref<32x128xf32, #tpu.memory_space<vmem>>, vector<1x16xf32>,
    %swap3A_978 = vector.shape_cast %swap3A_977 : vector<1x16xf32> to vector<16xf32>
    %swap3A_979 = vector.shape_cast %broadcast_in_dim3A_973 : vector<16xf32> to vector<1x16xf32>
    tpu.vector_store %arg12[%swap3A_975, %swap3A_976], %swap3A_979 {strides = array<i32>} : memref<32x128xf32, #tpu.memory_space<vmem>>, vector<1x16xf32>,
    %broadcast_in_dim3A_980 = arith.constant 0.000000e+00 : f32
    %broadcast_in_dim3A_981 = vector.broadcast %broadcast_in_dim3A_980 : f32 to vector<16xf32>
    %swap3A_982 = arith.constant 15 : i32
    %swap3A_983 = arith.index_cast %swap3A_982 : i32 to index
    %swap3A_984 = arith.constant 32 : index
    %swap3A_985 = tpu.vector_load %arg12[%swap3A_983, %swap3A_984] {strides = array<i32>} : memref<32x128xf32, #tpu.memory_space<vmem>>, vector<1x16xf32>,
    %swap3A_986 = vector.shape_cast %swap3A_985 : vector<1x16xf32> to vector<16xf32>
    %swap3A_987 = vector.shape_cast %broadcast_in_dim3A_981 : vector<16xf32> to vector<1x16xf32>
    tpu.vector_store %arg12[%swap3A_983, %swap3A_984], %swap3A_987 {strides = array<i32>} : memref<32x128xf32, #tpu.memory_space<vmem>>, vector<1x16xf32>,
    %broadcast_in_dim3A_988 = arith.constant 0.000000e+00 : f32
    %broadcast_in_dim3A_989 = vector.broadcast %broadcast_in_dim3A_988 : f32 to vector<16xf32>
    %swap3A_990 = arith.constant 15 : i32
    %swap3A_991 = arith.index_cast %swap3A_990 : i32 to index
    %swap3A_992 = arith.constant 48 : index
    %swap3A_993 = tpu.vector_load %arg12[%swap3A_991, %swap3A_992] {strides = array<i32>} : memref<32x128xf32, #tpu.memory_space<vmem>>, vector<1x16xf32>,
    %swap3A_994 = vector.shape_cast %swap3A_993 : vector<1x16xf32> to vector<16xf32>
    %swap3A_995 = vector.shape_cast %broadcast_in_dim3A_989 : vector<16xf32> to vector<1x16xf32>
    tpu.vector_store %arg12[%swap3A_991, %swap3A_992], %swap3A_995 {strides = array<i32>} : memref<32x128xf32, #tpu.memory_space<vmem>>, vector<1x16xf32>,
    %broadcast_in_dim3A_996 = arith.constant 0.000000e+00 : f32
    %broadcast_in_dim3A_997 = vector.broadcast %broadcast_in_dim3A_996 : f32 to vector<16xf32>
    %swap3A_998 = arith.constant 15 : i32
    %swap3A_999 = arith.index_cast %swap3A_998 : i32 to index
    %swap3A_1000 = arith.constant 64 : index
    %swap3A_1001 = tpu.vector_load %arg12[%swap3A_999, %swap3A_1000] {strides = array<i32>} : memref<32x128xf32, #tpu.memory_space<vmem>>, vector<1x16xf32>,
    %swap3A_1002 = vector.shape_cast %swap3A_1001 : vector<1x16xf32> to vector<16xf32>
    %swap3A_1003 = vector.shape_cast %broadcast_in_dim3A_997 : vector<16xf32> to vector<1x16xf32>
    tpu.vector_store %arg12[%swap3A_999, %swap3A_1000], %swap3A_1003 {strides = array<i32>} : memref<32x128xf32, #tpu.memory_space<vmem>>, vector<1x16xf32>,
    %broadcast_in_dim3A_1004 = arith.constant 0.000000e+00 : f32
    %broadcast_in_dim3A_1005 = vector.broadcast %broadcast_in_dim3A_1004 : f32 to vector<16xf32>
    %swap3A_1006 = arith.constant 15 : i32
    %swap3A_1007 = arith.index_cast %swap3A_1006 : i32 to index
    %swap3A_1008 = arith.constant 80 : index
    %swap3A_1009 = tpu.vector_load %arg12[%swap3A_1007, %swap3A_1008] {strides = array<i32>} : memref<32x128xf32, #tpu.memory_space<vmem>>, vector<1x16xf32>,
    %swap3A_1010 = vector.shape_cast %swap3A_1009 : vector<1x16xf32> to vector<16xf32>
    %swap3A_1011 = vector.shape_cast %broadcast_in_dim3A_1005 : vector<16xf32> to vector<1x16xf32>
    tpu.vector_store %arg12[%swap3A_1007, %swap3A_1008], %swap3A_1011 {strides = array<i32>} : memref<32x128xf32, #tpu.memory_space<vmem>>, vector<1x16xf32>,
    %broadcast_in_dim3A_1012 = arith.constant 0.000000e+00 : f32
    %broadcast_in_dim3A_1013 = vector.broadcast %broadcast_in_dim3A_1012 : f32 to vector<16xf32>
    %swap3A_1014 = arith.constant 15 : i32
    %swap3A_1015 = arith.index_cast %swap3A_1014 : i32 to index
    %swap3A_1016 = arith.constant 96 : index
    %swap3A_1017 = tpu.vector_load %arg12[%swap3A_1015, %swap3A_1016] {strides = array<i32>} : memref<32x128xf32, #tpu.memory_space<vmem>>, vector<1x16xf32>,
    %swap3A_1018 = vector.shape_cast %swap3A_1017 : vector<1x16xf32> to vector<16xf32>
    %swap3A_1019 = vector.shape_cast %broadcast_in_dim3A_1013 : vector<16xf32> to vector<1x16xf32>
    tpu.vector_store %arg12[%swap3A_1015, %swap3A_1016], %swap3A_1019 {strides = array<i32>} : memref<32x128xf32, #tpu.memory_space<vmem>>, vector<1x16xf32>,
    %broadcast_in_dim3A_1020 = arith.constant 0.000000e+00 : f32
    %broadcast_in_dim3A_1021 = vector.broadcast %broadcast_in_dim3A_1020 : f32 to vector<16xf32>
    %swap3A_1022 = arith.constant 15 : i32
    %swap3A_1023 = arith.index_cast %swap3A_1022 : i32 to index
    %swap3A_1024 = arith.constant 112 : index
    %swap3A_1025 = tpu.vector_load %arg12[%swap3A_1023, %swap3A_1024] {strides = array<i32>} : memref<32x128xf32, #tpu.memory_space<vmem>>, vector<1x16xf32>,
    %swap3A_1026 = vector.shape_cast %swap3A_1025 : vector<1x16xf32> to vector<16xf32>
    %swap3A_1027 = vector.shape_cast %broadcast_in_dim3A_1021 : vector<16xf32> to vector<1x16xf32>
    tpu.vector_store %arg12[%swap3A_1023, %swap3A_1024], %swap3A_1027 {strides = array<i32>} : memref<32x128xf32, #tpu.memory_space<vmem>>, vector<1x16xf32>,
    %broadcast_in_dim3A_1028 = arith.constant 0.000000e+00 : f32
    %broadcast_in_dim3A_1029 = vector.broadcast %broadcast_in_dim3A_1028 : f32 to vector<16xf32>
    %swap3A_1030 = arith.constant 16 : i32
    %swap3A_1031 = arith.index_cast %swap3A_1030 : i32 to index
    %swap3A_1032 = arith.constant 0 : index
    %swap3A_1033 = tpu.vector_load %arg12[%swap3A_1031, %swap3A_1032] {strides = array<i32>} : memref<32x128xf32, #tpu.memory_space<vmem>>, vector<1x16xf32>,
    %swap3A_1034 = vector.shape_cast %swap3A_1033 : vector<1x16xf32> to vector<16xf32>
    %swap3A_1035 = vector.shape_cast %broadcast_in_dim3A_1029 : vector<16xf32> to vector<1x16xf32>
    tpu.vector_store %arg12[%swap3A_1031, %swap3A_1032], %swap3A_1035 {strides = array<i32>} : memref<32x128xf32, #tpu.memory_space<vmem>>, vector<1x16xf32>,
    %broadcast_in_dim3A_1036 = arith.constant 0.000000e+00 : f32
    %broadcast_in_dim3A_1037 = vector.broadcast %broadcast_in_dim3A_1036 : f32 to vector<16xf32>
    %swap3A_1038 = arith.constant 16 : i32
    %swap3A_1039 = arith.index_cast %swap3A_1038 : i32 to index
    %swap3A_1040 = arith.constant 16 : index
    %swap3A_1041 = tpu.vector_load %arg12[%swap3A_1039, %swap3A_1040] {strides = array<i32>} : memref<32x128xf32, #tpu.memory_space<vmem>>, vector<1x16xf32>,
    %swap3A_1042 = vector.shape_cast %swap3A_1041 : vector<1x16xf32> to vector<16xf32>
    %swap3A_1043 = vector.shape_cast %broadcast_in_dim3A_1037 : vector<16xf32> to vector<1x16xf32>
    tpu.vector_store %arg12[%swap3A_1039, %swap3A_1040], %swap3A_1043 {strides = array<i32>} : memref<32x128xf32, #tpu.memory_space<vmem>>, vector<1x16xf32>,
    %broadcast_in_dim3A_1044 = arith.constant 0.000000e+00 : f32
    %broadcast_in_dim3A_1045 = vector.broadcast %broadcast_in_dim3A_1044 : f32 to vector<16xf32>
    %swap3A_1046 = arith.constant 16 : i32
    %swap3A_1047 = arith.index_cast %swap3A_1046 : i32 to index
    %swap3A_1048 = arith.constant 32 : index
    %swap3A_1049 = tpu.vector_load %arg12[%swap3A_1047, %swap3A_1048] {strides = array<i32>} : memref<32x128xf32, #tpu.memory_space<vmem>>, vector<1x16xf32>,
    %swap3A_1050 = vector.shape_cast %swap3A_1049 : vector<1x16xf32> to vector<16xf32>
    %swap3A_1051 = vector.shape_cast %broadcast_in_dim3A_1045 : vector<16xf32> to vector<1x16xf32>
    tpu.vector_store %arg12[%swap3A_1047, %swap3A_1048], %swap3A_1051 {strides = array<i32>} : memref<32x128xf32, #tpu.memory_space<vmem>>, vector<1x16xf32>,
    %broadcast_in_dim3A_1052 = arith.constant 0.000000e+00 : f32
    %broadcast_in_dim3A_1053 = vector.broadcast %broadcast_in_dim3A_1052 : f32 to vector<16xf32>
    %swap3A_1054 = arith.constant 16 : i32
    %swap3A_1055 = arith.index_cast %swap3A_1054 : i32 to index
    %swap3A_1056 = arith.constant 48 : index
    %swap3A_1057 = tpu.vector_load %arg12[%swap3A_1055, %swap3A_1056] {strides = array<i32>} : memref<32x128xf32, #tpu.memory_space<vmem>>, vector<1x16xf32>,
    %swap3A_1058 = vector.shape_cast %swap3A_1057 : vector<1x16xf32> to vector<16xf32>
    %swap3A_1059 = vector.shape_cast %broadcast_in_dim3A_1053 : vector<16xf32> to vector<1x16xf32>
    tpu.vector_store %arg12[%swap3A_1055, %swap3A_1056], %swap3A_1059 {strides = array<i32>} : memref<32x128xf32, #tpu.memory_space<vmem>>, vector<1x16xf32>,
    %broadcast_in_dim3A_1060 = arith.constant 0.000000e+00 : f32
    %broadcast_in_dim3A_1061 = vector.broadcast %broadcast_in_dim3A_1060 : f32 to vector<16xf32>
    %swap3A_1062 = arith.constant 16 : i32
    %swap3A_1063 = arith.index_cast %swap3A_1062 : i32 to index
    %swap3A_1064 = arith.constant 64 : index
    %swap3A_1065 = tpu.vector_load %arg12[%swap3A_1063, %swap3A_1064] {strides = array<i32>} : memref<32x128xf32, #tpu.memory_space<vmem>>, vector<1x16xf32>,
    %swap3A_1066 = vector.shape_cast %swap3A_1065 : vector<1x16xf32> to vector<16xf32>
    %swap3A_1067 = vector.shape_cast %broadcast_in_dim3A_1061 : vector<16xf32> to vector<1x16xf32>
    tpu.vector_store %arg12[%swap3A_1063, %swap3A_1064], %swap3A_1067 {strides = array<i32>} : memref<32x128xf32, #tpu.memory_space<vmem>>, vector<1x16xf32>,
    %broadcast_in_dim3A_1068 = arith.constant 0.000000e+00 : f32
    %broadcast_in_dim3A_1069 = vector.broadcast %broadcast_in_dim3A_1068 : f32 to vector<16xf32>
    %swap3A_1070 = arith.constant 16 : i32
    %swap3A_1071 = arith.index_cast %swap3A_1070 : i32 to index
    %swap3A_1072 = arith.constant 80 : index
    %swap3A_1073 = tpu.vector_load %arg12[%swap3A_1071, %swap3A_1072] {strides = array<i32>} : memref<32x128xf32, #tpu.memory_space<vmem>>, vector<1x16xf32>,
    %swap3A_1074 = vector.shape_cast %swap3A_1073 : vector<1x16xf32> to vector<16xf32>
    %swap3A_1075 = vector.shape_cast %broadcast_in_dim3A_1069 : vector<16xf32> to vector<1x16xf32>
    tpu.vector_store %arg12[%swap3A_1071, %swap3A_1072], %swap3A_1075 {strides = array<i32>} : memref<32x128xf32, #tpu.memory_space<vmem>>, vector<1x16xf32>,
    %broadcast_in_dim3A_1076 = arith.constant 0.000000e+00 : f32
    %broadcast_in_dim3A_1077 = vector.broadcast %broadcast_in_dim3A_1076 : f32 to vector<16xf32>
    %swap3A_1078 = arith.constant 16 : i32
    %swap3A_1079 = arith.index_cast %swap3A_1078 : i32 to index
    %swap3A_1080 = arith.constant 96 : index
    %swap3A_1081 = tpu.vector_load %arg12[%swap3A_1079, %swap3A_1080] {strides = array<i32>} : memref<32x128xf32, #tpu.memory_space<vmem>>, vector<1x16xf32>,
    %swap3A_1082 = vector.shape_cast %swap3A_1081 : vector<1x16xf32> to vector<16xf32>
    %swap3A_1083 = vector.shape_cast %broadcast_in_dim3A_1077 : vector<16xf32> to vector<1x16xf32>
    tpu.vector_store %arg12[%swap3A_1079, %swap3A_1080], %swap3A_1083 {strides = array<i32>} : memref<32x128xf32, #tpu.memory_space<vmem>>, vector<1x16xf32>,
    %broadcast_in_dim3A_1084 = arith.constant 0.000000e+00 : f32
    %broadcast_in_dim3A_1085 = vector.broadcast %broadcast_in_dim3A_1084 : f32 to vector<16xf32>
    %swap3A_1086 = arith.constant 16 : i32
    %swap3A_1087 = arith.index_cast %swap3A_1086 : i32 to index
    %swap3A_1088 = arith.constant 112 : index
    %swap3A_1089 = tpu.vector_load %arg12[%swap3A_1087, %swap3A_1088] {strides = array<i32>} : memref<32x128xf32, #tpu.memory_space<vmem>>, vector<1x16xf32>,
    %swap3A_1090 = vector.shape_cast %swap3A_1089 : vector<1x16xf32> to vector<16xf32>
    %swap3A_1091 = vector.shape_cast %broadcast_in_dim3A_1085 : vector<16xf32> to vector<1x16xf32>
    tpu.vector_store %arg12[%swap3A_1087, %swap3A_1088], %swap3A_1091 {strides = array<i32>} : memref<32x128xf32, #tpu.memory_space<vmem>>, vector<1x16xf32>,
    %broadcast_in_dim3A_1092 = arith.constant 0.000000e+00 : f32
    %broadcast_in_dim3A_1093 = vector.broadcast %broadcast_in_dim3A_1092 : f32 to vector<16xf32>
    %swap3A_1094 = arith.constant 17 : i32
    %swap3A_1095 = arith.index_cast %swap3A_1094 : i32 to index
    %swap3A_1096 = arith.constant 0 : index
    %swap3A_1097 = tpu.vector_load %arg12[%swap3A_1095, %swap3A_1096] {strides = array<i32>} : memref<32x128xf32, #tpu.memory_space<vmem>>, vector<1x16xf32>,
    %swap3A_1098 = vector.shape_cast %swap3A_1097 : vector<1x16xf32> to vector<16xf32>
    %swap3A_1099 = vector.shape_cast %broadcast_in_dim3A_1093 : vector<16xf32> to vector<1x16xf32>
    tpu.vector_store %arg12[%swap3A_1095, %swap3A_1096], %swap3A_1099 {strides = array<i32>} : memref<32x128xf32, #tpu.memory_space<vmem>>, vector<1x16xf32>,
    %broadcast_in_dim3A_1100 = arith.constant 0.000000e+00 : f32
    %broadcast_in_dim3A_1101 = vector.broadcast %broadcast_in_dim3A_1100 : f32 to vector<16xf32>
    %swap3A_1102 = arith.constant 17 : i32
    %swap3A_1103 = arith.index_cast %swap3A_1102 : i32 to index
    %swap3A_1104 = arith.constant 16 : index
    %swap3A_1105 = tpu.vector_load %arg12[%swap3A_1103, %swap3A_1104] {strides = array<i32>} : memref<32x128xf32, #tpu.memory_space<vmem>>, vector<1x16xf32>,
    %swap3A_1106 = vector.shape_cast %swap3A_1105 : vector<1x16xf32> to vector<16xf32>
    %swap3A_1107 = vector.shape_cast %broadcast_in_dim3A_1101 : vector<16xf32> to vector<1x16xf32>
    tpu.vector_store %arg12[%swap3A_1103, %swap3A_1104], %swap3A_1107 {strides = array<i32>} : memref<32x128xf32, #tpu.memory_space<vmem>>, vector<1x16xf32>,
    %broadcast_in_dim3A_1108 = arith.constant 0.000000e+00 : f32
    %broadcast_in_dim3A_1109 = vector.broadcast %broadcast_in_dim3A_1108 : f32 to vector<16xf32>
    %swap3A_1110 = arith.constant 17 : i32
    %swap3A_1111 = arith.index_cast %swap3A_1110 : i32 to index
    %swap3A_1112 = arith.constant 32 : index
    %swap3A_1113 = tpu.vector_load %arg12[%swap3A_1111, %swap3A_1112] {strides = array<i32>} : memref<32x128xf32, #tpu.memory_space<vmem>>, vector<1x16xf32>,
    %swap3A_1114 = vector.shape_cast %swap3A_1113 : vector<1x16xf32> to vector<16xf32>
    %swap3A_1115 = vector.shape_cast %broadcast_in_dim3A_1109 : vector<16xf32> to vector<1x16xf32>
    tpu.vector_store %arg12[%swap3A_1111, %swap3A_1112], %swap3A_1115 {strides = array<i32>} : memref<32x128xf32, #tpu.memory_space<vmem>>, vector<1x16xf32>,
    %broadcast_in_dim3A_1116 = arith.constant 0.000000e+00 : f32
    %broadcast_in_dim3A_1117 = vector.broadcast %broadcast_in_dim3A_1116 : f32 to vector<16xf32>
    %swap3A_1118 = arith.constant 17 : i32
    %swap3A_1119 = arith.index_cast %swap3A_1118 : i32 to index
    %swap3A_1120 = arith.constant 48 : index
    %swap3A_1121 = tpu.vector_load %arg12[%swap3A_1119, %swap3A_1120] {strides = array<i32>} : memref<32x128xf32, #tpu.memory_space<vmem>>, vector<1x16xf32>,
    %swap3A_1122 = vector.shape_cast %swap3A_1121 : vector<1x16xf32> to vector<16xf32>
    %swap3A_1123 = vector.shape_cast %broadcast_in_dim3A_1117 : vector<16xf32> to vector<1x16xf32>
    tpu.vector_store %arg12[%swap3A_1119, %swap3A_1120], %swap3A_1123 {strides = array<i32>} : memref<32x128xf32, #tpu.memory_space<vmem>>, vector<1x16xf32>,
    %broadcast_in_dim3A_1124 = arith.constant 0.000000e+00 : f32
    %broadcast_in_dim3A_1125 = vector.broadcast %broadcast_in_dim3A_1124 : f32 to vector<16xf32>
    %swap3A_1126 = arith.constant 17 : i32
    %swap3A_1127 = arith.index_cast %swap3A_1126 : i32 to index
    %swap3A_1128 = arith.constant 64 : index
    %swap3A_1129 = tpu.vector_load %arg12[%swap3A_1127, %swap3A_1128] {strides = array<i32>} : memref<32x128xf32, #tpu.memory_space<vmem>>, vector<1x16xf32>,
    %swap3A_1130 = vector.shape_cast %swap3A_1129 : vector<1x16xf32> to vector<16xf32>
    %swap3A_1131 = vector.shape_cast %broadcast_in_dim3A_1125 : vector<16xf32> to vector<1x16xf32>
    tpu.vector_store %arg12[%swap3A_1127, %swap3A_1128], %swap3A_1131 {strides = array<i32>} : memref<32x128xf32, #tpu.memory_space<vmem>>, vector<1x16xf32>,
    %broadcast_in_dim3A_1132 = arith.constant 0.000000e+00 : f32
    %broadcast_in_dim3A_1133 = vector.broadcast %broadcast_in_dim3A_1132 : f32 to vector<16xf32>
    %swap3A_1134 = arith.constant 17 : i32
    %swap3A_1135 = arith.index_cast %swap3A_1134 : i32 to index
    %swap3A_1136 = arith.constant 80 : index
    %swap3A_1137 = tpu.vector_load %arg12[%swap3A_1135, %swap3A_1136] {strides = array<i32>} : memref<32x128xf32, #tpu.memory_space<vmem>>, vector<1x16xf32>,
    %swap3A_1138 = vector.shape_cast %swap3A_1137 : vector<1x16xf32> to vector<16xf32>
    %swap3A_1139 = vector.shape_cast %broadcast_in_dim3A_1133 : vector<16xf32> to vector<1x16xf32>
    tpu.vector_store %arg12[%swap3A_1135, %swap3A_1136], %swap3A_1139 {strides = array<i32>} : memref<32x128xf32, #tpu.memory_space<vmem>>, vector<1x16xf32>,
    %broadcast_in_dim3A_1140 = arith.constant 0.000000e+00 : f32
    %broadcast_in_dim3A_1141 = vector.broadcast %broadcast_in_dim3A_1140 : f32 to vector<16xf32>
    %swap3A_1142 = arith.constant 17 : i32
    %swap3A_1143 = arith.index_cast %swap3A_1142 : i32 to index
    %swap3A_1144 = arith.constant 96 : index
    %swap3A_1145 = tpu.vector_load %arg12[%swap3A_1143, %swap3A_1144] {strides = array<i32>} : memref<32x128xf32, #tpu.memory_space<vmem>>, vector<1x16xf32>,
    %swap3A_1146 = vector.shape_cast %swap3A_1145 : vector<1x16xf32> to vector<16xf32>
    %swap3A_1147 = vector.shape_cast %broadcast_in_dim3A_1141 : vector<16xf32> to vector<1x16xf32>
    tpu.vector_store %arg12[%swap3A_1143, %swap3A_1144], %swap3A_1147 {strides = array<i32>} : memref<32x128xf32, #tpu.memory_space<vmem>>, vector<1x16xf32>,
    %broadcast_in_dim3A_1148 = arith.constant 0.000000e+00 : f32
    %broadcast_in_dim3A_1149 = vector.broadcast %broadcast_in_dim3A_1148 : f32 to vector<16xf32>
    %swap3A_1150 = arith.constant 17 : i32
    %swap3A_1151 = arith.index_cast %swap3A_1150 : i32 to index
    %swap3A_1152 = arith.constant 112 : index
    %swap3A_1153 = tpu.vector_load %arg12[%swap3A_1151, %swap3A_1152] {strides = array<i32>} : memref<32x128xf32, #tpu.memory_space<vmem>>, vector<1x16xf32>,
    %swap3A_1154 = vector.shape_cast %swap3A_1153 : vector<1x16xf32> to vector<16xf32>
    %swap3A_1155 = vector.shape_cast %broadcast_in_dim3A_1149 : vector<16xf32> to vector<1x16xf32>
    tpu.vector_store %arg12[%swap3A_1151, %swap3A_1152], %swap3A_1155 {strides = array<i32>} : memref<32x128xf32, #tpu.memory_space<vmem>>, vector<1x16xf32>,
    %broadcast_in_dim3A_1156 = arith.constant 0.000000e+00 : f32
    %broadcast_in_dim3A_1157 = vector.broadcast %broadcast_in_dim3A_1156 : f32 to vector<16xf32>
    %swap3A_1158 = arith.constant 18 : i32
    %swap3A_1159 = arith.index_cast %swap3A_1158 : i32 to index
    %swap3A_1160 = arith.constant 0 : index
    %swap3A_1161 = tpu.vector_load %arg12[%swap3A_1159, %swap3A_1160] {strides = array<i32>} : memref<32x128xf32, #tpu.memory_space<vmem>>, vector<1x16xf32>,
    %swap3A_1162 = vector.shape_cast %swap3A_1161 : vector<1x16xf32> to vector<16xf32>
    %swap3A_1163 = vector.shape_cast %broadcast_in_dim3A_1157 : vector<16xf32> to vector<1x16xf32>
    tpu.vector_store %arg12[%swap3A_1159, %swap3A_1160], %swap3A_1163 {strides = array<i32>} : memref<32x128xf32, #tpu.memory_space<vmem>>, vector<1x16xf32>,
    %broadcast_in_dim3A_1164 = arith.constant 0.000000e+00 : f32
    %broadcast_in_dim3A_1165 = vector.broadcast %broadcast_in_dim3A_1164 : f32 to vector<16xf32>
    %swap3A_1166 = arith.constant 18 : i32
    %swap3A_1167 = arith.index_cast %swap3A_1166 : i32 to index
    %swap3A_1168 = arith.constant 16 : index
    %swap3A_1169 = tpu.vector_load %arg12[%swap3A_1167, %swap3A_1168] {strides = array<i32>} : memref<32x128xf32, #tpu.memory_space<vmem>>, vector<1x16xf32>,
    %swap3A_1170 = vector.shape_cast %swap3A_1169 : vector<1x16xf32> to vector<16xf32>
    %swap3A_1171 = vector.shape_cast %broadcast_in_dim3A_1165 : vector<16xf32> to vector<1x16xf32>
    tpu.vector_store %arg12[%swap3A_1167, %swap3A_1168], %swap3A_1171 {strides = array<i32>} : memref<32x128xf32, #tpu.memory_space<vmem>>, vector<1x16xf32>,
    %broadcast_in_dim3A_1172 = arith.constant 0.000000e+00 : f32
    %broadcast_in_dim3A_1173 = vector.broadcast %broadcast_in_dim3A_1172 : f32 to vector<16xf32>
    %swap3A_1174 = arith.constant 18 : i32
    %swap3A_1175 = arith.index_cast %swap3A_1174 : i32 to index
    %swap3A_1176 = arith.constant 32 : index
    %swap3A_1177 = tpu.vector_load %arg12[%swap3A_1175, %swap3A_1176] {strides = array<i32>} : memref<32x128xf32, #tpu.memory_space<vmem>>, vector<1x16xf32>,
    %swap3A_1178 = vector.shape_cast %swap3A_1177 : vector<1x16xf32> to vector<16xf32>
    %swap3A_1179 = vector.shape_cast %broadcast_in_dim3A_1173 : vector<16xf32> to vector<1x16xf32>
    tpu.vector_store %arg12[%swap3A_1175, %swap3A_1176], %swap3A_1179 {strides = array<i32>} : memref<32x128xf32, #tpu.memory_space<vmem>>, vector<1x16xf32>,
    %broadcast_in_dim3A_1180 = arith.constant 0.000000e+00 : f32
    %broadcast_in_dim3A_1181 = vector.broadcast %broadcast_in_dim3A_1180 : f32 to vector<16xf32>
    %swap3A_1182 = arith.constant 18 : i32
    %swap3A_1183 = arith.index_cast %swap3A_1182 : i32 to index
    %swap3A_1184 = arith.constant 48 : index
    %swap3A_1185 = tpu.vector_load %arg12[%swap3A_1183, %swap3A_1184] {strides = array<i32>} : memref<32x128xf32, #tpu.memory_space<vmem>>, vector<1x16xf32>,
    %swap3A_1186 = vector.shape_cast %swap3A_1185 : vector<1x16xf32> to vector<16xf32>
    %swap3A_1187 = vector.shape_cast %broadcast_in_dim3A_1181 : vector<16xf32> to vector<1x16xf32>
    tpu.vector_store %arg12[%swap3A_1183, %swap3A_1184], %swap3A_1187 {strides = array<i32>} : memref<32x128xf32, #tpu.memory_space<vmem>>, vector<1x16xf32>,
    %broadcast_in_dim3A_1188 = arith.constant 0.000000e+00 : f32
    %broadcast_in_dim3A_1189 = vector.broadcast %broadcast_in_dim3A_1188 : f32 to vector<16xf32>
    %swap3A_1190 = arith.constant 18 : i32
    %swap3A_1191 = arith.index_cast %swap3A_1190 : i32 to index
    %swap3A_1192 = arith.constant 64 : index
    %swap3A_1193 = tpu.vector_load %arg12[%swap3A_1191, %swap3A_1192] {strides = array<i32>} : memref<32x128xf32, #tpu.memory_space<vmem>>, vector<1x16xf32>,
    %swap3A_1194 = vector.shape_cast %swap3A_1193 : vector<1x16xf32> to vector<16xf32>
    %swap3A_1195 = vector.shape_cast %broadcast_in_dim3A_1189 : vector<16xf32> to vector<1x16xf32>
    tpu.vector_store %arg12[%swap3A_1191, %swap3A_1192], %swap3A_1195 {strides = array<i32>} : memref<32x128xf32, #tpu.memory_space<vmem>>, vector<1x16xf32>,
    %broadcast_in_dim3A_1196 = arith.constant 0.000000e+00 : f32
    %broadcast_in_dim3A_1197 = vector.broadcast %broadcast_in_dim3A_1196 : f32 to vector<16xf32>
    %swap3A_1198 = arith.constant 18 : i32
    %swap3A_1199 = arith.index_cast %swap3A_1198 : i32 to index
    %swap3A_1200 = arith.constant 80 : index
    %swap3A_1201 = tpu.vector_load %arg12[%swap3A_1199, %swap3A_1200] {strides = array<i32>} : memref<32x128xf32, #tpu.memory_space<vmem>>, vector<1x16xf32>,
    %swap3A_1202 = vector.shape_cast %swap3A_1201 : vector<1x16xf32> to vector<16xf32>
    %swap3A_1203 = vector.shape_cast %broadcast_in_dim3A_1197 : vector<16xf32> to vector<1x16xf32>
    tpu.vector_store %arg12[%swap3A_1199, %swap3A_1200], %swap3A_1203 {strides = array<i32>} : memref<32x128xf32, #tpu.memory_space<vmem>>, vector<1x16xf32>,
    %broadcast_in_dim3A_1204 = arith.constant 0.000000e+00 : f32
    %broadcast_in_dim3A_1205 = vector.broadcast %broadcast_in_dim3A_1204 : f32 to vector<16xf32>
    %swap3A_1206 = arith.constant 18 : i32
    %swap3A_1207 = arith.index_cast %swap3A_1206 : i32 to index
    %swap3A_1208 = arith.constant 96 : index
    %swap3A_1209 = tpu.vector_load %arg12[%swap3A_1207, %swap3A_1208] {strides = array<i32>} : memref<32x128xf32, #tpu.memory_space<vmem>>, vector<1x16xf32>,
    %swap3A_1210 = vector.shape_cast %swap3A_1209 : vector<1x16xf32> to vector<16xf32>
    %swap3A_1211 = vector.shape_cast %broadcast_in_dim3A_1205 : vector<16xf32> to vector<1x16xf32>
    tpu.vector_store %arg12[%swap3A_1207, %swap3A_1208], %swap3A_1211 {strides = array<i32>} : memref<32x128xf32, #tpu.memory_space<vmem>>, vector<1x16xf32>,
    %broadcast_in_dim3A_1212 = arith.constant 0.000000e+00 : f32
    %broadcast_in_dim3A_1213 = vector.broadcast %broadcast_in_dim3A_1212 : f32 to vector<16xf32>
    %swap3A_1214 = arith.constant 18 : i32
    %swap3A_1215 = arith.index_cast %swap3A_1214 : i32 to index
    %swap3A_1216 = arith.constant 112 : index
    %swap3A_1217 = tpu.vector_load %arg12[%swap3A_1215, %swap3A_1216] {strides = array<i32>} : memref<32x128xf32, #tpu.memory_space<vmem>>, vector<1x16xf32>,
    %swap3A_1218 = vector.shape_cast %swap3A_1217 : vector<1x16xf32> to vector<16xf32>
    %swap3A_1219 = vector.shape_cast %broadcast_in_dim3A_1213 : vector<16xf32> to vector<1x16xf32>
    tpu.vector_store %arg12[%swap3A_1215, %swap3A_1216], %swap3A_1219 {strides = array<i32>} : memref<32x128xf32, #tpu.memory_space<vmem>>, vector<1x16xf32>,
    %broadcast_in_dim3A_1220 = arith.constant 0.000000e+00 : f32
    %broadcast_in_dim3A_1221 = vector.broadcast %broadcast_in_dim3A_1220 : f32 to vector<16xf32>
    %swap3A_1222 = arith.constant 19 : i32
    %swap3A_1223 = arith.index_cast %swap3A_1222 : i32 to index
    %swap3A_1224 = arith.constant 0 : index
    %swap3A_1225 = tpu.vector_load %arg12[%swap3A_1223, %swap3A_1224] {strides = array<i32>} : memref<32x128xf32, #tpu.memory_space<vmem>>, vector<1x16xf32>,
    %swap3A_1226 = vector.shape_cast %swap3A_1225 : vector<1x16xf32> to vector<16xf32>
    %swap3A_1227 = vector.shape_cast %broadcast_in_dim3A_1221 : vector<16xf32> to vector<1x16xf32>
    tpu.vector_store %arg12[%swap3A_1223, %swap3A_1224], %swap3A_1227 {strides = array<i32>} : memref<32x128xf32, #tpu.memory_space<vmem>>, vector<1x16xf32>,
    %broadcast_in_dim3A_1228 = arith.constant 0.000000e+00 : f32
    %broadcast_in_dim3A_1229 = vector.broadcast %broadcast_in_dim3A_1228 : f32 to vector<16xf32>
    %swap3A_1230 = arith.constant 19 : i32
    %swap3A_1231 = arith.index_cast %swap3A_1230 : i32 to index
    %swap3A_1232 = arith.constant 16 : index
    %swap3A_1233 = tpu.vector_load %arg12[%swap3A_1231, %swap3A_1232] {strides = array<i32>} : memref<32x128xf32, #tpu.memory_space<vmem>>, vector<1x16xf32>,
    %swap3A_1234 = vector.shape_cast %swap3A_1233 : vector<1x16xf32> to vector<16xf32>
    %swap3A_1235 = vector.shape_cast %broadcast_in_dim3A_1229 : vector<16xf32> to vector<1x16xf32>
    tpu.vector_store %arg12[%swap3A_1231, %swap3A_1232], %swap3A_1235 {strides = array<i32>} : memref<32x128xf32, #tpu.memory_space<vmem>>, vector<1x16xf32>,
    %broadcast_in_dim3A_1236 = arith.constant 0.000000e+00 : f32
    %broadcast_in_dim3A_1237 = vector.broadcast %broadcast_in_dim3A_1236 : f32 to vector<16xf32>
    %swap3A_1238 = arith.constant 19 : i32
    %swap3A_1239 = arith.index_cast %swap3A_1238 : i32 to index
    %swap3A_1240 = arith.constant 32 : index
    %swap3A_1241 = tpu.vector_load %arg12[%swap3A_1239, %swap3A_1240] {strides = array<i32>} : memref<32x128xf32, #tpu.memory_space<vmem>>, vector<1x16xf32>,
    %swap3A_1242 = vector.shape_cast %swap3A_1241 : vector<1x16xf32> to vector<16xf32>
    %swap3A_1243 = vector.shape_cast %broadcast_in_dim3A_1237 : vector<16xf32> to vector<1x16xf32>
    tpu.vector_store %arg12[%swap3A_1239, %swap3A_1240], %swap3A_1243 {strides = array<i32>} : memref<32x128xf32, #tpu.memory_space<vmem>>, vector<1x16xf32>,
    %broadcast_in_dim3A_1244 = arith.constant 0.000000e+00 : f32
    %broadcast_in_dim3A_1245 = vector.broadcast %broadcast_in_dim3A_1244 : f32 to vector<16xf32>
    %swap3A_1246 = arith.constant 19 : i32
    %swap3A_1247 = arith.index_cast %swap3A_1246 : i32 to index
    %swap3A_1248 = arith.constant 48 : index
    %swap3A_1249 = tpu.vector_load %arg12[%swap3A_1247, %swap3A_1248] {strides = array<i32>} : memref<32x128xf32, #tpu.memory_space<vmem>>, vector<1x16xf32>,
    %swap3A_1250 = vector.shape_cast %swap3A_1249 : vector<1x16xf32> to vector<16xf32>
    %swap3A_1251 = vector.shape_cast %broadcast_in_dim3A_1245 : vector<16xf32> to vector<1x16xf32>
    tpu.vector_store %arg12[%swap3A_1247, %swap3A_1248], %swap3A_1251 {strides = array<i32>} : memref<32x128xf32, #tpu.memory_space<vmem>>, vector<1x16xf32>,
    %broadcast_in_dim3A_1252 = arith.constant 0.000000e+00 : f32
    %broadcast_in_dim3A_1253 = vector.broadcast %broadcast_in_dim3A_1252 : f32 to vector<16xf32>
    %swap3A_1254 = arith.constant 19 : i32
    %swap3A_1255 = arith.index_cast %swap3A_1254 : i32 to index
    %swap3A_1256 = arith.constant 64 : index
    %swap3A_1257 = tpu.vector_load %arg12[%swap3A_1255, %swap3A_1256] {strides = array<i32>} : memref<32x128xf32, #tpu.memory_space<vmem>>, vector<1x16xf32>,
    %swap3A_1258 = vector.shape_cast %swap3A_1257 : vector<1x16xf32> to vector<16xf32>
    %swap3A_1259 = vector.shape_cast %broadcast_in_dim3A_1253 : vector<16xf32> to vector<1x16xf32>
    tpu.vector_store %arg12[%swap3A_1255, %swap3A_1256], %swap3A_1259 {strides = array<i32>} : memref<32x128xf32, #tpu.memory_space<vmem>>, vector<1x16xf32>,
    %broadcast_in_dim3A_1260 = arith.constant 0.000000e+00 : f32
    %broadcast_in_dim3A_1261 = vector.broadcast %broadcast_in_dim3A_1260 : f32 to vector<16xf32>
    %swap3A_1262 = arith.constant 19 : i32
    %swap3A_1263 = arith.index_cast %swap3A_1262 : i32 to index
    %swap3A_1264 = arith.constant 80 : index
    %swap3A_1265 = tpu.vector_load %arg12[%swap3A_1263, %swap3A_1264] {strides = array<i32>} : memref<32x128xf32, #tpu.memory_space<vmem>>, vector<1x16xf32>,
    %swap3A_1266 = vector.shape_cast %swap3A_1265 : vector<1x16xf32> to vector<16xf32>
    %swap3A_1267 = vector.shape_cast %broadcast_in_dim3A_1261 : vector<16xf32> to vector<1x16xf32>
    tpu.vector_store %arg12[%swap3A_1263, %swap3A_1264], %swap3A_1267 {strides = array<i32>} : memref<32x128xf32, #tpu.memory_space<vmem>>, vector<1x16xf32>,
    %broadcast_in_dim3A_1268 = arith.constant 0.000000e+00 : f32
    %broadcast_in_dim3A_1269 = vector.broadcast %broadcast_in_dim3A_1268 : f32 to vector<16xf32>
    %swap3A_1270 = arith.constant 19 : i32
    %swap3A_1271 = arith.index_cast %swap3A_1270 : i32 to index
    %swap3A_1272 = arith.constant 96 : index
    %swap3A_1273 = tpu.vector_load %arg12[%swap3A_1271, %swap3A_1272] {strides = array<i32>} : memref<32x128xf32, #tpu.memory_space<vmem>>, vector<1x16xf32>,
    %swap3A_1274 = vector.shape_cast %swap3A_1273 : vector<1x16xf32> to vector<16xf32>
    %swap3A_1275 = vector.shape_cast %broadcast_in_dim3A_1269 : vector<16xf32> to vector<1x16xf32>
    tpu.vector_store %arg12[%swap3A_1271, %swap3A_1272], %swap3A_1275 {strides = array<i32>} : memref<32x128xf32, #tpu.memory_space<vmem>>, vector<1x16xf32>,
    %broadcast_in_dim3A_1276 = arith.constant 0.000000e+00 : f32
    %broadcast_in_dim3A_1277 = vector.broadcast %broadcast_in_dim3A_1276 : f32 to vector<16xf32>
    %swap3A_1278 = arith.constant 19 : i32
    %swap3A_1279 = arith.index_cast %swap3A_1278 : i32 to index
    %swap3A_1280 = arith.constant 112 : index
    %swap3A_1281 = tpu.vector_load %arg12[%swap3A_1279, %swap3A_1280] {strides = array<i32>} : memref<32x128xf32, #tpu.memory_space<vmem>>, vector<1x16xf32>,
    %swap3A_1282 = vector.shape_cast %swap3A_1281 : vector<1x16xf32> to vector<16xf32>
    %swap3A_1283 = vector.shape_cast %broadcast_in_dim3A_1277 : vector<16xf32> to vector<1x16xf32>
    tpu.vector_store %arg12[%swap3A_1279, %swap3A_1280], %swap3A_1283 {strides = array<i32>} : memref<32x128xf32, #tpu.memory_space<vmem>>, vector<1x16xf32>,
    %broadcast_in_dim3A_1284 = arith.constant 0.000000e+00 : f32
    %broadcast_in_dim3A_1285 = vector.broadcast %broadcast_in_dim3A_1284 : f32 to vector<16xf32>
    %swap3A_1286 = arith.constant 20 : i32
    %swap3A_1287 = arith.index_cast %swap3A_1286 : i32 to index
    %swap3A_1288 = arith.constant 0 : index
    %swap3A_1289 = tpu.vector_load %arg12[%swap3A_1287, %swap3A_1288] {strides = array<i32>} : memref<32x128xf32, #tpu.memory_space<vmem>>, vector<1x16xf32>,
    %swap3A_1290 = vector.shape_cast %swap3A_1289 : vector<1x16xf32> to vector<16xf32>
    %swap3A_1291 = vector.shape_cast %broadcast_in_dim3A_1285 : vector<16xf32> to vector<1x16xf32>
    tpu.vector_store %arg12[%swap3A_1287, %swap3A_1288], %swap3A_1291 {strides = array<i32>} : memref<32x128xf32, #tpu.memory_space<vmem>>, vector<1x16xf32>,
    %broadcast_in_dim3A_1292 = arith.constant 0.000000e+00 : f32
    %broadcast_in_dim3A_1293 = vector.broadcast %broadcast_in_dim3A_1292 : f32 to vector<16xf32>
    %swap3A_1294 = arith.constant 20 : i32
    %swap3A_1295 = arith.index_cast %swap3A_1294 : i32 to index
    %swap3A_1296 = arith.constant 16 : index
    %swap3A_1297 = tpu.vector_load %arg12[%swap3A_1295, %swap3A_1296] {strides = array<i32>} : memref<32x128xf32, #tpu.memory_space<vmem>>, vector<1x16xf32>,
    %swap3A_1298 = vector.shape_cast %swap3A_1297 : vector<1x16xf32> to vector<16xf32>
    %swap3A_1299 = vector.shape_cast %broadcast_in_dim3A_1293 : vector<16xf32> to vector<1x16xf32>
    tpu.vector_store %arg12[%swap3A_1295, %swap3A_1296], %swap3A_1299 {strides = array<i32>} : memref<32x128xf32, #tpu.memory_space<vmem>>, vector<1x16xf32>,
    %broadcast_in_dim3A_1300 = arith.constant 0.000000e+00 : f32
    %broadcast_in_dim3A_1301 = vector.broadcast %broadcast_in_dim3A_1300 : f32 to vector<16xf32>
    %swap3A_1302 = arith.constant 20 : i32
    %swap3A_1303 = arith.index_cast %swap3A_1302 : i32 to index
    %swap3A_1304 = arith.constant 32 : index
    %swap3A_1305 = tpu.vector_load %arg12[%swap3A_1303, %swap3A_1304] {strides = array<i32>} : memref<32x128xf32, #tpu.memory_space<vmem>>, vector<1x16xf32>,
    %swap3A_1306 = vector.shape_cast %swap3A_1305 : vector<1x16xf32> to vector<16xf32>
    %swap3A_1307 = vector.shape_cast %broadcast_in_dim3A_1301 : vector<16xf32> to vector<1x16xf32>
    tpu.vector_store %arg12[%swap3A_1303, %swap3A_1304], %swap3A_1307 {strides = array<i32>} : memref<32x128xf32, #tpu.memory_space<vmem>>, vector<1x16xf32>,
    %broadcast_in_dim3A_1308 = arith.constant 0.000000e+00 : f32
    %broadcast_in_dim3A_1309 = vector.broadcast %broadcast_in_dim3A_1308 : f32 to vector<16xf32>
    %swap3A_1310 = arith.constant 20 : i32
    %swap3A_1311 = arith.index_cast %swap3A_1310 : i32 to index
    %swap3A_1312 = arith.constant 48 : index
    %swap3A_1313 = tpu.vector_load %arg12[%swap3A_1311, %swap3A_1312] {strides = array<i32>} : memref<32x128xf32, #tpu.memory_space<vmem>>, vector<1x16xf32>,
    %swap3A_1314 = vector.shape_cast %swap3A_1313 : vector<1x16xf32> to vector<16xf32>
    %swap3A_1315 = vector.shape_cast %broadcast_in_dim3A_1309 : vector<16xf32> to vector<1x16xf32>
    tpu.vector_store %arg12[%swap3A_1311, %swap3A_1312], %swap3A_1315 {strides = array<i32>} : memref<32x128xf32, #tpu.memory_space<vmem>>, vector<1x16xf32>,
    %broadcast_in_dim3A_1316 = arith.constant 0.000000e+00 : f32
    %broadcast_in_dim3A_1317 = vector.broadcast %broadcast_in_dim3A_1316 : f32 to vector<16xf32>
    %swap3A_1318 = arith.constant 20 : i32
    %swap3A_1319 = arith.index_cast %swap3A_1318 : i32 to index
    %swap3A_1320 = arith.constant 64 : index
    %swap3A_1321 = tpu.vector_load %arg12[%swap3A_1319, %swap3A_1320] {strides = array<i32>} : memref<32x128xf32, #tpu.memory_space<vmem>>, vector<1x16xf32>,
    %swap3A_1322 = vector.shape_cast %swap3A_1321 : vector<1x16xf32> to vector<16xf32>
    %swap3A_1323 = vector.shape_cast %broadcast_in_dim3A_1317 : vector<16xf32> to vector<1x16xf32>
    tpu.vector_store %arg12[%swap3A_1319, %swap3A_1320], %swap3A_1323 {strides = array<i32>} : memref<32x128xf32, #tpu.memory_space<vmem>>, vector<1x16xf32>,
    %broadcast_in_dim3A_1324 = arith.constant 0.000000e+00 : f32
    %broadcast_in_dim3A_1325 = vector.broadcast %broadcast_in_dim3A_1324 : f32 to vector<16xf32>
    %swap3A_1326 = arith.constant 20 : i32
    %swap3A_1327 = arith.index_cast %swap3A_1326 : i32 to index
    %swap3A_1328 = arith.constant 80 : index
    %swap3A_1329 = tpu.vector_load %arg12[%swap3A_1327, %swap3A_1328] {strides = array<i32>} : memref<32x128xf32, #tpu.memory_space<vmem>>, vector<1x16xf32>,
    %swap3A_1330 = vector.shape_cast %swap3A_1329 : vector<1x16xf32> to vector<16xf32>
    %swap3A_1331 = vector.shape_cast %broadcast_in_dim3A_1325 : vector<16xf32> to vector<1x16xf32>
    tpu.vector_store %arg12[%swap3A_1327, %swap3A_1328], %swap3A_1331 {strides = array<i32>} : memref<32x128xf32, #tpu.memory_space<vmem>>, vector<1x16xf32>,
    %broadcast_in_dim3A_1332 = arith.constant 0.000000e+00 : f32
    %broadcast_in_dim3A_1333 = vector.broadcast %broadcast_in_dim3A_1332 : f32 to vector<16xf32>
    %swap3A_1334 = arith.constant 20 : i32
    %swap3A_1335 = arith.index_cast %swap3A_1334 : i32 to index
    %swap3A_1336 = arith.constant 96 : index
    %swap3A_1337 = tpu.vector_load %arg12[%swap3A_1335, %swap3A_1336] {strides = array<i32>} : memref<32x128xf32, #tpu.memory_space<vmem>>, vector<1x16xf32>,
    %swap3A_1338 = vector.shape_cast %swap3A_1337 : vector<1x16xf32> to vector<16xf32>
    %swap3A_1339 = vector.shape_cast %broadcast_in_dim3A_1333 : vector<16xf32> to vector<1x16xf32>
    tpu.vector_store %arg12[%swap3A_1335, %swap3A_1336], %swap3A_1339 {strides = array<i32>} : memref<32x128xf32, #tpu.memory_space<vmem>>, vector<1x16xf32>,
    %broadcast_in_dim3A_1340 = arith.constant 0.000000e+00 : f32
    %broadcast_in_dim3A_1341 = vector.broadcast %broadcast_in_dim3A_1340 : f32 to vector<16xf32>
    %swap3A_1342 = arith.constant 20 : i32
    %swap3A_1343 = arith.index_cast %swap3A_1342 : i32 to index
    %swap3A_1344 = arith.constant 112 : index
    %swap3A_1345 = tpu.vector_load %arg12[%swap3A_1343, %swap3A_1344] {strides = array<i32>} : memref<32x128xf32, #tpu.memory_space<vmem>>, vector<1x16xf32>,
    %swap3A_1346 = vector.shape_cast %swap3A_1345 : vector<1x16xf32> to vector<16xf32>
    %swap3A_1347 = vector.shape_cast %broadcast_in_dim3A_1341 : vector<16xf32> to vector<1x16xf32>
    tpu.vector_store %arg12[%swap3A_1343, %swap3A_1344], %swap3A_1347 {strides = array<i32>} : memref<32x128xf32, #tpu.memory_space<vmem>>, vector<1x16xf32>,
    %broadcast_in_dim3A_1348 = arith.constant 0.000000e+00 : f32
    %broadcast_in_dim3A_1349 = vector.broadcast %broadcast_in_dim3A_1348 : f32 to vector<16xf32>
    %swap3A_1350 = arith.constant 21 : i32
    %swap3A_1351 = arith.index_cast %swap3A_1350 : i32 to index
    %swap3A_1352 = arith.constant 0 : index
    %swap3A_1353 = tpu.vector_load %arg12[%swap3A_1351, %swap3A_1352] {strides = array<i32>} : memref<32x128xf32, #tpu.memory_space<vmem>>, vector<1x16xf32>,
    %swap3A_1354 = vector.shape_cast %swap3A_1353 : vector<1x16xf32> to vector<16xf32>
    %swap3A_1355 = vector.shape_cast %broadcast_in_dim3A_1349 : vector<16xf32> to vector<1x16xf32>
    tpu.vector_store %arg12[%swap3A_1351, %swap3A_1352], %swap3A_1355 {strides = array<i32>} : memref<32x128xf32, #tpu.memory_space<vmem>>, vector<1x16xf32>,
    %broadcast_in_dim3A_1356 = arith.constant 0.000000e+00 : f32
    %broadcast_in_dim3A_1357 = vector.broadcast %broadcast_in_dim3A_1356 : f32 to vector<16xf32>
    %swap3A_1358 = arith.constant 21 : i32
    %swap3A_1359 = arith.index_cast %swap3A_1358 : i32 to index
    %swap3A_1360 = arith.constant 16 : index
    %swap3A_1361 = tpu.vector_load %arg12[%swap3A_1359, %swap3A_1360] {strides = array<i32>} : memref<32x128xf32, #tpu.memory_space<vmem>>, vector<1x16xf32>,
    %swap3A_1362 = vector.shape_cast %swap3A_1361 : vector<1x16xf32> to vector<16xf32>
    %swap3A_1363 = vector.shape_cast %broadcast_in_dim3A_1357 : vector<16xf32> to vector<1x16xf32>
    tpu.vector_store %arg12[%swap3A_1359, %swap3A_1360], %swap3A_1363 {strides = array<i32>} : memref<32x128xf32, #tpu.memory_space<vmem>>, vector<1x16xf32>,
    %broadcast_in_dim3A_1364 = arith.constant 0.000000e+00 : f32
    %broadcast_in_dim3A_1365 = vector.broadcast %broadcast_in_dim3A_1364 : f32 to vector<16xf32>
    %swap3A_1366 = arith.constant 21 : i32
    %swap3A_1367 = arith.index_cast %swap3A_1366 : i32 to index
    %swap3A_1368 = arith.constant 32 : index
    %swap3A_1369 = tpu.vector_load %arg12[%swap3A_1367, %swap3A_1368] {strides = array<i32>} : memref<32x128xf32, #tpu.memory_space<vmem>>, vector<1x16xf32>,
    %swap3A_1370 = vector.shape_cast %swap3A_1369 : vector<1x16xf32> to vector<16xf32>
    %swap3A_1371 = vector.shape_cast %broadcast_in_dim3A_1365 : vector<16xf32> to vector<1x16xf32>
    tpu.vector_store %arg12[%swap3A_1367, %swap3A_1368], %swap3A_1371 {strides = array<i32>} : memref<32x128xf32, #tpu.memory_space<vmem>>, vector<1x16xf32>,
    %broadcast_in_dim3A_1372 = arith.constant 0.000000e+00 : f32
    %broadcast_in_dim3A_1373 = vector.broadcast %broadcast_in_dim3A_1372 : f32 to vector<16xf32>
    %swap3A_1374 = arith.constant 21 : i32
    %swap3A_1375 = arith.index_cast %swap3A_1374 : i32 to index
    %swap3A_1376 = arith.constant 48 : index
    %swap3A_1377 = tpu.vector_load %arg12[%swap3A_1375, %swap3A_1376] {strides = array<i32>} : memref<32x128xf32, #tpu.memory_space<vmem>>, vector<1x16xf32>,
    %swap3A_1378 = vector.shape_cast %swap3A_1377 : vector<1x16xf32> to vector<16xf32>
    %swap3A_1379 = vector.shape_cast %broadcast_in_dim3A_1373 : vector<16xf32> to vector<1x16xf32>
    tpu.vector_store %arg12[%swap3A_1375, %swap3A_1376], %swap3A_1379 {strides = array<i32>} : memref<32x128xf32, #tpu.memory_space<vmem>>, vector<1x16xf32>,
    %broadcast_in_dim3A_1380 = arith.constant 0.000000e+00 : f32
    %broadcast_in_dim3A_1381 = vector.broadcast %broadcast_in_dim3A_1380 : f32 to vector<16xf32>
    %swap3A_1382 = arith.constant 21 : i32
    %swap3A_1383 = arith.index_cast %swap3A_1382 : i32 to index
    %swap3A_1384 = arith.constant 64 : index
    %swap3A_1385 = tpu.vector_load %arg12[%swap3A_1383, %swap3A_1384] {strides = array<i32>} : memref<32x128xf32, #tpu.memory_space<vmem>>, vector<1x16xf32>,
    %swap3A_1386 = vector.shape_cast %swap3A_1385 : vector<1x16xf32> to vector<16xf32>
    %swap3A_1387 = vector.shape_cast %broadcast_in_dim3A_1381 : vector<16xf32> to vector<1x16xf32>
    tpu.vector_store %arg12[%swap3A_1383, %swap3A_1384], %swap3A_1387 {strides = array<i32>} : memref<32x128xf32, #tpu.memory_space<vmem>>, vector<1x16xf32>,
    %broadcast_in_dim3A_1388 = arith.constant 0.000000e+00 : f32
    %broadcast_in_dim3A_1389 = vector.broadcast %broadcast_in_dim3A_1388 : f32 to vector<16xf32>
    %swap3A_1390 = arith.constant 21 : i32
    %swap3A_1391 = arith.index_cast %swap3A_1390 : i32 to index
    %swap3A_1392 = arith.constant 80 : index
    %swap3A_1393 = tpu.vector_load %arg12[%swap3A_1391, %swap3A_1392] {strides = array<i32>} : memref<32x128xf32, #tpu.memory_space<vmem>>, vector<1x16xf32>,
    %swap3A_1394 = vector.shape_cast %swap3A_1393 : vector<1x16xf32> to vector<16xf32>
    %swap3A_1395 = vector.shape_cast %broadcast_in_dim3A_1389 : vector<16xf32> to vector<1x16xf32>
    tpu.vector_store %arg12[%swap3A_1391, %swap3A_1392], %swap3A_1395 {strides = array<i32>} : memref<32x128xf32, #tpu.memory_space<vmem>>, vector<1x16xf32>,
    %broadcast_in_dim3A_1396 = arith.constant 0.000000e+00 : f32
    %broadcast_in_dim3A_1397 = vector.broadcast %broadcast_in_dim3A_1396 : f32 to vector<16xf32>
    %swap3A_1398 = arith.constant 21 : i32
    %swap3A_1399 = arith.index_cast %swap3A_1398 : i32 to index
    %swap3A_1400 = arith.constant 96 : index
    %swap3A_1401 = tpu.vector_load %arg12[%swap3A_1399, %swap3A_1400] {strides = array<i32>} : memref<32x128xf32, #tpu.memory_space<vmem>>, vector<1x16xf32>,
    %swap3A_1402 = vector.shape_cast %swap3A_1401 : vector<1x16xf32> to vector<16xf32>
    %swap3A_1403 = vector.shape_cast %broadcast_in_dim3A_1397 : vector<16xf32> to vector<1x16xf32>
    tpu.vector_store %arg12[%swap3A_1399, %swap3A_1400], %swap3A_1403 {strides = array<i32>} : memref<32x128xf32, #tpu.memory_space<vmem>>, vector<1x16xf32>,
    %broadcast_in_dim3A_1404 = arith.constant 0.000000e+00 : f32
    %broadcast_in_dim3A_1405 = vector.broadcast %broadcast_in_dim3A_1404 : f32 to vector<16xf32>
    %swap3A_1406 = arith.constant 21 : i32
    %swap3A_1407 = arith.index_cast %swap3A_1406 : i32 to index
    %swap3A_1408 = arith.constant 112 : index
    %swap3A_1409 = tpu.vector_load %arg12[%swap3A_1407, %swap3A_1408] {strides = array<i32>} : memref<32x128xf32, #tpu.memory_space<vmem>>, vector<1x16xf32>,
    %swap3A_1410 = vector.shape_cast %swap3A_1409 : vector<1x16xf32> to vector<16xf32>
    %swap3A_1411 = vector.shape_cast %broadcast_in_dim3A_1405 : vector<16xf32> to vector<1x16xf32>
    tpu.vector_store %arg12[%swap3A_1407, %swap3A_1408], %swap3A_1411 {strides = array<i32>} : memref<32x128xf32, #tpu.memory_space<vmem>>, vector<1x16xf32>,
    %broadcast_in_dim3A_1412 = arith.constant 0.000000e+00 : f32
    %broadcast_in_dim3A_1413 = vector.broadcast %broadcast_in_dim3A_1412 : f32 to vector<16xf32>
    %swap3A_1414 = arith.constant 22 : i32
    %swap3A_1415 = arith.index_cast %swap3A_1414 : i32 to index
    %swap3A_1416 = arith.constant 0 : index
    %swap3A_1417 = tpu.vector_load %arg12[%swap3A_1415, %swap3A_1416] {strides = array<i32>} : memref<32x128xf32, #tpu.memory_space<vmem>>, vector<1x16xf32>,
    %swap3A_1418 = vector.shape_cast %swap3A_1417 : vector<1x16xf32> to vector<16xf32>
    %swap3A_1419 = vector.shape_cast %broadcast_in_dim3A_1413 : vector<16xf32> to vector<1x16xf32>
    tpu.vector_store %arg12[%swap3A_1415, %swap3A_1416], %swap3A_1419 {strides = array<i32>} : memref<32x128xf32, #tpu.memory_space<vmem>>, vector<1x16xf32>,
    %broadcast_in_dim3A_1420 = arith.constant 0.000000e+00 : f32
    %broadcast_in_dim3A_1421 = vector.broadcast %broadcast_in_dim3A_1420 : f32 to vector<16xf32>
    %swap3A_1422 = arith.constant 22 : i32
    %swap3A_1423 = arith.index_cast %swap3A_1422 : i32 to index
    %swap3A_1424 = arith.constant 16 : index
    %swap3A_1425 = tpu.vector_load %arg12[%swap3A_1423, %swap3A_1424] {strides = array<i32>} : memref<32x128xf32, #tpu.memory_space<vmem>>, vector<1x16xf32>,
    %swap3A_1426 = vector.shape_cast %swap3A_1425 : vector<1x16xf32> to vector<16xf32>
    %swap3A_1427 = vector.shape_cast %broadcast_in_dim3A_1421 : vector<16xf32> to vector<1x16xf32>
    tpu.vector_store %arg12[%swap3A_1423, %swap3A_1424], %swap3A_1427 {strides = array<i32>} : memref<32x128xf32, #tpu.memory_space<vmem>>, vector<1x16xf32>,
    %broadcast_in_dim3A_1428 = arith.constant 0.000000e+00 : f32
    %broadcast_in_dim3A_1429 = vector.broadcast %broadcast_in_dim3A_1428 : f32 to vector<16xf32>
    %swap3A_1430 = arith.constant 22 : i32
    %swap3A_1431 = arith.index_cast %swap3A_1430 : i32 to index
    %swap3A_1432 = arith.constant 32 : index
    %swap3A_1433 = tpu.vector_load %arg12[%swap3A_1431, %swap3A_1432] {strides = array<i32>} : memref<32x128xf32, #tpu.memory_space<vmem>>, vector<1x16xf32>,
    %swap3A_1434 = vector.shape_cast %swap3A_1433 : vector<1x16xf32> to vector<16xf32>
    %swap3A_1435 = vector.shape_cast %broadcast_in_dim3A_1429 : vector<16xf32> to vector<1x16xf32>
    tpu.vector_store %arg12[%swap3A_1431, %swap3A_1432], %swap3A_1435 {strides = array<i32>} : memref<32x128xf32, #tpu.memory_space<vmem>>, vector<1x16xf32>,
    %broadcast_in_dim3A_1436 = arith.constant 0.000000e+00 : f32
    %broadcast_in_dim3A_1437 = vector.broadcast %broadcast_in_dim3A_1436 : f32 to vector<16xf32>
    %swap3A_1438 = arith.constant 22 : i32
    %swap3A_1439 = arith.index_cast %swap3A_1438 : i32 to index
    %swap3A_1440 = arith.constant 48 : index
    %swap3A_1441 = tpu.vector_load %arg12[%swap3A_1439, %swap3A_1440] {strides = array<i32>} : memref<32x128xf32, #tpu.memory_space<vmem>>, vector<1x16xf32>,
    %swap3A_1442 = vector.shape_cast %swap3A_1441 : vector<1x16xf32> to vector<16xf32>
    %swap3A_1443 = vector.shape_cast %broadcast_in_dim3A_1437 : vector<16xf32> to vector<1x16xf32>
    tpu.vector_store %arg12[%swap3A_1439, %swap3A_1440], %swap3A_1443 {strides = array<i32>} : memref<32x128xf32, #tpu.memory_space<vmem>>, vector<1x16xf32>,
    %broadcast_in_dim3A_1444 = arith.constant 0.000000e+00 : f32
    %broadcast_in_dim3A_1445 = vector.broadcast %broadcast_in_dim3A_1444 : f32 to vector<16xf32>
    %swap3A_1446 = arith.constant 22 : i32
    %swap3A_1447 = arith.index_cast %swap3A_1446 : i32 to index
    %swap3A_1448 = arith.constant 64 : index
    %swap3A_1449 = tpu.vector_load %arg12[%swap3A_1447, %swap3A_1448] {strides = array<i32>} : memref<32x128xf32, #tpu.memory_space<vmem>>, vector<1x16xf32>,
    %swap3A_1450 = vector.shape_cast %swap3A_1449 : vector<1x16xf32> to vector<16xf32>
    %swap3A_1451 = vector.shape_cast %broadcast_in_dim3A_1445 : vector<16xf32> to vector<1x16xf32>
    tpu.vector_store %arg12[%swap3A_1447, %swap3A_1448], %swap3A_1451 {strides = array<i32>} : memref<32x128xf32, #tpu.memory_space<vmem>>, vector<1x16xf32>,
    %broadcast_in_dim3A_1452 = arith.constant 0.000000e+00 : f32
    %broadcast_in_dim3A_1453 = vector.broadcast %broadcast_in_dim3A_1452 : f32 to vector<16xf32>
    %swap3A_1454 = arith.constant 22 : i32
    %swap3A_1455 = arith.index_cast %swap3A_1454 : i32 to index
    %swap3A_1456 = arith.constant 80 : index
    %swap3A_1457 = tpu.vector_load %arg12[%swap3A_1455, %swap3A_1456] {strides = array<i32>} : memref<32x128xf32, #tpu.memory_space<vmem>>, vector<1x16xf32>,
    %swap3A_1458 = vector.shape_cast %swap3A_1457 : vector<1x16xf32> to vector<16xf32>
    %swap3A_1459 = vector.shape_cast %broadcast_in_dim3A_1453 : vector<16xf32> to vector<1x16xf32>
    tpu.vector_store %arg12[%swap3A_1455, %swap3A_1456], %swap3A_1459 {strides = array<i32>} : memref<32x128xf32, #tpu.memory_space<vmem>>, vector<1x16xf32>,
    %broadcast_in_dim3A_1460 = arith.constant 0.000000e+00 : f32
    %broadcast_in_dim3A_1461 = vector.broadcast %broadcast_in_dim3A_1460 : f32 to vector<16xf32>
    %swap3A_1462 = arith.constant 22 : i32
    %swap3A_1463 = arith.index_cast %swap3A_1462 : i32 to index
    %swap3A_1464 = arith.constant 96 : index
    %swap3A_1465 = tpu.vector_load %arg12[%swap3A_1463, %swap3A_1464] {strides = array<i32>} : memref<32x128xf32, #tpu.memory_space<vmem>>, vector<1x16xf32>,
    %swap3A_1466 = vector.shape_cast %swap3A_1465 : vector<1x16xf32> to vector<16xf32>
    %swap3A_1467 = vector.shape_cast %broadcast_in_dim3A_1461 : vector<16xf32> to vector<1x16xf32>
    tpu.vector_store %arg12[%swap3A_1463, %swap3A_1464], %swap3A_1467 {strides = array<i32>} : memref<32x128xf32, #tpu.memory_space<vmem>>, vector<1x16xf32>,
    %broadcast_in_dim3A_1468 = arith.constant 0.000000e+00 : f32
    %broadcast_in_dim3A_1469 = vector.broadcast %broadcast_in_dim3A_1468 : f32 to vector<16xf32>
    %swap3A_1470 = arith.constant 22 : i32
    %swap3A_1471 = arith.index_cast %swap3A_1470 : i32 to index
    %swap3A_1472 = arith.constant 112 : index
    %swap3A_1473 = tpu.vector_load %arg12[%swap3A_1471, %swap3A_1472] {strides = array<i32>} : memref<32x128xf32, #tpu.memory_space<vmem>>, vector<1x16xf32>,
    %swap3A_1474 = vector.shape_cast %swap3A_1473 : vector<1x16xf32> to vector<16xf32>
    %swap3A_1475 = vector.shape_cast %broadcast_in_dim3A_1469 : vector<16xf32> to vector<1x16xf32>
    tpu.vector_store %arg12[%swap3A_1471, %swap3A_1472], %swap3A_1475 {strides = array<i32>} : memref<32x128xf32, #tpu.memory_space<vmem>>, vector<1x16xf32>,
    %broadcast_in_dim3A_1476 = arith.constant 0.000000e+00 : f32
    %broadcast_in_dim3A_1477 = vector.broadcast %broadcast_in_dim3A_1476 : f32 to vector<16xf32>
    %swap3A_1478 = arith.constant 23 : i32
    %swap3A_1479 = arith.index_cast %swap3A_1478 : i32 to index
    %swap3A_1480 = arith.constant 0 : index
    %swap3A_1481 = tpu.vector_load %arg12[%swap3A_1479, %swap3A_1480] {strides = array<i32>} : memref<32x128xf32, #tpu.memory_space<vmem>>, vector<1x16xf32>,
    %swap3A_1482 = vector.shape_cast %swap3A_1481 : vector<1x16xf32> to vector<16xf32>
    %swap3A_1483 = vector.shape_cast %broadcast_in_dim3A_1477 : vector<16xf32> to vector<1x16xf32>
    tpu.vector_store %arg12[%swap3A_1479, %swap3A_1480], %swap3A_1483 {strides = array<i32>} : memref<32x128xf32, #tpu.memory_space<vmem>>, vector<1x16xf32>,
    %broadcast_in_dim3A_1484 = arith.constant 0.000000e+00 : f32
    %broadcast_in_dim3A_1485 = vector.broadcast %broadcast_in_dim3A_1484 : f32 to vector<16xf32>
    %swap3A_1486 = arith.constant 23 : i32
    %swap3A_1487 = arith.index_cast %swap3A_1486 : i32 to index
    %swap3A_1488 = arith.constant 16 : index
    %swap3A_1489 = tpu.vector_load %arg12[%swap3A_1487, %swap3A_1488] {strides = array<i32>} : memref<32x128xf32, #tpu.memory_space<vmem>>, vector<1x16xf32>,
    %swap3A_1490 = vector.shape_cast %swap3A_1489 : vector<1x16xf32> to vector<16xf32>
    %swap3A_1491 = vector.shape_cast %broadcast_in_dim3A_1485 : vector<16xf32> to vector<1x16xf32>
    tpu.vector_store %arg12[%swap3A_1487, %swap3A_1488], %swap3A_1491 {strides = array<i32>} : memref<32x128xf32, #tpu.memory_space<vmem>>, vector<1x16xf32>,
    %broadcast_in_dim3A_1492 = arith.constant 0.000000e+00 : f32
    %broadcast_in_dim3A_1493 = vector.broadcast %broadcast_in_dim3A_1492 : f32 to vector<16xf32>
    %swap3A_1494 = arith.constant 23 : i32
    %swap3A_1495 = arith.index_cast %swap3A_1494 : i32 to index
    %swap3A_1496 = arith.constant 32 : index
    %swap3A_1497 = tpu.vector_load %arg12[%swap3A_1495, %swap3A_1496] {strides = array<i32>} : memref<32x128xf32, #tpu.memory_space<vmem>>, vector<1x16xf32>,
    %swap3A_1498 = vector.shape_cast %swap3A_1497 : vector<1x16xf32> to vector<16xf32>
    %swap3A_1499 = vector.shape_cast %broadcast_in_dim3A_1493 : vector<16xf32> to vector<1x16xf32>
    tpu.vector_store %arg12[%swap3A_1495, %swap3A_1496], %swap3A_1499 {strides = array<i32>} : memref<32x128xf32, #tpu.memory_space<vmem>>, vector<1x16xf32>,
    %broadcast_in_dim3A_1500 = arith.constant 0.000000e+00 : f32
    %broadcast_in_dim3A_1501 = vector.broadcast %broadcast_in_dim3A_1500 : f32 to vector<16xf32>
    %swap3A_1502 = arith.constant 23 : i32
    %swap3A_1503 = arith.index_cast %swap3A_1502 : i32 to index
    %swap3A_1504 = arith.constant 48 : index
    %swap3A_1505 = tpu.vector_load %arg12[%swap3A_1503, %swap3A_1504] {strides = array<i32>} : memref<32x128xf32, #tpu.memory_space<vmem>>, vector<1x16xf32>,
    %swap3A_1506 = vector.shape_cast %swap3A_1505 : vector<1x16xf32> to vector<16xf32>
    %swap3A_1507 = vector.shape_cast %broadcast_in_dim3A_1501 : vector<16xf32> to vector<1x16xf32>
    tpu.vector_store %arg12[%swap3A_1503, %swap3A_1504], %swap3A_1507 {strides = array<i32>} : memref<32x128xf32, #tpu.memory_space<vmem>>, vector<1x16xf32>,
    %broadcast_in_dim3A_1508 = arith.constant 0.000000e+00 : f32
    %broadcast_in_dim3A_1509 = vector.broadcast %broadcast_in_dim3A_1508 : f32 to vector<16xf32>
    %swap3A_1510 = arith.constant 23 : i32
    %swap3A_1511 = arith.index_cast %swap3A_1510 : i32 to index
    %swap3A_1512 = arith.constant 64 : index
    %swap3A_1513 = tpu.vector_load %arg12[%swap3A_1511, %swap3A_1512] {strides = array<i32>} : memref<32x128xf32, #tpu.memory_space<vmem>>, vector<1x16xf32>,
    %swap3A_1514 = vector.shape_cast %swap3A_1513 : vector<1x16xf32> to vector<16xf32>
    %swap3A_1515 = vector.shape_cast %broadcast_in_dim3A_1509 : vector<16xf32> to vector<1x16xf32>
    tpu.vector_store %arg12[%swap3A_1511, %swap3A_1512], %swap3A_1515 {strides = array<i32>} : memref<32x128xf32, #tpu.memory_space<vmem>>, vector<1x16xf32>,
    %broadcast_in_dim3A_1516 = arith.constant 0.000000e+00 : f32
    %broadcast_in_dim3A_1517 = vector.broadcast %broadcast_in_dim3A_1516 : f32 to vector<16xf32>
    %swap3A_1518 = arith.constant 23 : i32
    %swap3A_1519 = arith.index_cast %swap3A_1518 : i32 to index
    %swap3A_1520 = arith.constant 80 : index
    %swap3A_1521 = tpu.vector_load %arg12[%swap3A_1519, %swap3A_1520] {strides = array<i32>} : memref<32x128xf32, #tpu.memory_space<vmem>>, vector<1x16xf32>,
    %swap3A_1522 = vector.shape_cast %swap3A_1521 : vector<1x16xf32> to vector<16xf32>
    %swap3A_1523 = vector.shape_cast %broadcast_in_dim3A_1517 : vector<16xf32> to vector<1x16xf32>
    tpu.vector_store %arg12[%swap3A_1519, %swap3A_1520], %swap3A_1523 {strides = array<i32>} : memref<32x128xf32, #tpu.memory_space<vmem>>, vector<1x16xf32>,
    %broadcast_in_dim3A_1524 = arith.constant 0.000000e+00 : f32
    %broadcast_in_dim3A_1525 = vector.broadcast %broadcast_in_dim3A_1524 : f32 to vector<16xf32>
    %swap3A_1526 = arith.constant 23 : i32
    %swap3A_1527 = arith.index_cast %swap3A_1526 : i32 to index
    %swap3A_1528 = arith.constant 96 : index
    %swap3A_1529 = tpu.vector_load %arg12[%swap3A_1527, %swap3A_1528] {strides = array<i32>} : memref<32x128xf32, #tpu.memory_space<vmem>>, vector<1x16xf32>,
    %swap3A_1530 = vector.shape_cast %swap3A_1529 : vector<1x16xf32> to vector<16xf32>
    %swap3A_1531 = vector.shape_cast %broadcast_in_dim3A_1525 : vector<16xf32> to vector<1x16xf32>
    tpu.vector_store %arg12[%swap3A_1527, %swap3A_1528], %swap3A_1531 {strides = array<i32>} : memref<32x128xf32, #tpu.memory_space<vmem>>, vector<1x16xf32>,
    %broadcast_in_dim3A_1532 = arith.constant 0.000000e+00 : f32
    %broadcast_in_dim3A_1533 = vector.broadcast %broadcast_in_dim3A_1532 : f32 to vector<16xf32>
    %swap3A_1534 = arith.constant 23 : i32
    %swap3A_1535 = arith.index_cast %swap3A_1534 : i32 to index
    %swap3A_1536 = arith.constant 112 : index
    %swap3A_1537 = tpu.vector_load %arg12[%swap3A_1535, %swap3A_1536] {strides = array<i32>} : memref<32x128xf32, #tpu.memory_space<vmem>>, vector<1x16xf32>,
    %swap3A_1538 = vector.shape_cast %swap3A_1537 : vector<1x16xf32> to vector<16xf32>
    %swap3A_1539 = vector.shape_cast %broadcast_in_dim3A_1533 : vector<16xf32> to vector<1x16xf32>
    tpu.vector_store %arg12[%swap3A_1535, %swap3A_1536], %swap3A_1539 {strides = array<i32>} : memref<32x128xf32, #tpu.memory_space<vmem>>, vector<1x16xf32>,
    %broadcast_in_dim3A_1540 = arith.constant 0.000000e+00 : f32
    %broadcast_in_dim3A_1541 = vector.broadcast %broadcast_in_dim3A_1540 : f32 to vector<16xf32>
    %swap3A_1542 = arith.constant 24 : i32
    %swap3A_1543 = arith.index_cast %swap3A_1542 : i32 to index
    %swap3A_1544 = arith.constant 0 : index
    %swap3A_1545 = tpu.vector_load %arg12[%swap3A_1543, %swap3A_1544] {strides = array<i32>} : memref<32x128xf32, #tpu.memory_space<vmem>>, vector<1x16xf32>,
    %swap3A_1546 = vector.shape_cast %swap3A_1545 : vector<1x16xf32> to vector<16xf32>
    %swap3A_1547 = vector.shape_cast %broadcast_in_dim3A_1541 : vector<16xf32> to vector<1x16xf32>
    tpu.vector_store %arg12[%swap3A_1543, %swap3A_1544], %swap3A_1547 {strides = array<i32>} : memref<32x128xf32, #tpu.memory_space<vmem>>, vector<1x16xf32>,
    %broadcast_in_dim3A_1548 = arith.constant 0.000000e+00 : f32
    %broadcast_in_dim3A_1549 = vector.broadcast %broadcast_in_dim3A_1548 : f32 to vector<16xf32>
    %swap3A_1550 = arith.constant 24 : i32
    %swap3A_1551 = arith.index_cast %swap3A_1550 : i32 to index
    %swap3A_1552 = arith.constant 16 : index
    %swap3A_1553 = tpu.vector_load %arg12[%swap3A_1551, %swap3A_1552] {strides = array<i32>} : memref<32x128xf32, #tpu.memory_space<vmem>>, vector<1x16xf32>,
    %swap3A_1554 = vector.shape_cast %swap3A_1553 : vector<1x16xf32> to vector<16xf32>
    %swap3A_1555 = vector.shape_cast %broadcast_in_dim3A_1549 : vector<16xf32> to vector<1x16xf32>
    tpu.vector_store %arg12[%swap3A_1551, %swap3A_1552], %swap3A_1555 {strides = array<i32>} : memref<32x128xf32, #tpu.memory_space<vmem>>, vector<1x16xf32>,
    %broadcast_in_dim3A_1556 = arith.constant 0.000000e+00 : f32
    %broadcast_in_dim3A_1557 = vector.broadcast %broadcast_in_dim3A_1556 : f32 to vector<16xf32>
    %swap3A_1558 = arith.constant 24 : i32
    %swap3A_1559 = arith.index_cast %swap3A_1558 : i32 to index
    %swap3A_1560 = arith.constant 32 : index
    %swap3A_1561 = tpu.vector_load %arg12[%swap3A_1559, %swap3A_1560] {strides = array<i32>} : memref<32x128xf32, #tpu.memory_space<vmem>>, vector<1x16xf32>,
    %swap3A_1562 = vector.shape_cast %swap3A_1561 : vector<1x16xf32> to vector<16xf32>
    %swap3A_1563 = vector.shape_cast %broadcast_in_dim3A_1557 : vector<16xf32> to vector<1x16xf32>
    tpu.vector_store %arg12[%swap3A_1559, %swap3A_1560], %swap3A_1563 {strides = array<i32>} : memref<32x128xf32, #tpu.memory_space<vmem>>, vector<1x16xf32>,
    %broadcast_in_dim3A_1564 = arith.constant 0.000000e+00 : f32
    %broadcast_in_dim3A_1565 = vector.broadcast %broadcast_in_dim3A_1564 : f32 to vector<16xf32>
    %swap3A_1566 = arith.constant 24 : i32
    %swap3A_1567 = arith.index_cast %swap3A_1566 : i32 to index
    %swap3A_1568 = arith.constant 48 : index
    %swap3A_1569 = tpu.vector_load %arg12[%swap3A_1567, %swap3A_1568] {strides = array<i32>} : memref<32x128xf32, #tpu.memory_space<vmem>>, vector<1x16xf32>,
    %swap3A_1570 = vector.shape_cast %swap3A_1569 : vector<1x16xf32> to vector<16xf32>
    %swap3A_1571 = vector.shape_cast %broadcast_in_dim3A_1565 : vector<16xf32> to vector<1x16xf32>
    tpu.vector_store %arg12[%swap3A_1567, %swap3A_1568], %swap3A_1571 {strides = array<i32>} : memref<32x128xf32, #tpu.memory_space<vmem>>, vector<1x16xf32>,
    %broadcast_in_dim3A_1572 = arith.constant 0.000000e+00 : f32
    %broadcast_in_dim3A_1573 = vector.broadcast %broadcast_in_dim3A_1572 : f32 to vector<16xf32>
    %swap3A_1574 = arith.constant 24 : i32
    %swap3A_1575 = arith.index_cast %swap3A_1574 : i32 to index
    %swap3A_1576 = arith.constant 64 : index
    %swap3A_1577 = tpu.vector_load %arg12[%swap3A_1575, %swap3A_1576] {strides = array<i32>} : memref<32x128xf32, #tpu.memory_space<vmem>>, vector<1x16xf32>,
    %swap3A_1578 = vector.shape_cast %swap3A_1577 : vector<1x16xf32> to vector<16xf32>
    %swap3A_1579 = vector.shape_cast %broadcast_in_dim3A_1573 : vector<16xf32> to vector<1x16xf32>
    tpu.vector_store %arg12[%swap3A_1575, %swap3A_1576], %swap3A_1579 {strides = array<i32>} : memref<32x128xf32, #tpu.memory_space<vmem>>, vector<1x16xf32>,
    %broadcast_in_dim3A_1580 = arith.constant 0.000000e+00 : f32
    %broadcast_in_dim3A_1581 = vector.broadcast %broadcast_in_dim3A_1580 : f32 to vector<16xf32>
    %swap3A_1582 = arith.constant 24 : i32
    %swap3A_1583 = arith.index_cast %swap3A_1582 : i32 to index
    %swap3A_1584 = arith.constant 80 : index
    %swap3A_1585 = tpu.vector_load %arg12[%swap3A_1583, %swap3A_1584] {strides = array<i32>} : memref<32x128xf32, #tpu.memory_space<vmem>>, vector<1x16xf32>,
    %swap3A_1586 = vector.shape_cast %swap3A_1585 : vector<1x16xf32> to vector<16xf32>
    %swap3A_1587 = vector.shape_cast %broadcast_in_dim3A_1581 : vector<16xf32> to vector<1x16xf32>
    tpu.vector_store %arg12[%swap3A_1583, %swap3A_1584], %swap3A_1587 {strides = array<i32>} : memref<32x128xf32, #tpu.memory_space<vmem>>, vector<1x16xf32>,
    %broadcast_in_dim3A_1588 = arith.constant 0.000000e+00 : f32
    %broadcast_in_dim3A_1589 = vector.broadcast %broadcast_in_dim3A_1588 : f32 to vector<16xf32>
    %swap3A_1590 = arith.constant 24 : i32
    %swap3A_1591 = arith.index_cast %swap3A_1590 : i32 to index
    %swap3A_1592 = arith.constant 96 : index
    %swap3A_1593 = tpu.vector_load %arg12[%swap3A_1591, %swap3A_1592] {strides = array<i32>} : memref<32x128xf32, #tpu.memory_space<vmem>>, vector<1x16xf32>,
    %swap3A_1594 = vector.shape_cast %swap3A_1593 : vector<1x16xf32> to vector<16xf32>
    %swap3A_1595 = vector.shape_cast %broadcast_in_dim3A_1589 : vector<16xf32> to vector<1x16xf32>
    tpu.vector_store %arg12[%swap3A_1591, %swap3A_1592], %swap3A_1595 {strides = array<i32>} : memref<32x128xf32, #tpu.memory_space<vmem>>, vector<1x16xf32>,
    %broadcast_in_dim3A_1596 = arith.constant 0.000000e+00 : f32
    %broadcast_in_dim3A_1597 = vector.broadcast %broadcast_in_dim3A_1596 : f32 to vector<16xf32>
    %swap3A_1598 = arith.constant 24 : i32
    %swap3A_1599 = arith.index_cast %swap3A_1598 : i32 to index
    %swap3A_1600 = arith.constant 112 : index
    %swap3A_1601 = tpu.vector_load %arg12[%swap3A_1599, %swap3A_1600] {strides = array<i32>} : memref<32x128xf32, #tpu.memory_space<vmem>>, vector<1x16xf32>,
    %swap3A_1602 = vector.shape_cast %swap3A_1601 : vector<1x16xf32> to vector<16xf32>
    %swap3A_1603 = vector.shape_cast %broadcast_in_dim3A_1597 : vector<16xf32> to vector<1x16xf32>
    tpu.vector_store %arg12[%swap3A_1599, %swap3A_1600], %swap3A_1603 {strides = array<i32>} : memref<32x128xf32, #tpu.memory_space<vmem>>, vector<1x16xf32>,
    %broadcast_in_dim3A_1604 = arith.constant 0.000000e+00 : f32
    %broadcast_in_dim3A_1605 = vector.broadcast %broadcast_in_dim3A_1604 : f32 to vector<16xf32>
    %swap3A_1606 = arith.constant 25 : i32
    %swap3A_1607 = arith.index_cast %swap3A_1606 : i32 to index
    %swap3A_1608 = arith.constant 0 : index
    %swap3A_1609 = tpu.vector_load %arg12[%swap3A_1607, %swap3A_1608] {strides = array<i32>} : memref<32x128xf32, #tpu.memory_space<vmem>>, vector<1x16xf32>,
    %swap3A_1610 = vector.shape_cast %swap3A_1609 : vector<1x16xf32> to vector<16xf32>
    %swap3A_1611 = vector.shape_cast %broadcast_in_dim3A_1605 : vector<16xf32> to vector<1x16xf32>
    tpu.vector_store %arg12[%swap3A_1607, %swap3A_1608], %swap3A_1611 {strides = array<i32>} : memref<32x128xf32, #tpu.memory_space<vmem>>, vector<1x16xf32>,
    %broadcast_in_dim3A_1612 = arith.constant 0.000000e+00 : f32
    %broadcast_in_dim3A_1613 = vector.broadcast %broadcast_in_dim3A_1612 : f32 to vector<16xf32>
    %swap3A_1614 = arith.constant 25 : i32
    %swap3A_1615 = arith.index_cast %swap3A_1614 : i32 to index
    %swap3A_1616 = arith.constant 16 : index
    %swap3A_1617 = tpu.vector_load %arg12[%swap3A_1615, %swap3A_1616] {strides = array<i32>} : memref<32x128xf32, #tpu.memory_space<vmem>>, vector<1x16xf32>,
    %swap3A_1618 = vector.shape_cast %swap3A_1617 : vector<1x16xf32> to vector<16xf32>
    %swap3A_1619 = vector.shape_cast %broadcast_in_dim3A_1613 : vector<16xf32> to vector<1x16xf32>
    tpu.vector_store %arg12[%swap3A_1615, %swap3A_1616], %swap3A_1619 {strides = array<i32>} : memref<32x128xf32, #tpu.memory_space<vmem>>, vector<1x16xf32>,
    %broadcast_in_dim3A_1620 = arith.constant 0.000000e+00 : f32
    %broadcast_in_dim3A_1621 = vector.broadcast %broadcast_in_dim3A_1620 : f32 to vector<16xf32>
    %swap3A_1622 = arith.constant 25 : i32
    %swap3A_1623 = arith.index_cast %swap3A_1622 : i32 to index
    %swap3A_1624 = arith.constant 32 : index
    %swap3A_1625 = tpu.vector_load %arg12[%swap3A_1623, %swap3A_1624] {strides = array<i32>} : memref<32x128xf32, #tpu.memory_space<vmem>>, vector<1x16xf32>,
    %swap3A_1626 = vector.shape_cast %swap3A_1625 : vector<1x16xf32> to vector<16xf32>
    %swap3A_1627 = vector.shape_cast %broadcast_in_dim3A_1621 : vector<16xf32> to vector<1x16xf32>
    tpu.vector_store %arg12[%swap3A_1623, %swap3A_1624], %swap3A_1627 {strides = array<i32>} : memref<32x128xf32, #tpu.memory_space<vmem>>, vector<1x16xf32>,
    %broadcast_in_dim3A_1628 = arith.constant 0.000000e+00 : f32
    %broadcast_in_dim3A_1629 = vector.broadcast %broadcast_in_dim3A_1628 : f32 to vector<16xf32>
    %swap3A_1630 = arith.constant 25 : i32
    %swap3A_1631 = arith.index_cast %swap3A_1630 : i32 to index
    %swap3A_1632 = arith.constant 48 : index
    %swap3A_1633 = tpu.vector_load %arg12[%swap3A_1631, %swap3A_1632] {strides = array<i32>} : memref<32x128xf32, #tpu.memory_space<vmem>>, vector<1x16xf32>,
    %swap3A_1634 = vector.shape_cast %swap3A_1633 : vector<1x16xf32> to vector<16xf32>
    %swap3A_1635 = vector.shape_cast %broadcast_in_dim3A_1629 : vector<16xf32> to vector<1x16xf32>
    tpu.vector_store %arg12[%swap3A_1631, %swap3A_1632], %swap3A_1635 {strides = array<i32>} : memref<32x128xf32, #tpu.memory_space<vmem>>, vector<1x16xf32>,
    %broadcast_in_dim3A_1636 = arith.constant 0.000000e+00 : f32
    %broadcast_in_dim3A_1637 = vector.broadcast %broadcast_in_dim3A_1636 : f32 to vector<16xf32>
    %swap3A_1638 = arith.constant 25 : i32
    %swap3A_1639 = arith.index_cast %swap3A_1638 : i32 to index
    %swap3A_1640 = arith.constant 64 : index
    %swap3A_1641 = tpu.vector_load %arg12[%swap3A_1639, %swap3A_1640] {strides = array<i32>} : memref<32x128xf32, #tpu.memory_space<vmem>>, vector<1x16xf32>,
    %swap3A_1642 = vector.shape_cast %swap3A_1641 : vector<1x16xf32> to vector<16xf32>
    %swap3A_1643 = vector.shape_cast %broadcast_in_dim3A_1637 : vector<16xf32> to vector<1x16xf32>
    tpu.vector_store %arg12[%swap3A_1639, %swap3A_1640], %swap3A_1643 {strides = array<i32>} : memref<32x128xf32, #tpu.memory_space<vmem>>, vector<1x16xf32>,
    %broadcast_in_dim3A_1644 = arith.constant 0.000000e+00 : f32
    %broadcast_in_dim3A_1645 = vector.broadcast %broadcast_in_dim3A_1644 : f32 to vector<16xf32>
    %swap3A_1646 = arith.constant 25 : i32
    %swap3A_1647 = arith.index_cast %swap3A_1646 : i32 to index
    %swap3A_1648 = arith.constant 80 : index
    %swap3A_1649 = tpu.vector_load %arg12[%swap3A_1647, %swap3A_1648] {strides = array<i32>} : memref<32x128xf32, #tpu.memory_space<vmem>>, vector<1x16xf32>,
    %swap3A_1650 = vector.shape_cast %swap3A_1649 : vector<1x16xf32> to vector<16xf32>
    %swap3A_1651 = vector.shape_cast %broadcast_in_dim3A_1645 : vector<16xf32> to vector<1x16xf32>
    tpu.vector_store %arg12[%swap3A_1647, %swap3A_1648], %swap3A_1651 {strides = array<i32>} : memref<32x128xf32, #tpu.memory_space<vmem>>, vector<1x16xf32>,
    %broadcast_in_dim3A_1652 = arith.constant 0.000000e+00 : f32
    %broadcast_in_dim3A_1653 = vector.broadcast %broadcast_in_dim3A_1652 : f32 to vector<16xf32>
    %swap3A_1654 = arith.constant 25 : i32
    %swap3A_1655 = arith.index_cast %swap3A_1654 : i32 to index
    %swap3A_1656 = arith.constant 96 : index
    %swap3A_1657 = tpu.vector_load %arg12[%swap3A_1655, %swap3A_1656] {strides = array<i32>} : memref<32x128xf32, #tpu.memory_space<vmem>>, vector<1x16xf32>,
    %swap3A_1658 = vector.shape_cast %swap3A_1657 : vector<1x16xf32> to vector<16xf32>
    %swap3A_1659 = vector.shape_cast %broadcast_in_dim3A_1653 : vector<16xf32> to vector<1x16xf32>
    tpu.vector_store %arg12[%swap3A_1655, %swap3A_1656], %swap3A_1659 {strides = array<i32>} : memref<32x128xf32, #tpu.memory_space<vmem>>, vector<1x16xf32>,
    %broadcast_in_dim3A_1660 = arith.constant 0.000000e+00 : f32
    %broadcast_in_dim3A_1661 = vector.broadcast %broadcast_in_dim3A_1660 : f32 to vector<16xf32>
    %swap3A_1662 = arith.constant 25 : i32
    %swap3A_1663 = arith.index_cast %swap3A_1662 : i32 to index
    %swap3A_1664 = arith.constant 112 : index
    %swap3A_1665 = tpu.vector_load %arg12[%swap3A_1663, %swap3A_1664] {strides = array<i32>} : memref<32x128xf32, #tpu.memory_space<vmem>>, vector<1x16xf32>,
    %swap3A_1666 = vector.shape_cast %swap3A_1665 : vector<1x16xf32> to vector<16xf32>
    %swap3A_1667 = vector.shape_cast %broadcast_in_dim3A_1661 : vector<16xf32> to vector<1x16xf32>
    tpu.vector_store %arg12[%swap3A_1663, %swap3A_1664], %swap3A_1667 {strides = array<i32>} : memref<32x128xf32, #tpu.memory_space<vmem>>, vector<1x16xf32>,
    %broadcast_in_dim3A_1668 = arith.constant 0.000000e+00 : f32
    %broadcast_in_dim3A_1669 = vector.broadcast %broadcast_in_dim3A_1668 : f32 to vector<16xf32>
    %swap3A_1670 = arith.constant 26 : i32
    %swap3A_1671 = arith.index_cast %swap3A_1670 : i32 to index
    %swap3A_1672 = arith.constant 0 : index
    %swap3A_1673 = tpu.vector_load %arg12[%swap3A_1671, %swap3A_1672] {strides = array<i32>} : memref<32x128xf32, #tpu.memory_space<vmem>>, vector<1x16xf32>,
    %swap3A_1674 = vector.shape_cast %swap3A_1673 : vector<1x16xf32> to vector<16xf32>
    %swap3A_1675 = vector.shape_cast %broadcast_in_dim3A_1669 : vector<16xf32> to vector<1x16xf32>
    tpu.vector_store %arg12[%swap3A_1671, %swap3A_1672], %swap3A_1675 {strides = array<i32>} : memref<32x128xf32, #tpu.memory_space<vmem>>, vector<1x16xf32>,
    %broadcast_in_dim3A_1676 = arith.constant 0.000000e+00 : f32
    %broadcast_in_dim3A_1677 = vector.broadcast %broadcast_in_dim3A_1676 : f32 to vector<16xf32>
    %swap3A_1678 = arith.constant 26 : i32
    %swap3A_1679 = arith.index_cast %swap3A_1678 : i32 to index
    %swap3A_1680 = arith.constant 16 : index
    %swap3A_1681 = tpu.vector_load %arg12[%swap3A_1679, %swap3A_1680] {strides = array<i32>} : memref<32x128xf32, #tpu.memory_space<vmem>>, vector<1x16xf32>,
    %swap3A_1682 = vector.shape_cast %swap3A_1681 : vector<1x16xf32> to vector<16xf32>
    %swap3A_1683 = vector.shape_cast %broadcast_in_dim3A_1677 : vector<16xf32> to vector<1x16xf32>
    tpu.vector_store %arg12[%swap3A_1679, %swap3A_1680], %swap3A_1683 {strides = array<i32>} : memref<32x128xf32, #tpu.memory_space<vmem>>, vector<1x16xf32>,
    %broadcast_in_dim3A_1684 = arith.constant 0.000000e+00 : f32
    %broadcast_in_dim3A_1685 = vector.broadcast %broadcast_in_dim3A_1684 : f32 to vector<16xf32>
    %swap3A_1686 = arith.constant 26 : i32
    %swap3A_1687 = arith.index_cast %swap3A_1686 : i32 to index
    %swap3A_1688 = arith.constant 32 : index
    %swap3A_1689 = tpu.vector_load %arg12[%swap3A_1687, %swap3A_1688] {strides = array<i32>} : memref<32x128xf32, #tpu.memory_space<vmem>>, vector<1x16xf32>,
    %swap3A_1690 = vector.shape_cast %swap3A_1689 : vector<1x16xf32> to vector<16xf32>
    %swap3A_1691 = vector.shape_cast %broadcast_in_dim3A_1685 : vector<16xf32> to vector<1x16xf32>
    tpu.vector_store %arg12[%swap3A_1687, %swap3A_1688], %swap3A_1691 {strides = array<i32>} : memref<32x128xf32, #tpu.memory_space<vmem>>, vector<1x16xf32>,
    %broadcast_in_dim3A_1692 = arith.constant 0.000000e+00 : f32
    %broadcast_in_dim3A_1693 = vector.broadcast %broadcast_in_dim3A_1692 : f32 to vector<16xf32>
    %swap3A_1694 = arith.constant 26 : i32
    %swap3A_1695 = arith.index_cast %swap3A_1694 : i32 to index
    %swap3A_1696 = arith.constant 48 : index
    %swap3A_1697 = tpu.vector_load %arg12[%swap3A_1695, %swap3A_1696] {strides = array<i32>} : memref<32x128xf32, #tpu.memory_space<vmem>>, vector<1x16xf32>,
    %swap3A_1698 = vector.shape_cast %swap3A_1697 : vector<1x16xf32> to vector<16xf32>
    %swap3A_1699 = vector.shape_cast %broadcast_in_dim3A_1693 : vector<16xf32> to vector<1x16xf32>
    tpu.vector_store %arg12[%swap3A_1695, %swap3A_1696], %swap3A_1699 {strides = array<i32>} : memref<32x128xf32, #tpu.memory_space<vmem>>, vector<1x16xf32>,
    %broadcast_in_dim3A_1700 = arith.constant 0.000000e+00 : f32
    %broadcast_in_dim3A_1701 = vector.broadcast %broadcast_in_dim3A_1700 : f32 to vector<16xf32>
    %swap3A_1702 = arith.constant 26 : i32
    %swap3A_1703 = arith.index_cast %swap3A_1702 : i32 to index
    %swap3A_1704 = arith.constant 64 : index
    %swap3A_1705 = tpu.vector_load %arg12[%swap3A_1703, %swap3A_1704] {strides = array<i32>} : memref<32x128xf32, #tpu.memory_space<vmem>>, vector<1x16xf32>,
    %swap3A_1706 = vector.shape_cast %swap3A_1705 : vector<1x16xf32> to vector<16xf32>
    %swap3A_1707 = vector.shape_cast %broadcast_in_dim3A_1701 : vector<16xf32> to vector<1x16xf32>
    tpu.vector_store %arg12[%swap3A_1703, %swap3A_1704], %swap3A_1707 {strides = array<i32>} : memref<32x128xf32, #tpu.memory_space<vmem>>, vector<1x16xf32>,
    %broadcast_in_dim3A_1708 = arith.constant 0.000000e+00 : f32
    %broadcast_in_dim3A_1709 = vector.broadcast %broadcast_in_dim3A_1708 : f32 to vector<16xf32>
    %swap3A_1710 = arith.constant 26 : i32
    %swap3A_1711 = arith.index_cast %swap3A_1710 : i32 to index
    %swap3A_1712 = arith.constant 80 : index
    %swap3A_1713 = tpu.vector_load %arg12[%swap3A_1711, %swap3A_1712] {strides = array<i32>} : memref<32x128xf32, #tpu.memory_space<vmem>>, vector<1x16xf32>,
    %swap3A_1714 = vector.shape_cast %swap3A_1713 : vector<1x16xf32> to vector<16xf32>
    %swap3A_1715 = vector.shape_cast %broadcast_in_dim3A_1709 : vector<16xf32> to vector<1x16xf32>
    tpu.vector_store %arg12[%swap3A_1711, %swap3A_1712], %swap3A_1715 {strides = array<i32>} : memref<32x128xf32, #tpu.memory_space<vmem>>, vector<1x16xf32>,
    %broadcast_in_dim3A_1716 = arith.constant 0.000000e+00 : f32
    %broadcast_in_dim3A_1717 = vector.broadcast %broadcast_in_dim3A_1716 : f32 to vector<16xf32>
    %swap3A_1718 = arith.constant 26 : i32
    %swap3A_1719 = arith.index_cast %swap3A_1718 : i32 to index
    %swap3A_1720 = arith.constant 96 : index
    %swap3A_1721 = tpu.vector_load %arg12[%swap3A_1719, %swap3A_1720] {strides = array<i32>} : memref<32x128xf32, #tpu.memory_space<vmem>>, vector<1x16xf32>,
    %swap3A_1722 = vector.shape_cast %swap3A_1721 : vector<1x16xf32> to vector<16xf32>
    %swap3A_1723 = vector.shape_cast %broadcast_in_dim3A_1717 : vector<16xf32> to vector<1x16xf32>
    tpu.vector_store %arg12[%swap3A_1719, %swap3A_1720], %swap3A_1723 {strides = array<i32>} : memref<32x128xf32, #tpu.memory_space<vmem>>, vector<1x16xf32>,
    %broadcast_in_dim3A_1724 = arith.constant 0.000000e+00 : f32
    %broadcast_in_dim3A_1725 = vector.broadcast %broadcast_in_dim3A_1724 : f32 to vector<16xf32>
    %swap3A_1726 = arith.constant 26 : i32
    %swap3A_1727 = arith.index_cast %swap3A_1726 : i32 to index
    %swap3A_1728 = arith.constant 112 : index
    %swap3A_1729 = tpu.vector_load %arg12[%swap3A_1727, %swap3A_1728] {strides = array<i32>} : memref<32x128xf32, #tpu.memory_space<vmem>>, vector<1x16xf32>,
    %swap3A_1730 = vector.shape_cast %swap3A_1729 : vector<1x16xf32> to vector<16xf32>
    %swap3A_1731 = vector.shape_cast %broadcast_in_dim3A_1725 : vector<16xf32> to vector<1x16xf32>
    tpu.vector_store %arg12[%swap3A_1727, %swap3A_1728], %swap3A_1731 {strides = array<i32>} : memref<32x128xf32, #tpu.memory_space<vmem>>, vector<1x16xf32>,
    %broadcast_in_dim3A_1732 = arith.constant 0.000000e+00 : f32
    %broadcast_in_dim3A_1733 = vector.broadcast %broadcast_in_dim3A_1732 : f32 to vector<16xf32>
    %swap3A_1734 = arith.constant 27 : i32
    %swap3A_1735 = arith.index_cast %swap3A_1734 : i32 to index
    %swap3A_1736 = arith.constant 0 : index
    %swap3A_1737 = tpu.vector_load %arg12[%swap3A_1735, %swap3A_1736] {strides = array<i32>} : memref<32x128xf32, #tpu.memory_space<vmem>>, vector<1x16xf32>,
    %swap3A_1738 = vector.shape_cast %swap3A_1737 : vector<1x16xf32> to vector<16xf32>
    %swap3A_1739 = vector.shape_cast %broadcast_in_dim3A_1733 : vector<16xf32> to vector<1x16xf32>
    tpu.vector_store %arg12[%swap3A_1735, %swap3A_1736], %swap3A_1739 {strides = array<i32>} : memref<32x128xf32, #tpu.memory_space<vmem>>, vector<1x16xf32>,
    %broadcast_in_dim3A_1740 = arith.constant 0.000000e+00 : f32
    %broadcast_in_dim3A_1741 = vector.broadcast %broadcast_in_dim3A_1740 : f32 to vector<16xf32>
    %swap3A_1742 = arith.constant 27 : i32
    %swap3A_1743 = arith.index_cast %swap3A_1742 : i32 to index
    %swap3A_1744 = arith.constant 16 : index
    %swap3A_1745 = tpu.vector_load %arg12[%swap3A_1743, %swap3A_1744] {strides = array<i32>} : memref<32x128xf32, #tpu.memory_space<vmem>>, vector<1x16xf32>,
    %swap3A_1746 = vector.shape_cast %swap3A_1745 : vector<1x16xf32> to vector<16xf32>
    %swap3A_1747 = vector.shape_cast %broadcast_in_dim3A_1741 : vector<16xf32> to vector<1x16xf32>
    tpu.vector_store %arg12[%swap3A_1743, %swap3A_1744], %swap3A_1747 {strides = array<i32>} : memref<32x128xf32, #tpu.memory_space<vmem>>, vector<1x16xf32>,
    %broadcast_in_dim3A_1748 = arith.constant 0.000000e+00 : f32
    %broadcast_in_dim3A_1749 = vector.broadcast %broadcast_in_dim3A_1748 : f32 to vector<16xf32>
    %swap3A_1750 = arith.constant 27 : i32
    %swap3A_1751 = arith.index_cast %swap3A_1750 : i32 to index
    %swap3A_1752 = arith.constant 32 : index
    %swap3A_1753 = tpu.vector_load %arg12[%swap3A_1751, %swap3A_1752] {strides = array<i32>} : memref<32x128xf32, #tpu.memory_space<vmem>>, vector<1x16xf32>,
    %swap3A_1754 = vector.shape_cast %swap3A_1753 : vector<1x16xf32> to vector<16xf32>
    %swap3A_1755 = vector.shape_cast %broadcast_in_dim3A_1749 : vector<16xf32> to vector<1x16xf32>
    tpu.vector_store %arg12[%swap3A_1751, %swap3A_1752], %swap3A_1755 {strides = array<i32>} : memref<32x128xf32, #tpu.memory_space<vmem>>, vector<1x16xf32>,
    %broadcast_in_dim3A_1756 = arith.constant 0.000000e+00 : f32
    %broadcast_in_dim3A_1757 = vector.broadcast %broadcast_in_dim3A_1756 : f32 to vector<16xf32>
    %swap3A_1758 = arith.constant 27 : i32
    %swap3A_1759 = arith.index_cast %swap3A_1758 : i32 to index
    %swap3A_1760 = arith.constant 48 : index
    %swap3A_1761 = tpu.vector_load %arg12[%swap3A_1759, %swap3A_1760] {strides = array<i32>} : memref<32x128xf32, #tpu.memory_space<vmem>>, vector<1x16xf32>,
    %swap3A_1762 = vector.shape_cast %swap3A_1761 : vector<1x16xf32> to vector<16xf32>
    %swap3A_1763 = vector.shape_cast %broadcast_in_dim3A_1757 : vector<16xf32> to vector<1x16xf32>
    tpu.vector_store %arg12[%swap3A_1759, %swap3A_1760], %swap3A_1763 {strides = array<i32>} : memref<32x128xf32, #tpu.memory_space<vmem>>, vector<1x16xf32>,
    %broadcast_in_dim3A_1764 = arith.constant 0.000000e+00 : f32
    %broadcast_in_dim3A_1765 = vector.broadcast %broadcast_in_dim3A_1764 : f32 to vector<16xf32>
    %swap3A_1766 = arith.constant 27 : i32
    %swap3A_1767 = arith.index_cast %swap3A_1766 : i32 to index
    %swap3A_1768 = arith.constant 64 : index
    %swap3A_1769 = tpu.vector_load %arg12[%swap3A_1767, %swap3A_1768] {strides = array<i32>} : memref<32x128xf32, #tpu.memory_space<vmem>>, vector<1x16xf32>,
    %swap3A_1770 = vector.shape_cast %swap3A_1769 : vector<1x16xf32> to vector<16xf32>
    %swap3A_1771 = vector.shape_cast %broadcast_in_dim3A_1765 : vector<16xf32> to vector<1x16xf32>
    tpu.vector_store %arg12[%swap3A_1767, %swap3A_1768], %swap3A_1771 {strides = array<i32>} : memref<32x128xf32, #tpu.memory_space<vmem>>, vector<1x16xf32>,
    %broadcast_in_dim3A_1772 = arith.constant 0.000000e+00 : f32
    %broadcast_in_dim3A_1773 = vector.broadcast %broadcast_in_dim3A_1772 : f32 to vector<16xf32>
    %swap3A_1774 = arith.constant 27 : i32
    %swap3A_1775 = arith.index_cast %swap3A_1774 : i32 to index
    %swap3A_1776 = arith.constant 80 : index
    %swap3A_1777 = tpu.vector_load %arg12[%swap3A_1775, %swap3A_1776] {strides = array<i32>} : memref<32x128xf32, #tpu.memory_space<vmem>>, vector<1x16xf32>,
    %swap3A_1778 = vector.shape_cast %swap3A_1777 : vector<1x16xf32> to vector<16xf32>
    %swap3A_1779 = vector.shape_cast %broadcast_in_dim3A_1773 : vector<16xf32> to vector<1x16xf32>
    tpu.vector_store %arg12[%swap3A_1775, %swap3A_1776], %swap3A_1779 {strides = array<i32>} : memref<32x128xf32, #tpu.memory_space<vmem>>, vector<1x16xf32>,
    %broadcast_in_dim3A_1780 = arith.constant 0.000000e+00 : f32
    %broadcast_in_dim3A_1781 = vector.broadcast %broadcast_in_dim3A_1780 : f32 to vector<16xf32>
    %swap3A_1782 = arith.constant 27 : i32
    %swap3A_1783 = arith.index_cast %swap3A_1782 : i32 to index
    %swap3A_1784 = arith.constant 96 : index
    %swap3A_1785 = tpu.vector_load %arg12[%swap3A_1783, %swap3A_1784] {strides = array<i32>} : memref<32x128xf32, #tpu.memory_space<vmem>>, vector<1x16xf32>,
    %swap3A_1786 = vector.shape_cast %swap3A_1785 : vector<1x16xf32> to vector<16xf32>
    %swap3A_1787 = vector.shape_cast %broadcast_in_dim3A_1781 : vector<16xf32> to vector<1x16xf32>
    tpu.vector_store %arg12[%swap3A_1783, %swap3A_1784], %swap3A_1787 {strides = array<i32>} : memref<32x128xf32, #tpu.memory_space<vmem>>, vector<1x16xf32>,
    %broadcast_in_dim3A_1788 = arith.constant 0.000000e+00 : f32
    %broadcast_in_dim3A_1789 = vector.broadcast %broadcast_in_dim3A_1788 : f32 to vector<16xf32>
    %swap3A_1790 = arith.constant 27 : i32
    %swap3A_1791 = arith.index_cast %swap3A_1790 : i32 to index
    %swap3A_1792 = arith.constant 112 : index
    %swap3A_1793 = tpu.vector_load %arg12[%swap3A_1791, %swap3A_1792] {strides = array<i32>} : memref<32x128xf32, #tpu.memory_space<vmem>>, vector<1x16xf32>,
    %swap3A_1794 = vector.shape_cast %swap3A_1793 : vector<1x16xf32> to vector<16xf32>
    %swap3A_1795 = vector.shape_cast %broadcast_in_dim3A_1789 : vector<16xf32> to vector<1x16xf32>
    tpu.vector_store %arg12[%swap3A_1791, %swap3A_1792], %swap3A_1795 {strides = array<i32>} : memref<32x128xf32, #tpu.memory_space<vmem>>, vector<1x16xf32>,
    %broadcast_in_dim3A_1796 = arith.constant 0.000000e+00 : f32
    %broadcast_in_dim3A_1797 = vector.broadcast %broadcast_in_dim3A_1796 : f32 to vector<16xf32>
    %swap3A_1798 = arith.constant 28 : i32
    %swap3A_1799 = arith.index_cast %swap3A_1798 : i32 to index
    %swap3A_1800 = arith.constant 0 : index
    %swap3A_1801 = tpu.vector_load %arg12[%swap3A_1799, %swap3A_1800] {strides = array<i32>} : memref<32x128xf32, #tpu.memory_space<vmem>>, vector<1x16xf32>,
    %swap3A_1802 = vector.shape_cast %swap3A_1801 : vector<1x16xf32> to vector<16xf32>
    %swap3A_1803 = vector.shape_cast %broadcast_in_dim3A_1797 : vector<16xf32> to vector<1x16xf32>
    tpu.vector_store %arg12[%swap3A_1799, %swap3A_1800], %swap3A_1803 {strides = array<i32>} : memref<32x128xf32, #tpu.memory_space<vmem>>, vector<1x16xf32>,
    %broadcast_in_dim3A_1804 = arith.constant 0.000000e+00 : f32
    %broadcast_in_dim3A_1805 = vector.broadcast %broadcast_in_dim3A_1804 : f32 to vector<16xf32>
    %swap3A_1806 = arith.constant 28 : i32
    %swap3A_1807 = arith.index_cast %swap3A_1806 : i32 to index
    %swap3A_1808 = arith.constant 16 : index
    %swap3A_1809 = tpu.vector_load %arg12[%swap3A_1807, %swap3A_1808] {strides = array<i32>} : memref<32x128xf32, #tpu.memory_space<vmem>>, vector<1x16xf32>,
    %swap3A_1810 = vector.shape_cast %swap3A_1809 : vector<1x16xf32> to vector<16xf32>
    %swap3A_1811 = vector.shape_cast %broadcast_in_dim3A_1805 : vector<16xf32> to vector<1x16xf32>
    tpu.vector_store %arg12[%swap3A_1807, %swap3A_1808], %swap3A_1811 {strides = array<i32>} : memref<32x128xf32, #tpu.memory_space<vmem>>, vector<1x16xf32>,
    %broadcast_in_dim3A_1812 = arith.constant 0.000000e+00 : f32
    %broadcast_in_dim3A_1813 = vector.broadcast %broadcast_in_dim3A_1812 : f32 to vector<16xf32>
    %swap3A_1814 = arith.constant 28 : i32
    %swap3A_1815 = arith.index_cast %swap3A_1814 : i32 to index
    %swap3A_1816 = arith.constant 32 : index
    %swap3A_1817 = tpu.vector_load %arg12[%swap3A_1815, %swap3A_1816] {strides = array<i32>} : memref<32x128xf32, #tpu.memory_space<vmem>>, vector<1x16xf32>,
    %swap3A_1818 = vector.shape_cast %swap3A_1817 : vector<1x16xf32> to vector<16xf32>
    %swap3A_1819 = vector.shape_cast %broadcast_in_dim3A_1813 : vector<16xf32> to vector<1x16xf32>
    tpu.vector_store %arg12[%swap3A_1815, %swap3A_1816], %swap3A_1819 {strides = array<i32>} : memref<32x128xf32, #tpu.memory_space<vmem>>, vector<1x16xf32>,
    %broadcast_in_dim3A_1820 = arith.constant 0.000000e+00 : f32
    %broadcast_in_dim3A_1821 = vector.broadcast %broadcast_in_dim3A_1820 : f32 to vector<16xf32>
    %swap3A_1822 = arith.constant 28 : i32
    %swap3A_1823 = arith.index_cast %swap3A_1822 : i32 to index
    %swap3A_1824 = arith.constant 48 : index
    %swap3A_1825 = tpu.vector_load %arg12[%swap3A_1823, %swap3A_1824] {strides = array<i32>} : memref<32x128xf32, #tpu.memory_space<vmem>>, vector<1x16xf32>,
    %swap3A_1826 = vector.shape_cast %swap3A_1825 : vector<1x16xf32> to vector<16xf32>
    %swap3A_1827 = vector.shape_cast %broadcast_in_dim3A_1821 : vector<16xf32> to vector<1x16xf32>
    tpu.vector_store %arg12[%swap3A_1823, %swap3A_1824], %swap3A_1827 {strides = array<i32>} : memref<32x128xf32, #tpu.memory_space<vmem>>, vector<1x16xf32>,
    %broadcast_in_dim3A_1828 = arith.constant 0.000000e+00 : f32
    %broadcast_in_dim3A_1829 = vector.broadcast %broadcast_in_dim3A_1828 : f32 to vector<16xf32>
    %swap3A_1830 = arith.constant 28 : i32
    %swap3A_1831 = arith.index_cast %swap3A_1830 : i32 to index
    %swap3A_1832 = arith.constant 64 : index
    %swap3A_1833 = tpu.vector_load %arg12[%swap3A_1831, %swap3A_1832] {strides = array<i32>} : memref<32x128xf32, #tpu.memory_space<vmem>>, vector<1x16xf32>,
    %swap3A_1834 = vector.shape_cast %swap3A_1833 : vector<1x16xf32> to vector<16xf32>
    %swap3A_1835 = vector.shape_cast %broadcast_in_dim3A_1829 : vector<16xf32> to vector<1x16xf32>
    tpu.vector_store %arg12[%swap3A_1831, %swap3A_1832], %swap3A_1835 {strides = array<i32>} : memref<32x128xf32, #tpu.memory_space<vmem>>, vector<1x16xf32>,
    %broadcast_in_dim3A_1836 = arith.constant 0.000000e+00 : f32
    %broadcast_in_dim3A_1837 = vector.broadcast %broadcast_in_dim3A_1836 : f32 to vector<16xf32>
    %swap3A_1838 = arith.constant 28 : i32
    %swap3A_1839 = arith.index_cast %swap3A_1838 : i32 to index
    %swap3A_1840 = arith.constant 80 : index
    %swap3A_1841 = tpu.vector_load %arg12[%swap3A_1839, %swap3A_1840] {strides = array<i32>} : memref<32x128xf32, #tpu.memory_space<vmem>>, vector<1x16xf32>,
    %swap3A_1842 = vector.shape_cast %swap3A_1841 : vector<1x16xf32> to vector<16xf32>
    %swap3A_1843 = vector.shape_cast %broadcast_in_dim3A_1837 : vector<16xf32> to vector<1x16xf32>
    tpu.vector_store %arg12[%swap3A_1839, %swap3A_1840], %swap3A_1843 {strides = array<i32>} : memref<32x128xf32, #tpu.memory_space<vmem>>, vector<1x16xf32>,
    %broadcast_in_dim3A_1844 = arith.constant 0.000000e+00 : f32
    %broadcast_in_dim3A_1845 = vector.broadcast %broadcast_in_dim3A_1844 : f32 to vector<16xf32>
    %swap3A_1846 = arith.constant 28 : i32
    %swap3A_1847 = arith.index_cast %swap3A_1846 : i32 to index
    %swap3A_1848 = arith.constant 96 : index
    %swap3A_1849 = tpu.vector_load %arg12[%swap3A_1847, %swap3A_1848] {strides = array<i32>} : memref<32x128xf32, #tpu.memory_space<vmem>>, vector<1x16xf32>,
    %swap3A_1850 = vector.shape_cast %swap3A_1849 : vector<1x16xf32> to vector<16xf32>
    %swap3A_1851 = vector.shape_cast %broadcast_in_dim3A_1845 : vector<16xf32> to vector<1x16xf32>
    tpu.vector_store %arg12[%swap3A_1847, %swap3A_1848], %swap3A_1851 {strides = array<i32>} : memref<32x128xf32, #tpu.memory_space<vmem>>, vector<1x16xf32>,
    %broadcast_in_dim3A_1852 = arith.constant 0.000000e+00 : f32
    %broadcast_in_dim3A_1853 = vector.broadcast %broadcast_in_dim3A_1852 : f32 to vector<16xf32>
    %swap3A_1854 = arith.constant 28 : i32
    %swap3A_1855 = arith.index_cast %swap3A_1854 : i32 to index
    %swap3A_1856 = arith.constant 112 : index
    %swap3A_1857 = tpu.vector_load %arg12[%swap3A_1855, %swap3A_1856] {strides = array<i32>} : memref<32x128xf32, #tpu.memory_space<vmem>>, vector<1x16xf32>,
    %swap3A_1858 = vector.shape_cast %swap3A_1857 : vector<1x16xf32> to vector<16xf32>
    %swap3A_1859 = vector.shape_cast %broadcast_in_dim3A_1853 : vector<16xf32> to vector<1x16xf32>
    tpu.vector_store %arg12[%swap3A_1855, %swap3A_1856], %swap3A_1859 {strides = array<i32>} : memref<32x128xf32, #tpu.memory_space<vmem>>, vector<1x16xf32>,
    %broadcast_in_dim3A_1860 = arith.constant 0.000000e+00 : f32
    %broadcast_in_dim3A_1861 = vector.broadcast %broadcast_in_dim3A_1860 : f32 to vector<16xf32>
    %swap3A_1862 = arith.constant 29 : i32
    %swap3A_1863 = arith.index_cast %swap3A_1862 : i32 to index
    %swap3A_1864 = arith.constant 0 : index
    %swap3A_1865 = tpu.vector_load %arg12[%swap3A_1863, %swap3A_1864] {strides = array<i32>} : memref<32x128xf32, #tpu.memory_space<vmem>>, vector<1x16xf32>,
    %swap3A_1866 = vector.shape_cast %swap3A_1865 : vector<1x16xf32> to vector<16xf32>
    %swap3A_1867 = vector.shape_cast %broadcast_in_dim3A_1861 : vector<16xf32> to vector<1x16xf32>
    tpu.vector_store %arg12[%swap3A_1863, %swap3A_1864], %swap3A_1867 {strides = array<i32>} : memref<32x128xf32, #tpu.memory_space<vmem>>, vector<1x16xf32>,
    %broadcast_in_dim3A_1868 = arith.constant 0.000000e+00 : f32
    %broadcast_in_dim3A_1869 = vector.broadcast %broadcast_in_dim3A_1868 : f32 to vector<16xf32>
    %swap3A_1870 = arith.constant 29 : i32
    %swap3A_1871 = arith.index_cast %swap3A_1870 : i32 to index
    %swap3A_1872 = arith.constant 16 : index
    %swap3A_1873 = tpu.vector_load %arg12[%swap3A_1871, %swap3A_1872] {strides = array<i32>} : memref<32x128xf32, #tpu.memory_space<vmem>>, vector<1x16xf32>,
    %swap3A_1874 = vector.shape_cast %swap3A_1873 : vector<1x16xf32> to vector<16xf32>
    %swap3A_1875 = vector.shape_cast %broadcast_in_dim3A_1869 : vector<16xf32> to vector<1x16xf32>
    tpu.vector_store %arg12[%swap3A_1871, %swap3A_1872], %swap3A_1875 {strides = array<i32>} : memref<32x128xf32, #tpu.memory_space<vmem>>, vector<1x16xf32>,
    %broadcast_in_dim3A_1876 = arith.constant 0.000000e+00 : f32
    %broadcast_in_dim3A_1877 = vector.broadcast %broadcast_in_dim3A_1876 : f32 to vector<16xf32>
    %swap3A_1878 = arith.constant 29 : i32
    %swap3A_1879 = arith.index_cast %swap3A_1878 : i32 to index
    %swap3A_1880 = arith.constant 32 : index
    %swap3A_1881 = tpu.vector_load %arg12[%swap3A_1879, %swap3A_1880] {strides = array<i32>} : memref<32x128xf32, #tpu.memory_space<vmem>>, vector<1x16xf32>,
    %swap3A_1882 = vector.shape_cast %swap3A_1881 : vector<1x16xf32> to vector<16xf32>
    %swap3A_1883 = vector.shape_cast %broadcast_in_dim3A_1877 : vector<16xf32> to vector<1x16xf32>
    tpu.vector_store %arg12[%swap3A_1879, %swap3A_1880], %swap3A_1883 {strides = array<i32>} : memref<32x128xf32, #tpu.memory_space<vmem>>, vector<1x16xf32>,
    %broadcast_in_dim3A_1884 = arith.constant 0.000000e+00 : f32
    %broadcast_in_dim3A_1885 = vector.broadcast %broadcast_in_dim3A_1884 : f32 to vector<16xf32>
    %swap3A_1886 = arith.constant 29 : i32
    %swap3A_1887 = arith.index_cast %swap3A_1886 : i32 to index
    %swap3A_1888 = arith.constant 48 : index
    %swap3A_1889 = tpu.vector_load %arg12[%swap3A_1887, %swap3A_1888] {strides = array<i32>} : memref<32x128xf32, #tpu.memory_space<vmem>>, vector<1x16xf32>,
    %swap3A_1890 = vector.shape_cast %swap3A_1889 : vector<1x16xf32> to vector<16xf32>
    %swap3A_1891 = vector.shape_cast %broadcast_in_dim3A_1885 : vector<16xf32> to vector<1x16xf32>
    tpu.vector_store %arg12[%swap3A_1887, %swap3A_1888], %swap3A_1891 {strides = array<i32>} : memref<32x128xf32, #tpu.memory_space<vmem>>, vector<1x16xf32>,
    %broadcast_in_dim3A_1892 = arith.constant 0.000000e+00 : f32
    %broadcast_in_dim3A_1893 = vector.broadcast %broadcast_in_dim3A_1892 : f32 to vector<16xf32>
    %swap3A_1894 = arith.constant 29 : i32
    %swap3A_1895 = arith.index_cast %swap3A_1894 : i32 to index
    %swap3A_1896 = arith.constant 64 : index
    %swap3A_1897 = tpu.vector_load %arg12[%swap3A_1895, %swap3A_1896] {strides = array<i32>} : memref<32x128xf32, #tpu.memory_space<vmem>>, vector<1x16xf32>,
    %swap3A_1898 = vector.shape_cast %swap3A_1897 : vector<1x16xf32> to vector<16xf32>
    %swap3A_1899 = vector.shape_cast %broadcast_in_dim3A_1893 : vector<16xf32> to vector<1x16xf32>
    tpu.vector_store %arg12[%swap3A_1895, %swap3A_1896], %swap3A_1899 {strides = array<i32>} : memref<32x128xf32, #tpu.memory_space<vmem>>, vector<1x16xf32>,
    %broadcast_in_dim3A_1900 = arith.constant 0.000000e+00 : f32
    %broadcast_in_dim3A_1901 = vector.broadcast %broadcast_in_dim3A_1900 : f32 to vector<16xf32>
    %swap3A_1902 = arith.constant 29 : i32
    %swap3A_1903 = arith.index_cast %swap3A_1902 : i32 to index
    %swap3A_1904 = arith.constant 80 : index
    %swap3A_1905 = tpu.vector_load %arg12[%swap3A_1903, %swap3A_1904] {strides = array<i32>} : memref<32x128xf32, #tpu.memory_space<vmem>>, vector<1x16xf32>,
    %swap3A_1906 = vector.shape_cast %swap3A_1905 : vector<1x16xf32> to vector<16xf32>
    %swap3A_1907 = vector.shape_cast %broadcast_in_dim3A_1901 : vector<16xf32> to vector<1x16xf32>
    tpu.vector_store %arg12[%swap3A_1903, %swap3A_1904], %swap3A_1907 {strides = array<i32>} : memref<32x128xf32, #tpu.memory_space<vmem>>, vector<1x16xf32>,
    %broadcast_in_dim3A_1908 = arith.constant 0.000000e+00 : f32
    %broadcast_in_dim3A_1909 = vector.broadcast %broadcast_in_dim3A_1908 : f32 to vector<16xf32>
    %swap3A_1910 = arith.constant 29 : i32
    %swap3A_1911 = arith.index_cast %swap3A_1910 : i32 to index
    %swap3A_1912 = arith.constant 96 : index
    %swap3A_1913 = tpu.vector_load %arg12[%swap3A_1911, %swap3A_1912] {strides = array<i32>} : memref<32x128xf32, #tpu.memory_space<vmem>>, vector<1x16xf32>,
    %swap3A_1914 = vector.shape_cast %swap3A_1913 : vector<1x16xf32> to vector<16xf32>
    %swap3A_1915 = vector.shape_cast %broadcast_in_dim3A_1909 : vector<16xf32> to vector<1x16xf32>
    tpu.vector_store %arg12[%swap3A_1911, %swap3A_1912], %swap3A_1915 {strides = array<i32>} : memref<32x128xf32, #tpu.memory_space<vmem>>, vector<1x16xf32>,
    %broadcast_in_dim3A_1916 = arith.constant 0.000000e+00 : f32
    %broadcast_in_dim3A_1917 = vector.broadcast %broadcast_in_dim3A_1916 : f32 to vector<16xf32>
    %swap3A_1918 = arith.constant 29 : i32
    %swap3A_1919 = arith.index_cast %swap3A_1918 : i32 to index
    %swap3A_1920 = arith.constant 112 : index
    %swap3A_1921 = tpu.vector_load %arg12[%swap3A_1919, %swap3A_1920] {strides = array<i32>} : memref<32x128xf32, #tpu.memory_space<vmem>>, vector<1x16xf32>,
    %swap3A_1922 = vector.shape_cast %swap3A_1921 : vector<1x16xf32> to vector<16xf32>
    %swap3A_1923 = vector.shape_cast %broadcast_in_dim3A_1917 : vector<16xf32> to vector<1x16xf32>
    tpu.vector_store %arg12[%swap3A_1919, %swap3A_1920], %swap3A_1923 {strides = array<i32>} : memref<32x128xf32, #tpu.memory_space<vmem>>, vector<1x16xf32>,
    %broadcast_in_dim3A_1924 = arith.constant 0.000000e+00 : f32
    %broadcast_in_dim3A_1925 = vector.broadcast %broadcast_in_dim3A_1924 : f32 to vector<16xf32>
    %swap3A_1926 = arith.constant 30 : i32
    %swap3A_1927 = arith.index_cast %swap3A_1926 : i32 to index
    %swap3A_1928 = arith.constant 0 : index
    %swap3A_1929 = tpu.vector_load %arg12[%swap3A_1927, %swap3A_1928] {strides = array<i32>} : memref<32x128xf32, #tpu.memory_space<vmem>>, vector<1x16xf32>,
    %swap3A_1930 = vector.shape_cast %swap3A_1929 : vector<1x16xf32> to vector<16xf32>
    %swap3A_1931 = vector.shape_cast %broadcast_in_dim3A_1925 : vector<16xf32> to vector<1x16xf32>
    tpu.vector_store %arg12[%swap3A_1927, %swap3A_1928], %swap3A_1931 {strides = array<i32>} : memref<32x128xf32, #tpu.memory_space<vmem>>, vector<1x16xf32>,
    %broadcast_in_dim3A_1932 = arith.constant 0.000000e+00 : f32
    %broadcast_in_dim3A_1933 = vector.broadcast %broadcast_in_dim3A_1932 : f32 to vector<16xf32>
    %swap3A_1934 = arith.constant 30 : i32
    %swap3A_1935 = arith.index_cast %swap3A_1934 : i32 to index
    %swap3A_1936 = arith.constant 16 : index
    %swap3A_1937 = tpu.vector_load %arg12[%swap3A_1935, %swap3A_1936] {strides = array<i32>} : memref<32x128xf32, #tpu.memory_space<vmem>>, vector<1x16xf32>,
    %swap3A_1938 = vector.shape_cast %swap3A_1937 : vector<1x16xf32> to vector<16xf32>
    %swap3A_1939 = vector.shape_cast %broadcast_in_dim3A_1933 : vector<16xf32> to vector<1x16xf32>
    tpu.vector_store %arg12[%swap3A_1935, %swap3A_1936], %swap3A_1939 {strides = array<i32>} : memref<32x128xf32, #tpu.memory_space<vmem>>, vector<1x16xf32>,
    %broadcast_in_dim3A_1940 = arith.constant 0.000000e+00 : f32
    %broadcast_in_dim3A_1941 = vector.broadcast %broadcast_in_dim3A_1940 : f32 to vector<16xf32>
    %swap3A_1942 = arith.constant 30 : i32
    %swap3A_1943 = arith.index_cast %swap3A_1942 : i32 to index
    %swap3A_1944 = arith.constant 32 : index
    %swap3A_1945 = tpu.vector_load %arg12[%swap3A_1943, %swap3A_1944] {strides = array<i32>} : memref<32x128xf32, #tpu.memory_space<vmem>>, vector<1x16xf32>,
    %swap3A_1946 = vector.shape_cast %swap3A_1945 : vector<1x16xf32> to vector<16xf32>
    %swap3A_1947 = vector.shape_cast %broadcast_in_dim3A_1941 : vector<16xf32> to vector<1x16xf32>
    tpu.vector_store %arg12[%swap3A_1943, %swap3A_1944], %swap3A_1947 {strides = array<i32>} : memref<32x128xf32, #tpu.memory_space<vmem>>, vector<1x16xf32>,
    %broadcast_in_dim3A_1948 = arith.constant 0.000000e+00 : f32
    %broadcast_in_dim3A_1949 = vector.broadcast %broadcast_in_dim3A_1948 : f32 to vector<16xf32>
    %swap3A_1950 = arith.constant 30 : i32
    %swap3A_1951 = arith.index_cast %swap3A_1950 : i32 to index
    %swap3A_1952 = arith.constant 48 : index
    %swap3A_1953 = tpu.vector_load %arg12[%swap3A_1951, %swap3A_1952] {strides = array<i32>} : memref<32x128xf32, #tpu.memory_space<vmem>>, vector<1x16xf32>,
    %swap3A_1954 = vector.shape_cast %swap3A_1953 : vector<1x16xf32> to vector<16xf32>
    %swap3A_1955 = vector.shape_cast %broadcast_in_dim3A_1949 : vector<16xf32> to vector<1x16xf32>
    tpu.vector_store %arg12[%swap3A_1951, %swap3A_1952], %swap3A_1955 {strides = array<i32>} : memref<32x128xf32, #tpu.memory_space<vmem>>, vector<1x16xf32>,
    %broadcast_in_dim3A_1956 = arith.constant 0.000000e+00 : f32
    %broadcast_in_dim3A_1957 = vector.broadcast %broadcast_in_dim3A_1956 : f32 to vector<16xf32>
    %swap3A_1958 = arith.constant 30 : i32
    %swap3A_1959 = arith.index_cast %swap3A_1958 : i32 to index
    %swap3A_1960 = arith.constant 64 : index
    %swap3A_1961 = tpu.vector_load %arg12[%swap3A_1959, %swap3A_1960] {strides = array<i32>} : memref<32x128xf32, #tpu.memory_space<vmem>>, vector<1x16xf32>,
    %swap3A_1962 = vector.shape_cast %swap3A_1961 : vector<1x16xf32> to vector<16xf32>
    %swap3A_1963 = vector.shape_cast %broadcast_in_dim3A_1957 : vector<16xf32> to vector<1x16xf32>
    tpu.vector_store %arg12[%swap3A_1959, %swap3A_1960], %swap3A_1963 {strides = array<i32>} : memref<32x128xf32, #tpu.memory_space<vmem>>, vector<1x16xf32>,
    %broadcast_in_dim3A_1964 = arith.constant 0.000000e+00 : f32
    %broadcast_in_dim3A_1965 = vector.broadcast %broadcast_in_dim3A_1964 : f32 to vector<16xf32>
    %swap3A_1966 = arith.constant 30 : i32
    %swap3A_1967 = arith.index_cast %swap3A_1966 : i32 to index
    %swap3A_1968 = arith.constant 80 : index
    %swap3A_1969 = tpu.vector_load %arg12[%swap3A_1967, %swap3A_1968] {strides = array<i32>} : memref<32x128xf32, #tpu.memory_space<vmem>>, vector<1x16xf32>,
    %swap3A_1970 = vector.shape_cast %swap3A_1969 : vector<1x16xf32> to vector<16xf32>
    %swap3A_1971 = vector.shape_cast %broadcast_in_dim3A_1965 : vector<16xf32> to vector<1x16xf32>
    tpu.vector_store %arg12[%swap3A_1967, %swap3A_1968], %swap3A_1971 {strides = array<i32>} : memref<32x128xf32, #tpu.memory_space<vmem>>, vector<1x16xf32>,
    %broadcast_in_dim3A_1972 = arith.constant 0.000000e+00 : f32
    %broadcast_in_dim3A_1973 = vector.broadcast %broadcast_in_dim3A_1972 : f32 to vector<16xf32>
    %swap3A_1974 = arith.constant 30 : i32
    %swap3A_1975 = arith.index_cast %swap3A_1974 : i32 to index
    %swap3A_1976 = arith.constant 96 : index
    %swap3A_1977 = tpu.vector_load %arg12[%swap3A_1975, %swap3A_1976] {strides = array<i32>} : memref<32x128xf32, #tpu.memory_space<vmem>>, vector<1x16xf32>,
    %swap3A_1978 = vector.shape_cast %swap3A_1977 : vector<1x16xf32> to vector<16xf32>
    %swap3A_1979 = vector.shape_cast %broadcast_in_dim3A_1973 : vector<16xf32> to vector<1x16xf32>
    tpu.vector_store %arg12[%swap3A_1975, %swap3A_1976], %swap3A_1979 {strides = array<i32>} : memref<32x128xf32, #tpu.memory_space<vmem>>, vector<1x16xf32>,
    %broadcast_in_dim3A_1980 = arith.constant 0.000000e+00 : f32
    %broadcast_in_dim3A_1981 = vector.broadcast %broadcast_in_dim3A_1980 : f32 to vector<16xf32>
    %swap3A_1982 = arith.constant 30 : i32
    %swap3A_1983 = arith.index_cast %swap3A_1982 : i32 to index
    %swap3A_1984 = arith.constant 112 : index
    %swap3A_1985 = tpu.vector_load %arg12[%swap3A_1983, %swap3A_1984] {strides = array<i32>} : memref<32x128xf32, #tpu.memory_space<vmem>>, vector<1x16xf32>,
    %swap3A_1986 = vector.shape_cast %swap3A_1985 : vector<1x16xf32> to vector<16xf32>
    %swap3A_1987 = vector.shape_cast %broadcast_in_dim3A_1981 : vector<16xf32> to vector<1x16xf32>
    tpu.vector_store %arg12[%swap3A_1983, %swap3A_1984], %swap3A_1987 {strides = array<i32>} : memref<32x128xf32, #tpu.memory_space<vmem>>, vector<1x16xf32>,
    %broadcast_in_dim3A_1988 = arith.constant 0.000000e+00 : f32
    %broadcast_in_dim3A_1989 = vector.broadcast %broadcast_in_dim3A_1988 : f32 to vector<16xf32>
    %swap3A_1990 = arith.constant 31 : i32
    %swap3A_1991 = arith.index_cast %swap3A_1990 : i32 to index
    %swap3A_1992 = arith.constant 0 : index
    %swap3A_1993 = tpu.vector_load %arg12[%swap3A_1991, %swap3A_1992] {strides = array<i32>} : memref<32x128xf32, #tpu.memory_space<vmem>>, vector<1x16xf32>,
    %swap3A_1994 = vector.shape_cast %swap3A_1993 : vector<1x16xf32> to vector<16xf32>
    %swap3A_1995 = vector.shape_cast %broadcast_in_dim3A_1989 : vector<16xf32> to vector<1x16xf32>
    tpu.vector_store %arg12[%swap3A_1991, %swap3A_1992], %swap3A_1995 {strides = array<i32>} : memref<32x128xf32, #tpu.memory_space<vmem>>, vector<1x16xf32>,
    %broadcast_in_dim3A_1996 = arith.constant 0.000000e+00 : f32
    %broadcast_in_dim3A_1997 = vector.broadcast %broadcast_in_dim3A_1996 : f32 to vector<16xf32>
    %swap3A_1998 = arith.constant 31 : i32
    %swap3A_1999 = arith.index_cast %swap3A_1998 : i32 to index
    %swap3A_2000 = arith.constant 16 : index
    %swap3A_2001 = tpu.vector_load %arg12[%swap3A_1999, %swap3A_2000] {strides = array<i32>} : memref<32x128xf32, #tpu.memory_space<vmem>>, vector<1x16xf32>,
    %swap3A_2002 = vector.shape_cast %swap3A_2001 : vector<1x16xf32> to vector<16xf32>
    %swap3A_2003 = vector.shape_cast %broadcast_in_dim3A_1997 : vector<16xf32> to vector<1x16xf32>
    tpu.vector_store %arg12[%swap3A_1999, %swap3A_2000], %swap3A_2003 {strides = array<i32>} : memref<32x128xf32, #tpu.memory_space<vmem>>, vector<1x16xf32>,
    %broadcast_in_dim3A_2004 = arith.constant 0.000000e+00 : f32
    %broadcast_in_dim3A_2005 = vector.broadcast %broadcast_in_dim3A_2004 : f32 to vector<16xf32>
    %swap3A_2006 = arith.constant 31 : i32
    %swap3A_2007 = arith.index_cast %swap3A_2006 : i32 to index
    %swap3A_2008 = arith.constant 32 : index
    %swap3A_2009 = tpu.vector_load %arg12[%swap3A_2007, %swap3A_2008] {strides = array<i32>} : memref<32x128xf32, #tpu.memory_space<vmem>>, vector<1x16xf32>,
    %swap3A_2010 = vector.shape_cast %swap3A_2009 : vector<1x16xf32> to vector<16xf32>
    %swap3A_2011 = vector.shape_cast %broadcast_in_dim3A_2005 : vector<16xf32> to vector<1x16xf32>
    tpu.vector_store %arg12[%swap3A_2007, %swap3A_2008], %swap3A_2011 {strides = array<i32>} : memref<32x128xf32, #tpu.memory_space<vmem>>, vector<1x16xf32>,
    %broadcast_in_dim3A_2012 = arith.constant 0.000000e+00 : f32
    %broadcast_in_dim3A_2013 = vector.broadcast %broadcast_in_dim3A_2012 : f32 to vector<16xf32>
    %swap3A_2014 = arith.constant 31 : i32
    %swap3A_2015 = arith.index_cast %swap3A_2014 : i32 to index
    %swap3A_2016 = arith.constant 48 : index
    %swap3A_2017 = tpu.vector_load %arg12[%swap3A_2015, %swap3A_2016] {strides = array<i32>} : memref<32x128xf32, #tpu.memory_space<vmem>>, vector<1x16xf32>,
    %swap3A_2018 = vector.shape_cast %swap3A_2017 : vector<1x16xf32> to vector<16xf32>
    %swap3A_2019 = vector.shape_cast %broadcast_in_dim3A_2013 : vector<16xf32> to vector<1x16xf32>
    tpu.vector_store %arg12[%swap3A_2015, %swap3A_2016], %swap3A_2019 {strides = array<i32>} : memref<32x128xf32, #tpu.memory_space<vmem>>, vector<1x16xf32>,
    %broadcast_in_dim3A_2020 = arith.constant 0.000000e+00 : f32
    %broadcast_in_dim3A_2021 = vector.broadcast %broadcast_in_dim3A_2020 : f32 to vector<16xf32>
    %swap3A_2022 = arith.constant 31 : i32
    %swap3A_2023 = arith.index_cast %swap3A_2022 : i32 to index
    %swap3A_2024 = arith.constant 64 : index
    %swap3A_2025 = tpu.vector_load %arg12[%swap3A_2023, %swap3A_2024] {strides = array<i32>} : memref<32x128xf32, #tpu.memory_space<vmem>>, vector<1x16xf32>,
    %swap3A_2026 = vector.shape_cast %swap3A_2025 : vector<1x16xf32> to vector<16xf32>
    %swap3A_2027 = vector.shape_cast %broadcast_in_dim3A_2021 : vector<16xf32> to vector<1x16xf32>
    tpu.vector_store %arg12[%swap3A_2023, %swap3A_2024], %swap3A_2027 {strides = array<i32>} : memref<32x128xf32, #tpu.memory_space<vmem>>, vector<1x16xf32>,
    %broadcast_in_dim3A_2028 = arith.constant 0.000000e+00 : f32
    %broadcast_in_dim3A_2029 = vector.broadcast %broadcast_in_dim3A_2028 : f32 to vector<16xf32>
    %swap3A_2030 = arith.constant 31 : i32
    %swap3A_2031 = arith.index_cast %swap3A_2030 : i32 to index
    %swap3A_2032 = arith.constant 80 : index
    %swap3A_2033 = tpu.vector_load %arg12[%swap3A_2031, %swap3A_2032] {strides = array<i32>} : memref<32x128xf32, #tpu.memory_space<vmem>>, vector<1x16xf32>,
    %swap3A_2034 = vector.shape_cast %swap3A_2033 : vector<1x16xf32> to vector<16xf32>
    %swap3A_2035 = vector.shape_cast %broadcast_in_dim3A_2029 : vector<16xf32> to vector<1x16xf32>
    tpu.vector_store %arg12[%swap3A_2031, %swap3A_2032], %swap3A_2035 {strides = array<i32>} : memref<32x128xf32, #tpu.memory_space<vmem>>, vector<1x16xf32>,
    %broadcast_in_dim3A_2036 = arith.constant 0.000000e+00 : f32
    %broadcast_in_dim3A_2037 = vector.broadcast %broadcast_in_dim3A_2036 : f32 to vector<16xf32>
    %swap3A_2038 = arith.constant 31 : i32
    %swap3A_2039 = arith.index_cast %swap3A_2038 : i32 to index
    %swap3A_2040 = arith.constant 96 : index
    %swap3A_2041 = tpu.vector_load %arg12[%swap3A_2039, %swap3A_2040] {strides = array<i32>} : memref<32x128xf32, #tpu.memory_space<vmem>>, vector<1x16xf32>,
    %swap3A_2042 = vector.shape_cast %swap3A_2041 : vector<1x16xf32> to vector<16xf32>
    %swap3A_2043 = vector.shape_cast %broadcast_in_dim3A_2037 : vector<16xf32> to vector<1x16xf32>
    tpu.vector_store %arg12[%swap3A_2039, %swap3A_2040], %swap3A_2043 {strides = array<i32>} : memref<32x128xf32, #tpu.memory_space<vmem>>, vector<1x16xf32>,
    %broadcast_in_dim3A_2044 = arith.constant 0.000000e+00 : f32
    %broadcast_in_dim3A_2045 = vector.broadcast %broadcast_in_dim3A_2044 : f32 to vector<16xf32>
    %swap3A_2046 = arith.constant 31 : i32
    %swap3A_2047 = arith.index_cast %swap3A_2046 : i32 to index
    %swap3A_2048 = arith.constant 112 : index
    %swap3A_2049 = tpu.vector_load %arg12[%swap3A_2047, %swap3A_2048] {strides = array<i32>} : memref<32x128xf32, #tpu.memory_space<vmem>>, vector<1x16xf32>,
    %swap3A_2050 = vector.shape_cast %swap3A_2049 : vector<1x16xf32> to vector<16xf32>
    %swap3A_2051 = vector.shape_cast %broadcast_in_dim3A_2045 : vector<16xf32> to vector<1x16xf32>
    tpu.vector_store %arg12[%swap3A_2047, %swap3A_2048], %swap3A_2051 {strides = array<i32>} : memref<32x128xf32, #tpu.memory_space<vmem>>, vector<1x16xf32>,
    %add3A_2052 = arith.constant 0 : i32
    %add3A_2053 = arith.addi %mul3A_5, %add3A_2052 : i32
    "tpu.region"() ({
      %run_scoped3A = tpu.sem_alloc : memref<!tpu.dma_semaphore, #tpu.memory_space<semaphore_mem>>
      %dma_start3A_2445 = arith.constant 0 : i32
      %dma_start3A_2446 = tpu.memref_slice %arg14[%add3A_2053, %dma_start3A_2445] : memref<5120x128xf32, #tpu.memory_space<vmem_shared>> -> memref<32x128xf32, #tpu.memory_space<vmem_shared>>
      %dma_start3A_2447 = arith.constant 0 : i32
      %dma_start3A_2448 = tpu.memref_slice %arg14[%add3A_2053, %dma_start3A_2447] : memref<5120x128xf32, #tpu.memory_space<vmem_shared>> -> memref<32x128xf32, #tpu.memory_space<vmem_shared>>
      tpu.enqueue_dma source(%arg12 : memref<32x128xf32, #tpu.memory_space<vmem>>) target(%dma_start3A_2448 : memref<32x128xf32, #tpu.memory_space<vmem_shared>>) target_semaphore(%run_scoped3A : memref<!tpu.dma_semaphore, #tpu.memory_space<semaphore_mem>>)
      %dma_wait3A_2449 = arith.constant 0 : i32
      %dma_wait3A_2450 = tpu.memref_slice %arg14[%add3A_2053, %dma_wait3A_2449] : memref<5120x128xf32, #tpu.memory_space<vmem_shared>> -> memref<32x128xf32, #tpu.memory_space<vmem_shared>>
      %dma_wait3A_2451 = arith.constant 0 : i32
      %dma_wait3A_2452 = tpu.memref_slice %arg14[%add3A_2053, %dma_wait3A_2451] : memref<5120x128xf32, #tpu.memory_space<vmem_shared>> -> memref<32x128xf32, #tpu.memory_space<vmem_shared>>
      tpu.wait_dma2 semaphore(%run_scoped3A : memref<!tpu.dma_semaphore, #tpu.memory_space<semaphore_mem>>) src(%arg12 : memref<32x128xf32, #tpu.memory_space<vmem>>) dst(%dma_wait3A_2452 : memref<32x128xf32, #tpu.memory_space<vmem_shared>>)
      tpu.yield
    }) : () -> ()
    %add3A_2054 = arith.constant 32 : i32
    %add3A_2055 = arith.addi %mul3A_5, %add3A_2054 : i32
    "tpu.region"() ({
      %run_scoped3A = tpu.sem_alloc : memref<!tpu.dma_semaphore, #tpu.memory_space<semaphore_mem>>
      %dma_start3A_2445 = arith.constant 0 : i32
      %dma_start3A_2446 = tpu.memref_slice %arg14[%add3A_2055, %dma_start3A_2445] : memref<5120x128xf32, #tpu.memory_space<vmem_shared>> -> memref<32x128xf32, #tpu.memory_space<vmem_shared>>
      %dma_start3A_2447 = arith.constant 0 : i32
      %dma_start3A_2448 = tpu.memref_slice %arg14[%add3A_2055, %dma_start3A_2447] : memref<5120x128xf32, #tpu.memory_space<vmem_shared>> -> memref<32x128xf32, #tpu.memory_space<vmem_shared>>
      tpu.enqueue_dma source(%arg12 : memref<32x128xf32, #tpu.memory_space<vmem>>) target(%dma_start3A_2448 : memref<32x128xf32, #tpu.memory_space<vmem_shared>>) target_semaphore(%run_scoped3A : memref<!tpu.dma_semaphore, #tpu.memory_space<semaphore_mem>>)
      %dma_wait3A_2449 = arith.constant 0 : i32
      %dma_wait3A_2450 = tpu.memref_slice %arg14[%add3A_2055, %dma_wait3A_2449] : memref<5120x128xf32, #tpu.memory_space<vmem_shared>> -> memref<32x128xf32, #tpu.memory_space<vmem_shared>>
      %dma_wait3A_2451 = arith.constant 0 : i32
      %dma_wait3A_2452 = tpu.memref_slice %arg14[%add3A_2055, %dma_wait3A_2451] : memref<5120x128xf32, #tpu.memory_space<vmem_shared>> -> memref<32x128xf32, #tpu.memory_space<vmem_shared>>
      tpu.wait_dma2 semaphore(%run_scoped3A : memref<!tpu.dma_semaphore, #tpu.memory_space<semaphore_mem>>) src(%arg12 : memref<32x128xf32, #tpu.memory_space<vmem>>) dst(%dma_wait3A_2452 : memref<32x128xf32, #tpu.memory_space<vmem_shared>>)
      tpu.yield
    }) : () -> ()
    %add3A_2056 = arith.constant 64 : i32
    %add3A_2057 = arith.addi %mul3A_5, %add3A_2056 : i32
    "tpu.region"() ({
      %run_scoped3A = tpu.sem_alloc : memref<!tpu.dma_semaphore, #tpu.memory_space<semaphore_mem>>
      %dma_start3A_2445 = arith.constant 0 : i32
      %dma_start3A_2446 = tpu.memref_slice %arg14[%add3A_2057, %dma_start3A_2445] : memref<5120x128xf32, #tpu.memory_space<vmem_shared>> -> memref<32x128xf32, #tpu.memory_space<vmem_shared>>
      %dma_start3A_2447 = arith.constant 0 : i32
      %dma_start3A_2448 = tpu.memref_slice %arg14[%add3A_2057, %dma_start3A_2447] : memref<5120x128xf32, #tpu.memory_space<vmem_shared>> -> memref<32x128xf32, #tpu.memory_space<vmem_shared>>
      tpu.enqueue_dma source(%arg12 : memref<32x128xf32, #tpu.memory_space<vmem>>) target(%dma_start3A_2448 : memref<32x128xf32, #tpu.memory_space<vmem_shared>>) target_semaphore(%run_scoped3A : memref<!tpu.dma_semaphore, #tpu.memory_space<semaphore_mem>>)
      %dma_wait3A_2449 = arith.constant 0 : i32
      %dma_wait3A_2450 = tpu.memref_slice %arg14[%add3A_2057, %dma_wait3A_2449] : memref<5120x128xf32, #tpu.memory_space<vmem_shared>> -> memref<32x128xf32, #tpu.memory_space<vmem_shared>>
      %dma_wait3A_2451 = arith.constant 0 : i32
      %dma_wait3A_2452 = tpu.memref_slice %arg14[%add3A_2057, %dma_wait3A_2451] : memref<5120x128xf32, #tpu.memory_space<vmem_shared>> -> memref<32x128xf32, #tpu.memory_space<vmem_shared>>
      tpu.wait_dma2 semaphore(%run_scoped3A : memref<!tpu.dma_semaphore, #tpu.memory_space<semaphore_mem>>) src(%arg12 : memref<32x128xf32, #tpu.memory_space<vmem>>) dst(%dma_wait3A_2452 : memref<32x128xf32, #tpu.memory_space<vmem_shared>>)
      tpu.yield
    }) : () -> ()
    %add3A_2058 = arith.constant 96 : i32
    %add3A_2059 = arith.addi %mul3A_5, %add3A_2058 : i32
    "tpu.region"() ({
      %run_scoped3A = tpu.sem_alloc : memref<!tpu.dma_semaphore, #tpu.memory_space<semaphore_mem>>
      %dma_start3A_2445 = arith.constant 0 : i32
      %dma_start3A_2446 = tpu.memref_slice %arg14[%add3A_2059, %dma_start3A_2445] : memref<5120x128xf32, #tpu.memory_space<vmem_shared>> -> memref<32x128xf32, #tpu.memory_space<vmem_shared>>
      %dma_start3A_2447 = arith.constant 0 : i32
      %dma_start3A_2448 = tpu.memref_slice %arg14[%add3A_2059, %dma_start3A_2447] : memref<5120x128xf32, #tpu.memory_space<vmem_shared>> -> memref<32x128xf32, #tpu.memory_space<vmem_shared>>
      tpu.enqueue_dma source(%arg12 : memref<32x128xf32, #tpu.memory_space<vmem>>) target(%dma_start3A_2448 : memref<32x128xf32, #tpu.memory_space<vmem_shared>>) target_semaphore(%run_scoped3A : memref<!tpu.dma_semaphore, #tpu.memory_space<semaphore_mem>>)
      %dma_wait3A_2449 = arith.constant 0 : i32
      %dma_wait3A_2450 = tpu.memref_slice %arg14[%add3A_2059, %dma_wait3A_2449] : memref<5120x128xf32, #tpu.memory_space<vmem_shared>> -> memref<32x128xf32, #tpu.memory_space<vmem_shared>>
      %dma_wait3A_2451 = arith.constant 0 : i32
      %dma_wait3A_2452 = tpu.memref_slice %arg14[%add3A_2059, %dma_wait3A_2451] : memref<5120x128xf32, #tpu.memory_space<vmem_shared>> -> memref<32x128xf32, #tpu.memory_space<vmem_shared>>
      tpu.wait_dma2 semaphore(%run_scoped3A : memref<!tpu.dma_semaphore, #tpu.memory_space<semaphore_mem>>) src(%arg12 : memref<32x128xf32, #tpu.memory_space<vmem>>) dst(%dma_wait3A_2452 : memref<32x128xf32, #tpu.memory_space<vmem_shared>>)
      tpu.yield
    }) : () -> ()
    %add3A_2060 = arith.constant 128 : i32
    %add3A_2061 = arith.addi %mul3A_5, %add3A_2060 : i32
    "tpu.region"() ({
      %run_scoped3A = tpu.sem_alloc : memref<!tpu.dma_semaphore, #tpu.memory_space<semaphore_mem>>
      %dma_start3A_2445 = arith.constant 0 : i32
      %dma_start3A_2446 = tpu.memref_slice %arg14[%add3A_2061, %dma_start3A_2445] : memref<5120x128xf32, #tpu.memory_space<vmem_shared>> -> memref<32x128xf32, #tpu.memory_space<vmem_shared>>
      %dma_start3A_2447 = arith.constant 0 : i32
      %dma_start3A_2448 = tpu.memref_slice %arg14[%add3A_2061, %dma_start3A_2447] : memref<5120x128xf32, #tpu.memory_space<vmem_shared>> -> memref<32x128xf32, #tpu.memory_space<vmem_shared>>
      tpu.enqueue_dma source(%arg12 : memref<32x128xf32, #tpu.memory_space<vmem>>) target(%dma_start3A_2448 : memref<32x128xf32, #tpu.memory_space<vmem_shared>>) target_semaphore(%run_scoped3A : memref<!tpu.dma_semaphore, #tpu.memory_space<semaphore_mem>>)
      %dma_wait3A_2449 = arith.constant 0 : i32
      %dma_wait3A_2450 = tpu.memref_slice %arg14[%add3A_2061, %dma_wait3A_2449] : memref<5120x128xf32, #tpu.memory_space<vmem_shared>> -> memref<32x128xf32, #tpu.memory_space<vmem_shared>>
      %dma_wait3A_2451 = arith.constant 0 : i32
      %dma_wait3A_2452 = tpu.memref_slice %arg14[%add3A_2061, %dma_wait3A_2451] : memref<5120x128xf32, #tpu.memory_space<vmem_shared>> -> memref<32x128xf32, #tpu.memory_space<vmem_shared>>
      tpu.wait_dma2 semaphore(%run_scoped3A : memref<!tpu.dma_semaphore, #tpu.memory_space<semaphore_mem>>) src(%arg12 : memref<32x128xf32, #tpu.memory_space<vmem>>) dst(%dma_wait3A_2452 : memref<32x128xf32, #tpu.memory_space<vmem_shared>>)
      tpu.yield
    }) : () -> ()
    %add3A_2062 = arith.constant 160 : i32
    %add3A_2063 = arith.addi %mul3A_5, %add3A_2062 : i32
    "tpu.region"() ({
      %run_scoped3A = tpu.sem_alloc : memref<!tpu.dma_semaphore, #tpu.memory_space<semaphore_mem>>
      %dma_start3A_2445 = arith.constant 0 : i32
      %dma_start3A_2446 = tpu.memref_slice %arg14[%add3A_2063, %dma_start3A_2445] : memref<5120x128xf32, #tpu.memory_space<vmem_shared>> -> memref<32x128xf32, #tpu.memory_space<vmem_shared>>
      %dma_start3A_2447 = arith.constant 0 : i32
      %dma_start3A_2448 = tpu.memref_slice %arg14[%add3A_2063, %dma_start3A_2447] : memref<5120x128xf32, #tpu.memory_space<vmem_shared>> -> memref<32x128xf32, #tpu.memory_space<vmem_shared>>
      tpu.enqueue_dma source(%arg12 : memref<32x128xf32, #tpu.memory_space<vmem>>) target(%dma_start3A_2448 : memref<32x128xf32, #tpu.memory_space<vmem_shared>>) target_semaphore(%run_scoped3A : memref<!tpu.dma_semaphore, #tpu.memory_space<semaphore_mem>>)
      %dma_wait3A_2449 = arith.constant 0 : i32
      %dma_wait3A_2450 = tpu.memref_slice %arg14[%add3A_2063, %dma_wait3A_2449] : memref<5120x128xf32, #tpu.memory_space<vmem_shared>> -> memref<32x128xf32, #tpu.memory_space<vmem_shared>>
      %dma_wait3A_2451 = arith.constant 0 : i32
      %dma_wait3A_2452 = tpu.memref_slice %arg14[%add3A_2063, %dma_wait3A_2451] : memref<5120x128xf32, #tpu.memory_space<vmem_shared>> -> memref<32x128xf32, #tpu.memory_space<vmem_shared>>
      tpu.wait_dma2 semaphore(%run_scoped3A : memref<!tpu.dma_semaphore, #tpu.memory_space<semaphore_mem>>) src(%arg12 : memref<32x128xf32, #tpu.memory_space<vmem>>) dst(%dma_wait3A_2452 : memref<32x128xf32, #tpu.memory_space<vmem_shared>>)
      tpu.yield
    }) : () -> ()
    %add3A_2064 = arith.constant 192 : i32
    %add3A_2065 = arith.addi %mul3A_5, %add3A_2064 : i32
    "tpu.region"() ({
      %run_scoped3A = tpu.sem_alloc : memref<!tpu.dma_semaphore, #tpu.memory_space<semaphore_mem>>
      %dma_start3A_2445 = arith.constant 0 : i32
      %dma_start3A_2446 = tpu.memref_slice %arg14[%add3A_2065, %dma_start3A_2445] : memref<5120x128xf32, #tpu.memory_space<vmem_shared>> -> memref<32x128xf32, #tpu.memory_space<vmem_shared>>
      %dma_start3A_2447 = arith.constant 0 : i32
      %dma_start3A_2448 = tpu.memref_slice %arg14[%add3A_2065, %dma_start3A_2447] : memref<5120x128xf32, #tpu.memory_space<vmem_shared>> -> memref<32x128xf32, #tpu.memory_space<vmem_shared>>
      tpu.enqueue_dma source(%arg12 : memref<32x128xf32, #tpu.memory_space<vmem>>) target(%dma_start3A_2448 : memref<32x128xf32, #tpu.memory_space<vmem_shared>>) target_semaphore(%run_scoped3A : memref<!tpu.dma_semaphore, #tpu.memory_space<semaphore_mem>>)
      %dma_wait3A_2449 = arith.constant 0 : i32
      %dma_wait3A_2450 = tpu.memref_slice %arg14[%add3A_2065, %dma_wait3A_2449] : memref<5120x128xf32, #tpu.memory_space<vmem_shared>> -> memref<32x128xf32, #tpu.memory_space<vmem_shared>>
      %dma_wait3A_2451 = arith.constant 0 : i32
      %dma_wait3A_2452 = tpu.memref_slice %arg14[%add3A_2065, %dma_wait3A_2451] : memref<5120x128xf32, #tpu.memory_space<vmem_shared>> -> memref<32x128xf32, #tpu.memory_space<vmem_shared>>
      tpu.wait_dma2 semaphore(%run_scoped3A : memref<!tpu.dma_semaphore, #tpu.memory_space<semaphore_mem>>) src(%arg12 : memref<32x128xf32, #tpu.memory_space<vmem>>) dst(%dma_wait3A_2452 : memref<32x128xf32, #tpu.memory_space<vmem_shared>>)
      tpu.yield
    }) : () -> ()
    %add3A_2066 = arith.constant 224 : i32
    %add3A_2067 = arith.addi %mul3A_5, %add3A_2066 : i32
    "tpu.region"() ({
      %run_scoped3A = tpu.sem_alloc : memref<!tpu.dma_semaphore, #tpu.memory_space<semaphore_mem>>
      %dma_start3A_2445 = arith.constant 0 : i32
      %dma_start3A_2446 = tpu.memref_slice %arg14[%add3A_2067, %dma_start3A_2445] : memref<5120x128xf32, #tpu.memory_space<vmem_shared>> -> memref<32x128xf32, #tpu.memory_space<vmem_shared>>
      %dma_start3A_2447 = arith.constant 0 : i32
      %dma_start3A_2448 = tpu.memref_slice %arg14[%add3A_2067, %dma_start3A_2447] : memref<5120x128xf32, #tpu.memory_space<vmem_shared>> -> memref<32x128xf32, #tpu.memory_space<vmem_shared>>
      tpu.enqueue_dma source(%arg12 : memref<32x128xf32, #tpu.memory_space<vmem>>) target(%dma_start3A_2448 : memref<32x128xf32, #tpu.memory_space<vmem_shared>>) target_semaphore(%run_scoped3A : memref<!tpu.dma_semaphore, #tpu.memory_space<semaphore_mem>>)
      %dma_wait3A_2449 = arith.constant 0 : i32
      %dma_wait3A_2450 = tpu.memref_slice %arg14[%add3A_2067, %dma_wait3A_2449] : memref<5120x128xf32, #tpu.memory_space<vmem_shared>> -> memref<32x128xf32, #tpu.memory_space<vmem_shared>>
      %dma_wait3A_2451 = arith.constant 0 : i32
      %dma_wait3A_2452 = tpu.memref_slice %arg14[%add3A_2067, %dma_wait3A_2451] : memref<5120x128xf32, #tpu.memory_space<vmem_shared>> -> memref<32x128xf32, #tpu.memory_space<vmem_shared>>
      tpu.wait_dma2 semaphore(%run_scoped3A : memref<!tpu.dma_semaphore, #tpu.memory_space<semaphore_mem>>) src(%arg12 : memref<32x128xf32, #tpu.memory_space<vmem>>) dst(%dma_wait3A_2452 : memref<32x128xf32, #tpu.memory_space<vmem_shared>>)
      tpu.yield
    }) : () -> ()
    %add3A_2068 = arith.constant 256 : i32
    %add3A_2069 = arith.addi %mul3A_5, %add3A_2068 : i32
    "tpu.region"() ({
      %run_scoped3A = tpu.sem_alloc : memref<!tpu.dma_semaphore, #tpu.memory_space<semaphore_mem>>
      %dma_start3A_2445 = arith.constant 0 : i32
      %dma_start3A_2446 = tpu.memref_slice %arg14[%add3A_2069, %dma_start3A_2445] : memref<5120x128xf32, #tpu.memory_space<vmem_shared>> -> memref<32x128xf32, #tpu.memory_space<vmem_shared>>
      %dma_start3A_2447 = arith.constant 0 : i32
      %dma_start3A_2448 = tpu.memref_slice %arg14[%add3A_2069, %dma_start3A_2447] : memref<5120x128xf32, #tpu.memory_space<vmem_shared>> -> memref<32x128xf32, #tpu.memory_space<vmem_shared>>
      tpu.enqueue_dma source(%arg12 : memref<32x128xf32, #tpu.memory_space<vmem>>) target(%dma_start3A_2448 : memref<32x128xf32, #tpu.memory_space<vmem_shared>>) target_semaphore(%run_scoped3A : memref<!tpu.dma_semaphore, #tpu.memory_space<semaphore_mem>>)
      %dma_wait3A_2449 = arith.constant 0 : i32
      %dma_wait3A_2450 = tpu.memref_slice %arg14[%add3A_2069, %dma_wait3A_2449] : memref<5120x128xf32, #tpu.memory_space<vmem_shared>> -> memref<32x128xf32, #tpu.memory_space<vmem_shared>>
      %dma_wait3A_2451 = arith.constant 0 : i32
      %dma_wait3A_2452 = tpu.memref_slice %arg14[%add3A_2069, %dma_wait3A_2451] : memref<5120x128xf32, #tpu.memory_space<vmem_shared>> -> memref<32x128xf32, #tpu.memory_space<vmem_shared>>
      tpu.wait_dma2 semaphore(%run_scoped3A : memref<!tpu.dma_semaphore, #tpu.memory_space<semaphore_mem>>) src(%arg12 : memref<32x128xf32, #tpu.memory_space<vmem>>) dst(%dma_wait3A_2452 : memref<32x128xf32, #tpu.memory_space<vmem_shared>>)
      tpu.yield
    }) : () -> ()
    %add3A_2070 = arith.constant 288 : i32
    %add3A_2071 = arith.addi %mul3A_5, %add3A_2070 : i32
    "tpu.region"() ({
      %run_scoped3A = tpu.sem_alloc : memref<!tpu.dma_semaphore, #tpu.memory_space<semaphore_mem>>
      %dma_start3A_2445 = arith.constant 0 : i32
      %dma_start3A_2446 = tpu.memref_slice %arg14[%add3A_2071, %dma_start3A_2445] : memref<5120x128xf32, #tpu.memory_space<vmem_shared>> -> memref<32x128xf32, #tpu.memory_space<vmem_shared>>
      %dma_start3A_2447 = arith.constant 0 : i32
      %dma_start3A_2448 = tpu.memref_slice %arg14[%add3A_2071, %dma_start3A_2447] : memref<5120x128xf32, #tpu.memory_space<vmem_shared>> -> memref<32x128xf32, #tpu.memory_space<vmem_shared>>
      tpu.enqueue_dma source(%arg12 : memref<32x128xf32, #tpu.memory_space<vmem>>) target(%dma_start3A_2448 : memref<32x128xf32, #tpu.memory_space<vmem_shared>>) target_semaphore(%run_scoped3A : memref<!tpu.dma_semaphore, #tpu.memory_space<semaphore_mem>>)
      %dma_wait3A_2449 = arith.constant 0 : i32
      %dma_wait3A_2450 = tpu.memref_slice %arg14[%add3A_2071, %dma_wait3A_2449] : memref<5120x128xf32, #tpu.memory_space<vmem_shared>> -> memref<32x128xf32, #tpu.memory_space<vmem_shared>>
      %dma_wait3A_2451 = arith.constant 0 : i32
      %dma_wait3A_2452 = tpu.memref_slice %arg14[%add3A_2071, %dma_wait3A_2451] : memref<5120x128xf32, #tpu.memory_space<vmem_shared>> -> memref<32x128xf32, #tpu.memory_space<vmem_shared>>
      tpu.wait_dma2 semaphore(%run_scoped3A : memref<!tpu.dma_semaphore, #tpu.memory_space<semaphore_mem>>) src(%arg12 : memref<32x128xf32, #tpu.memory_space<vmem>>) dst(%dma_wait3A_2452 : memref<32x128xf32, #tpu.memory_space<vmem_shared>>)
      tpu.yield
    }) : () -> ()
    "tpu.region"() ({
      %run_scoped3A = tpu.sem_alloc : memref<!tpu.dma_semaphore, #tpu.memory_space<semaphore_mem>>
      %dma_start3A_2445 = tpu.memref_slice %arg3[%min3A_3] : memref<10000xi32, #tpu.memory_space<hbm>> -> memref<320xi32, #tpu.memory_space<hbm>>
      %dma_start3A_2446 = tpu.memref_slice %arg3[%min3A_3] : memref<10000xi32, #tpu.memory_space<hbm>> -> memref<320xi32, #tpu.memory_space<hbm>>
      tpu.enqueue_dma source(%dma_start3A_2446 : memref<320xi32, #tpu.memory_space<hbm>>) target(%arg9 : memref<320xi32, #tpu.memory_space<vmem>>) target_semaphore(%run_scoped3A : memref<!tpu.dma_semaphore, #tpu.memory_space<semaphore_mem>>)
      %dma_wait3A_2447 = tpu.memref_slice %arg3[%min3A_3] : memref<10000xi32, #tpu.memory_space<hbm>> -> memref<320xi32, #tpu.memory_space<hbm>>
      %dma_wait3A_2448 = tpu.memref_slice %arg3[%min3A_3] : memref<10000xi32, #tpu.memory_space<hbm>> -> memref<320xi32, #tpu.memory_space<hbm>>
      tpu.wait_dma2 semaphore(%run_scoped3A : memref<!tpu.dma_semaphore, #tpu.memory_space<semaphore_mem>>) src(%dma_wait3A_2448 : memref<320xi32, #tpu.memory_space<hbm>>) dst(%arg9 : memref<320xi32, #tpu.memory_space<vmem>>)
      tpu.yield
    }) : () -> ()
    %mul3A_2072 = arith.constant 16 : i32
    %mul3A_2073 = arith.muli %min3A_3, %mul3A_2072 : i32
    "tpu.region"() ({
      %run_scoped3A = tpu.sem_alloc : memref<!tpu.dma_semaphore, #tpu.memory_space<semaphore_mem>>
      %dma_start3A_2445 = tpu.memref_slice %arg4[%mul3A_2073] : memref<160000xi32, #tpu.memory_space<hbm>> -> memref<5120xi32, #tpu.memory_space<hbm>>
      %dma_start3A_2446 = tpu.memref_slice %arg4[%mul3A_2073] : memref<160000xi32, #tpu.memory_space<hbm>> -> memref<5120xi32, #tpu.memory_space<hbm>>
      tpu.enqueue_dma source(%dma_start3A_2446 : memref<5120xi32, #tpu.memory_space<hbm>>) target(%arg10 : memref<5120xi32, #tpu.memory_space<vmem>>) target_semaphore(%run_scoped3A : memref<!tpu.dma_semaphore, #tpu.memory_space<semaphore_mem>>)
      %dma_wait3A_2447 = tpu.memref_slice %arg4[%mul3A_2073] : memref<160000xi32, #tpu.memory_space<hbm>> -> memref<5120xi32, #tpu.memory_space<hbm>>
      %dma_wait3A_2448 = tpu.memref_slice %arg4[%mul3A_2073] : memref<160000xi32, #tpu.memory_space<hbm>> -> memref<5120xi32, #tpu.memory_space<hbm>>
      tpu.wait_dma2 semaphore(%run_scoped3A : memref<!tpu.dma_semaphore, #tpu.memory_space<semaphore_mem>>) src(%dma_wait3A_2448 : memref<5120xi32, #tpu.memory_space<hbm>>) dst(%arg10 : memref<5120xi32, #tpu.memory_space<vmem>>)
      tpu.yield
    }) : () -> ()
    %dma_start3A = arith.constant 0 : i32
    %dma_start3A_2074 = arith.constant 0 : i32
    %dma_start3A_2075 = arith.constant 0 : i32
    %dma_start3A_2076 = tpu.memref_slice %arg11[%dma_start3A, %dma_start3A_2074, %dma_start3A_2075] : memref<4x128x128xf32, #tpu.memory_space<vmem>> -> memref<1x128x128xf32, #tpu.memory_space<vmem>>
    %dma_start3A_2077 = tpu.memref_squeeze %dma_start3A_2076 : memref<1x128x128xf32, #tpu.memory_space<vmem>> -> memref<128x128xf32, #tpu.memory_space<vmem>>
    %dma_start3A_2078 = arith.constant 0 : i32
    %dma_start3A_2079 = tpu.memref_slice %arg10[%dma_start3A_2078] : memref<5120xi32, #tpu.memory_space<vmem>> -> memref<128xi32, #tpu.memory_space<vmem>>
    %dma_start3A_2080 = arith.constant 0 : i32
    %dma_start3A_2081 = arith.constant 0 : i32
    %dma_start3A_2082 = tpu.memref_slice %arg2[%dma_start3A_2080, %dma_start3A_2081] : memref<100000x128xf32, #tpu.memory_space<hbm>> -> memref<100000x128xf32, #tpu.memory_space<hbm>>
    tpu.enqueue_indirect_dma source(%dma_start3A_2082 : memref<100000x128xf32, #tpu.memory_space<hbm>>) target(%dma_start3A_2077 : memref<128x128xf32, #tpu.memory_space<vmem>>) offsets(%dma_start3A_2079 : memref<128xi32, #tpu.memory_space<vmem>>) semaphore(%arg15 : memref<!tpu.dma_semaphore, #tpu.memory_space<semaphore_mem>>)
    %dma_start3A_2083 = arith.constant 1 : i32
    %dma_start3A_2084 = arith.constant 0 : i32
    %dma_start3A_2085 = arith.constant 0 : i32
    %dma_start3A_2086 = tpu.memref_slice %arg11[%dma_start3A_2083, %dma_start3A_2084, %dma_start3A_2085] : memref<4x128x128xf32, #tpu.memory_space<vmem>> -> memref<1x128x128xf32, #tpu.memory_space<vmem>>
    %dma_start3A_2087 = tpu.memref_squeeze %dma_start3A_2086 : memref<1x128x128xf32, #tpu.memory_space<vmem>> -> memref<128x128xf32, #tpu.memory_space<vmem>>
    %dma_start3A_2088 = arith.constant 128 : i32
    %dma_start3A_2089 = tpu.memref_slice %arg10[%dma_start3A_2088] : memref<5120xi32, #tpu.memory_space<vmem>> -> memref<128xi32, #tpu.memory_space<vmem>>
    %dma_start3A_2090 = arith.constant 0 : i32
    %dma_start3A_2091 = arith.constant 0 : i32
    %dma_start3A_2092 = tpu.memref_slice %arg2[%dma_start3A_2090, %dma_start3A_2091] : memref<100000x128xf32, #tpu.memory_space<hbm>> -> memref<100000x128xf32, #tpu.memory_space<hbm>>
    tpu.enqueue_indirect_dma source(%dma_start3A_2092 : memref<100000x128xf32, #tpu.memory_space<hbm>>) target(%dma_start3A_2087 : memref<128x128xf32, #tpu.memory_space<vmem>>) offsets(%dma_start3A_2089 : memref<128xi32, #tpu.memory_space<vmem>>) semaphore(%arg16 : memref<!tpu.dma_semaphore, #tpu.memory_space<semaphore_mem>>)
    %dma_start3A_2093 = arith.constant 2 : i32
    %dma_start3A_2094 = arith.constant 0 : i32
    %dma_start3A_2095 = arith.constant 0 : i32
    %dma_start3A_2096 = tpu.memref_slice %arg11[%dma_start3A_2093, %dma_start3A_2094, %dma_start3A_2095] : memref<4x128x128xf32, #tpu.memory_space<vmem>> -> memref<1x128x128xf32, #tpu.memory_space<vmem>>
    %dma_start3A_2097 = tpu.memref_squeeze %dma_start3A_2096 : memref<1x128x128xf32, #tpu.memory_space<vmem>> -> memref<128x128xf32, #tpu.memory_space<vmem>>
    %dma_start3A_2098 = arith.constant 256 : i32
    %dma_start3A_2099 = tpu.memref_slice %arg10[%dma_start3A_2098] : memref<5120xi32, #tpu.memory_space<vmem>> -> memref<128xi32, #tpu.memory_space<vmem>>
    %dma_start3A_2100 = arith.constant 0 : i32
    %dma_start3A_2101 = arith.constant 0 : i32
    %dma_start3A_2102 = tpu.memref_slice %arg2[%dma_start3A_2100, %dma_start3A_2101] : memref<100000x128xf32, #tpu.memory_space<hbm>> -> memref<100000x128xf32, #tpu.memory_space<hbm>>
    tpu.enqueue_indirect_dma source(%dma_start3A_2102 : memref<100000x128xf32, #tpu.memory_space<hbm>>) target(%dma_start3A_2097 : memref<128x128xf32, #tpu.memory_space<vmem>>) offsets(%dma_start3A_2099 : memref<128xi32, #tpu.memory_space<vmem>>) semaphore(%arg17 : memref<!tpu.dma_semaphore, #tpu.memory_space<semaphore_mem>>)
    %dma_start3A_2103 = arith.constant 3 : i32
    %dma_start3A_2104 = arith.constant 0 : i32
    %dma_start3A_2105 = arith.constant 0 : i32
    %dma_start3A_2106 = tpu.memref_slice %arg11[%dma_start3A_2103, %dma_start3A_2104, %dma_start3A_2105] : memref<4x128x128xf32, #tpu.memory_space<vmem>> -> memref<1x128x128xf32, #tpu.memory_space<vmem>>
    %dma_start3A_2107 = tpu.memref_squeeze %dma_start3A_2106 : memref<1x128x128xf32, #tpu.memory_space<vmem>> -> memref<128x128xf32, #tpu.memory_space<vmem>>
    %dma_start3A_2108 = arith.constant 384 : i32
    %dma_start3A_2109 = tpu.memref_slice %arg10[%dma_start3A_2108] : memref<5120xi32, #tpu.memory_space<vmem>> -> memref<128xi32, #tpu.memory_space<vmem>>
    %dma_start3A_2110 = arith.constant 0 : i32
    %dma_start3A_2111 = arith.constant 0 : i32
    %dma_start3A_2112 = tpu.memref_slice %arg2[%dma_start3A_2110, %dma_start3A_2111] : memref<100000x128xf32, #tpu.memory_space<hbm>> -> memref<100000x128xf32, #tpu.memory_space<hbm>>
    tpu.enqueue_indirect_dma source(%dma_start3A_2112 : memref<100000x128xf32, #tpu.memory_space<hbm>>) target(%dma_start3A_2107 : memref<128x128xf32, #tpu.memory_space<vmem>>) offsets(%dma_start3A_2109 : memref<128xi32, #tpu.memory_space<vmem>>) semaphore(%arg18 : memref<!tpu.dma_semaphore, #tpu.memory_space<semaphore_mem>>)
    %scan3A = arith.constant 0 : i32
    %scan3A_2113 = arith.constant 10 : i32
    %scan3A_2114 = arith.addi %scan3A, %scan3A_2113 : i32
    %scan3A_2115 = arith.constant 1 : i32
    scf.for %scan3A_2445 = %scan3A to %scan3A_2114 step %scan3A_2115  : i32 {
      %mul3A_2446 = arith.constant 4 : i32
      %mul3A_2447 = arith.muli %scan3A_2445, %mul3A_2446 : i32
      %add3A_2448 = arith.constant 0 : i32
      %add3A_2449 = arith.addi %add3A_2448, %mul3A_2447 : i32
      %add3A_2450 = arith.constant 0 : i32
      %add3A_2451 = arith.addi %add3A_2449, %add3A_2450 : i32
      %sub3A = arith.constant 1 : i32
      %sub3A_2452 = arith.subi %add3A_2451, %sub3A : i32
      %ge3A = arith.constant 0 : i32
      %ge3A_2453 = arith.cmpi sge, %sub3A_2452, %ge3A : i32
      %add3A_2454 = arith.constant 4 : i32
      %add3A_2455 = arith.addi %sub3A_2452, %add3A_2454 : i32
      %lt3A = arith.constant 40 : i32
      %lt3A_2456 = arith.cmpi slt, %add3A_2455, %lt3A : i32
      %and3A = arith.andi %ge3A_2453, %lt3A_2456 : i1
      %convert_element_type3A = arith.extui %and3A : i1 to i32
      %cond3A = arith.constant 0 : i32
      %cond3A_2457 = arith.cmpi ne, %convert_element_type3A, %cond3A : i32
      scf.if %cond3A_2457 {
        %dma_wait3A_2972 = arith.constant 3 : i32
        %dma_wait3A_2973 = arith.constant 3 : i32
        %dma_wait3A_2974 = arith.constant 0 : i32
        %dma_wait3A_2975 = arith.constant 0 : i32
        %dma_wait3A_2976 = tpu.memref_slice %arg11[%dma_wait3A_2972, %dma_wait3A_2974, %dma_wait3A_2975] : memref<4x128x128xf32, #tpu.memory_space<vmem>> -> memref<1x128x128xf32, #tpu.memory_space<vmem>>
        %dma_wait3A_2977 = tpu.memref_squeeze %dma_wait3A_2976 : memref<1x128x128xf32, #tpu.memory_space<vmem>> -> memref<128x128xf32, #tpu.memory_space<vmem>>
        %dma_wait3A_2978 = arith.constant 0 : i32
        %dma_wait3A_2979 = tpu.memref_slice %arg13[%dma_wait3A_2973, %dma_wait3A_2978] : memref<4x128xi32, #tpu.memory_space<vmem>> -> memref<1x128xi32, #tpu.memory_space<vmem>>
        %dma_wait3A_2980 = tpu.memref_squeeze %dma_wait3A_2979 : memref<1x128xi32, #tpu.memory_space<vmem>> -> memref<128xi32, #tpu.memory_space<vmem>>
        %dma_wait3A_2981 = arith.constant 0 : i32
        %dma_wait3A_2982 = arith.constant 0 : i32
        %dma_wait3A_2983 = tpu.memref_slice %arg14[%dma_wait3A_2981, %dma_wait3A_2982] : memref<5120x128xf32, #tpu.memory_space<vmem_shared>> -> memref<5120x128xf32, #tpu.memory_space<vmem_shared>>
        tpu.wait_indirect_dma semaphore(%arg22 : memref<!tpu.dma_semaphore, #tpu.memory_space<semaphore_mem>>) src(%dma_wait3A_2977 : memref<128x128xf32, #tpu.memory_space<vmem>>) dst(%dma_wait3A_2983 : memref<5120x128xf32, #tpu.memory_space<vmem_shared>>)
        %add3A_2984 = arith.constant 4 : i32
        %add3A_2985 = arith.addi %sub3A_2452, %add3A_2984 : i32
        %mul3A_2986 = arith.constant 128 : i32
        %mul3A_2987 = arith.muli %add3A_2985, %mul3A_2986 : i32
        %dma_start3A_2988 = arith.constant 3 : i32
        %dma_start3A_2989 = arith.constant 0 : i32
        %dma_start3A_2990 = arith.constant 0 : i32
        %dma_start3A_2991 = tpu.memref_slice %arg11[%dma_start3A_2988, %dma_start3A_2989, %dma_start3A_2990] : memref<4x128x128xf32, #tpu.memory_space<vmem>> -> memref<1x128x128xf32, #tpu.memory_space<vmem>>
        %dma_start3A_2992 = tpu.memref_squeeze %dma_start3A_2991 : memref<1x128x128xf32, #tpu.memory_space<vmem>> -> memref<128x128xf32, #tpu.memory_space<vmem>>
        %dma_start3A_2993 = tpu.memref_slice %arg10[%mul3A_2987] : memref<5120xi32, #tpu.memory_space<vmem>> -> memref<128xi32, #tpu.memory_space<vmem>>
        %dma_start3A_2994 = arith.constant 0 : i32
        %dma_start3A_2995 = arith.constant 0 : i32
        %dma_start3A_2996 = tpu.memref_slice %arg2[%dma_start3A_2994, %dma_start3A_2995] : memref<100000x128xf32, #tpu.memory_space<hbm>> -> memref<100000x128xf32, #tpu.memory_space<hbm>>
        tpu.enqueue_indirect_dma source(%dma_start3A_2996 : memref<100000x128xf32, #tpu.memory_space<hbm>>) target(%dma_start3A_2992 : memref<128x128xf32, #tpu.memory_space<vmem>>) offsets(%dma_start3A_2993 : memref<128xi32, #tpu.memory_space<vmem>>) semaphore(%arg18 : memref<!tpu.dma_semaphore, #tpu.memory_space<semaphore_mem>>)
      } else {
      }
      %dma_wait3A_2458 = arith.constant 0 : i32
      %dma_wait3A_2459 = arith.constant 0 : i32
      %dma_wait3A_2460 = arith.constant 0 : i32
      %dma_wait3A_2461 = tpu.memref_slice %arg11[%dma_wait3A_2458, %dma_wait3A_2459, %dma_wait3A_2460] : memref<4x128x128xf32, #tpu.memory_space<vmem>> -> memref<1x128x128xf32, #tpu.memory_space<vmem>>
      %dma_wait3A_2462 = tpu.memref_squeeze %dma_wait3A_2461 : memref<1x128x128xf32, #tpu.memory_space<vmem>> -> memref<128x128xf32, #tpu.memory_space<vmem>>
      %dma_wait3A_2463 = arith.constant 0 : i32
      %dma_wait3A_2464 = tpu.memref_slice %arg10[%dma_wait3A_2463] : memref<5120xi32, #tpu.memory_space<vmem>> -> memref<128xi32, #tpu.memory_space<vmem>>
      %dma_wait3A_2465 = arith.constant 0 : i32
      %dma_wait3A_2466 = arith.constant 0 : i32
      %dma_wait3A_2467 = tpu.memref_slice %arg2[%dma_wait3A_2465, %dma_wait3A_2466] : memref<100000x128xf32, #tpu.memory_space<hbm>> -> memref<100000x128xf32, #tpu.memory_space<hbm>>
      tpu.wait_indirect_dma semaphore(%arg15 : memref<!tpu.dma_semaphore, #tpu.memory_space<semaphore_mem>>) src(%dma_wait3A_2467 : memref<100000x128xf32, #tpu.memory_space<hbm>>) dst(%dma_wait3A_2462 : memref<128x128xf32, #tpu.memory_space<vmem>>)
      %mul3A_2468 = arith.constant 8 : i32
      %mul3A_2469 = arith.muli %add3A_2451, %mul3A_2468 : i32
      %add3A_2470 = arith.addi %mul3A_5, %mul3A_2469 : i32
      %add3A_2471 = arith.constant 0 : i32
      %add3A_2472 = arith.addi %add3A_2470, %add3A_2471 : i32
      %broadcast_in_dim3A_2473 = vector.broadcast %add3A_2472 : i32 to vector<16xi32>
      %swap3A_2474 = arith.constant 0 : i32
      %swap3A_2475 = arith.index_cast %swap3A_2474 : i32 to index
      %swap3A_2476 = arith.constant 0 : index
      %swap3A_2477 = tpu.vector_load %arg13[%swap3A_2475, %swap3A_2476] {strides = array<i32>} : memref<4x128xi32, #tpu.memory_space<vmem>>, vector<1x16xi32>,
      %swap3A_2478 = vector.shape_cast %swap3A_2477 : vector<1x16xi32> to vector<16xi32>
      %swap3A_2479 = vector.shape_cast %broadcast_in_dim3A_2473 : vector<16xi32> to vector<1x16xi32>
      tpu.vector_store %arg13[%swap3A_2475, %swap3A_2476], %swap3A_2479 {strides = array<i32>} : memref<4x128xi32, #tpu.memory_space<vmem>>, vector<1x16xi32>,
      %mul3A_2480 = arith.constant 8 : i32
      %mul3A_2481 = arith.muli %add3A_2451, %mul3A_2480 : i32
      %add3A_2482 = arith.addi %mul3A_5, %mul3A_2481 : i32
      %add3A_2483 = arith.constant 1 : i32
      %add3A_2484 = arith.addi %add3A_2482, %add3A_2483 : i32
      %broadcast_in_dim3A_2485 = vector.broadcast %add3A_2484 : i32 to vector<16xi32>
      %swap3A_2486 = arith.constant 0 : i32
      %swap3A_2487 = arith.index_cast %swap3A_2486 : i32 to index
      %swap3A_2488 = arith.constant 16 : index
      %swap3A_2489 = tpu.vector_load %arg13[%swap3A_2487, %swap3A_2488] {strides = array<i32>} : memref<4x128xi32, #tpu.memory_space<vmem>>, vector<1x16xi32>,
      %swap3A_2490 = vector.shape_cast %swap3A_2489 : vector<1x16xi32> to vector<16xi32>
      %swap3A_2491 = vector.shape_cast %broadcast_in_dim3A_2485 : vector<16xi32> to vector<1x16xi32>
      tpu.vector_store %arg13[%swap3A_2487, %swap3A_2488], %swap3A_2491 {strides = array<i32>} : memref<4x128xi32, #tpu.memory_space<vmem>>, vector<1x16xi32>,
      %mul3A_2492 = arith.constant 8 : i32
      %mul3A_2493 = arith.muli %add3A_2451, %mul3A_2492 : i32
      %add3A_2494 = arith.addi %mul3A_5, %mul3A_2493 : i32
      %add3A_2495 = arith.constant 2 : i32
      %add3A_2496 = arith.addi %add3A_2494, %add3A_2495 : i32
      %broadcast_in_dim3A_2497 = vector.broadcast %add3A_2496 : i32 to vector<16xi32>
      %swap3A_2498 = arith.constant 0 : i32
      %swap3A_2499 = arith.index_cast %swap3A_2498 : i32 to index
      %swap3A_2500 = arith.constant 32 : index
      %swap3A_2501 = tpu.vector_load %arg13[%swap3A_2499, %swap3A_2500] {strides = array<i32>} : memref<4x128xi32, #tpu.memory_space<vmem>>, vector<1x16xi32>,
      %swap3A_2502 = vector.shape_cast %swap3A_2501 : vector<1x16xi32> to vector<16xi32>
      %swap3A_2503 = vector.shape_cast %broadcast_in_dim3A_2497 : vector<16xi32> to vector<1x16xi32>
      tpu.vector_store %arg13[%swap3A_2499, %swap3A_2500], %swap3A_2503 {strides = array<i32>} : memref<4x128xi32, #tpu.memory_space<vmem>>, vector<1x16xi32>,
      %mul3A_2504 = arith.constant 8 : i32
      %mul3A_2505 = arith.muli %add3A_2451, %mul3A_2504 : i32
      %add3A_2506 = arith.addi %mul3A_5, %mul3A_2505 : i32
      %add3A_2507 = arith.constant 3 : i32
      %add3A_2508 = arith.addi %add3A_2506, %add3A_2507 : i32
      %broadcast_in_dim3A_2509 = vector.broadcast %add3A_2508 : i32 to vector<16xi32>
      %swap3A_2510 = arith.constant 0 : i32
      %swap3A_2511 = arith.index_cast %swap3A_2510 : i32 to index
      %swap3A_2512 = arith.constant 48 : index
      %swap3A_2513 = tpu.vector_load %arg13[%swap3A_2511, %swap3A_2512] {strides = array<i32>} : memref<4x128xi32, #tpu.memory_space<vmem>>, vector<1x16xi32>,
      %swap3A_2514 = vector.shape_cast %swap3A_2513 : vector<1x16xi32> to vector<16xi32>
      %swap3A_2515 = vector.shape_cast %broadcast_in_dim3A_2509 : vector<16xi32> to vector<1x16xi32>
      tpu.vector_store %arg13[%swap3A_2511, %swap3A_2512], %swap3A_2515 {strides = array<i32>} : memref<4x128xi32, #tpu.memory_space<vmem>>, vector<1x16xi32>,
      %mul3A_2516 = arith.constant 8 : i32
      %mul3A_2517 = arith.muli %add3A_2451, %mul3A_2516 : i32
      %add3A_2518 = arith.addi %mul3A_5, %mul3A_2517 : i32
      %add3A_2519 = arith.constant 4 : i32
      %add3A_2520 = arith.addi %add3A_2518, %add3A_2519 : i32
      %broadcast_in_dim3A_2521 = vector.broadcast %add3A_2520 : i32 to vector<16xi32>
      %swap3A_2522 = arith.constant 0 : i32
      %swap3A_2523 = arith.index_cast %swap3A_2522 : i32 to index
      %swap3A_2524 = arith.constant 64 : index
      %swap3A_2525 = tpu.vector_load %arg13[%swap3A_2523, %swap3A_2524] {strides = array<i32>} : memref<4x128xi32, #tpu.memory_space<vmem>>, vector<1x16xi32>,
      %swap3A_2526 = vector.shape_cast %swap3A_2525 : vector<1x16xi32> to vector<16xi32>
      %swap3A_2527 = vector.shape_cast %broadcast_in_dim3A_2521 : vector<16xi32> to vector<1x16xi32>
      tpu.vector_store %arg13[%swap3A_2523, %swap3A_2524], %swap3A_2527 {strides = array<i32>} : memref<4x128xi32, #tpu.memory_space<vmem>>, vector<1x16xi32>,
      %mul3A_2528 = arith.constant 8 : i32
      %mul3A_2529 = arith.muli %add3A_2451, %mul3A_2528 : i32
      %add3A_2530 = arith.addi %mul3A_5, %mul3A_2529 : i32
      %add3A_2531 = arith.constant 5 : i32
      %add3A_2532 = arith.addi %add3A_2530, %add3A_2531 : i32
      %broadcast_in_dim3A_2533 = vector.broadcast %add3A_2532 : i32 to vector<16xi32>
      %swap3A_2534 = arith.constant 0 : i32
      %swap3A_2535 = arith.index_cast %swap3A_2534 : i32 to index
      %swap3A_2536 = arith.constant 80 : index
      %swap3A_2537 = tpu.vector_load %arg13[%swap3A_2535, %swap3A_2536] {strides = array<i32>} : memref<4x128xi32, #tpu.memory_space<vmem>>, vector<1x16xi32>,
      %swap3A_2538 = vector.shape_cast %swap3A_2537 : vector<1x16xi32> to vector<16xi32>
      %swap3A_2539 = vector.shape_cast %broadcast_in_dim3A_2533 : vector<16xi32> to vector<1x16xi32>
      tpu.vector_store %arg13[%swap3A_2535, %swap3A_2536], %swap3A_2539 {strides = array<i32>} : memref<4x128xi32, #tpu.memory_space<vmem>>, vector<1x16xi32>,
      %mul3A_2540 = arith.constant 8 : i32
      %mul3A_2541 = arith.muli %add3A_2451, %mul3A_2540 : i32
      %add3A_2542 = arith.addi %mul3A_5, %mul3A_2541 : i32
      %add3A_2543 = arith.constant 6 : i32
      %add3A_2544 = arith.addi %add3A_2542, %add3A_2543 : i32
      %broadcast_in_dim3A_2545 = vector.broadcast %add3A_2544 : i32 to vector<16xi32>
      %swap3A_2546 = arith.constant 0 : i32
      %swap3A_2547 = arith.index_cast %swap3A_2546 : i32 to index
      %swap3A_2548 = arith.constant 96 : index
      %swap3A_2549 = tpu.vector_load %arg13[%swap3A_2547, %swap3A_2548] {strides = array<i32>} : memref<4x128xi32, #tpu.memory_space<vmem>>, vector<1x16xi32>,
      %swap3A_2550 = vector.shape_cast %swap3A_2549 : vector<1x16xi32> to vector<16xi32>
      %swap3A_2551 = vector.shape_cast %broadcast_in_dim3A_2545 : vector<16xi32> to vector<1x16xi32>
      tpu.vector_store %arg13[%swap3A_2547, %swap3A_2548], %swap3A_2551 {strides = array<i32>} : memref<4x128xi32, #tpu.memory_space<vmem>>, vector<1x16xi32>,
      %mul3A_2552 = arith.constant 8 : i32
      %mul3A_2553 = arith.muli %add3A_2451, %mul3A_2552 : i32
      %add3A_2554 = arith.addi %mul3A_5, %mul3A_2553 : i32
      %add3A_2555 = arith.constant 7 : i32
      %add3A_2556 = arith.addi %add3A_2554, %add3A_2555 : i32
      %broadcast_in_dim3A_2557 = vector.broadcast %add3A_2556 : i32 to vector<16xi32>
      %swap3A_2558 = arith.constant 0 : i32
      %swap3A_2559 = arith.index_cast %swap3A_2558 : i32 to index
      %swap3A_2560 = arith.constant 112 : index
      %swap3A_2561 = tpu.vector_load %arg13[%swap3A_2559, %swap3A_2560] {strides = array<i32>} : memref<4x128xi32, #tpu.memory_space<vmem>>, vector<1x16xi32>,
      %swap3A_2562 = vector.shape_cast %swap3A_2561 : vector<1x16xi32> to vector<16xi32>
      %swap3A_2563 = vector.shape_cast %broadcast_in_dim3A_2557 : vector<16xi32> to vector<1x16xi32>
      tpu.vector_store %arg13[%swap3A_2559, %swap3A_2560], %swap3A_2563 {strides = array<i32>} : memref<4x128xi32, #tpu.memory_space<vmem>>, vector<1x16xi32>,
      %dma_start3A_2564 = arith.constant 0 : i32
      %dma_start3A_2565 = arith.constant 0 : i32
      %dma_start3A_2566 = arith.constant 0 : i32
      %dma_start3A_2567 = arith.constant 0 : i32
      %dma_start3A_2568 = tpu.memref_slice %arg11[%dma_start3A_2564, %dma_start3A_2566, %dma_start3A_2567] : memref<4x128x128xf32, #tpu.memory_space<vmem>> -> memref<1x128x128xf32, #tpu.memory_space<vmem>>
      %dma_start3A_2569 = tpu.memref_squeeze %dma_start3A_2568 : memref<1x128x128xf32, #tpu.memory_space<vmem>> -> memref<128x128xf32, #tpu.memory_space<vmem>>
      %dma_start3A_2570 = arith.constant 0 : i32
      %dma_start3A_2571 = tpu.memref_slice %arg13[%dma_start3A_2565, %dma_start3A_2570] : memref<4x128xi32, #tpu.memory_space<vmem>> -> memref<1x128xi32, #tpu.memory_space<vmem>>
      %dma_start3A_2572 = tpu.memref_squeeze %dma_start3A_2571 : memref<1x128xi32, #tpu.memory_space<vmem>> -> memref<128xi32, #tpu.memory_space<vmem>>
      %dma_start3A_2573 = arith.constant 0 : i32
      %dma_start3A_2574 = arith.constant 0 : i32
      %dma_start3A_2575 = tpu.memref_slice %arg14[%dma_start3A_2573, %dma_start3A_2574] : memref<5120x128xf32, #tpu.memory_space<vmem_shared>> -> memref<5120x128xf32, #tpu.memory_space<vmem_shared>>
      tpu.enqueue_indirect_dma source(%dma_start3A_2569 : memref<128x128xf32, #tpu.memory_space<vmem>>) target(%dma_start3A_2575 : memref<5120x128xf32, #tpu.memory_space<vmem_shared>>) offsets(%dma_start3A_2572 : memref<128xi32, #tpu.memory_space<vmem>>) semaphore(%arg19 : memref<!tpu.dma_semaphore, #tpu.memory_space<semaphore_mem>>) {add = true}
      %add3A_2576 = arith.constant 1 : i32
      %add3A_2577 = arith.addi %add3A_2449, %add3A_2576 : i32
      %sub3A_2578 = arith.constant 1 : i32
      %sub3A_2579 = arith.subi %add3A_2577, %sub3A_2578 : i32
      %ge3A_2580 = arith.constant 0 : i32
      %ge3A_2581 = arith.cmpi sge, %sub3A_2579, %ge3A_2580 : i32
      %add3A_2582 = arith.constant 4 : i32
      %add3A_2583 = arith.addi %sub3A_2579, %add3A_2582 : i32
      %lt3A_2584 = arith.constant 40 : i32
      %lt3A_2585 = arith.cmpi slt, %add3A_2583, %lt3A_2584 : i32
      %and3A_2586 = arith.andi %ge3A_2581, %lt3A_2585 : i1
      %convert_element_type3A_2587 = arith.extui %and3A_2586 : i1 to i32
      %cond3A_2588 = arith.constant 0 : i32
      %cond3A_2589 = arith.cmpi ne, %convert_element_type3A_2587, %cond3A_2588 : i32
      scf.if %cond3A_2589 {
        %dma_wait3A_2972 = arith.constant 0 : i32
        %dma_wait3A_2973 = arith.constant 0 : i32
        %dma_wait3A_2974 = arith.constant 0 : i32
        %dma_wait3A_2975 = arith.constant 0 : i32
        %dma_wait3A_2976 = tpu.memref_slice %arg11[%dma_wait3A_2972, %dma_wait3A_2974, %dma_wait3A_2975] : memref<4x128x128xf32, #tpu.memory_space<vmem>> -> memref<1x128x128xf32, #tpu.memory_space<vmem>>
        %dma_wait3A_2977 = tpu.memref_squeeze %dma_wait3A_2976 : memref<1x128x128xf32, #tpu.memory_space<vmem>> -> memref<128x128xf32, #tpu.memory_space<vmem>>
        %dma_wait3A_2978 = arith.constant 0 : i32
        %dma_wait3A_2979 = tpu.memref_slice %arg13[%dma_wait3A_2973, %dma_wait3A_2978] : memref<4x128xi32, #tpu.memory_space<vmem>> -> memref<1x128xi32, #tpu.memory_space<vmem>>
        %dma_wait3A_2980 = tpu.memref_squeeze %dma_wait3A_2979 : memref<1x128xi32, #tpu.memory_space<vmem>> -> memref<128xi32, #tpu.memory_space<vmem>>
        %dma_wait3A_2981 = arith.constant 0 : i32
        %dma_wait3A_2982 = arith.constant 0 : i32
        %dma_wait3A_2983 = tpu.memref_slice %arg14[%dma_wait3A_2981, %dma_wait3A_2982] : memref<5120x128xf32, #tpu.memory_space<vmem_shared>> -> memref<5120x128xf32, #tpu.memory_space<vmem_shared>>
        tpu.wait_indirect_dma semaphore(%arg19 : memref<!tpu.dma_semaphore, #tpu.memory_space<semaphore_mem>>) src(%dma_wait3A_2977 : memref<128x128xf32, #tpu.memory_space<vmem>>) dst(%dma_wait3A_2983 : memref<5120x128xf32, #tpu.memory_space<vmem_shared>>)
        %add3A_2984 = arith.constant 4 : i32
        %add3A_2985 = arith.addi %sub3A_2579, %add3A_2984 : i32
        %mul3A_2986 = arith.constant 128 : i32
        %mul3A_2987 = arith.muli %add3A_2985, %mul3A_2986 : i32
        %dma_start3A_2988 = arith.constant 0 : i32
        %dma_start3A_2989 = arith.constant 0 : i32
        %dma_start3A_2990 = arith.constant 0 : i32
        %dma_start3A_2991 = tpu.memref_slice %arg11[%dma_start3A_2988, %dma_start3A_2989, %dma_start3A_2990] : memref<4x128x128xf32, #tpu.memory_space<vmem>> -> memref<1x128x128xf32, #tpu.memory_space<vmem>>
        %dma_start3A_2992 = tpu.memref_squeeze %dma_start3A_2991 : memref<1x128x128xf32, #tpu.memory_space<vmem>> -> memref<128x128xf32, #tpu.memory_space<vmem>>
        %dma_start3A_2993 = tpu.memref_slice %arg10[%mul3A_2987] : memref<5120xi32, #tpu.memory_space<vmem>> -> memref<128xi32, #tpu.memory_space<vmem>>
        %dma_start3A_2994 = arith.constant 0 : i32
        %dma_start3A_2995 = arith.constant 0 : i32
        %dma_start3A_2996 = tpu.memref_slice %arg2[%dma_start3A_2994, %dma_start3A_2995] : memref<100000x128xf32, #tpu.memory_space<hbm>> -> memref<100000x128xf32, #tpu.memory_space<hbm>>
        tpu.enqueue_indirect_dma source(%dma_start3A_2996 : memref<100000x128xf32, #tpu.memory_space<hbm>>) target(%dma_start3A_2992 : memref<128x128xf32, #tpu.memory_space<vmem>>) offsets(%dma_start3A_2993 : memref<128xi32, #tpu.memory_space<vmem>>) semaphore(%arg15 : memref<!tpu.dma_semaphore, #tpu.memory_space<semaphore_mem>>)
      } else {
      }
      %dma_wait3A_2590 = arith.constant 1 : i32
      %dma_wait3A_2591 = arith.constant 0 : i32
      %dma_wait3A_2592 = arith.constant 0 : i32
      %dma_wait3A_2593 = tpu.memref_slice %arg11[%dma_wait3A_2590, %dma_wait3A_2591, %dma_wait3A_2592] : memref<4x128x128xf32, #tpu.memory_space<vmem>> -> memref<1x128x128xf32, #tpu.memory_space<vmem>>
      %dma_wait3A_2594 = tpu.memref_squeeze %dma_wait3A_2593 : memref<1x128x128xf32, #tpu.memory_space<vmem>> -> memref<128x128xf32, #tpu.memory_space<vmem>>
      %dma_wait3A_2595 = arith.constant 0 : i32
      %dma_wait3A_2596 = tpu.memref_slice %arg10[%dma_wait3A_2595] : memref<5120xi32, #tpu.memory_space<vmem>> -> memref<128xi32, #tpu.memory_space<vmem>>
      %dma_wait3A_2597 = arith.constant 0 : i32
      %dma_wait3A_2598 = arith.constant 0 : i32
      %dma_wait3A_2599 = tpu.memref_slice %arg2[%dma_wait3A_2597, %dma_wait3A_2598] : memref<100000x128xf32, #tpu.memory_space<hbm>> -> memref<100000x128xf32, #tpu.memory_space<hbm>>
      tpu.wait_indirect_dma semaphore(%arg16 : memref<!tpu.dma_semaphore, #tpu.memory_space<semaphore_mem>>) src(%dma_wait3A_2599 : memref<100000x128xf32, #tpu.memory_space<hbm>>) dst(%dma_wait3A_2594 : memref<128x128xf32, #tpu.memory_space<vmem>>)
      %mul3A_2600 = arith.constant 8 : i32
      %mul3A_2601 = arith.muli %add3A_2577, %mul3A_2600 : i32
      %add3A_2602 = arith.addi %mul3A_5, %mul3A_2601 : i32
      %add3A_2603 = arith.constant 0 : i32
      %add3A_2604 = arith.addi %add3A_2602, %add3A_2603 : i32
      %broadcast_in_dim3A_2605 = vector.broadcast %add3A_2604 : i32 to vector<16xi32>
      %swap3A_2606 = arith.constant 1 : i32
      %swap3A_2607 = arith.index_cast %swap3A_2606 : i32 to index
      %swap3A_2608 = arith.constant 0 : index
      %swap3A_2609 = tpu.vector_load %arg13[%swap3A_2607, %swap3A_2608] {strides = array<i32>} : memref<4x128xi32, #tpu.memory_space<vmem>>, vector<1x16xi32>,
      %swap3A_2610 = vector.shape_cast %swap3A_2609 : vector<1x16xi32> to vector<16xi32>
      %swap3A_2611 = vector.shape_cast %broadcast_in_dim3A_2605 : vector<16xi32> to vector<1x16xi32>
      tpu.vector_store %arg13[%swap3A_2607, %swap3A_2608], %swap3A_2611 {strides = array<i32>} : memref<4x128xi32, #tpu.memory_space<vmem>>, vector<1x16xi32>,
      %mul3A_2612 = arith.constant 8 : i32
      %mul3A_2613 = arith.muli %add3A_2577, %mul3A_2612 : i32
      %add3A_2614 = arith.addi %mul3A_5, %mul3A_2613 : i32
      %add3A_2615 = arith.constant 1 : i32
      %add3A_2616 = arith.addi %add3A_2614, %add3A_2615 : i32
      %broadcast_in_dim3A_2617 = vector.broadcast %add3A_2616 : i32 to vector<16xi32>
      %swap3A_2618 = arith.constant 1 : i32
      %swap3A_2619 = arith.index_cast %swap3A_2618 : i32 to index
      %swap3A_2620 = arith.constant 16 : index
      %swap3A_2621 = tpu.vector_load %arg13[%swap3A_2619, %swap3A_2620] {strides = array<i32>} : memref<4x128xi32, #tpu.memory_space<vmem>>, vector<1x16xi32>,
      %swap3A_2622 = vector.shape_cast %swap3A_2621 : vector<1x16xi32> to vector<16xi32>
      %swap3A_2623 = vector.shape_cast %broadcast_in_dim3A_2617 : vector<16xi32> to vector<1x16xi32>
      tpu.vector_store %arg13[%swap3A_2619, %swap3A_2620], %swap3A_2623 {strides = array<i32>} : memref<4x128xi32, #tpu.memory_space<vmem>>, vector<1x16xi32>,
      %mul3A_2624 = arith.constant 8 : i32
      %mul3A_2625 = arith.muli %add3A_2577, %mul3A_2624 : i32
      %add3A_2626 = arith.addi %mul3A_5, %mul3A_2625 : i32
      %add3A_2627 = arith.constant 2 : i32
      %add3A_2628 = arith.addi %add3A_2626, %add3A_2627 : i32
      %broadcast_in_dim3A_2629 = vector.broadcast %add3A_2628 : i32 to vector<16xi32>
      %swap3A_2630 = arith.constant 1 : i32
      %swap3A_2631 = arith.index_cast %swap3A_2630 : i32 to index
      %swap3A_2632 = arith.constant 32 : index
      %swap3A_2633 = tpu.vector_load %arg13[%swap3A_2631, %swap3A_2632] {strides = array<i32>} : memref<4x128xi32, #tpu.memory_space<vmem>>, vector<1x16xi32>,
      %swap3A_2634 = vector.shape_cast %swap3A_2633 : vector<1x16xi32> to vector<16xi32>
      %swap3A_2635 = vector.shape_cast %broadcast_in_dim3A_2629 : vector<16xi32> to vector<1x16xi32>
      tpu.vector_store %arg13[%swap3A_2631, %swap3A_2632], %swap3A_2635 {strides = array<i32>} : memref<4x128xi32, #tpu.memory_space<vmem>>, vector<1x16xi32>,
      %mul3A_2636 = arith.constant 8 : i32
      %mul3A_2637 = arith.muli %add3A_2577, %mul3A_2636 : i32
      %add3A_2638 = arith.addi %mul3A_5, %mul3A_2637 : i32
      %add3A_2639 = arith.constant 3 : i32
      %add3A_2640 = arith.addi %add3A_2638, %add3A_2639 : i32
      %broadcast_in_dim3A_2641 = vector.broadcast %add3A_2640 : i32 to vector<16xi32>
      %swap3A_2642 = arith.constant 1 : i32
      %swap3A_2643 = arith.index_cast %swap3A_2642 : i32 to index
      %swap3A_2644 = arith.constant 48 : index
      %swap3A_2645 = tpu.vector_load %arg13[%swap3A_2643, %swap3A_2644] {strides = array<i32>} : memref<4x128xi32, #tpu.memory_space<vmem>>, vector<1x16xi32>,
      %swap3A_2646 = vector.shape_cast %swap3A_2645 : vector<1x16xi32> to vector<16xi32>
      %swap3A_2647 = vector.shape_cast %broadcast_in_dim3A_2641 : vector<16xi32> to vector<1x16xi32>
      tpu.vector_store %arg13[%swap3A_2643, %swap3A_2644], %swap3A_2647 {strides = array<i32>} : memref<4x128xi32, #tpu.memory_space<vmem>>, vector<1x16xi32>,
      %mul3A_2648 = arith.constant 8 : i32
      %mul3A_2649 = arith.muli %add3A_2577, %mul3A_2648 : i32
      %add3A_2650 = arith.addi %mul3A_5, %mul3A_2649 : i32
      %add3A_2651 = arith.constant 4 : i32
      %add3A_2652 = arith.addi %add3A_2650, %add3A_2651 : i32
      %broadcast_in_dim3A_2653 = vector.broadcast %add3A_2652 : i32 to vector<16xi32>
      %swap3A_2654 = arith.constant 1 : i32
      %swap3A_2655 = arith.index_cast %swap3A_2654 : i32 to index
      %swap3A_2656 = arith.constant 64 : index
      %swap3A_2657 = tpu.vector_load %arg13[%swap3A_2655, %swap3A_2656] {strides = array<i32>} : memref<4x128xi32, #tpu.memory_space<vmem>>, vector<1x16xi32>,
      %swap3A_2658 = vector.shape_cast %swap3A_2657 : vector<1x16xi32> to vector<16xi32>
      %swap3A_2659 = vector.shape_cast %broadcast_in_dim3A_2653 : vector<16xi32> to vector<1x16xi32>
      tpu.vector_store %arg13[%swap3A_2655, %swap3A_2656], %swap3A_2659 {strides = array<i32>} : memref<4x128xi32, #tpu.memory_space<vmem>>, vector<1x16xi32>,
      %mul3A_2660 = arith.constant 8 : i32
      %mul3A_2661 = arith.muli %add3A_2577, %mul3A_2660 : i32
      %add3A_2662 = arith.addi %mul3A_5, %mul3A_2661 : i32
      %add3A_2663 = arith.constant 5 : i32
      %add3A_2664 = arith.addi %add3A_2662, %add3A_2663 : i32
      %broadcast_in_dim3A_2665 = vector.broadcast %add3A_2664 : i32 to vector<16xi32>
      %swap3A_2666 = arith.constant 1 : i32
      %swap3A_2667 = arith.index_cast %swap3A_2666 : i32 to index
      %swap3A_2668 = arith.constant 80 : index
      %swap3A_2669 = tpu.vector_load %arg13[%swap3A_2667, %swap3A_2668] {strides = array<i32>} : memref<4x128xi32, #tpu.memory_space<vmem>>, vector<1x16xi32>,
      %swap3A_2670 = vector.shape_cast %swap3A_2669 : vector<1x16xi32> to vector<16xi32>
      %swap3A_2671 = vector.shape_cast %broadcast_in_dim3A_2665 : vector<16xi32> to vector<1x16xi32>
      tpu.vector_store %arg13[%swap3A_2667, %swap3A_2668], %swap3A_2671 {strides = array<i32>} : memref<4x128xi32, #tpu.memory_space<vmem>>, vector<1x16xi32>,
      %mul3A_2672 = arith.constant 8 : i32
      %mul3A_2673 = arith.muli %add3A_2577, %mul3A_2672 : i32
      %add3A_2674 = arith.addi %mul3A_5, %mul3A_2673 : i32
      %add3A_2675 = arith.constant 6 : i32
      %add3A_2676 = arith.addi %add3A_2674, %add3A_2675 : i32
      %broadcast_in_dim3A_2677 = vector.broadcast %add3A_2676 : i32 to vector<16xi32>
      %swap3A_2678 = arith.constant 1 : i32
      %swap3A_2679 = arith.index_cast %swap3A_2678 : i32 to index
      %swap3A_2680 = arith.constant 96 : index
      %swap3A_2681 = tpu.vector_load %arg13[%swap3A_2679, %swap3A_2680] {strides = array<i32>} : memref<4x128xi32, #tpu.memory_space<vmem>>, vector<1x16xi32>,
      %swap3A_2682 = vector.shape_cast %swap3A_2681 : vector<1x16xi32> to vector<16xi32>
      %swap3A_2683 = vector.shape_cast %broadcast_in_dim3A_2677 : vector<16xi32> to vector<1x16xi32>
      tpu.vector_store %arg13[%swap3A_2679, %swap3A_2680], %swap3A_2683 {strides = array<i32>} : memref<4x128xi32, #tpu.memory_space<vmem>>, vector<1x16xi32>,
      %mul3A_2684 = arith.constant 8 : i32
      %mul3A_2685 = arith.muli %add3A_2577, %mul3A_2684 : i32
      %add3A_2686 = arith.addi %mul3A_5, %mul3A_2685 : i32
      %add3A_2687 = arith.constant 7 : i32
      %add3A_2688 = arith.addi %add3A_2686, %add3A_2687 : i32
      %broadcast_in_dim3A_2689 = vector.broadcast %add3A_2688 : i32 to vector<16xi32>
      %swap3A_2690 = arith.constant 1 : i32
      %swap3A_2691 = arith.index_cast %swap3A_2690 : i32 to index
      %swap3A_2692 = arith.constant 112 : index
      %swap3A_2693 = tpu.vector_load %arg13[%swap3A_2691, %swap3A_2692] {strides = array<i32>} : memref<4x128xi32, #tpu.memory_space<vmem>>, vector<1x16xi32>,
      %swap3A_2694 = vector.shape_cast %swap3A_2693 : vector<1x16xi32> to vector<16xi32>
      %swap3A_2695 = vector.shape_cast %broadcast_in_dim3A_2689 : vector<16xi32> to vector<1x16xi32>
      tpu.vector_store %arg13[%swap3A_2691, %swap3A_2692], %swap3A_2695 {strides = array<i32>} : memref<4x128xi32, #tpu.memory_space<vmem>>, vector<1x16xi32>,
      %dma_start3A_2696 = arith.constant 1 : i32
      %dma_start3A_2697 = arith.constant 1 : i32
      %dma_start3A_2698 = arith.constant 0 : i32
      %dma_start3A_2699 = arith.constant 0 : i32
      %dma_start3A_2700 = tpu.memref_slice %arg11[%dma_start3A_2696, %dma_start3A_2698, %dma_start3A_2699] : memref<4x128x128xf32, #tpu.memory_space<vmem>> -> memref<1x128x128xf32, #tpu.memory_space<vmem>>
      %dma_start3A_2701 = tpu.memref_squeeze %dma_start3A_2700 : memref<1x128x128xf32, #tpu.memory_space<vmem>> -> memref<128x128xf32, #tpu.memory_space<vmem>>
      %dma_start3A_2702 = arith.constant 0 : i32
      %dma_start3A_2703 = tpu.memref_slice %arg13[%dma_start3A_2697, %dma_start3A_2702] : memref<4x128xi32, #tpu.memory_space<vmem>> -> memref<1x128xi32, #tpu.memory_space<vmem>>
      %dma_start3A_2704 = tpu.memref_squeeze %dma_start3A_2703 : memref<1x128xi32, #tpu.memory_space<vmem>> -> memref<128xi32, #tpu.memory_space<vmem>>
      %dma_start3A_2705 = arith.constant 0 : i32
      %dma_start3A_2706 = arith.constant 0 : i32
      %dma_start3A_2707 = tpu.memref_slice %arg14[%dma_start3A_2705, %dma_start3A_2706] : memref<5120x128xf32, #tpu.memory_space<vmem_shared>> -> memref<5120x128xf32, #tpu.memory_space<vmem_shared>>
      tpu.enqueue_indirect_dma source(%dma_start3A_2701 : memref<128x128xf32, #tpu.memory_space<vmem>>) target(%dma_start3A_2707 : memref<5120x128xf32, #tpu.memory_space<vmem_shared>>) offsets(%dma_start3A_2704 : memref<128xi32, #tpu.memory_space<vmem>>) semaphore(%arg20 : memref<!tpu.dma_semaphore, #tpu.memory_space<semaphore_mem>>) {add = true}
      %add3A_2708 = arith.constant 2 : i32
      %add3A_2709 = arith.addi %add3A_2449, %add3A_2708 : i32
      %sub3A_2710 = arith.constant 1 : i32
      %sub3A_2711 = arith.subi %add3A_2709, %sub3A_2710 : i32
      %ge3A_2712 = arith.constant 0 : i32
      %ge3A_2713 = arith.cmpi sge, %sub3A_2711, %ge3A_2712 : i32
      %add3A_2714 = arith.constant 4 : i32
      %add3A_2715 = arith.addi %sub3A_2711, %add3A_2714 : i32
      %lt3A_2716 = arith.constant 40 : i32
      %lt3A_2717 = arith.cmpi slt, %add3A_2715, %lt3A_2716 : i32
      %and3A_2718 = arith.andi %ge3A_2713, %lt3A_2717 : i1
      %convert_element_type3A_2719 = arith.extui %and3A_2718 : i1 to i32
      %cond3A_2720 = arith.constant 0 : i32
      %cond3A_2721 = arith.cmpi ne, %convert_element_type3A_2719, %cond3A_2720 : i32
      scf.if %cond3A_2721 {
        %dma_wait3A_2972 = arith.constant 1 : i32
        %dma_wait3A_2973 = arith.constant 1 : i32
        %dma_wait3A_2974 = arith.constant 0 : i32
        %dma_wait3A_2975 = arith.constant 0 : i32
        %dma_wait3A_2976 = tpu.memref_slice %arg11[%dma_wait3A_2972, %dma_wait3A_2974, %dma_wait3A_2975] : memref<4x128x128xf32, #tpu.memory_space<vmem>> -> memref<1x128x128xf32, #tpu.memory_space<vmem>>
        %dma_wait3A_2977 = tpu.memref_squeeze %dma_wait3A_2976 : memref<1x128x128xf32, #tpu.memory_space<vmem>> -> memref<128x128xf32, #tpu.memory_space<vmem>>
        %dma_wait3A_2978 = arith.constant 0 : i32
        %dma_wait3A_2979 = tpu.memref_slice %arg13[%dma_wait3A_2973, %dma_wait3A_2978] : memref<4x128xi32, #tpu.memory_space<vmem>> -> memref<1x128xi32, #tpu.memory_space<vmem>>
        %dma_wait3A_2980 = tpu.memref_squeeze %dma_wait3A_2979 : memref<1x128xi32, #tpu.memory_space<vmem>> -> memref<128xi32, #tpu.memory_space<vmem>>
        %dma_wait3A_2981 = arith.constant 0 : i32
        %dma_wait3A_2982 = arith.constant 0 : i32
        %dma_wait3A_2983 = tpu.memref_slice %arg14[%dma_wait3A_2981, %dma_wait3A_2982] : memref<5120x128xf32, #tpu.memory_space<vmem_shared>> -> memref<5120x128xf32, #tpu.memory_space<vmem_shared>>
        tpu.wait_indirect_dma semaphore(%arg20 : memref<!tpu.dma_semaphore, #tpu.memory_space<semaphore_mem>>) src(%dma_wait3A_2977 : memref<128x128xf32, #tpu.memory_space<vmem>>) dst(%dma_wait3A_2983 : memref<5120x128xf32, #tpu.memory_space<vmem_shared>>)
        %add3A_2984 = arith.constant 4 : i32
        %add3A_2985 = arith.addi %sub3A_2711, %add3A_2984 : i32
        %mul3A_2986 = arith.constant 128 : i32
        %mul3A_2987 = arith.muli %add3A_2985, %mul3A_2986 : i32
        %dma_start3A_2988 = arith.constant 1 : i32
        %dma_start3A_2989 = arith.constant 0 : i32
        %dma_start3A_2990 = arith.constant 0 : i32
        %dma_start3A_2991 = tpu.memref_slice %arg11[%dma_start3A_2988, %dma_start3A_2989, %dma_start3A_2990] : memref<4x128x128xf32, #tpu.memory_space<vmem>> -> memref<1x128x128xf32, #tpu.memory_space<vmem>>
        %dma_start3A_2992 = tpu.memref_squeeze %dma_start3A_2991 : memref<1x128x128xf32, #tpu.memory_space<vmem>> -> memref<128x128xf32, #tpu.memory_space<vmem>>
        %dma_start3A_2993 = tpu.memref_slice %arg10[%mul3A_2987] : memref<5120xi32, #tpu.memory_space<vmem>> -> memref<128xi32, #tpu.memory_space<vmem>>
        %dma_start3A_2994 = arith.constant 0 : i32
        %dma_start3A_2995 = arith.constant 0 : i32
        %dma_start3A_2996 = tpu.memref_slice %arg2[%dma_start3A_2994, %dma_start3A_2995] : memref<100000x128xf32, #tpu.memory_space<hbm>> -> memref<100000x128xf32, #tpu.memory_space<hbm>>
        tpu.enqueue_indirect_dma source(%dma_start3A_2996 : memref<100000x128xf32, #tpu.memory_space<hbm>>) target(%dma_start3A_2992 : memref<128x128xf32, #tpu.memory_space<vmem>>) offsets(%dma_start3A_2993 : memref<128xi32, #tpu.memory_space<vmem>>) semaphore(%arg16 : memref<!tpu.dma_semaphore, #tpu.memory_space<semaphore_mem>>)
      } else {
      }
      %dma_wait3A_2722 = arith.constant 2 : i32
      %dma_wait3A_2723 = arith.constant 0 : i32
      %dma_wait3A_2724 = arith.constant 0 : i32
      %dma_wait3A_2725 = tpu.memref_slice %arg11[%dma_wait3A_2722, %dma_wait3A_2723, %dma_wait3A_2724] : memref<4x128x128xf32, #tpu.memory_space<vmem>> -> memref<1x128x128xf32, #tpu.memory_space<vmem>>
      %dma_wait3A_2726 = tpu.memref_squeeze %dma_wait3A_2725 : memref<1x128x128xf32, #tpu.memory_space<vmem>> -> memref<128x128xf32, #tpu.memory_space<vmem>>
      %dma_wait3A_2727 = arith.constant 0 : i32
      %dma_wait3A_2728 = tpu.memref_slice %arg10[%dma_wait3A_2727] : memref<5120xi32, #tpu.memory_space<vmem>> -> memref<128xi32, #tpu.memory_space<vmem>>
      %dma_wait3A_2729 = arith.constant 0 : i32
      %dma_wait3A_2730 = arith.constant 0 : i32
      %dma_wait3A_2731 = tpu.memref_slice %arg2[%dma_wait3A_2729, %dma_wait3A_2730] : memref<100000x128xf32, #tpu.memory_space<hbm>> -> memref<100000x128xf32, #tpu.memory_space<hbm>>
      tpu.wait_indirect_dma semaphore(%arg17 : memref<!tpu.dma_semaphore, #tpu.memory_space<semaphore_mem>>) src(%dma_wait3A_2731 : memref<100000x128xf32, #tpu.memory_space<hbm>>) dst(%dma_wait3A_2726 : memref<128x128xf32, #tpu.memory_space<vmem>>)
      %mul3A_2732 = arith.constant 8 : i32
      %mul3A_2733 = arith.muli %add3A_2709, %mul3A_2732 : i32
      %add3A_2734 = arith.addi %mul3A_5, %mul3A_2733 : i32
      %add3A_2735 = arith.constant 0 : i32
      %add3A_2736 = arith.addi %add3A_2734, %add3A_2735 : i32
      %broadcast_in_dim3A_2737 = vector.broadcast %add3A_2736 : i32 to vector<16xi32>
      %swap3A_2738 = arith.constant 2 : i32
      %swap3A_2739 = arith.index_cast %swap3A_2738 : i32 to index
      %swap3A_2740 = arith.constant 0 : index
      %swap3A_2741 = tpu.vector_load %arg13[%swap3A_2739, %swap3A_2740] {strides = array<i32>} : memref<4x128xi32, #tpu.memory_space<vmem>>, vector<1x16xi32>,
      %swap3A_2742 = vector.shape_cast %swap3A_2741 : vector<1x16xi32> to vector<16xi32>
      %swap3A_2743 = vector.shape_cast %broadcast_in_dim3A_2737 : vector<16xi32> to vector<1x16xi32>
      tpu.vector_store %arg13[%swap3A_2739, %swap3A_2740], %swap3A_2743 {strides = array<i32>} : memref<4x128xi32, #tpu.memory_space<vmem>>, vector<1x16xi32>,
      %mul3A_2744 = arith.constant 8 : i32
      %mul3A_2745 = arith.muli %add3A_2709, %mul3A_2744 : i32
      %add3A_2746 = arith.addi %mul3A_5, %mul3A_2745 : i32
      %add3A_2747 = arith.constant 1 : i32
      %add3A_2748 = arith.addi %add3A_2746, %add3A_2747 : i32
      %broadcast_in_dim3A_2749 = vector.broadcast %add3A_2748 : i32 to vector<16xi32>
      %swap3A_2750 = arith.constant 2 : i32
      %swap3A_2751 = arith.index_cast %swap3A_2750 : i32 to index
      %swap3A_2752 = arith.constant 16 : index
      %swap3A_2753 = tpu.vector_load %arg13[%swap3A_2751, %swap3A_2752] {strides = array<i32>} : memref<4x128xi32, #tpu.memory_space<vmem>>, vector<1x16xi32>,
      %swap3A_2754 = vector.shape_cast %swap3A_2753 : vector<1x16xi32> to vector<16xi32>
      %swap3A_2755 = vector.shape_cast %broadcast_in_dim3A_2749 : vector<16xi32> to vector<1x16xi32>
      tpu.vector_store %arg13[%swap3A_2751, %swap3A_2752], %swap3A_2755 {strides = array<i32>} : memref<4x128xi32, #tpu.memory_space<vmem>>, vector<1x16xi32>,
      %mul3A_2756 = arith.constant 8 : i32
      %mul3A_2757 = arith.muli %add3A_2709, %mul3A_2756 : i32
      %add3A_2758 = arith.addi %mul3A_5, %mul3A_2757 : i32
      %add3A_2759 = arith.constant 2 : i32
      %add3A_2760 = arith.addi %add3A_2758, %add3A_2759 : i32
      %broadcast_in_dim3A_2761 = vector.broadcast %add3A_2760 : i32 to vector<16xi32>
      %swap3A_2762 = arith.constant 2 : i32
      %swap3A_2763 = arith.index_cast %swap3A_2762 : i32 to index
      %swap3A_2764 = arith.constant 32 : index
      %swap3A_2765 = tpu.vector_load %arg13[%swap3A_2763, %swap3A_2764] {strides = array<i32>} : memref<4x128xi32, #tpu.memory_space<vmem>>, vector<1x16xi32>,
      %swap3A_2766 = vector.shape_cast %swap3A_2765 : vector<1x16xi32> to vector<16xi32>
      %swap3A_2767 = vector.shape_cast %broadcast_in_dim3A_2761 : vector<16xi32> to vector<1x16xi32>
      tpu.vector_store %arg13[%swap3A_2763, %swap3A_2764], %swap3A_2767 {strides = array<i32>} : memref<4x128xi32, #tpu.memory_space<vmem>>, vector<1x16xi32>,
      %mul3A_2768 = arith.constant 8 : i32
      %mul3A_2769 = arith.muli %add3A_2709, %mul3A_2768 : i32
      %add3A_2770 = arith.addi %mul3A_5, %mul3A_2769 : i32
      %add3A_2771 = arith.constant 3 : i32
      %add3A_2772 = arith.addi %add3A_2770, %add3A_2771 : i32
      %broadcast_in_dim3A_2773 = vector.broadcast %add3A_2772 : i32 to vector<16xi32>
      %swap3A_2774 = arith.constant 2 : i32
      %swap3A_2775 = arith.index_cast %swap3A_2774 : i32 to index
      %swap3A_2776 = arith.constant 48 : index
      %swap3A_2777 = tpu.vector_load %arg13[%swap3A_2775, %swap3A_2776] {strides = array<i32>} : memref<4x128xi32, #tpu.memory_space<vmem>>, vector<1x16xi32>,
      %swap3A_2778 = vector.shape_cast %swap3A_2777 : vector<1x16xi32> to vector<16xi32>
      %swap3A_2779 = vector.shape_cast %broadcast_in_dim3A_2773 : vector<16xi32> to vector<1x16xi32>
      tpu.vector_store %arg13[%swap3A_2775, %swap3A_2776], %swap3A_2779 {strides = array<i32>} : memref<4x128xi32, #tpu.memory_space<vmem>>, vector<1x16xi32>,
      %mul3A_2780 = arith.constant 8 : i32
      %mul3A_2781 = arith.muli %add3A_2709, %mul3A_2780 : i32
      %add3A_2782 = arith.addi %mul3A_5, %mul3A_2781 : i32
      %add3A_2783 = arith.constant 4 : i32
      %add3A_2784 = arith.addi %add3A_2782, %add3A_2783 : i32
      %broadcast_in_dim3A_2785 = vector.broadcast %add3A_2784 : i32 to vector<16xi32>
      %swap3A_2786 = arith.constant 2 : i32
      %swap3A_2787 = arith.index_cast %swap3A_2786 : i32 to index
      %swap3A_2788 = arith.constant 64 : index
      %swap3A_2789 = tpu.vector_load %arg13[%swap3A_2787, %swap3A_2788] {strides = array<i32>} : memref<4x128xi32, #tpu.memory_space<vmem>>, vector<1x16xi32>,
      %swap3A_2790 = vector.shape_cast %swap3A_2789 : vector<1x16xi32> to vector<16xi32>
      %swap3A_2791 = vector.shape_cast %broadcast_in_dim3A_2785 : vector<16xi32> to vector<1x16xi32>
      tpu.vector_store %arg13[%swap3A_2787, %swap3A_2788], %swap3A_2791 {strides = array<i32>} : memref<4x128xi32, #tpu.memory_space<vmem>>, vector<1x16xi32>,
      %mul3A_2792 = arith.constant 8 : i32
      %mul3A_2793 = arith.muli %add3A_2709, %mul3A_2792 : i32
      %add3A_2794 = arith.addi %mul3A_5, %mul3A_2793 : i32
      %add3A_2795 = arith.constant 5 : i32
      %add3A_2796 = arith.addi %add3A_2794, %add3A_2795 : i32
      %broadcast_in_dim3A_2797 = vector.broadcast %add3A_2796 : i32 to vector<16xi32>
      %swap3A_2798 = arith.constant 2 : i32
      %swap3A_2799 = arith.index_cast %swap3A_2798 : i32 to index
      %swap3A_2800 = arith.constant 80 : index
      %swap3A_2801 = tpu.vector_load %arg13[%swap3A_2799, %swap3A_2800] {strides = array<i32>} : memref<4x128xi32, #tpu.memory_space<vmem>>, vector<1x16xi32>,
      %swap3A_2802 = vector.shape_cast %swap3A_2801 : vector<1x16xi32> to vector<16xi32>
      %swap3A_2803 = vector.shape_cast %broadcast_in_dim3A_2797 : vector<16xi32> to vector<1x16xi32>
      tpu.vector_store %arg13[%swap3A_2799, %swap3A_2800], %swap3A_2803 {strides = array<i32>} : memref<4x128xi32, #tpu.memory_space<vmem>>, vector<1x16xi32>,
      %mul3A_2804 = arith.constant 8 : i32
      %mul3A_2805 = arith.muli %add3A_2709, %mul3A_2804 : i32
      %add3A_2806 = arith.addi %mul3A_5, %mul3A_2805 : i32
      %add3A_2807 = arith.constant 6 : i32
      %add3A_2808 = arith.addi %add3A_2806, %add3A_2807 : i32
      %broadcast_in_dim3A_2809 = vector.broadcast %add3A_2808 : i32 to vector<16xi32>
      %swap3A_2810 = arith.constant 2 : i32
      %swap3A_2811 = arith.index_cast %swap3A_2810 : i32 to index
      %swap3A_2812 = arith.constant 96 : index
      %swap3A_2813 = tpu.vector_load %arg13[%swap3A_2811, %swap3A_2812] {strides = array<i32>} : memref<4x128xi32, #tpu.memory_space<vmem>>, vector<1x16xi32>,
      %swap3A_2814 = vector.shape_cast %swap3A_2813 : vector<1x16xi32> to vector<16xi32>
      %swap3A_2815 = vector.shape_cast %broadcast_in_dim3A_2809 : vector<16xi32> to vector<1x16xi32>
      tpu.vector_store %arg13[%swap3A_2811, %swap3A_2812], %swap3A_2815 {strides = array<i32>} : memref<4x128xi32, #tpu.memory_space<vmem>>, vector<1x16xi32>,
      %mul3A_2816 = arith.constant 8 : i32
      %mul3A_2817 = arith.muli %add3A_2709, %mul3A_2816 : i32
      %add3A_2818 = arith.addi %mul3A_5, %mul3A_2817 : i32
      %add3A_2819 = arith.constant 7 : i32
      %add3A_2820 = arith.addi %add3A_2818, %add3A_2819 : i32
      %broadcast_in_dim3A_2821 = vector.broadcast %add3A_2820 : i32 to vector<16xi32>
      %swap3A_2822 = arith.constant 2 : i32
      %swap3A_2823 = arith.index_cast %swap3A_2822 : i32 to index
      %swap3A_2824 = arith.constant 112 : index
      %swap3A_2825 = tpu.vector_load %arg13[%swap3A_2823, %swap3A_2824] {strides = array<i32>} : memref<4x128xi32, #tpu.memory_space<vmem>>, vector<1x16xi32>,
      %swap3A_2826 = vector.shape_cast %swap3A_2825 : vector<1x16xi32> to vector<16xi32>
      %swap3A_2827 = vector.shape_cast %broadcast_in_dim3A_2821 : vector<16xi32> to vector<1x16xi32>
      tpu.vector_store %arg13[%swap3A_2823, %swap3A_2824], %swap3A_2827 {strides = array<i32>} : memref<4x128xi32, #tpu.memory_space<vmem>>, vector<1x16xi32>,
      %dma_start3A_2828 = arith.constant 2 : i32
      %dma_start3A_2829 = arith.constant 2 : i32
      %dma_start3A_2830 = arith.constant 0 : i32
      %dma_start3A_2831 = arith.constant 0 : i32
      %dma_start3A_2832 = tpu.memref_slice %arg11[%dma_start3A_2828, %dma_start3A_2830, %dma_start3A_2831] : memref<4x128x128xf32, #tpu.memory_space<vmem>> -> memref<1x128x128xf32, #tpu.memory_space<vmem>>
      %dma_start3A_2833 = tpu.memref_squeeze %dma_start3A_2832 : memref<1x128x128xf32, #tpu.memory_space<vmem>> -> memref<128x128xf32, #tpu.memory_space<vmem>>
      %dma_start3A_2834 = arith.constant 0 : i32
      %dma_start3A_2835 = tpu.memref_slice %arg13[%dma_start3A_2829, %dma_start3A_2834] : memref<4x128xi32, #tpu.memory_space<vmem>> -> memref<1x128xi32, #tpu.memory_space<vmem>>
      %dma_start3A_2836 = tpu.memref_squeeze %dma_start3A_2835 : memref<1x128xi32, #tpu.memory_space<vmem>> -> memref<128xi32, #tpu.memory_space<vmem>>
      %dma_start3A_2837 = arith.constant 0 : i32
      %dma_start3A_2838 = arith.constant 0 : i32
      %dma_start3A_2839 = tpu.memref_slice %arg14[%dma_start3A_2837, %dma_start3A_2838] : memref<5120x128xf32, #tpu.memory_space<vmem_shared>> -> memref<5120x128xf32, #tpu.memory_space<vmem_shared>>
      tpu.enqueue_indirect_dma source(%dma_start3A_2833 : memref<128x128xf32, #tpu.memory_space<vmem>>) target(%dma_start3A_2839 : memref<5120x128xf32, #tpu.memory_space<vmem_shared>>) offsets(%dma_start3A_2836 : memref<128xi32, #tpu.memory_space<vmem>>) semaphore(%arg21 : memref<!tpu.dma_semaphore, #tpu.memory_space<semaphore_mem>>) {add = true}
      %add3A_2840 = arith.constant 3 : i32
      %add3A_2841 = arith.addi %add3A_2449, %add3A_2840 : i32
      %sub3A_2842 = arith.constant 1 : i32
      %sub3A_2843 = arith.subi %add3A_2841, %sub3A_2842 : i32
      %ge3A_2844 = arith.constant 0 : i32
      %ge3A_2845 = arith.cmpi sge, %sub3A_2843, %ge3A_2844 : i32
      %add3A_2846 = arith.constant 4 : i32
      %add3A_2847 = arith.addi %sub3A_2843, %add3A_2846 : i32
      %lt3A_2848 = arith.constant 40 : i32
      %lt3A_2849 = arith.cmpi slt, %add3A_2847, %lt3A_2848 : i32
      %and3A_2850 = arith.andi %ge3A_2845, %lt3A_2849 : i1
      %convert_element_type3A_2851 = arith.extui %and3A_2850 : i1 to i32
      %cond3A_2852 = arith.constant 0 : i32
      %cond3A_2853 = arith.cmpi ne, %convert_element_type3A_2851, %cond3A_2852 : i32
      scf.if %cond3A_2853 {
        %dma_wait3A_2972 = arith.constant 2 : i32
        %dma_wait3A_2973 = arith.constant 2 : i32
        %dma_wait3A_2974 = arith.constant 0 : i32
        %dma_wait3A_2975 = arith.constant 0 : i32
        %dma_wait3A_2976 = tpu.memref_slice %arg11[%dma_wait3A_2972, %dma_wait3A_2974, %dma_wait3A_2975] : memref<4x128x128xf32, #tpu.memory_space<vmem>> -> memref<1x128x128xf32, #tpu.memory_space<vmem>>
        %dma_wait3A_2977 = tpu.memref_squeeze %dma_wait3A_2976 : memref<1x128x128xf32, #tpu.memory_space<vmem>> -> memref<128x128xf32, #tpu.memory_space<vmem>>
        %dma_wait3A_2978 = arith.constant 0 : i32
        %dma_wait3A_2979 = tpu.memref_slice %arg13[%dma_wait3A_2973, %dma_wait3A_2978] : memref<4x128xi32, #tpu.memory_space<vmem>> -> memref<1x128xi32, #tpu.memory_space<vmem>>
        %dma_wait3A_2980 = tpu.memref_squeeze %dma_wait3A_2979 : memref<1x128xi32, #tpu.memory_space<vmem>> -> memref<128xi32, #tpu.memory_space<vmem>>
        %dma_wait3A_2981 = arith.constant 0 : i32
        %dma_wait3A_2982 = arith.constant 0 : i32
        %dma_wait3A_2983 = tpu.memref_slice %arg14[%dma_wait3A_2981, %dma_wait3A_2982] : memref<5120x128xf32, #tpu.memory_space<vmem_shared>> -> memref<5120x128xf32, #tpu.memory_space<vmem_shared>>
        tpu.wait_indirect_dma semaphore(%arg21 : memref<!tpu.dma_semaphore, #tpu.memory_space<semaphore_mem>>) src(%dma_wait3A_2977 : memref<128x128xf32, #tpu.memory_space<vmem>>) dst(%dma_wait3A_2983 : memref<5120x128xf32, #tpu.memory_space<vmem_shared>>)
        %add3A_2984 = arith.constant 4 : i32
        %add3A_2985 = arith.addi %sub3A_2843, %add3A_2984 : i32
        %mul3A_2986 = arith.constant 128 : i32
        %mul3A_2987 = arith.muli %add3A_2985, %mul3A_2986 : i32
        %dma_start3A_2988 = arith.constant 2 : i32
        %dma_start3A_2989 = arith.constant 0 : i32
        %dma_start3A_2990 = arith.constant 0 : i32
        %dma_start3A_2991 = tpu.memref_slice %arg11[%dma_start3A_2988, %dma_start3A_2989, %dma_start3A_2990] : memref<4x128x128xf32, #tpu.memory_space<vmem>> -> memref<1x128x128xf32, #tpu.memory_space<vmem>>
        %dma_start3A_2992 = tpu.memref_squeeze %dma_start3A_2991 : memref<1x128x128xf32, #tpu.memory_space<vmem>> -> memref<128x128xf32, #tpu.memory_space<vmem>>
        %dma_start3A_2993 = tpu.memref_slice %arg10[%mul3A_2987] : memref<5120xi32, #tpu.memory_space<vmem>> -> memref<128xi32, #tpu.memory_space<vmem>>
        %dma_start3A_2994 = arith.constant 0 : i32
        %dma_start3A_2995 = arith.constant 0 : i32
        %dma_start3A_2996 = tpu.memref_slice %arg2[%dma_start3A_2994, %dma_start3A_2995] : memref<100000x128xf32, #tpu.memory_space<hbm>> -> memref<100000x128xf32, #tpu.memory_space<hbm>>
        tpu.enqueue_indirect_dma source(%dma_start3A_2996 : memref<100000x128xf32, #tpu.memory_space<hbm>>) target(%dma_start3A_2992 : memref<128x128xf32, #tpu.memory_space<vmem>>) offsets(%dma_start3A_2993 : memref<128xi32, #tpu.memory_space<vmem>>) semaphore(%arg17 : memref<!tpu.dma_semaphore, #tpu.memory_space<semaphore_mem>>)
      } else {
      }
      %dma_wait3A_2854 = arith.constant 3 : i32
      %dma_wait3A_2855 = arith.constant 0 : i32
      %dma_wait3A_2856 = arith.constant 0 : i32
      %dma_wait3A_2857 = tpu.memref_slice %arg11[%dma_wait3A_2854, %dma_wait3A_2855, %dma_wait3A_2856] : memref<4x128x128xf32, #tpu.memory_space<vmem>> -> memref<1x128x128xf32, #tpu.memory_space<vmem>>
      %dma_wait3A_2858 = tpu.memref_squeeze %dma_wait3A_2857 : memref<1x128x128xf32, #tpu.memory_space<vmem>> -> memref<128x128xf32, #tpu.memory_space<vmem>>
      %dma_wait3A_2859 = arith.constant 0 : i32
      %dma_wait3A_2860 = tpu.memref_slice %arg10[%dma_wait3A_2859] : memref<5120xi32, #tpu.memory_space<vmem>> -> memref<128xi32, #tpu.memory_space<vmem>>
      %dma_wait3A_2861 = arith.constant 0 : i32
      %dma_wait3A_2862 = arith.constant 0 : i32
      %dma_wait3A_2863 = tpu.memref_slice %arg2[%dma_wait3A_2861, %dma_wait3A_2862] : memref<100000x128xf32, #tpu.memory_space<hbm>> -> memref<100000x128xf32, #tpu.memory_space<hbm>>
      tpu.wait_indirect_dma semaphore(%arg18 : memref<!tpu.dma_semaphore, #tpu.memory_space<semaphore_mem>>) src(%dma_wait3A_2863 : memref<100000x128xf32, #tpu.memory_space<hbm>>) dst(%dma_wait3A_2858 : memref<128x128xf32, #tpu.memory_space<vmem>>)
      %mul3A_2864 = arith.constant 8 : i32
      %mul3A_2865 = arith.muli %add3A_2841, %mul3A_2864 : i32
      %add3A_2866 = arith.addi %mul3A_5, %mul3A_2865 : i32
      %add3A_2867 = arith.constant 0 : i32
      %add3A_2868 = arith.addi %add3A_2866, %add3A_2867 : i32
      %broadcast_in_dim3A_2869 = vector.broadcast %add3A_2868 : i32 to vector<16xi32>
      %swap3A_2870 = arith.constant 3 : i32
      %swap3A_2871 = arith.index_cast %swap3A_2870 : i32 to index
      %swap3A_2872 = arith.constant 0 : index
      %swap3A_2873 = tpu.vector_load %arg13[%swap3A_2871, %swap3A_2872] {strides = array<i32>} : memref<4x128xi32, #tpu.memory_space<vmem>>, vector<1x16xi32>,
      %swap3A_2874 = vector.shape_cast %swap3A_2873 : vector<1x16xi32> to vector<16xi32>
      %swap3A_2875 = vector.shape_cast %broadcast_in_dim3A_2869 : vector<16xi32> to vector<1x16xi32>
      tpu.vector_store %arg13[%swap3A_2871, %swap3A_2872], %swap3A_2875 {strides = array<i32>} : memref<4x128xi32, #tpu.memory_space<vmem>>, vector<1x16xi32>,
      %mul3A_2876 = arith.constant 8 : i32
      %mul3A_2877 = arith.muli %add3A_2841, %mul3A_2876 : i32
      %add3A_2878 = arith.addi %mul3A_5, %mul3A_2877 : i32
      %add3A_2879 = arith.constant 1 : i32
      %add3A_2880 = arith.addi %add3A_2878, %add3A_2879 : i32
      %broadcast_in_dim3A_2881 = vector.broadcast %add3A_2880 : i32 to vector<16xi32>
      %swap3A_2882 = arith.constant 3 : i32
      %swap3A_2883 = arith.index_cast %swap3A_2882 : i32 to index
      %swap3A_2884 = arith.constant 16 : index
      %swap3A_2885 = tpu.vector_load %arg13[%swap3A_2883, %swap3A_2884] {strides = array<i32>} : memref<4x128xi32, #tpu.memory_space<vmem>>, vector<1x16xi32>,
      %swap3A_2886 = vector.shape_cast %swap3A_2885 : vector<1x16xi32> to vector<16xi32>
      %swap3A_2887 = vector.shape_cast %broadcast_in_dim3A_2881 : vector<16xi32> to vector<1x16xi32>
      tpu.vector_store %arg13[%swap3A_2883, %swap3A_2884], %swap3A_2887 {strides = array<i32>} : memref<4x128xi32, #tpu.memory_space<vmem>>, vector<1x16xi32>,
      %mul3A_2888 = arith.constant 8 : i32
      %mul3A_2889 = arith.muli %add3A_2841, %mul3A_2888 : i32
      %add3A_2890 = arith.addi %mul3A_5, %mul3A_2889 : i32
      %add3A_2891 = arith.constant 2 : i32
      %add3A_2892 = arith.addi %add3A_2890, %add3A_2891 : i32
      %broadcast_in_dim3A_2893 = vector.broadcast %add3A_2892 : i32 to vector<16xi32>
      %swap3A_2894 = arith.constant 3 : i32
      %swap3A_2895 = arith.index_cast %swap3A_2894 : i32 to index
      %swap3A_2896 = arith.constant 32 : index
      %swap3A_2897 = tpu.vector_load %arg13[%swap3A_2895, %swap3A_2896] {strides = array<i32>} : memref<4x128xi32, #tpu.memory_space<vmem>>, vector<1x16xi32>,
      %swap3A_2898 = vector.shape_cast %swap3A_2897 : vector<1x16xi32> to vector<16xi32>
      %swap3A_2899 = vector.shape_cast %broadcast_in_dim3A_2893 : vector<16xi32> to vector<1x16xi32>
      tpu.vector_store %arg13[%swap3A_2895, %swap3A_2896], %swap3A_2899 {strides = array<i32>} : memref<4x128xi32, #tpu.memory_space<vmem>>, vector<1x16xi32>,
      %mul3A_2900 = arith.constant 8 : i32
      %mul3A_2901 = arith.muli %add3A_2841, %mul3A_2900 : i32
      %add3A_2902 = arith.addi %mul3A_5, %mul3A_2901 : i32
      %add3A_2903 = arith.constant 3 : i32
      %add3A_2904 = arith.addi %add3A_2902, %add3A_2903 : i32
      %broadcast_in_dim3A_2905 = vector.broadcast %add3A_2904 : i32 to vector<16xi32>
      %swap3A_2906 = arith.constant 3 : i32
      %swap3A_2907 = arith.index_cast %swap3A_2906 : i32 to index
      %swap3A_2908 = arith.constant 48 : index
      %swap3A_2909 = tpu.vector_load %arg13[%swap3A_2907, %swap3A_2908] {strides = array<i32>} : memref<4x128xi32, #tpu.memory_space<vmem>>, vector<1x16xi32>,
      %swap3A_2910 = vector.shape_cast %swap3A_2909 : vector<1x16xi32> to vector<16xi32>
      %swap3A_2911 = vector.shape_cast %broadcast_in_dim3A_2905 : vector<16xi32> to vector<1x16xi32>
      tpu.vector_store %arg13[%swap3A_2907, %swap3A_2908], %swap3A_2911 {strides = array<i32>} : memref<4x128xi32, #tpu.memory_space<vmem>>, vector<1x16xi32>,
      %mul3A_2912 = arith.constant 8 : i32
      %mul3A_2913 = arith.muli %add3A_2841, %mul3A_2912 : i32
      %add3A_2914 = arith.addi %mul3A_5, %mul3A_2913 : i32
      %add3A_2915 = arith.constant 4 : i32
      %add3A_2916 = arith.addi %add3A_2914, %add3A_2915 : i32
      %broadcast_in_dim3A_2917 = vector.broadcast %add3A_2916 : i32 to vector<16xi32>
      %swap3A_2918 = arith.constant 3 : i32
      %swap3A_2919 = arith.index_cast %swap3A_2918 : i32 to index
      %swap3A_2920 = arith.constant 64 : index
      %swap3A_2921 = tpu.vector_load %arg13[%swap3A_2919, %swap3A_2920] {strides = array<i32>} : memref<4x128xi32, #tpu.memory_space<vmem>>, vector<1x16xi32>,
      %swap3A_2922 = vector.shape_cast %swap3A_2921 : vector<1x16xi32> to vector<16xi32>
      %swap3A_2923 = vector.shape_cast %broadcast_in_dim3A_2917 : vector<16xi32> to vector<1x16xi32>
      tpu.vector_store %arg13[%swap3A_2919, %swap3A_2920], %swap3A_2923 {strides = array<i32>} : memref<4x128xi32, #tpu.memory_space<vmem>>, vector<1x16xi32>,
      %mul3A_2924 = arith.constant 8 : i32
      %mul3A_2925 = arith.muli %add3A_2841, %mul3A_2924 : i32
      %add3A_2926 = arith.addi %mul3A_5, %mul3A_2925 : i32
      %add3A_2927 = arith.constant 5 : i32
      %add3A_2928 = arith.addi %add3A_2926, %add3A_2927 : i32
      %broadcast_in_dim3A_2929 = vector.broadcast %add3A_2928 : i32 to vector<16xi32>
      %swap3A_2930 = arith.constant 3 : i32
      %swap3A_2931 = arith.index_cast %swap3A_2930 : i32 to index
      %swap3A_2932 = arith.constant 80 : index
      %swap3A_2933 = tpu.vector_load %arg13[%swap3A_2931, %swap3A_2932] {strides = array<i32>} : memref<4x128xi32, #tpu.memory_space<vmem>>, vector<1x16xi32>,
      %swap3A_2934 = vector.shape_cast %swap3A_2933 : vector<1x16xi32> to vector<16xi32>
      %swap3A_2935 = vector.shape_cast %broadcast_in_dim3A_2929 : vector<16xi32> to vector<1x16xi32>
      tpu.vector_store %arg13[%swap3A_2931, %swap3A_2932], %swap3A_2935 {strides = array<i32>} : memref<4x128xi32, #tpu.memory_space<vmem>>, vector<1x16xi32>,
      %mul3A_2936 = arith.constant 8 : i32
      %mul3A_2937 = arith.muli %add3A_2841, %mul3A_2936 : i32
      %add3A_2938 = arith.addi %mul3A_5, %mul3A_2937 : i32
      %add3A_2939 = arith.constant 6 : i32
      %add3A_2940 = arith.addi %add3A_2938, %add3A_2939 : i32
      %broadcast_in_dim3A_2941 = vector.broadcast %add3A_2940 : i32 to vector<16xi32>
      %swap3A_2942 = arith.constant 3 : i32
      %swap3A_2943 = arith.index_cast %swap3A_2942 : i32 to index
      %swap3A_2944 = arith.constant 96 : index
      %swap3A_2945 = tpu.vector_load %arg13[%swap3A_2943, %swap3A_2944] {strides = array<i32>} : memref<4x128xi32, #tpu.memory_space<vmem>>, vector<1x16xi32>,
      %swap3A_2946 = vector.shape_cast %swap3A_2945 : vector<1x16xi32> to vector<16xi32>
      %swap3A_2947 = vector.shape_cast %broadcast_in_dim3A_2941 : vector<16xi32> to vector<1x16xi32>
      tpu.vector_store %arg13[%swap3A_2943, %swap3A_2944], %swap3A_2947 {strides = array<i32>} : memref<4x128xi32, #tpu.memory_space<vmem>>, vector<1x16xi32>,
      %mul3A_2948 = arith.constant 8 : i32
      %mul3A_2949 = arith.muli %add3A_2841, %mul3A_2948 : i32
      %add3A_2950 = arith.addi %mul3A_5, %mul3A_2949 : i32
      %add3A_2951 = arith.constant 7 : i32
      %add3A_2952 = arith.addi %add3A_2950, %add3A_2951 : i32
      %broadcast_in_dim3A_2953 = vector.broadcast %add3A_2952 : i32 to vector<16xi32>
      %swap3A_2954 = arith.constant 3 : i32
      %swap3A_2955 = arith.index_cast %swap3A_2954 : i32 to index
      %swap3A_2956 = arith.constant 112 : index
      %swap3A_2957 = tpu.vector_load %arg13[%swap3A_2955, %swap3A_2956] {strides = array<i32>} : memref<4x128xi32, #tpu.memory_space<vmem>>, vector<1x16xi32>,
      %swap3A_2958 = vector.shape_cast %swap3A_2957 : vector<1x16xi32> to vector<16xi32>
      %swap3A_2959 = vector.shape_cast %broadcast_in_dim3A_2953 : vector<16xi32> to vector<1x16xi32>
      tpu.vector_store %arg13[%swap3A_2955, %swap3A_2956], %swap3A_2959 {strides = array<i32>} : memref<4x128xi32, #tpu.memory_space<vmem>>, vector<1x16xi32>,
      %dma_start3A_2960 = arith.constant 3 : i32
      %dma_start3A_2961 = arith.constant 3 : i32
      %dma_start3A_2962 = arith.constant 0 : i32
      %dma_start3A_2963 = arith.constant 0 : i32
      %dma_start3A_2964 = tpu.memref_slice %arg11[%dma_start3A_2960, %dma_start3A_2962, %dma_start3A_2963] : memref<4x128x128xf32, #tpu.memory_space<vmem>> -> memref<1x128x128xf32, #tpu.memory_space<vmem>>
      %dma_start3A_2965 = tpu.memref_squeeze %dma_start3A_2964 : memref<1x128x128xf32, #tpu.memory_space<vmem>> -> memref<128x128xf32, #tpu.memory_space<vmem>>
      %dma_start3A_2966 = arith.constant 0 : i32
      %dma_start3A_2967 = tpu.memref_slice %arg13[%dma_start3A_2961, %dma_start3A_2966] : memref<4x128xi32, #tpu.memory_space<vmem>> -> memref<1x128xi32, #tpu.memory_space<vmem>>
      %dma_start3A_2968 = tpu.memref_squeeze %dma_start3A_2967 : memref<1x128xi32, #tpu.memory_space<vmem>> -> memref<128xi32, #tpu.memory_space<vmem>>
      %dma_start3A_2969 = arith.constant 0 : i32
      %dma_start3A_2970 = arith.constant 0 : i32
      %dma_start3A_2971 = tpu.memref_slice %arg14[%dma_start3A_2969, %dma_start3A_2970] : memref<5120x128xf32, #tpu.memory_space<vmem_shared>> -> memref<5120x128xf32, #tpu.memory_space<vmem_shared>>
      tpu.enqueue_indirect_dma source(%dma_start3A_2965 : memref<128x128xf32, #tpu.memory_space<vmem>>) target(%dma_start3A_2971 : memref<5120x128xf32, #tpu.memory_space<vmem_shared>>) offsets(%dma_start3A_2968 : memref<128xi32, #tpu.memory_space<vmem>>) semaphore(%arg22 : memref<!tpu.dma_semaphore, #tpu.memory_space<semaphore_mem>>) {add = true}
    }
    %scan3A_2116 = arith.constant 10 : i32
    %dma_wait3A = arith.constant 0 : i32
    %dma_wait3A_2117 = arith.constant 0 : i32
    %dma_wait3A_2118 = arith.constant 0 : i32
    %dma_wait3A_2119 = arith.constant 0 : i32
    %dma_wait3A_2120 = tpu.memref_slice %arg11[%dma_wait3A, %dma_wait3A_2118, %dma_wait3A_2119] : memref<4x128x128xf32, #tpu.memory_space<vmem>> -> memref<1x128x128xf32, #tpu.memory_space<vmem>>
    %dma_wait3A_2121 = tpu.memref_squeeze %dma_wait3A_2120 : memref<1x128x128xf32, #tpu.memory_space<vmem>> -> memref<128x128xf32, #tpu.memory_space<vmem>>
    %dma_wait3A_2122 = arith.constant 0 : i32
    %dma_wait3A_2123 = tpu.memref_slice %arg13[%dma_wait3A_2117, %dma_wait3A_2122] : memref<4x128xi32, #tpu.memory_space<vmem>> -> memref<1x128xi32, #tpu.memory_space<vmem>>
    %dma_wait3A_2124 = tpu.memref_squeeze %dma_wait3A_2123 : memref<1x128xi32, #tpu.memory_space<vmem>> -> memref<128xi32, #tpu.memory_space<vmem>>
    %dma_wait3A_2125 = arith.constant 0 : i32
    %dma_wait3A_2126 = arith.constant 0 : i32
    %dma_wait3A_2127 = tpu.memref_slice %arg14[%dma_wait3A_2125, %dma_wait3A_2126] : memref<5120x128xf32, #tpu.memory_space<vmem_shared>> -> memref<5120x128xf32, #tpu.memory_space<vmem_shared>>
    tpu.wait_indirect_dma semaphore(%arg19 : memref<!tpu.dma_semaphore, #tpu.memory_space<semaphore_mem>>) src(%dma_wait3A_2121 : memref<128x128xf32, #tpu.memory_space<vmem>>) dst(%dma_wait3A_2127 : memref<5120x128xf32, #tpu.memory_space<vmem_shared>>)
    %dma_wait3A_2128 = arith.constant 1 : i32
    %dma_wait3A_2129 = arith.constant 1 : i32
    %dma_wait3A_2130 = arith.constant 0 : i32
    %dma_wait3A_2131 = arith.constant 0 : i32
    %dma_wait3A_2132 = tpu.memref_slice %arg11[%dma_wait3A_2128, %dma_wait3A_2130, %dma_wait3A_2131] : memref<4x128x128xf32, #tpu.memory_space<vmem>> -> memref<1x128x128xf32, #tpu.memory_space<vmem>>
    %dma_wait3A_2133 = tpu.memref_squeeze %dma_wait3A_2132 : memref<1x128x128xf32, #tpu.memory_space<vmem>> -> memref<128x128xf32, #tpu.memory_space<vmem>>
    %dma_wait3A_2134 = arith.constant 0 : i32
    %dma_wait3A_2135 = tpu.memref_slice %arg13[%dma_wait3A_2129, %dma_wait3A_2134] : memref<4x128xi32, #tpu.memory_space<vmem>> -> memref<1x128xi32, #tpu.memory_space<vmem>>
    %dma_wait3A_2136 = tpu.memref_squeeze %dma_wait3A_2135 : memref<1x128xi32, #tpu.memory_space<vmem>> -> memref<128xi32, #tpu.memory_space<vmem>>
    %dma_wait3A_2137 = arith.constant 0 : i32
    %dma_wait3A_2138 = arith.constant 0 : i32
    %dma_wait3A_2139 = tpu.memref_slice %arg14[%dma_wait3A_2137, %dma_wait3A_2138] : memref<5120x128xf32, #tpu.memory_space<vmem_shared>> -> memref<5120x128xf32, #tpu.memory_space<vmem_shared>>
    tpu.wait_indirect_dma semaphore(%arg20 : memref<!tpu.dma_semaphore, #tpu.memory_space<semaphore_mem>>) src(%dma_wait3A_2133 : memref<128x128xf32, #tpu.memory_space<vmem>>) dst(%dma_wait3A_2139 : memref<5120x128xf32, #tpu.memory_space<vmem_shared>>)
    %dma_wait3A_2140 = arith.constant 2 : i32
    %dma_wait3A_2141 = arith.constant 2 : i32
    %dma_wait3A_2142 = arith.constant 0 : i32
    %dma_wait3A_2143 = arith.constant 0 : i32
    %dma_wait3A_2144 = tpu.memref_slice %arg11[%dma_wait3A_2140, %dma_wait3A_2142, %dma_wait3A_2143] : memref<4x128x128xf32, #tpu.memory_space<vmem>> -> memref<1x128x128xf32, #tpu.memory_space<vmem>>
    %dma_wait3A_2145 = tpu.memref_squeeze %dma_wait3A_2144 : memref<1x128x128xf32, #tpu.memory_space<vmem>> -> memref<128x128xf32, #tpu.memory_space<vmem>>
    %dma_wait3A_2146 = arith.constant 0 : i32
    %dma_wait3A_2147 = tpu.memref_slice %arg13[%dma_wait3A_2141, %dma_wait3A_2146] : memref<4x128xi32, #tpu.memory_space<vmem>> -> memref<1x128xi32, #tpu.memory_space<vmem>>
    %dma_wait3A_2148 = tpu.memref_squeeze %dma_wait3A_2147 : memref<1x128xi32, #tpu.memory_space<vmem>> -> memref<128xi32, #tpu.memory_space<vmem>>
    %dma_wait3A_2149 = arith.constant 0 : i32
    %dma_wait3A_2150 = arith.constant 0 : i32
    %dma_wait3A_2151 = tpu.memref_slice %arg14[%dma_wait3A_2149, %dma_wait3A_2150] : memref<5120x128xf32, #tpu.memory_space<vmem_shared>> -> memref<5120x128xf32, #tpu.memory_space<vmem_shared>>
    tpu.wait_indirect_dma semaphore(%arg21 : memref<!tpu.dma_semaphore, #tpu.memory_space<semaphore_mem>>) src(%dma_wait3A_2145 : memref<128x128xf32, #tpu.memory_space<vmem>>) dst(%dma_wait3A_2151 : memref<5120x128xf32, #tpu.memory_space<vmem_shared>>)
    %dma_wait3A_2152 = arith.constant 3 : i32
    %dma_wait3A_2153 = arith.constant 3 : i32
    %dma_wait3A_2154 = arith.constant 0 : i32
    %dma_wait3A_2155 = arith.constant 0 : i32
    %dma_wait3A_2156 = tpu.memref_slice %arg11[%dma_wait3A_2152, %dma_wait3A_2154, %dma_wait3A_2155] : memref<4x128x128xf32, #tpu.memory_space<vmem>> -> memref<1x128x128xf32, #tpu.memory_space<vmem>>
    %dma_wait3A_2157 = tpu.memref_squeeze %dma_wait3A_2156 : memref<1x128x128xf32, #tpu.memory_space<vmem>> -> memref<128x128xf32, #tpu.memory_space<vmem>>
    %dma_wait3A_2158 = arith.constant 0 : i32
    %dma_wait3A_2159 = tpu.memref_slice %arg13[%dma_wait3A_2153, %dma_wait3A_2158] : memref<4x128xi32, #tpu.memory_space<vmem>> -> memref<1x128xi32, #tpu.memory_space<vmem>>
    %dma_wait3A_2160 = tpu.memref_squeeze %dma_wait3A_2159 : memref<1x128xi32, #tpu.memory_space<vmem>> -> memref<128xi32, #tpu.memory_space<vmem>>
    %dma_wait3A_2161 = arith.constant 0 : i32
    %dma_wait3A_2162 = arith.constant 0 : i32
    %dma_wait3A_2163 = tpu.memref_slice %arg14[%dma_wait3A_2161, %dma_wait3A_2162] : memref<5120x128xf32, #tpu.memory_space<vmem_shared>> -> memref<5120x128xf32, #tpu.memory_space<vmem_shared>>
    tpu.wait_indirect_dma semaphore(%arg22 : memref<!tpu.dma_semaphore, #tpu.memory_space<semaphore_mem>>) src(%dma_wait3A_2157 : memref<128x128xf32, #tpu.memory_space<vmem>>) dst(%dma_wait3A_2163 : memref<5120x128xf32, #tpu.memory_space<vmem_shared>>)
    %dma_start3A_2164 = arith.constant 0 : i32
    %dma_start3A_2165 = tpu.memref_slice %arg7[%min3A_3, %dma_start3A_2164] : memref<10240x128xf32, #tpu.memory_space<hbm>> -> memref<320x128xf32, #tpu.memory_space<hbm>>
    %dma_start3A_2166 = arith.constant 0 : i32
    %dma_start3A_2167 = tpu.memref_slice %arg14[%mul3A_5, %dma_start3A_2166] : memref<5120x128xf32, #tpu.memory_space<vmem_shared>> -> memref<320x128xf32, #tpu.memory_space<vmem_shared>>
    tpu.enqueue_dma source(%dma_start3A_2167 : memref<320x128xf32, #tpu.memory_space<vmem_shared>>) target(%dma_start3A_2165 : memref<320x128xf32, #tpu.memory_space<hbm>>) target_semaphore(%arg24 : memref<!tpu.dma_semaphore, #tpu.memory_space<semaphore_mem>>)
    %dma_start3A_2168 = arith.constant 0 : i32
    %dma_start3A_2169 = arith.constant 0 : i32
    %dma_start3A_2170 = arith.constant 0 : i32
    %dma_start3A_2171 = tpu.memref_slice %arg11[%dma_start3A_2168, %dma_start3A_2169, %dma_start3A_2170] : memref<4x128x128xf32, #tpu.memory_space<vmem>> -> memref<1x128x128xf32, #tpu.memory_space<vmem>>
    %dma_start3A_2172 = tpu.memref_squeeze %dma_start3A_2171 : memref<1x128x128xf32, #tpu.memory_space<vmem>> -> memref<128x128xf32, #tpu.memory_space<vmem>>
    %dma_start3A_2173 = arith.constant 0 : i32
    %dma_start3A_2174 = tpu.memref_slice %arg9[%dma_start3A_2173] : memref<320xi32, #tpu.memory_space<vmem>> -> memref<128xi32, #tpu.memory_space<vmem>>
    %dma_start3A_2175 = arith.constant 0 : i32
    %dma_start3A_2176 = arith.constant 0 : i32
    %dma_start3A_2177 = tpu.memref_slice %arg2[%dma_start3A_2175, %dma_start3A_2176] : memref<100000x128xf32, #tpu.memory_space<hbm>> -> memref<100000x128xf32, #tpu.memory_space<hbm>>
    tpu.enqueue_indirect_dma source(%dma_start3A_2177 : memref<100000x128xf32, #tpu.memory_space<hbm>>) target(%dma_start3A_2172 : memref<128x128xf32, #tpu.memory_space<vmem>>) offsets(%dma_start3A_2174 : memref<128xi32, #tpu.memory_space<vmem>>) semaphore(%arg15 : memref<!tpu.dma_semaphore, #tpu.memory_space<semaphore_mem>>)
    %dma_start3A_2178 = arith.constant 1 : i32
    %dma_start3A_2179 = arith.constant 0 : i32
    %dma_start3A_2180 = arith.constant 0 : i32
    %dma_start3A_2181 = tpu.memref_slice %arg11[%dma_start3A_2178, %dma_start3A_2179, %dma_start3A_2180] : memref<4x128x128xf32, #tpu.memory_space<vmem>> -> memref<1x128x128xf32, #tpu.memory_space<vmem>>
    %dma_start3A_2182 = tpu.memref_squeeze %dma_start3A_2181 : memref<1x128x128xf32, #tpu.memory_space<vmem>> -> memref<128x128xf32, #tpu.memory_space<vmem>>
    %dma_start3A_2183 = arith.constant 128 : i32
    %dma_start3A_2184 = tpu.memref_slice %arg9[%dma_start3A_2183] : memref<320xi32, #tpu.memory_space<vmem>> -> memref<128xi32, #tpu.memory_space<vmem>>
    %dma_start3A_2185 = arith.constant 0 : i32
    %dma_start3A_2186 = arith.constant 0 : i32
    %dma_start3A_2187 = tpu.memref_slice %arg2[%dma_start3A_2185, %dma_start3A_2186] : memref<100000x128xf32, #tpu.memory_space<hbm>> -> memref<100000x128xf32, #tpu.memory_space<hbm>>
    tpu.enqueue_indirect_dma source(%dma_start3A_2187 : memref<100000x128xf32, #tpu.memory_space<hbm>>) target(%dma_start3A_2182 : memref<128x128xf32, #tpu.memory_space<vmem>>) offsets(%dma_start3A_2184 : memref<128xi32, #tpu.memory_space<vmem>>) semaphore(%arg16 : memref<!tpu.dma_semaphore, #tpu.memory_space<semaphore_mem>>)
    %dma_start3A_2188 = arith.constant 2 : i32
    %dma_start3A_2189 = arith.constant 0 : i32
    %dma_start3A_2190 = arith.constant 0 : i32
    %dma_start3A_2191 = tpu.memref_slice %arg11[%dma_start3A_2188, %dma_start3A_2189, %dma_start3A_2190] : memref<4x128x128xf32, #tpu.memory_space<vmem>> -> memref<1x64x128xf32, #tpu.memory_space<vmem>>
    %dma_start3A_2192 = tpu.memref_squeeze %dma_start3A_2191 : memref<1x64x128xf32, #tpu.memory_space<vmem>> -> memref<64x128xf32, #tpu.memory_space<vmem>>
    %dma_start3A_2193 = arith.constant 256 : i32
    %dma_start3A_2194 = tpu.memref_slice %arg9[%dma_start3A_2193] : memref<320xi32, #tpu.memory_space<vmem>> -> memref<64xi32, #tpu.memory_space<vmem>>
    %dma_start3A_2195 = arith.constant 0 : i32
    %dma_start3A_2196 = arith.constant 0 : i32
    %dma_start3A_2197 = tpu.memref_slice %arg2[%dma_start3A_2195, %dma_start3A_2196] : memref<100000x128xf32, #tpu.memory_space<hbm>> -> memref<100000x128xf32, #tpu.memory_space<hbm>>
    tpu.enqueue_indirect_dma source(%dma_start3A_2197 : memref<100000x128xf32, #tpu.memory_space<hbm>>) target(%dma_start3A_2192 : memref<64x128xf32, #tpu.memory_space<vmem>>) offsets(%dma_start3A_2194 : memref<64xi32, #tpu.memory_space<vmem>>) semaphore(%arg17 : memref<!tpu.dma_semaphore, #tpu.memory_space<semaphore_mem>>)
    %dma_wait3A_2198 = arith.constant 0 : i32
    %dma_wait3A_2199 = arith.constant 0 : i32
    %dma_wait3A_2200 = arith.constant 0 : i32
    %dma_wait3A_2201 = tpu.memref_slice %arg11[%dma_wait3A_2198, %dma_wait3A_2199, %dma_wait3A_2200] : memref<4x128x128xf32, #tpu.memory_space<vmem>> -> memref<1x128x128xf32, #tpu.memory_space<vmem>>
    %dma_wait3A_2202 = tpu.memref_squeeze %dma_wait3A_2201 : memref<1x128x128xf32, #tpu.memory_space<vmem>> -> memref<128x128xf32, #tpu.memory_space<vmem>>
    %dma_wait3A_2203 = arith.constant 0 : i32
    %dma_wait3A_2204 = tpu.memref_slice %arg9[%dma_wait3A_2203] : memref<320xi32, #tpu.memory_space<vmem>> -> memref<128xi32, #tpu.memory_space<vmem>>
    %dma_wait3A_2205 = arith.constant 0 : i32
    %dma_wait3A_2206 = arith.constant 0 : i32
    %dma_wait3A_2207 = tpu.memref_slice %arg2[%dma_wait3A_2205, %dma_wait3A_2206] : memref<100000x128xf32, #tpu.memory_space<hbm>> -> memref<100000x128xf32, #tpu.memory_space<hbm>>
    tpu.wait_indirect_dma semaphore(%arg15 : memref<!tpu.dma_semaphore, #tpu.memory_space<semaphore_mem>>) src(%dma_wait3A_2207 : memref<100000x128xf32, #tpu.memory_space<hbm>>) dst(%dma_wait3A_2202 : memref<128x128xf32, #tpu.memory_space<vmem>>)
    %add3A_2208 = arith.constant 0 : i32
    %add3A_2209 = arith.addi %min3A_3, %add3A_2208 : i32
    %dma_start3A_2210 = arith.constant 0 : i32
    %dma_start3A_2211 = arith.constant 0 : i32
    %dma_start3A_2212 = arith.constant 0 : i32
    %dma_start3A_2213 = tpu.memref_slice %arg11[%dma_start3A_2210, %dma_start3A_2211, %dma_start3A_2212] : memref<4x128x128xf32, #tpu.memory_space<vmem>> -> memref<1x128x128xf32, #tpu.memory_space<vmem>>
    %dma_start3A_2214 = tpu.memref_squeeze %dma_start3A_2213 : memref<1x128x128xf32, #tpu.memory_space<vmem>> -> memref<128x128xf32, #tpu.memory_space<vmem>>
    %dma_start3A_2215 = arith.constant 0 : i32
    %dma_start3A_2216 = tpu.memref_slice %arg6[%add3A_2209, %dma_start3A_2215] : memref<10240x128xf32, #tpu.memory_space<hbm>> -> memref<128x128xf32, #tpu.memory_space<hbm>>
    %dma_start3A_2217 = arith.constant 0 : i32
    %dma_start3A_2218 = tpu.memref_slice %arg6[%add3A_2209, %dma_start3A_2217] : memref<10240x128xf32, #tpu.memory_space<hbm>> -> memref<128x128xf32, #tpu.memory_space<hbm>>
    %dma_start3A_2219 = arith.constant 0 : i32
    %dma_start3A_2220 = arith.constant 0 : i32
    %dma_start3A_2221 = tpu.memref_slice %arg11[%dma_start3A_2210, %dma_start3A_2219, %dma_start3A_2220] : memref<4x128x128xf32, #tpu.memory_space<vmem>> -> memref<1x128x128xf32, #tpu.memory_space<vmem>>
    %dma_start3A_2222 = tpu.memref_squeeze %dma_start3A_2221 : memref<1x128x128xf32, #tpu.memory_space<vmem>> -> memref<128x128xf32, #tpu.memory_space<vmem>>
    tpu.enqueue_dma source(%dma_start3A_2222 : memref<128x128xf32, #tpu.memory_space<vmem>>) target(%dma_start3A_2218 : memref<128x128xf32, #tpu.memory_space<hbm>>) target_semaphore(%arg23 : memref<!tpu.dma_semaphore, #tpu.memory_space<semaphore_mem>>)
    %dma_wait3A_2223 = arith.constant 1 : i32
    %dma_wait3A_2224 = arith.constant 0 : i32
    %dma_wait3A_2225 = arith.constant 0 : i32
    %dma_wait3A_2226 = tpu.memref_slice %arg11[%dma_wait3A_2223, %dma_wait3A_2224, %dma_wait3A_2225] : memref<4x128x128xf32, #tpu.memory_space<vmem>> -> memref<1x128x128xf32, #tpu.memory_space<vmem>>
    %dma_wait3A_2227 = tpu.memref_squeeze %dma_wait3A_2226 : memref<1x128x128xf32, #tpu.memory_space<vmem>> -> memref<128x128xf32, #tpu.memory_space<vmem>>
    %dma_wait3A_2228 = arith.constant 128 : i32
    %dma_wait3A_2229 = tpu.memref_slice %arg9[%dma_wait3A_2228] : memref<320xi32, #tpu.memory_space<vmem>> -> memref<128xi32, #tpu.memory_space<vmem>>
    %dma_wait3A_2230 = arith.constant 0 : i32
    %dma_wait3A_2231 = arith.constant 0 : i32
    %dma_wait3A_2232 = tpu.memref_slice %arg2[%dma_wait3A_2230, %dma_wait3A_2231] : memref<100000x128xf32, #tpu.memory_space<hbm>> -> memref<100000x128xf32, #tpu.memory_space<hbm>>
    tpu.wait_indirect_dma semaphore(%arg16 : memref<!tpu.dma_semaphore, #tpu.memory_space<semaphore_mem>>) src(%dma_wait3A_2232 : memref<100000x128xf32, #tpu.memory_space<hbm>>) dst(%dma_wait3A_2227 : memref<128x128xf32, #tpu.memory_space<vmem>>)
    %add3A_2233 = arith.constant 128 : i32
    %add3A_2234 = arith.addi %min3A_3, %add3A_2233 : i32
    %dma_start3A_2235 = arith.constant 1 : i32
    %dma_start3A_2236 = arith.constant 0 : i32
    %dma_start3A_2237 = arith.constant 0 : i32
    %dma_start3A_2238 = tpu.memref_slice %arg11[%dma_start3A_2235, %dma_start3A_2236, %dma_start3A_2237] : memref<4x128x128xf32, #tpu.memory_space<vmem>> -> memref<1x128x128xf32, #tpu.memory_space<vmem>>
    %dma_start3A_2239 = tpu.memref_squeeze %dma_start3A_2238 : memref<1x128x128xf32, #tpu.memory_space<vmem>> -> memref<128x128xf32, #tpu.memory_space<vmem>>
    %dma_start3A_2240 = arith.constant 0 : i32
    %dma_start3A_2241 = tpu.memref_slice %arg6[%add3A_2234, %dma_start3A_2240] : memref<10240x128xf32, #tpu.memory_space<hbm>> -> memref<128x128xf32, #tpu.memory_space<hbm>>
    %dma_start3A_2242 = arith.constant 0 : i32
    %dma_start3A_2243 = tpu.memref_slice %arg6[%add3A_2234, %dma_start3A_2242] : memref<10240x128xf32, #tpu.memory_space<hbm>> -> memref<128x128xf32, #tpu.memory_space<hbm>>
    %dma_start3A_2244 = arith.constant 0 : i32
    %dma_start3A_2245 = arith.constant 0 : i32
    %dma_start3A_2246 = tpu.memref_slice %arg11[%dma_start3A_2235, %dma_start3A_2244, %dma_start3A_2245] : memref<4x128x128xf32, #tpu.memory_space<vmem>> -> memref<1x128x128xf32, #tpu.memory_space<vmem>>
    %dma_start3A_2247 = tpu.memref_squeeze %dma_start3A_2246 : memref<1x128x128xf32, #tpu.memory_space<vmem>> -> memref<128x128xf32, #tpu.memory_space<vmem>>
    tpu.enqueue_dma source(%dma_start3A_2247 : memref<128x128xf32, #tpu.memory_space<vmem>>) target(%dma_start3A_2243 : memref<128x128xf32, #tpu.memory_space<hbm>>) target_semaphore(%arg23 : memref<!tpu.dma_semaphore, #tpu.memory_space<semaphore_mem>>)
    %dma_wait3A_2248 = arith.constant 2 : i32
    %dma_wait3A_2249 = arith.constant 0 : i32
    %dma_wait3A_2250 = arith.constant 0 : i32
    %dma_wait3A_2251 = tpu.memref_slice %arg11[%dma_wait3A_2248, %dma_wait3A_2249, %dma_wait3A_2250] : memref<4x128x128xf32, #tpu.memory_space<vmem>> -> memref<1x64x128xf32, #tpu.memory_space<vmem>>
    %dma_wait3A_2252 = tpu.memref_squeeze %dma_wait3A_2251 : memref<1x64x128xf32, #tpu.memory_space<vmem>> -> memref<64x128xf32, #tpu.memory_space<vmem>>
    %dma_wait3A_2253 = arith.constant 256 : i32
    %dma_wait3A_2254 = tpu.memref_slice %arg9[%dma_wait3A_2253] : memref<320xi32, #tpu.memory_space<vmem>> -> memref<64xi32, #tpu.memory_space<vmem>>
    %dma_wait3A_2255 = arith.constant 0 : i32
    %dma_wait3A_2256 = arith.constant 0 : i32
    %dma_wait3A_2257 = tpu.memref_slice %arg2[%dma_wait3A_2255, %dma_wait3A_2256] : memref<100000x128xf32, #tpu.memory_space<hbm>> -> memref<100000x128xf32, #tpu.memory_space<hbm>>
    tpu.wait_indirect_dma semaphore(%arg17 : memref<!tpu.dma_semaphore, #tpu.memory_space<semaphore_mem>>) src(%dma_wait3A_2257 : memref<100000x128xf32, #tpu.memory_space<hbm>>) dst(%dma_wait3A_2252 : memref<64x128xf32, #tpu.memory_space<vmem>>)
    %add3A_2258 = arith.constant 256 : i32
    %add3A_2259 = arith.addi %min3A_3, %add3A_2258 : i32
    %dma_start3A_2260 = arith.constant 2 : i32
    %dma_start3A_2261 = arith.constant 0 : i32
    %dma_start3A_2262 = arith.constant 0 : i32
    %dma_start3A_2263 = tpu.memref_slice %arg11[%dma_start3A_2260, %dma_start3A_2261, %dma_start3A_2262] : memref<4x128x128xf32, #tpu.memory_space<vmem>> -> memref<1x64x128xf32, #tpu.memory_space<vmem>>
    %dma_start3A_2264 = tpu.memref_squeeze %dma_start3A_2263 : memref<1x64x128xf32, #tpu.memory_space<vmem>> -> memref<64x128xf32, #tpu.memory_space<vmem>>
    %dma_start3A_2265 = arith.constant 0 : i32
    %dma_start3A_2266 = tpu.memref_slice %arg6[%add3A_2259, %dma_start3A_2265] : memref<10240x128xf32, #tpu.memory_space<hbm>> -> memref<64x128xf32, #tpu.memory_space<hbm>>
    %dma_start3A_2267 = arith.constant 0 : i32
    %dma_start3A_2268 = tpu.memref_slice %arg6[%add3A_2259, %dma_start3A_2267] : memref<10240x128xf32, #tpu.memory_space<hbm>> -> memref<64x128xf32, #tpu.memory_space<hbm>>
    %dma_start3A_2269 = arith.constant 0 : i32
    %dma_start3A_2270 = arith.constant 0 : i32
    %dma_start3A_2271 = tpu.memref_slice %arg11[%dma_start3A_2260, %dma_start3A_2269, %dma_start3A_2270] : memref<4x128x128xf32, #tpu.memory_space<vmem>> -> memref<1x64x128xf32, #tpu.memory_space<vmem>>
    %dma_start3A_2272 = tpu.memref_squeeze %dma_start3A_2271 : memref<1x64x128xf32, #tpu.memory_space<vmem>> -> memref<64x128xf32, #tpu.memory_space<vmem>>
    tpu.enqueue_dma source(%dma_start3A_2272 : memref<64x128xf32, #tpu.memory_space<vmem>>) target(%dma_start3A_2268 : memref<64x128xf32, #tpu.memory_space<hbm>>) target_semaphore(%arg23 : memref<!tpu.dma_semaphore, #tpu.memory_space<semaphore_mem>>)
    %dma_wait3A_2273 = arith.constant 0 : i32
    %dma_wait3A_2274 = tpu.memref_slice %arg7[%min3A_3, %dma_wait3A_2273] : memref<10240x128xf32, #tpu.memory_space<hbm>> -> memref<320x128xf32, #tpu.memory_space<hbm>>
    %dma_wait3A_2275 = arith.constant 0 : i32
    %dma_wait3A_2276 = tpu.memref_slice %arg14[%mul3A_5, %dma_wait3A_2275] : memref<5120x128xf32, #tpu.memory_space<vmem_shared>> -> memref<320x128xf32, #tpu.memory_space<vmem_shared>>
    tpu.wait_dma2 semaphore(%arg24 : memref<!tpu.dma_semaphore, #tpu.memory_space<semaphore_mem>>) src(%dma_wait3A_2276 : memref<320x128xf32, #tpu.memory_space<vmem_shared>>) dst(%dma_wait3A_2274 : memref<320x128xf32, #tpu.memory_space<hbm>>)
    %add3A_2277 = arith.constant 0 : i32
    %add3A_2278 = arith.addi %mul3A_5, %add3A_2277 : i32
    "tpu.region"() ({
      %run_scoped3A = tpu.sem_alloc : memref<!tpu.dma_semaphore, #tpu.memory_space<semaphore_mem>>
      %dma_start3A_2445 = arith.constant 0 : i32
      %dma_start3A_2446 = tpu.memref_slice %arg14[%add3A_2278, %dma_start3A_2445] : memref<5120x128xf32, #tpu.memory_space<vmem_shared>> -> memref<32x128xf32, #tpu.memory_space<vmem_shared>>
      %dma_start3A_2447 = arith.constant 0 : i32
      %dma_start3A_2448 = tpu.memref_slice %arg14[%add3A_2278, %dma_start3A_2447] : memref<5120x128xf32, #tpu.memory_space<vmem_shared>> -> memref<32x128xf32, #tpu.memory_space<vmem_shared>>
      tpu.enqueue_dma source(%arg12 : memref<32x128xf32, #tpu.memory_space<vmem>>) target(%dma_start3A_2448 : memref<32x128xf32, #tpu.memory_space<vmem_shared>>) target_semaphore(%run_scoped3A : memref<!tpu.dma_semaphore, #tpu.memory_space<semaphore_mem>>)
      %dma_wait3A_2449 = arith.constant 0 : i32
      %dma_wait3A_2450 = tpu.memref_slice %arg14[%add3A_2278, %dma_wait3A_2449] : memref<5120x128xf32, #tpu.memory_space<vmem_shared>> -> memref<32x128xf32, #tpu.memory_space<vmem_shared>>
      %dma_wait3A_2451 = arith.constant 0 : i32
      %dma_wait3A_2452 = tpu.memref_slice %arg14[%add3A_2278, %dma_wait3A_2451] : memref<5120x128xf32, #tpu.memory_space<vmem_shared>> -> memref<32x128xf32, #tpu.memory_space<vmem_shared>>
      tpu.wait_dma2 semaphore(%run_scoped3A : memref<!tpu.dma_semaphore, #tpu.memory_space<semaphore_mem>>) src(%arg12 : memref<32x128xf32, #tpu.memory_space<vmem>>) dst(%dma_wait3A_2452 : memref<32x128xf32, #tpu.memory_space<vmem_shared>>)
      tpu.yield
    }) : () -> ()
    %add3A_2279 = arith.constant 32 : i32
    %add3A_2280 = arith.addi %mul3A_5, %add3A_2279 : i32
    "tpu.region"() ({
      %run_scoped3A = tpu.sem_alloc : memref<!tpu.dma_semaphore, #tpu.memory_space<semaphore_mem>>
      %dma_start3A_2445 = arith.constant 0 : i32
      %dma_start3A_2446 = tpu.memref_slice %arg14[%add3A_2280, %dma_start3A_2445] : memref<5120x128xf32, #tpu.memory_space<vmem_shared>> -> memref<32x128xf32, #tpu.memory_space<vmem_shared>>
      %dma_start3A_2447 = arith.constant 0 : i32
      %dma_start3A_2448 = tpu.memref_slice %arg14[%add3A_2280, %dma_start3A_2447] : memref<5120x128xf32, #tpu.memory_space<vmem_shared>> -> memref<32x128xf32, #tpu.memory_space<vmem_shared>>
      tpu.enqueue_dma source(%arg12 : memref<32x128xf32, #tpu.memory_space<vmem>>) target(%dma_start3A_2448 : memref<32x128xf32, #tpu.memory_space<vmem_shared>>) target_semaphore(%run_scoped3A : memref<!tpu.dma_semaphore, #tpu.memory_space<semaphore_mem>>)
      %dma_wait3A_2449 = arith.constant 0 : i32
      %dma_wait3A_2450 = tpu.memref_slice %arg14[%add3A_2280, %dma_wait3A_2449] : memref<5120x128xf32, #tpu.memory_space<vmem_shared>> -> memref<32x128xf32, #tpu.memory_space<vmem_shared>>
      %dma_wait3A_2451 = arith.constant 0 : i32
      %dma_wait3A_2452 = tpu.memref_slice %arg14[%add3A_2280, %dma_wait3A_2451] : memref<5120x128xf32, #tpu.memory_space<vmem_shared>> -> memref<32x128xf32, #tpu.memory_space<vmem_shared>>
      tpu.wait_dma2 semaphore(%run_scoped3A : memref<!tpu.dma_semaphore, #tpu.memory_space<semaphore_mem>>) src(%arg12 : memref<32x128xf32, #tpu.memory_space<vmem>>) dst(%dma_wait3A_2452 : memref<32x128xf32, #tpu.memory_space<vmem_shared>>)
      tpu.yield
    }) : () -> ()
    %add3A_2281 = arith.constant 64 : i32
    %add3A_2282 = arith.addi %mul3A_5, %add3A_2281 : i32
    "tpu.region"() ({
      %run_scoped3A = tpu.sem_alloc : memref<!tpu.dma_semaphore, #tpu.memory_space<semaphore_mem>>
      %dma_start3A_2445 = arith.constant 0 : i32
      %dma_start3A_2446 = tpu.memref_slice %arg14[%add3A_2282, %dma_start3A_2445] : memref<5120x128xf32, #tpu.memory_space<vmem_shared>> -> memref<32x128xf32, #tpu.memory_space<vmem_shared>>
      %dma_start3A_2447 = arith.constant 0 : i32
      %dma_start3A_2448 = tpu.memref_slice %arg14[%add3A_2282, %dma_start3A_2447] : memref<5120x128xf32, #tpu.memory_space<vmem_shared>> -> memref<32x128xf32, #tpu.memory_space<vmem_shared>>
      tpu.enqueue_dma source(%arg12 : memref<32x128xf32, #tpu.memory_space<vmem>>) target(%dma_start3A_2448 : memref<32x128xf32, #tpu.memory_space<vmem_shared>>) target_semaphore(%run_scoped3A : memref<!tpu.dma_semaphore, #tpu.memory_space<semaphore_mem>>)
      %dma_wait3A_2449 = arith.constant 0 : i32
      %dma_wait3A_2450 = tpu.memref_slice %arg14[%add3A_2282, %dma_wait3A_2449] : memref<5120x128xf32, #tpu.memory_space<vmem_shared>> -> memref<32x128xf32, #tpu.memory_space<vmem_shared>>
      %dma_wait3A_2451 = arith.constant 0 : i32
      %dma_wait3A_2452 = tpu.memref_slice %arg14[%add3A_2282, %dma_wait3A_2451] : memref<5120x128xf32, #tpu.memory_space<vmem_shared>> -> memref<32x128xf32, #tpu.memory_space<vmem_shared>>
      tpu.wait_dma2 semaphore(%run_scoped3A : memref<!tpu.dma_semaphore, #tpu.memory_space<semaphore_mem>>) src(%arg12 : memref<32x128xf32, #tpu.memory_space<vmem>>) dst(%dma_wait3A_2452 : memref<32x128xf32, #tpu.memory_space<vmem_shared>>)
      tpu.yield
    }) : () -> ()
    %add3A_2283 = arith.constant 96 : i32
    %add3A_2284 = arith.addi %mul3A_5, %add3A_2283 : i32
    "tpu.region"() ({
      %run_scoped3A = tpu.sem_alloc : memref<!tpu.dma_semaphore, #tpu.memory_space<semaphore_mem>>
      %dma_start3A_2445 = arith.constant 0 : i32
      %dma_start3A_2446 = tpu.memref_slice %arg14[%add3A_2284, %dma_start3A_2445] : memref<5120x128xf32, #tpu.memory_space<vmem_shared>> -> memref<32x128xf32, #tpu.memory_space<vmem_shared>>
      %dma_start3A_2447 = arith.constant 0 : i32
      %dma_start3A_2448 = tpu.memref_slice %arg14[%add3A_2284, %dma_start3A_2447] : memref<5120x128xf32, #tpu.memory_space<vmem_shared>> -> memref<32x128xf32, #tpu.memory_space<vmem_shared>>
      tpu.enqueue_dma source(%arg12 : memref<32x128xf32, #tpu.memory_space<vmem>>) target(%dma_start3A_2448 : memref<32x128xf32, #tpu.memory_space<vmem_shared>>) target_semaphore(%run_scoped3A : memref<!tpu.dma_semaphore, #tpu.memory_space<semaphore_mem>>)
      %dma_wait3A_2449 = arith.constant 0 : i32
      %dma_wait3A_2450 = tpu.memref_slice %arg14[%add3A_2284, %dma_wait3A_2449] : memref<5120x128xf32, #tpu.memory_space<vmem_shared>> -> memref<32x128xf32, #tpu.memory_space<vmem_shared>>
      %dma_wait3A_2451 = arith.constant 0 : i32
      %dma_wait3A_2452 = tpu.memref_slice %arg14[%add3A_2284, %dma_wait3A_2451] : memref<5120x128xf32, #tpu.memory_space<vmem_shared>> -> memref<32x128xf32, #tpu.memory_space<vmem_shared>>
      tpu.wait_dma2 semaphore(%run_scoped3A : memref<!tpu.dma_semaphore, #tpu.memory_space<semaphore_mem>>) src(%arg12 : memref<32x128xf32, #tpu.memory_space<vmem>>) dst(%dma_wait3A_2452 : memref<32x128xf32, #tpu.memory_space<vmem_shared>>)
      tpu.yield
    }) : () -> ()
    %add3A_2285 = arith.constant 128 : i32
    %add3A_2286 = arith.addi %mul3A_5, %add3A_2285 : i32
    "tpu.region"() ({
      %run_scoped3A = tpu.sem_alloc : memref<!tpu.dma_semaphore, #tpu.memory_space<semaphore_mem>>
      %dma_start3A_2445 = arith.constant 0 : i32
      %dma_start3A_2446 = tpu.memref_slice %arg14[%add3A_2286, %dma_start3A_2445] : memref<5120x128xf32, #tpu.memory_space<vmem_shared>> -> memref<32x128xf32, #tpu.memory_space<vmem_shared>>
      %dma_start3A_2447 = arith.constant 0 : i32
      %dma_start3A_2448 = tpu.memref_slice %arg14[%add3A_2286, %dma_start3A_2447] : memref<5120x128xf32, #tpu.memory_space<vmem_shared>> -> memref<32x128xf32, #tpu.memory_space<vmem_shared>>
      tpu.enqueue_dma source(%arg12 : memref<32x128xf32, #tpu.memory_space<vmem>>) target(%dma_start3A_2448 : memref<32x128xf32, #tpu.memory_space<vmem_shared>>) target_semaphore(%run_scoped3A : memref<!tpu.dma_semaphore, #tpu.memory_space<semaphore_mem>>)
      %dma_wait3A_2449 = arith.constant 0 : i32
      %dma_wait3A_2450 = tpu.memref_slice %arg14[%add3A_2286, %dma_wait3A_2449] : memref<5120x128xf32, #tpu.memory_space<vmem_shared>> -> memref<32x128xf32, #tpu.memory_space<vmem_shared>>
      %dma_wait3A_2451 = arith.constant 0 : i32
      %dma_wait3A_2452 = tpu.memref_slice %arg14[%add3A_2286, %dma_wait3A_2451] : memref<5120x128xf32, #tpu.memory_space<vmem_shared>> -> memref<32x128xf32, #tpu.memory_space<vmem_shared>>
      tpu.wait_dma2 semaphore(%run_scoped3A : memref<!tpu.dma_semaphore, #tpu.memory_space<semaphore_mem>>) src(%arg12 : memref<32x128xf32, #tpu.memory_space<vmem>>) dst(%dma_wait3A_2452 : memref<32x128xf32, #tpu.memory_space<vmem_shared>>)
      tpu.yield
    }) : () -> ()
    %add3A_2287 = arith.constant 160 : i32
    %add3A_2288 = arith.addi %mul3A_5, %add3A_2287 : i32
    "tpu.region"() ({
      %run_scoped3A = tpu.sem_alloc : memref<!tpu.dma_semaphore, #tpu.memory_space<semaphore_mem>>
      %dma_start3A_2445 = arith.constant 0 : i32
      %dma_start3A_2446 = tpu.memref_slice %arg14[%add3A_2288, %dma_start3A_2445] : memref<5120x128xf32, #tpu.memory_space<vmem_shared>> -> memref<32x128xf32, #tpu.memory_space<vmem_shared>>
      %dma_start3A_2447 = arith.constant 0 : i32
      %dma_start3A_2448 = tpu.memref_slice %arg14[%add3A_2288, %dma_start3A_2447] : memref<5120x128xf32, #tpu.memory_space<vmem_shared>> -> memref<32x128xf32, #tpu.memory_space<vmem_shared>>
      tpu.enqueue_dma source(%arg12 : memref<32x128xf32, #tpu.memory_space<vmem>>) target(%dma_start3A_2448 : memref<32x128xf32, #tpu.memory_space<vmem_shared>>) target_semaphore(%run_scoped3A : memref<!tpu.dma_semaphore, #tpu.memory_space<semaphore_mem>>)
      %dma_wait3A_2449 = arith.constant 0 : i32
      %dma_wait3A_2450 = tpu.memref_slice %arg14[%add3A_2288, %dma_wait3A_2449] : memref<5120x128xf32, #tpu.memory_space<vmem_shared>> -> memref<32x128xf32, #tpu.memory_space<vmem_shared>>
      %dma_wait3A_2451 = arith.constant 0 : i32
      %dma_wait3A_2452 = tpu.memref_slice %arg14[%add3A_2288, %dma_wait3A_2451] : memref<5120x128xf32, #tpu.memory_space<vmem_shared>> -> memref<32x128xf32, #tpu.memory_space<vmem_shared>>
      tpu.wait_dma2 semaphore(%run_scoped3A : memref<!tpu.dma_semaphore, #tpu.memory_space<semaphore_mem>>) src(%arg12 : memref<32x128xf32, #tpu.memory_space<vmem>>) dst(%dma_wait3A_2452 : memref<32x128xf32, #tpu.memory_space<vmem_shared>>)
      tpu.yield
    }) : () -> ()
    %add3A_2289 = arith.constant 192 : i32
    %add3A_2290 = arith.addi %mul3A_5, %add3A_2289 : i32
    "tpu.region"() ({
      %run_scoped3A = tpu.sem_alloc : memref<!tpu.dma_semaphore, #tpu.memory_space<semaphore_mem>>
      %dma_start3A_2445 = arith.constant 0 : i32
      %dma_start3A_2446 = tpu.memref_slice %arg14[%add3A_2290, %dma_start3A_2445] : memref<5120x128xf32, #tpu.memory_space<vmem_shared>> -> memref<32x128xf32, #tpu.memory_space<vmem_shared>>
      %dma_start3A_2447 = arith.constant 0 : i32
      %dma_start3A_2448 = tpu.memref_slice %arg14[%add3A_2290, %dma_start3A_2447] : memref<5120x128xf32, #tpu.memory_space<vmem_shared>> -> memref<32x128xf32, #tpu.memory_space<vmem_shared>>
      tpu.enqueue_dma source(%arg12 : memref<32x128xf32, #tpu.memory_space<vmem>>) target(%dma_start3A_2448 : memref<32x128xf32, #tpu.memory_space<vmem_shared>>) target_semaphore(%run_scoped3A : memref<!tpu.dma_semaphore, #tpu.memory_space<semaphore_mem>>)
      %dma_wait3A_2449 = arith.constant 0 : i32
      %dma_wait3A_2450 = tpu.memref_slice %arg14[%add3A_2290, %dma_wait3A_2449] : memref<5120x128xf32, #tpu.memory_space<vmem_shared>> -> memref<32x128xf32, #tpu.memory_space<vmem_shared>>
      %dma_wait3A_2451 = arith.constant 0 : i32
      %dma_wait3A_2452 = tpu.memref_slice %arg14[%add3A_2290, %dma_wait3A_2451] : memref<5120x128xf32, #tpu.memory_space<vmem_shared>> -> memref<32x128xf32, #tpu.memory_space<vmem_shared>>
      tpu.wait_dma2 semaphore(%run_scoped3A : memref<!tpu.dma_semaphore, #tpu.memory_space<semaphore_mem>>) src(%arg12 : memref<32x128xf32, #tpu.memory_space<vmem>>) dst(%dma_wait3A_2452 : memref<32x128xf32, #tpu.memory_space<vmem_shared>>)
      tpu.yield
    }) : () -> ()
    %add3A_2291 = arith.constant 224 : i32
    %add3A_2292 = arith.addi %mul3A_5, %add3A_2291 : i32
    "tpu.region"() ({
      %run_scoped3A = tpu.sem_alloc : memref<!tpu.dma_semaphore, #tpu.memory_space<semaphore_mem>>
      %dma_start3A_2445 = arith.constant 0 : i32
      %dma_start3A_2446 = tpu.memref_slice %arg14[%add3A_2292, %dma_start3A_2445] : memref<5120x128xf32, #tpu.memory_space<vmem_shared>> -> memref<32x128xf32, #tpu.memory_space<vmem_shared>>
      %dma_start3A_2447 = arith.constant 0 : i32
      %dma_start3A_2448 = tpu.memref_slice %arg14[%add3A_2292, %dma_start3A_2447] : memref<5120x128xf32, #tpu.memory_space<vmem_shared>> -> memref<32x128xf32, #tpu.memory_space<vmem_shared>>
      tpu.enqueue_dma source(%arg12 : memref<32x128xf32, #tpu.memory_space<vmem>>) target(%dma_start3A_2448 : memref<32x128xf32, #tpu.memory_space<vmem_shared>>) target_semaphore(%run_scoped3A : memref<!tpu.dma_semaphore, #tpu.memory_space<semaphore_mem>>)
      %dma_wait3A_2449 = arith.constant 0 : i32
      %dma_wait3A_2450 = tpu.memref_slice %arg14[%add3A_2292, %dma_wait3A_2449] : memref<5120x128xf32, #tpu.memory_space<vmem_shared>> -> memref<32x128xf32, #tpu.memory_space<vmem_shared>>
      %dma_wait3A_2451 = arith.constant 0 : i32
      %dma_wait3A_2452 = tpu.memref_slice %arg14[%add3A_2292, %dma_wait3A_2451] : memref<5120x128xf32, #tpu.memory_space<vmem_shared>> -> memref<32x128xf32, #tpu.memory_space<vmem_shared>>
      tpu.wait_dma2 semaphore(%run_scoped3A : memref<!tpu.dma_semaphore, #tpu.memory_space<semaphore_mem>>) src(%arg12 : memref<32x128xf32, #tpu.memory_space<vmem>>) dst(%dma_wait3A_2452 : memref<32x128xf32, #tpu.memory_space<vmem_shared>>)
      tpu.yield
    }) : () -> ()
    %add3A_2293 = arith.constant 256 : i32
    %add3A_2294 = arith.addi %mul3A_5, %add3A_2293 : i32
    "tpu.region"() ({
      %run_scoped3A = tpu.sem_alloc : memref<!tpu.dma_semaphore, #tpu.memory_space<semaphore_mem>>
      %dma_start3A_2445 = arith.constant 0 : i32
      %dma_start3A_2446 = tpu.memref_slice %arg14[%add3A_2294, %dma_start3A_2445] : memref<5120x128xf32, #tpu.memory_space<vmem_shared>> -> memref<32x128xf32, #tpu.memory_space<vmem_shared>>
      %dma_start3A_2447 = arith.constant 0 : i32
      %dma_start3A_2448 = tpu.memref_slice %arg14[%add3A_2294, %dma_start3A_2447] : memref<5120x128xf32, #tpu.memory_space<vmem_shared>> -> memref<32x128xf32, #tpu.memory_space<vmem_shared>>
      tpu.enqueue_dma source(%arg12 : memref<32x128xf32, #tpu.memory_space<vmem>>) target(%dma_start3A_2448 : memref<32x128xf32, #tpu.memory_space<vmem_shared>>) target_semaphore(%run_scoped3A : memref<!tpu.dma_semaphore, #tpu.memory_space<semaphore_mem>>)
      %dma_wait3A_2449 = arith.constant 0 : i32
      %dma_wait3A_2450 = tpu.memref_slice %arg14[%add3A_2294, %dma_wait3A_2449] : memref<5120x128xf32, #tpu.memory_space<vmem_shared>> -> memref<32x128xf32, #tpu.memory_space<vmem_shared>>
      %dma_wait3A_2451 = arith.constant 0 : i32
      %dma_wait3A_2452 = tpu.memref_slice %arg14[%add3A_2294, %dma_wait3A_2451] : memref<5120x128xf32, #tpu.memory_space<vmem_shared>> -> memref<32x128xf32, #tpu.memory_space<vmem_shared>>
      tpu.wait_dma2 semaphore(%run_scoped3A : memref<!tpu.dma_semaphore, #tpu.memory_space<semaphore_mem>>) src(%arg12 : memref<32x128xf32, #tpu.memory_space<vmem>>) dst(%dma_wait3A_2452 : memref<32x128xf32, #tpu.memory_space<vmem_shared>>)
      tpu.yield
    }) : () -> ()
    %add3A_2295 = arith.constant 288 : i32
    %add3A_2296 = arith.addi %mul3A_5, %add3A_2295 : i32
    "tpu.region"() ({
      %run_scoped3A = tpu.sem_alloc : memref<!tpu.dma_semaphore, #tpu.memory_space<semaphore_mem>>
      %dma_start3A_2445 = arith.constant 0 : i32
      %dma_start3A_2446 = tpu.memref_slice %arg14[%add3A_2296, %dma_start3A_2445] : memref<5120x128xf32, #tpu.memory_space<vmem_shared>> -> memref<32x128xf32, #tpu.memory_space<vmem_shared>>
      %dma_start3A_2447 = arith.constant 0 : i32
      %dma_start3A_2448 = tpu.memref_slice %arg14[%add3A_2296, %dma_start3A_2447] : memref<5120x128xf32, #tpu.memory_space<vmem_shared>> -> memref<32x128xf32, #tpu.memory_space<vmem_shared>>
      tpu.enqueue_dma source(%arg12 : memref<32x128xf32, #tpu.memory_space<vmem>>) target(%dma_start3A_2448 : memref<32x128xf32, #tpu.memory_space<vmem_shared>>) target_semaphore(%run_scoped3A : memref<!tpu.dma_semaphore, #tpu.memory_space<semaphore_mem>>)
      %dma_wait3A_2449 = arith.constant 0 : i32
      %dma_wait3A_2450 = tpu.memref_slice %arg14[%add3A_2296, %dma_wait3A_2449] : memref<5120x128xf32, #tpu.memory_space<vmem_shared>> -> memref<32x128xf32, #tpu.memory_space<vmem_shared>>
      %dma_wait3A_2451 = arith.constant 0 : i32
      %dma_wait3A_2452 = tpu.memref_slice %arg14[%add3A_2296, %dma_wait3A_2451] : memref<5120x128xf32, #tpu.memory_space<vmem_shared>> -> memref<32x128xf32, #tpu.memory_space<vmem_shared>>
      tpu.wait_dma2 semaphore(%run_scoped3A : memref<!tpu.dma_semaphore, #tpu.memory_space<semaphore_mem>>) src(%arg12 : memref<32x128xf32, #tpu.memory_space<vmem>>) dst(%dma_wait3A_2452 : memref<32x128xf32, #tpu.memory_space<vmem_shared>>)
      tpu.yield
    }) : () -> ()
    %add3A_2297 = arith.constant 0 : i32
    %add3A_2298 = arith.addi %min3A_3, %add3A_2297 : i32
    %dma_wait3A_2299 = arith.constant 0 : i32
    %dma_wait3A_2300 = arith.constant 0 : i32
    %dma_wait3A_2301 = arith.constant 0 : i32
    %dma_wait3A_2302 = tpu.memref_slice %arg11[%dma_wait3A_2299, %dma_wait3A_2300, %dma_wait3A_2301] : memref<4x128x128xf32, #tpu.memory_space<vmem>> -> memref<1x128x128xf32, #tpu.memory_space<vmem>>
    %dma_wait3A_2303 = tpu.memref_squeeze %dma_wait3A_2302 : memref<1x128x128xf32, #tpu.memory_space<vmem>> -> memref<128x128xf32, #tpu.memory_space<vmem>>
    %dma_wait3A_2304 = arith.constant 0 : i32
    %dma_wait3A_2305 = tpu.memref_slice %arg6[%add3A_2298, %dma_wait3A_2304] : memref<10240x128xf32, #tpu.memory_space<hbm>> -> memref<128x128xf32, #tpu.memory_space<hbm>>
    %dma_wait3A_2306 = arith.constant 0 : i32
    %dma_wait3A_2307 = tpu.memref_slice %arg6[%add3A_2298, %dma_wait3A_2306] : memref<10240x128xf32, #tpu.memory_space<hbm>> -> memref<128x128xf32, #tpu.memory_space<hbm>>
    %dma_wait3A_2308 = arith.constant 0 : i32
    %dma_wait3A_2309 = arith.constant 0 : i32
    %dma_wait3A_2310 = tpu.memref_slice %arg11[%dma_wait3A_2299, %dma_wait3A_2308, %dma_wait3A_2309] : memref<4x128x128xf32, #tpu.memory_space<vmem>> -> memref<1x128x128xf32, #tpu.memory_space<vmem>>
    %dma_wait3A_2311 = tpu.memref_squeeze %dma_wait3A_2310 : memref<1x128x128xf32, #tpu.memory_space<vmem>> -> memref<128x128xf32, #tpu.memory_space<vmem>>
    tpu.wait_dma2 semaphore(%arg23 : memref<!tpu.dma_semaphore, #tpu.memory_space<semaphore_mem>>) src(%dma_wait3A_2311 : memref<128x128xf32, #tpu.memory_space<vmem>>) dst(%dma_wait3A_2307 : memref<128x128xf32, #tpu.memory_space<hbm>>)
    %add3A_2312 = arith.constant 128 : i32
    %add3A_2313 = arith.addi %min3A_3, %add3A_2312 : i32
    %dma_wait3A_2314 = arith.constant 1 : i32
    %dma_wait3A_2315 = arith.constant 0 : i32
    %dma_wait3A_2316 = arith.constant 0 : i32
    %dma_wait3A_2317 = tpu.memref_slice %arg11[%dma_wait3A_2314, %dma_wait3A_2315, %dma_wait3A_2316] : memref<4x128x128xf32, #tpu.memory_space<vmem>> -> memref<1x128x128xf32, #tpu.memory_space<vmem>>
    %dma_wait3A_2318 = tpu.memref_squeeze %dma_wait3A_2317 : memref<1x128x128xf32, #tpu.memory_space<vmem>> -> memref<128x128xf32, #tpu.memory_space<vmem>>
    %dma_wait3A_2319 = arith.constant 0 : i32
    %dma_wait3A_2320 = tpu.memref_slice %arg6[%add3A_2313, %dma_wait3A_2319] : memref<10240x128xf32, #tpu.memory_space<hbm>> -> memref<128x128xf32, #tpu.memory_space<hbm>>
    %dma_wait3A_2321 = arith.constant 0 : i32
    %dma_wait3A_2322 = tpu.memref_slice %arg6[%add3A_2313, %dma_wait3A_2321] : memref<10240x128xf32, #tpu.memory_space<hbm>> -> memref<128x128xf32, #tpu.memory_space<hbm>>
    %dma_wait3A_2323 = arith.constant 0 : i32
    %dma_wait3A_2324 = arith.constant 0 : i32
    %dma_wait3A_2325 = tpu.memref_slice %arg11[%dma_wait3A_2314, %dma_wait3A_2323, %dma_wait3A_2324] : memref<4x128x128xf32, #tpu.memory_space<vmem>> -> memref<1x128x128xf32, #tpu.memory_space<vmem>>
    %dma_wait3A_2326 = tpu.memref_squeeze %dma_wait3A_2325 : memref<1x128x128xf32, #tpu.memory_space<vmem>> -> memref<128x128xf32, #tpu.memory_space<vmem>>
    tpu.wait_dma2 semaphore(%arg23 : memref<!tpu.dma_semaphore, #tpu.memory_space<semaphore_mem>>) src(%dma_wait3A_2326 : memref<128x128xf32, #tpu.memory_space<vmem>>) dst(%dma_wait3A_2322 : memref<128x128xf32, #tpu.memory_space<hbm>>)
    %add3A_2327 = arith.constant 256 : i32
    %add3A_2328 = arith.addi %min3A_3, %add3A_2327 : i32
    %dma_wait3A_2329 = arith.constant 2 : i32
    %dma_wait3A_2330 = arith.constant 0 : i32
    %dma_wait3A_2331 = arith.constant 0 : i32
    %dma_wait3A_2332 = tpu.memref_slice %arg11[%dma_wait3A_2329, %dma_wait3A_2330, %dma_wait3A_2331] : memref<4x128x128xf32, #tpu.memory_space<vmem>> -> memref<1x64x128xf32, #tpu.memory_space<vmem>>
    %dma_wait3A_2333 = tpu.memref_squeeze %dma_wait3A_2332 : memref<1x64x128xf32, #tpu.memory_space<vmem>> -> memref<64x128xf32, #tpu.memory_space<vmem>>
    %dma_wait3A_2334 = arith.constant 0 : i32
    %dma_wait3A_2335 = tpu.memref_slice %arg6[%add3A_2328, %dma_wait3A_2334] : memref<10240x128xf32, #tpu.memory_space<hbm>> -> memref<64x128xf32, #tpu.memory_space<hbm>>
    %dma_wait3A_2336 = arith.constant 0 : i32
    %dma_wait3A_2337 = tpu.memref_slice %arg6[%add3A_2328, %dma_wait3A_2336] : memref<10240x128xf32, #tpu.memory_space<hbm>> -> memref<64x128xf32, #tpu.memory_space<hbm>>
    %dma_wait3A_2338 = arith.constant 0 : i32
    %dma_wait3A_2339 = arith.constant 0 : i32
    %dma_wait3A_2340 = tpu.memref_slice %arg11[%dma_wait3A_2329, %dma_wait3A_2338, %dma_wait3A_2339] : memref<4x128x128xf32, #tpu.memory_space<vmem>> -> memref<1x64x128xf32, #tpu.memory_space<vmem>>
    %dma_wait3A_2341 = tpu.memref_squeeze %dma_wait3A_2340 : memref<1x64x128xf32, #tpu.memory_space<vmem>> -> memref<64x128xf32, #tpu.memory_space<vmem>>
    tpu.wait_dma2 semaphore(%arg23 : memref<!tpu.dma_semaphore, #tpu.memory_space<semaphore_mem>>) src(%dma_wait3A_2341 : memref<64x128xf32, #tpu.memory_space<vmem>>) dst(%dma_wait3A_2337 : memref<64x128xf32, #tpu.memory_space<hbm>>)
    %mul3A_2342 = arith.constant 16 : i32
    %mul3A_2343 = arith.muli %min3A_3, %mul3A_2342 : i32
    "tpu.region"() ({
      %run_scoped3A = tpu.sem_alloc : memref<!tpu.dma_semaphore, #tpu.memory_space<semaphore_mem>>
      %dma_start3A_2445 = tpu.memref_slice %arg5[%mul3A_2343] : memref<160000xi32, #tpu.memory_space<hbm>> -> memref<5120xi32, #tpu.memory_space<hbm>>
      %dma_start3A_2446 = tpu.memref_slice %arg5[%mul3A_2343] : memref<160000xi32, #tpu.memory_space<hbm>> -> memref<5120xi32, #tpu.memory_space<hbm>>
      tpu.enqueue_dma source(%dma_start3A_2446 : memref<5120xi32, #tpu.memory_space<hbm>>) target(%arg10 : memref<5120xi32, #tpu.memory_space<vmem>>) target_semaphore(%run_scoped3A : memref<!tpu.dma_semaphore, #tpu.memory_space<semaphore_mem>>)
      %dma_wait3A_2447 = tpu.memref_slice %arg5[%mul3A_2343] : memref<160000xi32, #tpu.memory_space<hbm>> -> memref<5120xi32, #tpu.memory_space<hbm>>
      %dma_wait3A_2448 = tpu.memref_slice %arg5[%mul3A_2343] : memref<160000xi32, #tpu.memory_space<hbm>> -> memref<5120xi32, #tpu.memory_space<hbm>>
      tpu.wait_dma2 semaphore(%run_scoped3A : memref<!tpu.dma_semaphore, #tpu.memory_space<semaphore_mem>>) src(%dma_wait3A_2448 : memref<5120xi32, #tpu.memory_space<hbm>>) dst(%arg10 : memref<5120xi32, #tpu.memory_space<vmem>>)
      tpu.yield
    }) : () -> ()
    %dma_start3A_2344 = arith.constant 0 : i32
    %dma_start3A_2345 = arith.constant 0 : i32
    %dma_start3A_2346 = arith.constant 0 : i32
    %dma_start3A_2347 = tpu.memref_slice %arg11[%dma_start3A_2344, %dma_start3A_2345, %dma_start3A_2346] : memref<4x128x128xf32, #tpu.memory_space<vmem>> -> memref<1x128x128xf32, #tpu.memory_space<vmem>>
    %dma_start3A_2348 = tpu.memref_squeeze %dma_start3A_2347 : memref<1x128x128xf32, #tpu.memory_space<vmem>> -> memref<128x128xf32, #tpu.memory_space<vmem>>
    %dma_start3A_2349 = arith.constant 0 : i32
    %dma_start3A_2350 = tpu.memref_slice %arg10[%dma_start3A_2349] : memref<5120xi32, #tpu.memory_space<vmem>> -> memref<128xi32, #tpu.memory_space<vmem>>
    %dma_start3A_2351 = arith.constant 0 : i32
    %dma_start3A_2352 = arith.constant 0 : i32
    %dma_start3A_2353 = tpu.memref_slice %arg2[%dma_start3A_2351, %dma_start3A_2352] : memref<100000x128xf32, #tpu.memory_space<hbm>> -> memref<100000x128xf32, #tpu.memory_space<hbm>>
    tpu.enqueue_indirect_dma source(%dma_start3A_2353 : memref<100000x128xf32, #tpu.memory_space<hbm>>) target(%dma_start3A_2348 : memref<128x128xf32, #tpu.memory_space<vmem>>) offsets(%dma_start3A_2350 : memref<128xi32, #tpu.memory_space<vmem>>) semaphore(%arg15 : memref<!tpu.dma_semaphore, #tpu.memory_space<semaphore_mem>>)
    %dma_start3A_2354 = arith.constant 1 : i32
    %dma_start3A_2355 = arith.constant 0 : i32
    %dma_start3A_2356 = arith.constant 0 : i32
    %dma_start3A_2357 = tpu.memref_slice %arg11[%dma_start3A_2354, %dma_start3A_2355, %dma_start3A_2356] : memref<4x128x128xf32, #tpu.memory_space<vmem>> -> memref<1x128x128xf32, #tpu.memory_space<vmem>>
    %dma_start3A_2358 = tpu.memref_squeeze %dma_start3A_2357 : memref<1x128x128xf32, #tpu.memory_space<vmem>> -> memref<128x128xf32, #tpu.memory_space<vmem>>
    %dma_start3A_2359 = arith.constant 128 : i32
    %dma_start3A_2360 = tpu.memref_slice %arg10[%dma_start3A_2359] : memref<5120xi32, #tpu.memory_space<vmem>> -> memref<128xi32, #tpu.memory_space<vmem>>
    %dma_start3A_2361 = arith.constant 0 : i32
    %dma_start3A_2362 = arith.constant 0 : i32
    %dma_start3A_2363 = tpu.memref_slice %arg2[%dma_start3A_2361, %dma_start3A_2362] : memref<100000x128xf32, #tpu.memory_space<hbm>> -> memref<100000x128xf32, #tpu.memory_space<hbm>>
    tpu.enqueue_indirect_dma source(%dma_start3A_2363 : memref<100000x128xf32, #tpu.memory_space<hbm>>) target(%dma_start3A_2358 : memref<128x128xf32, #tpu.memory_space<vmem>>) offsets(%dma_start3A_2360 : memref<128xi32, #tpu.memory_space<vmem>>) semaphore(%arg16 : memref<!tpu.dma_semaphore, #tpu.memory_space<semaphore_mem>>)
    %dma_start3A_2364 = arith.constant 2 : i32
    %dma_start3A_2365 = arith.constant 0 : i32
    %dma_start3A_2366 = arith.constant 0 : i32
    %dma_start3A_2367 = tpu.memref_slice %arg11[%dma_start3A_2364, %dma_start3A_2365, %dma_start3A_2366] : memref<4x128x128xf32, #tpu.memory_space<vmem>> -> memref<1x128x128xf32, #tpu.memory_space<vmem>>
    %dma_start3A_2368 = tpu.memref_squeeze %dma_start3A_2367 : memref<1x128x128xf32, #tpu.memory_space<vmem>> -> memref<128x128xf32, #tpu.memory_space<vmem>>
    %dma_start3A_2369 = arith.constant 256 : i32
    %dma_start3A_2370 = tpu.memref_slice %arg10[%dma_start3A_2369] : memref<5120xi32, #tpu.memory_space<vmem>> -> memref<128xi32, #tpu.memory_space<vmem>>
    %dma_start3A_2371 = arith.constant 0 : i32
    %dma_start3A_2372 = arith.constant 0 : i32
    %dma_start3A_2373 = tpu.memref_slice %arg2[%dma_start3A_2371, %dma_start3A_2372] : memref<100000x128xf32, #tpu.memory_space<hbm>> -> memref<100000x128xf32, #tpu.memory_space<hbm>>
    tpu.enqueue_indirect_dma source(%dma_start3A_2373 : memref<100000x128xf32, #tpu.memory_space<hbm>>) target(%dma_start3A_2368 : memref<128x128xf32, #tpu.memory_space<vmem>>) offsets(%dma_start3A_2370 : memref<128xi32, #tpu.memory_space<vmem>>) semaphore(%arg17 : memref<!tpu.dma_semaphore, #tpu.memory_space<semaphore_mem>>)
    %dma_start3A_2374 = arith.constant 3 : i32
    %dma_start3A_2375 = arith.constant 0 : i32
    %dma_start3A_2376 = arith.constant 0 : i32
    %dma_start3A_2377 = tpu.memref_slice %arg11[%dma_start3A_2374, %dma_start3A_2375, %dma_start3A_2376] : memref<4x128x128xf32, #tpu.memory_space<vmem>> -> memref<1x128x128xf32, #tpu.memory_space<vmem>>
    %dma_start3A_2378 = tpu.memref_squeeze %dma_start3A_2377 : memref<1x128x128xf32, #tpu.memory_space<vmem>> -> memref<128x128xf32, #tpu.memory_space<vmem>>
    %dma_start3A_2379 = arith.constant 384 : i32
    %dma_start3A_2380 = tpu.memref_slice %arg10[%dma_start3A_2379] : memref<5120xi32, #tpu.memory_space<vmem>> -> memref<128xi32, #tpu.memory_space<vmem>>
    %dma_start3A_2381 = arith.constant 0 : i32
    %dma_start3A_2382 = arith.constant 0 : i32
    %dma_start3A_2383 = tpu.memref_slice %arg2[%dma_start3A_2381, %dma_start3A_2382] : memref<100000x128xf32, #tpu.memory_space<hbm>> -> memref<100000x128xf32, #tpu.memory_space<hbm>>
    tpu.enqueue_indirect_dma source(%dma_start3A_2383 : memref<100000x128xf32, #tpu.memory_space<hbm>>) target(%dma_start3A_2378 : memref<128x128xf32, #tpu.memory_space<vmem>>) offsets(%dma_start3A_2380 : memref<128xi32, #tpu.memory_space<vmem>>) semaphore(%arg18 : memref<!tpu.dma_semaphore, #tpu.memory_space<semaphore_mem>>)
    %scan3A_2384 = arith.constant 0 : i32
    %scan3A_2385 = arith.constant 10 : i32
    %scan3A_2386 = arith.addi %scan3A_2384, %scan3A_2385 : i32
    %scan3A_2387 = arith.constant 1 : i32
    scf.for %scan3A_2445 = %scan3A_2384 to %scan3A_2386 step %scan3A_2387  : i32 {
      %mul3A_2446 = arith.constant 4 : i32
      %mul3A_2447 = arith.muli %scan3A_2445, %mul3A_2446 : i32
      %add3A_2448 = arith.constant 0 : i32
      %add3A_2449 = arith.addi %add3A_2448, %mul3A_2447 : i32
      %add3A_2450 = arith.constant 0 : i32
      %add3A_2451 = arith.addi %add3A_2449, %add3A_2450 : i32
      %sub3A = arith.constant 1 : i32
      %sub3A_2452 = arith.subi %add3A_2451, %sub3A : i32
      %ge3A = arith.constant 0 : i32
      %ge3A_2453 = arith.cmpi sge, %sub3A_2452, %ge3A : i32
      %add3A_2454 = arith.constant 4 : i32
      %add3A_2455 = arith.addi %sub3A_2452, %add3A_2454 : i32
      %lt3A = arith.constant 40 : i32
      %lt3A_2456 = arith.cmpi slt, %add3A_2455, %lt3A : i32
      %and3A = arith.andi %ge3A_2453, %lt3A_2456 : i1
      %convert_element_type3A = arith.extui %and3A : i1 to i32
      %cond3A = arith.constant 0 : i32
      %cond3A_2457 = arith.cmpi ne, %convert_element_type3A, %cond3A : i32
      scf.if %cond3A_2457 {
        %dma_wait3A_2972 = arith.constant 3 : i32
        %dma_wait3A_2973 = arith.constant 3 : i32
        %dma_wait3A_2974 = arith.constant 0 : i32
        %dma_wait3A_2975 = arith.constant 0 : i32
        %dma_wait3A_2976 = tpu.memref_slice %arg11[%dma_wait3A_2972, %dma_wait3A_2974, %dma_wait3A_2975] : memref<4x128x128xf32, #tpu.memory_space<vmem>> -> memref<1x128x128xf32, #tpu.memory_space<vmem>>
        %dma_wait3A_2977 = tpu.memref_squeeze %dma_wait3A_2976 : memref<1x128x128xf32, #tpu.memory_space<vmem>> -> memref<128x128xf32, #tpu.memory_space<vmem>>
        %dma_wait3A_2978 = arith.constant 0 : i32
        %dma_wait3A_2979 = tpu.memref_slice %arg13[%dma_wait3A_2973, %dma_wait3A_2978] : memref<4x128xi32, #tpu.memory_space<vmem>> -> memref<1x128xi32, #tpu.memory_space<vmem>>
        %dma_wait3A_2980 = tpu.memref_squeeze %dma_wait3A_2979 : memref<1x128xi32, #tpu.memory_space<vmem>> -> memref<128xi32, #tpu.memory_space<vmem>>
        %dma_wait3A_2981 = arith.constant 0 : i32
        %dma_wait3A_2982 = arith.constant 0 : i32
        %dma_wait3A_2983 = tpu.memref_slice %arg14[%dma_wait3A_2981, %dma_wait3A_2982] : memref<5120x128xf32, #tpu.memory_space<vmem_shared>> -> memref<5120x128xf32, #tpu.memory_space<vmem_shared>>
        tpu.wait_indirect_dma semaphore(%arg22 : memref<!tpu.dma_semaphore, #tpu.memory_space<semaphore_mem>>) src(%dma_wait3A_2977 : memref<128x128xf32, #tpu.memory_space<vmem>>) dst(%dma_wait3A_2983 : memref<5120x128xf32, #tpu.memory_space<vmem_shared>>)
        %add3A_2984 = arith.constant 4 : i32
        %add3A_2985 = arith.addi %sub3A_2452, %add3A_2984 : i32
        %mul3A_2986 = arith.constant 128 : i32
        %mul3A_2987 = arith.muli %add3A_2985, %mul3A_2986 : i32
        %dma_start3A_2988 = arith.constant 3 : i32
        %dma_start3A_2989 = arith.constant 0 : i32
        %dma_start3A_2990 = arith.constant 0 : i32
        %dma_start3A_2991 = tpu.memref_slice %arg11[%dma_start3A_2988, %dma_start3A_2989, %dma_start3A_2990] : memref<4x128x128xf32, #tpu.memory_space<vmem>> -> memref<1x128x128xf32, #tpu.memory_space<vmem>>
        %dma_start3A_2992 = tpu.memref_squeeze %dma_start3A_2991 : memref<1x128x128xf32, #tpu.memory_space<vmem>> -> memref<128x128xf32, #tpu.memory_space<vmem>>
        %dma_start3A_2993 = tpu.memref_slice %arg10[%mul3A_2987] : memref<5120xi32, #tpu.memory_space<vmem>> -> memref<128xi32, #tpu.memory_space<vmem>>
        %dma_start3A_2994 = arith.constant 0 : i32
        %dma_start3A_2995 = arith.constant 0 : i32
        %dma_start3A_2996 = tpu.memref_slice %arg2[%dma_start3A_2994, %dma_start3A_2995] : memref<100000x128xf32, #tpu.memory_space<hbm>> -> memref<100000x128xf32, #tpu.memory_space<hbm>>
        tpu.enqueue_indirect_dma source(%dma_start3A_2996 : memref<100000x128xf32, #tpu.memory_space<hbm>>) target(%dma_start3A_2992 : memref<128x128xf32, #tpu.memory_space<vmem>>) offsets(%dma_start3A_2993 : memref<128xi32, #tpu.memory_space<vmem>>) semaphore(%arg18 : memref<!tpu.dma_semaphore, #tpu.memory_space<semaphore_mem>>)
      } else {
      }
      %dma_wait3A_2458 = arith.constant 0 : i32
      %dma_wait3A_2459 = arith.constant 0 : i32
      %dma_wait3A_2460 = arith.constant 0 : i32
      %dma_wait3A_2461 = tpu.memref_slice %arg11[%dma_wait3A_2458, %dma_wait3A_2459, %dma_wait3A_2460] : memref<4x128x128xf32, #tpu.memory_space<vmem>> -> memref<1x128x128xf32, #tpu.memory_space<vmem>>
      %dma_wait3A_2462 = tpu.memref_squeeze %dma_wait3A_2461 : memref<1x128x128xf32, #tpu.memory_space<vmem>> -> memref<128x128xf32, #tpu.memory_space<vmem>>
      %dma_wait3A_2463 = arith.constant 0 : i32
      %dma_wait3A_2464 = tpu.memref_slice %arg10[%dma_wait3A_2463] : memref<5120xi32, #tpu.memory_space<vmem>> -> memref<128xi32, #tpu.memory_space<vmem>>
      %dma_wait3A_2465 = arith.constant 0 : i32
      %dma_wait3A_2466 = arith.constant 0 : i32
      %dma_wait3A_2467 = tpu.memref_slice %arg2[%dma_wait3A_2465, %dma_wait3A_2466] : memref<100000x128xf32, #tpu.memory_space<hbm>> -> memref<100000x128xf32, #tpu.memory_space<hbm>>
      tpu.wait_indirect_dma semaphore(%arg15 : memref<!tpu.dma_semaphore, #tpu.memory_space<semaphore_mem>>) src(%dma_wait3A_2467 : memref<100000x128xf32, #tpu.memory_space<hbm>>) dst(%dma_wait3A_2462 : memref<128x128xf32, #tpu.memory_space<vmem>>)
      %mul3A_2468 = arith.constant 8 : i32
      %mul3A_2469 = arith.muli %add3A_2451, %mul3A_2468 : i32
      %add3A_2470 = arith.addi %mul3A_5, %mul3A_2469 : i32
      %add3A_2471 = arith.constant 0 : i32
      %add3A_2472 = arith.addi %add3A_2470, %add3A_2471 : i32
      %broadcast_in_dim3A_2473 = vector.broadcast %add3A_2472 : i32 to vector<16xi32>
      %swap3A_2474 = arith.constant 0 : i32
      %swap3A_2475 = arith.index_cast %swap3A_2474 : i32 to index
      %swap3A_2476 = arith.constant 0 : index
      %swap3A_2477 = tpu.vector_load %arg13[%swap3A_2475, %swap3A_2476] {strides = array<i32>} : memref<4x128xi32, #tpu.memory_space<vmem>>, vector<1x16xi32>,
      %swap3A_2478 = vector.shape_cast %swap3A_2477 : vector<1x16xi32> to vector<16xi32>
      %swap3A_2479 = vector.shape_cast %broadcast_in_dim3A_2473 : vector<16xi32> to vector<1x16xi32>
      tpu.vector_store %arg13[%swap3A_2475, %swap3A_2476], %swap3A_2479 {strides = array<i32>} : memref<4x128xi32, #tpu.memory_space<vmem>>, vector<1x16xi32>,
      %mul3A_2480 = arith.constant 8 : i32
      %mul3A_2481 = arith.muli %add3A_2451, %mul3A_2480 : i32
      %add3A_2482 = arith.addi %mul3A_5, %mul3A_2481 : i32
      %add3A_2483 = arith.constant 1 : i32
      %add3A_2484 = arith.addi %add3A_2482, %add3A_2483 : i32
      %broadcast_in_dim3A_2485 = vector.broadcast %add3A_2484 : i32 to vector<16xi32>
      %swap3A_2486 = arith.constant 0 : i32
      %swap3A_2487 = arith.index_cast %swap3A_2486 : i32 to index
      %swap3A_2488 = arith.constant 16 : index
      %swap3A_2489 = tpu.vector_load %arg13[%swap3A_2487, %swap3A_2488] {strides = array<i32>} : memref<4x128xi32, #tpu.memory_space<vmem>>, vector<1x16xi32>,
      %swap3A_2490 = vector.shape_cast %swap3A_2489 : vector<1x16xi32> to vector<16xi32>
      %swap3A_2491 = vector.shape_cast %broadcast_in_dim3A_2485 : vector<16xi32> to vector<1x16xi32>
      tpu.vector_store %arg13[%swap3A_2487, %swap3A_2488], %swap3A_2491 {strides = array<i32>} : memref<4x128xi32, #tpu.memory_space<vmem>>, vector<1x16xi32>,
      %mul3A_2492 = arith.constant 8 : i32
      %mul3A_2493 = arith.muli %add3A_2451, %mul3A_2492 : i32
      %add3A_2494 = arith.addi %mul3A_5, %mul3A_2493 : i32
      %add3A_2495 = arith.constant 2 : i32
      %add3A_2496 = arith.addi %add3A_2494, %add3A_2495 : i32
      %broadcast_in_dim3A_2497 = vector.broadcast %add3A_2496 : i32 to vector<16xi32>
      %swap3A_2498 = arith.constant 0 : i32
      %swap3A_2499 = arith.index_cast %swap3A_2498 : i32 to index
      %swap3A_2500 = arith.constant 32 : index
      %swap3A_2501 = tpu.vector_load %arg13[%swap3A_2499, %swap3A_2500] {strides = array<i32>} : memref<4x128xi32, #tpu.memory_space<vmem>>, vector<1x16xi32>,
      %swap3A_2502 = vector.shape_cast %swap3A_2501 : vector<1x16xi32> to vector<16xi32>
      %swap3A_2503 = vector.shape_cast %broadcast_in_dim3A_2497 : vector<16xi32> to vector<1x16xi32>
      tpu.vector_store %arg13[%swap3A_2499, %swap3A_2500], %swap3A_2503 {strides = array<i32>} : memref<4x128xi32, #tpu.memory_space<vmem>>, vector<1x16xi32>,
      %mul3A_2504 = arith.constant 8 : i32
      %mul3A_2505 = arith.muli %add3A_2451, %mul3A_2504 : i32
      %add3A_2506 = arith.addi %mul3A_5, %mul3A_2505 : i32
      %add3A_2507 = arith.constant 3 : i32
      %add3A_2508 = arith.addi %add3A_2506, %add3A_2507 : i32
      %broadcast_in_dim3A_2509 = vector.broadcast %add3A_2508 : i32 to vector<16xi32>
      %swap3A_2510 = arith.constant 0 : i32
      %swap3A_2511 = arith.index_cast %swap3A_2510 : i32 to index
      %swap3A_2512 = arith.constant 48 : index
      %swap3A_2513 = tpu.vector_load %arg13[%swap3A_2511, %swap3A_2512] {strides = array<i32>} : memref<4x128xi32, #tpu.memory_space<vmem>>, vector<1x16xi32>,
      %swap3A_2514 = vector.shape_cast %swap3A_2513 : vector<1x16xi32> to vector<16xi32>
      %swap3A_2515 = vector.shape_cast %broadcast_in_dim3A_2509 : vector<16xi32> to vector<1x16xi32>
      tpu.vector_store %arg13[%swap3A_2511, %swap3A_2512], %swap3A_2515 {strides = array<i32>} : memref<4x128xi32, #tpu.memory_space<vmem>>, vector<1x16xi32>,
      %mul3A_2516 = arith.constant 8 : i32
      %mul3A_2517 = arith.muli %add3A_2451, %mul3A_2516 : i32
      %add3A_2518 = arith.addi %mul3A_5, %mul3A_2517 : i32
      %add3A_2519 = arith.constant 4 : i32
      %add3A_2520 = arith.addi %add3A_2518, %add3A_2519 : i32
      %broadcast_in_dim3A_2521 = vector.broadcast %add3A_2520 : i32 to vector<16xi32>
      %swap3A_2522 = arith.constant 0 : i32
      %swap3A_2523 = arith.index_cast %swap3A_2522 : i32 to index
      %swap3A_2524 = arith.constant 64 : index
      %swap3A_2525 = tpu.vector_load %arg13[%swap3A_2523, %swap3A_2524] {strides = array<i32>} : memref<4x128xi32, #tpu.memory_space<vmem>>, vector<1x16xi32>,
      %swap3A_2526 = vector.shape_cast %swap3A_2525 : vector<1x16xi32> to vector<16xi32>
      %swap3A_2527 = vector.shape_cast %broadcast_in_dim3A_2521 : vector<16xi32> to vector<1x16xi32>
      tpu.vector_store %arg13[%swap3A_2523, %swap3A_2524], %swap3A_2527 {strides = array<i32>} : memref<4x128xi32, #tpu.memory_space<vmem>>, vector<1x16xi32>,
      %mul3A_2528 = arith.constant 8 : i32
      %mul3A_2529 = arith.muli %add3A_2451, %mul3A_2528 : i32
      %add3A_2530 = arith.addi %mul3A_5, %mul3A_2529 : i32
      %add3A_2531 = arith.constant 5 : i32
      %add3A_2532 = arith.addi %add3A_2530, %add3A_2531 : i32
      %broadcast_in_dim3A_2533 = vector.broadcast %add3A_2532 : i32 to vector<16xi32>
      %swap3A_2534 = arith.constant 0 : i32
      %swap3A_2535 = arith.index_cast %swap3A_2534 : i32 to index
      %swap3A_2536 = arith.constant 80 : index
      %swap3A_2537 = tpu.vector_load %arg13[%swap3A_2535, %swap3A_2536] {strides = array<i32>} : memref<4x128xi32, #tpu.memory_space<vmem>>, vector<1x16xi32>,
      %swap3A_2538 = vector.shape_cast %swap3A_2537 : vector<1x16xi32> to vector<16xi32>
      %swap3A_2539 = vector.shape_cast %broadcast_in_dim3A_2533 : vector<16xi32> to vector<1x16xi32>
      tpu.vector_store %arg13[%swap3A_2535, %swap3A_2536], %swap3A_2539 {strides = array<i32>} : memref<4x128xi32, #tpu.memory_space<vmem>>, vector<1x16xi32>,
      %mul3A_2540 = arith.constant 8 : i32
      %mul3A_2541 = arith.muli %add3A_2451, %mul3A_2540 : i32
      %add3A_2542 = arith.addi %mul3A_5, %mul3A_2541 : i32
      %add3A_2543 = arith.constant 6 : i32
      %add3A_2544 = arith.addi %add3A_2542, %add3A_2543 : i32
      %broadcast_in_dim3A_2545 = vector.broadcast %add3A_2544 : i32 to vector<16xi32>
      %swap3A_2546 = arith.constant 0 : i32
      %swap3A_2547 = arith.index_cast %swap3A_2546 : i32 to index
      %swap3A_2548 = arith.constant 96 : index
      %swap3A_2549 = tpu.vector_load %arg13[%swap3A_2547, %swap3A_2548] {strides = array<i32>} : memref<4x128xi32, #tpu.memory_space<vmem>>, vector<1x16xi32>,
      %swap3A_2550 = vector.shape_cast %swap3A_2549 : vector<1x16xi32> to vector<16xi32>
      %swap3A_2551 = vector.shape_cast %broadcast_in_dim3A_2545 : vector<16xi32> to vector<1x16xi32>
      tpu.vector_store %arg13[%swap3A_2547, %swap3A_2548], %swap3A_2551 {strides = array<i32>} : memref<4x128xi32, #tpu.memory_space<vmem>>, vector<1x16xi32>,
      %mul3A_2552 = arith.constant 8 : i32
      %mul3A_2553 = arith.muli %add3A_2451, %mul3A_2552 : i32
      %add3A_2554 = arith.addi %mul3A_5, %mul3A_2553 : i32
      %add3A_2555 = arith.constant 7 : i32
      %add3A_2556 = arith.addi %add3A_2554, %add3A_2555 : i32
      %broadcast_in_dim3A_2557 = vector.broadcast %add3A_2556 : i32 to vector<16xi32>
      %swap3A_2558 = arith.constant 0 : i32
      %swap3A_2559 = arith.index_cast %swap3A_2558 : i32 to index
      %swap3A_2560 = arith.constant 112 : index
      %swap3A_2561 = tpu.vector_load %arg13[%swap3A_2559, %swap3A_2560] {strides = array<i32>} : memref<4x128xi32, #tpu.memory_space<vmem>>, vector<1x16xi32>,
      %swap3A_2562 = vector.shape_cast %swap3A_2561 : vector<1x16xi32> to vector<16xi32>
      %swap3A_2563 = vector.shape_cast %broadcast_in_dim3A_2557 : vector<16xi32> to vector<1x16xi32>
      tpu.vector_store %arg13[%swap3A_2559, %swap3A_2560], %swap3A_2563 {strides = array<i32>} : memref<4x128xi32, #tpu.memory_space<vmem>>, vector<1x16xi32>,
      %dma_start3A_2564 = arith.constant 0 : i32
      %dma_start3A_2565 = arith.constant 0 : i32
      %dma_start3A_2566 = arith.constant 0 : i32
      %dma_start3A_2567 = arith.constant 0 : i32
      %dma_start3A_2568 = tpu.memref_slice %arg11[%dma_start3A_2564, %dma_start3A_2566, %dma_start3A_2567] : memref<4x128x128xf32, #tpu.memory_space<vmem>> -> memref<1x128x128xf32, #tpu.memory_space<vmem>>
      %dma_start3A_2569 = tpu.memref_squeeze %dma_start3A_2568 : memref<1x128x128xf32, #tpu.memory_space<vmem>> -> memref<128x128xf32, #tpu.memory_space<vmem>>
      %dma_start3A_2570 = arith.constant 0 : i32
      %dma_start3A_2571 = tpu.memref_slice %arg13[%dma_start3A_2565, %dma_start3A_2570] : memref<4x128xi32, #tpu.memory_space<vmem>> -> memref<1x128xi32, #tpu.memory_space<vmem>>
      %dma_start3A_2572 = tpu.memref_squeeze %dma_start3A_2571 : memref<1x128xi32, #tpu.memory_space<vmem>> -> memref<128xi32, #tpu.memory_space<vmem>>
      %dma_start3A_2573 = arith.constant 0 : i32
      %dma_start3A_2574 = arith.constant 0 : i32
      %dma_start3A_2575 = tpu.memref_slice %arg14[%dma_start3A_2573, %dma_start3A_2574] : memref<5120x128xf32, #tpu.memory_space<vmem_shared>> -> memref<5120x128xf32, #tpu.memory_space<vmem_shared>>
      tpu.enqueue_indirect_dma source(%dma_start3A_2569 : memref<128x128xf32, #tpu.memory_space<vmem>>) target(%dma_start3A_2575 : memref<5120x128xf32, #tpu.memory_space<vmem_shared>>) offsets(%dma_start3A_2572 : memref<128xi32, #tpu.memory_space<vmem>>) semaphore(%arg19 : memref<!tpu.dma_semaphore, #tpu.memory_space<semaphore_mem>>) {add = true}
      %add3A_2576 = arith.constant 1 : i32
      %add3A_2577 = arith.addi %add3A_2449, %add3A_2576 : i32
      %sub3A_2578 = arith.constant 1 : i32
      %sub3A_2579 = arith.subi %add3A_2577, %sub3A_2578 : i32
      %ge3A_2580 = arith.constant 0 : i32
      %ge3A_2581 = arith.cmpi sge, %sub3A_2579, %ge3A_2580 : i32
      %add3A_2582 = arith.constant 4 : i32
      %add3A_2583 = arith.addi %sub3A_2579, %add3A_2582 : i32
      %lt3A_2584 = arith.constant 40 : i32
      %lt3A_2585 = arith.cmpi slt, %add3A_2583, %lt3A_2584 : i32
      %and3A_2586 = arith.andi %ge3A_2581, %lt3A_2585 : i1
      %convert_element_type3A_2587 = arith.extui %and3A_2586 : i1 to i32
      %cond3A_2588 = arith.constant 0 : i32
      %cond3A_2589 = arith.cmpi ne, %convert_element_type3A_2587, %cond3A_2588 : i32
      scf.if %cond3A_2589 {
        %dma_wait3A_2972 = arith.constant 0 : i32
        %dma_wait3A_2973 = arith.constant 0 : i32
        %dma_wait3A_2974 = arith.constant 0 : i32
        %dma_wait3A_2975 = arith.constant 0 : i32
        %dma_wait3A_2976 = tpu.memref_slice %arg11[%dma_wait3A_2972, %dma_wait3A_2974, %dma_wait3A_2975] : memref<4x128x128xf32, #tpu.memory_space<vmem>> -> memref<1x128x128xf32, #tpu.memory_space<vmem>>
        %dma_wait3A_2977 = tpu.memref_squeeze %dma_wait3A_2976 : memref<1x128x128xf32, #tpu.memory_space<vmem>> -> memref<128x128xf32, #tpu.memory_space<vmem>>
        %dma_wait3A_2978 = arith.constant 0 : i32
        %dma_wait3A_2979 = tpu.memref_slice %arg13[%dma_wait3A_2973, %dma_wait3A_2978] : memref<4x128xi32, #tpu.memory_space<vmem>> -> memref<1x128xi32, #tpu.memory_space<vmem>>
        %dma_wait3A_2980 = tpu.memref_squeeze %dma_wait3A_2979 : memref<1x128xi32, #tpu.memory_space<vmem>> -> memref<128xi32, #tpu.memory_space<vmem>>
        %dma_wait3A_2981 = arith.constant 0 : i32
        %dma_wait3A_2982 = arith.constant 0 : i32
        %dma_wait3A_2983 = tpu.memref_slice %arg14[%dma_wait3A_2981, %dma_wait3A_2982] : memref<5120x128xf32, #tpu.memory_space<vmem_shared>> -> memref<5120x128xf32, #tpu.memory_space<vmem_shared>>
        tpu.wait_indirect_dma semaphore(%arg19 : memref<!tpu.dma_semaphore, #tpu.memory_space<semaphore_mem>>) src(%dma_wait3A_2977 : memref<128x128xf32, #tpu.memory_space<vmem>>) dst(%dma_wait3A_2983 : memref<5120x128xf32, #tpu.memory_space<vmem_shared>>)
        %add3A_2984 = arith.constant 4 : i32
        %add3A_2985 = arith.addi %sub3A_2579, %add3A_2984 : i32
        %mul3A_2986 = arith.constant 128 : i32
        %mul3A_2987 = arith.muli %add3A_2985, %mul3A_2986 : i32
        %dma_start3A_2988 = arith.constant 0 : i32
        %dma_start3A_2989 = arith.constant 0 : i32
        %dma_start3A_2990 = arith.constant 0 : i32
        %dma_start3A_2991 = tpu.memref_slice %arg11[%dma_start3A_2988, %dma_start3A_2989, %dma_start3A_2990] : memref<4x128x128xf32, #tpu.memory_space<vmem>> -> memref<1x128x128xf32, #tpu.memory_space<vmem>>
        %dma_start3A_2992 = tpu.memref_squeeze %dma_start3A_2991 : memref<1x128x128xf32, #tpu.memory_space<vmem>> -> memref<128x128xf32, #tpu.memory_space<vmem>>
        %dma_start3A_2993 = tpu.memref_slice %arg10[%mul3A_2987] : memref<5120xi32, #tpu.memory_space<vmem>> -> memref<128xi32, #tpu.memory_space<vmem>>
        %dma_start3A_2994 = arith.constant 0 : i32
        %dma_start3A_2995 = arith.constant 0 : i32
        %dma_start3A_2996 = tpu.memref_slice %arg2[%dma_start3A_2994, %dma_start3A_2995] : memref<100000x128xf32, #tpu.memory_space<hbm>> -> memref<100000x128xf32, #tpu.memory_space<hbm>>
        tpu.enqueue_indirect_dma source(%dma_start3A_2996 : memref<100000x128xf32, #tpu.memory_space<hbm>>) target(%dma_start3A_2992 : memref<128x128xf32, #tpu.memory_space<vmem>>) offsets(%dma_start3A_2993 : memref<128xi32, #tpu.memory_space<vmem>>) semaphore(%arg15 : memref<!tpu.dma_semaphore, #tpu.memory_space<semaphore_mem>>)
      } else {
      }
      %dma_wait3A_2590 = arith.constant 1 : i32
      %dma_wait3A_2591 = arith.constant 0 : i32
      %dma_wait3A_2592 = arith.constant 0 : i32
      %dma_wait3A_2593 = tpu.memref_slice %arg11[%dma_wait3A_2590, %dma_wait3A_2591, %dma_wait3A_2592] : memref<4x128x128xf32, #tpu.memory_space<vmem>> -> memref<1x128x128xf32, #tpu.memory_space<vmem>>
      %dma_wait3A_2594 = tpu.memref_squeeze %dma_wait3A_2593 : memref<1x128x128xf32, #tpu.memory_space<vmem>> -> memref<128x128xf32, #tpu.memory_space<vmem>>
      %dma_wait3A_2595 = arith.constant 0 : i32
      %dma_wait3A_2596 = tpu.memref_slice %arg10[%dma_wait3A_2595] : memref<5120xi32, #tpu.memory_space<vmem>> -> memref<128xi32, #tpu.memory_space<vmem>>
      %dma_wait3A_2597 = arith.constant 0 : i32
      %dma_wait3A_2598 = arith.constant 0 : i32
      %dma_wait3A_2599 = tpu.memref_slice %arg2[%dma_wait3A_2597, %dma_wait3A_2598] : memref<100000x128xf32, #tpu.memory_space<hbm>> -> memref<100000x128xf32, #tpu.memory_space<hbm>>
      tpu.wait_indirect_dma semaphore(%arg16 : memref<!tpu.dma_semaphore, #tpu.memory_space<semaphore_mem>>) src(%dma_wait3A_2599 : memref<100000x128xf32, #tpu.memory_space<hbm>>) dst(%dma_wait3A_2594 : memref<128x128xf32, #tpu.memory_space<vmem>>)
      %mul3A_2600 = arith.constant 8 : i32
      %mul3A_2601 = arith.muli %add3A_2577, %mul3A_2600 : i32
      %add3A_2602 = arith.addi %mul3A_5, %mul3A_2601 : i32
      %add3A_2603 = arith.constant 0 : i32
      %add3A_2604 = arith.addi %add3A_2602, %add3A_2603 : i32
      %broadcast_in_dim3A_2605 = vector.broadcast %add3A_2604 : i32 to vector<16xi32>
      %swap3A_2606 = arith.constant 1 : i32
      %swap3A_2607 = arith.index_cast %swap3A_2606 : i32 to index
      %swap3A_2608 = arith.constant 0 : index
      %swap3A_2609 = tpu.vector_load %arg13[%swap3A_2607, %swap3A_2608] {strides = array<i32>} : memref<4x128xi32, #tpu.memory_space<vmem>>, vector<1x16xi32>,
      %swap3A_2610 = vector.shape_cast %swap3A_2609 : vector<1x16xi32> to vector<16xi32>
      %swap3A_2611 = vector.shape_cast %broadcast_in_dim3A_2605 : vector<16xi32> to vector<1x16xi32>
      tpu.vector_store %arg13[%swap3A_2607, %swap3A_2608], %swap3A_2611 {strides = array<i32>} : memref<4x128xi32, #tpu.memory_space<vmem>>, vector<1x16xi32>,
      %mul3A_2612 = arith.constant 8 : i32
      %mul3A_2613 = arith.muli %add3A_2577, %mul3A_2612 : i32
      %add3A_2614 = arith.addi %mul3A_5, %mul3A_2613 : i32
      %add3A_2615 = arith.constant 1 : i32
      %add3A_2616 = arith.addi %add3A_2614, %add3A_2615 : i32
      %broadcast_in_dim3A_2617 = vector.broadcast %add3A_2616 : i32 to vector<16xi32>
      %swap3A_2618 = arith.constant 1 : i32
      %swap3A_2619 = arith.index_cast %swap3A_2618 : i32 to index
      %swap3A_2620 = arith.constant 16 : index
      %swap3A_2621 = tpu.vector_load %arg13[%swap3A_2619, %swap3A_2620] {strides = array<i32>} : memref<4x128xi32, #tpu.memory_space<vmem>>, vector<1x16xi32>,
      %swap3A_2622 = vector.shape_cast %swap3A_2621 : vector<1x16xi32> to vector<16xi32>
      %swap3A_2623 = vector.shape_cast %broadcast_in_dim3A_2617 : vector<16xi32> to vector<1x16xi32>
      tpu.vector_store %arg13[%swap3A_2619, %swap3A_2620], %swap3A_2623 {strides = array<i32>} : memref<4x128xi32, #tpu.memory_space<vmem>>, vector<1x16xi32>,
      %mul3A_2624 = arith.constant 8 : i32
      %mul3A_2625 = arith.muli %add3A_2577, %mul3A_2624 : i32
      %add3A_2626 = arith.addi %mul3A_5, %mul3A_2625 : i32
      %add3A_2627 = arith.constant 2 : i32
      %add3A_2628 = arith.addi %add3A_2626, %add3A_2627 : i32
      %broadcast_in_dim3A_2629 = vector.broadcast %add3A_2628 : i32 to vector<16xi32>
      %swap3A_2630 = arith.constant 1 : i32
      %swap3A_2631 = arith.index_cast %swap3A_2630 : i32 to index
      %swap3A_2632 = arith.constant 32 : index
      %swap3A_2633 = tpu.vector_load %arg13[%swap3A_2631, %swap3A_2632] {strides = array<i32>} : memref<4x128xi32, #tpu.memory_space<vmem>>, vector<1x16xi32>,
      %swap3A_2634 = vector.shape_cast %swap3A_2633 : vector<1x16xi32> to vector<16xi32>
      %swap3A_2635 = vector.shape_cast %broadcast_in_dim3A_2629 : vector<16xi32> to vector<1x16xi32>
      tpu.vector_store %arg13[%swap3A_2631, %swap3A_2632], %swap3A_2635 {strides = array<i32>} : memref<4x128xi32, #tpu.memory_space<vmem>>, vector<1x16xi32>,
      %mul3A_2636 = arith.constant 8 : i32
      %mul3A_2637 = arith.muli %add3A_2577, %mul3A_2636 : i32
      %add3A_2638 = arith.addi %mul3A_5, %mul3A_2637 : i32
      %add3A_2639 = arith.constant 3 : i32
      %add3A_2640 = arith.addi %add3A_2638, %add3A_2639 : i32
      %broadcast_in_dim3A_2641 = vector.broadcast %add3A_2640 : i32 to vector<16xi32>
      %swap3A_2642 = arith.constant 1 : i32
      %swap3A_2643 = arith.index_cast %swap3A_2642 : i32 to index
      %swap3A_2644 = arith.constant 48 : index
      %swap3A_2645 = tpu.vector_load %arg13[%swap3A_2643, %swap3A_2644] {strides = array<i32>} : memref<4x128xi32, #tpu.memory_space<vmem>>, vector<1x16xi32>,
      %swap3A_2646 = vector.shape_cast %swap3A_2645 : vector<1x16xi32> to vector<16xi32>
      %swap3A_2647 = vector.shape_cast %broadcast_in_dim3A_2641 : vector<16xi32> to vector<1x16xi32>
      tpu.vector_store %arg13[%swap3A_2643, %swap3A_2644], %swap3A_2647 {strides = array<i32>} : memref<4x128xi32, #tpu.memory_space<vmem>>, vector<1x16xi32>,
      %mul3A_2648 = arith.constant 8 : i32
      %mul3A_2649 = arith.muli %add3A_2577, %mul3A_2648 : i32
      %add3A_2650 = arith.addi %mul3A_5, %mul3A_2649 : i32
      %add3A_2651 = arith.constant 4 : i32
      %add3A_2652 = arith.addi %add3A_2650, %add3A_2651 : i32
      %broadcast_in_dim3A_2653 = vector.broadcast %add3A_2652 : i32 to vector<16xi32>
      %swap3A_2654 = arith.constant 1 : i32
      %swap3A_2655 = arith.index_cast %swap3A_2654 : i32 to index
      %swap3A_2656 = arith.constant 64 : index
      %swap3A_2657 = tpu.vector_load %arg13[%swap3A_2655, %swap3A_2656] {strides = array<i32>} : memref<4x128xi32, #tpu.memory_space<vmem>>, vector<1x16xi32>,
      %swap3A_2658 = vector.shape_cast %swap3A_2657 : vector<1x16xi32> to vector<16xi32>
      %swap3A_2659 = vector.shape_cast %broadcast_in_dim3A_2653 : vector<16xi32> to vector<1x16xi32>
      tpu.vector_store %arg13[%swap3A_2655, %swap3A_2656], %swap3A_2659 {strides = array<i32>} : memref<4x128xi32, #tpu.memory_space<vmem>>, vector<1x16xi32>,
      %mul3A_2660 = arith.constant 8 : i32
      %mul3A_2661 = arith.muli %add3A_2577, %mul3A_2660 : i32
      %add3A_2662 = arith.addi %mul3A_5, %mul3A_2661 : i32
      %add3A_2663 = arith.constant 5 : i32
      %add3A_2664 = arith.addi %add3A_2662, %add3A_2663 : i32
      %broadcast_in_dim3A_2665 = vector.broadcast %add3A_2664 : i32 to vector<16xi32>
      %swap3A_2666 = arith.constant 1 : i32
      %swap3A_2667 = arith.index_cast %swap3A_2666 : i32 to index
      %swap3A_2668 = arith.constant 80 : index
      %swap3A_2669 = tpu.vector_load %arg13[%swap3A_2667, %swap3A_2668] {strides = array<i32>} : memref<4x128xi32, #tpu.memory_space<vmem>>, vector<1x16xi32>,
      %swap3A_2670 = vector.shape_cast %swap3A_2669 : vector<1x16xi32> to vector<16xi32>
      %swap3A_2671 = vector.shape_cast %broadcast_in_dim3A_2665 : vector<16xi32> to vector<1x16xi32>
      tpu.vector_store %arg13[%swap3A_2667, %swap3A_2668], %swap3A_2671 {strides = array<i32>} : memref<4x128xi32, #tpu.memory_space<vmem>>, vector<1x16xi32>,
      %mul3A_2672 = arith.constant 8 : i32
      %mul3A_2673 = arith.muli %add3A_2577, %mul3A_2672 : i32
      %add3A_2674 = arith.addi %mul3A_5, %mul3A_2673 : i32
      %add3A_2675 = arith.constant 6 : i32
      %add3A_2676 = arith.addi %add3A_2674, %add3A_2675 : i32
      %broadcast_in_dim3A_2677 = vector.broadcast %add3A_2676 : i32 to vector<16xi32>
      %swap3A_2678 = arith.constant 1 : i32
      %swap3A_2679 = arith.index_cast %swap3A_2678 : i32 to index
      %swap3A_2680 = arith.constant 96 : index
      %swap3A_2681 = tpu.vector_load %arg13[%swap3A_2679, %swap3A_2680] {strides = array<i32>} : memref<4x128xi32, #tpu.memory_space<vmem>>, vector<1x16xi32>,
      %swap3A_2682 = vector.shape_cast %swap3A_2681 : vector<1x16xi32> to vector<16xi32>
      %swap3A_2683 = vector.shape_cast %broadcast_in_dim3A_2677 : vector<16xi32> to vector<1x16xi32>
      tpu.vector_store %arg13[%swap3A_2679, %swap3A_2680], %swap3A_2683 {strides = array<i32>} : memref<4x128xi32, #tpu.memory_space<vmem>>, vector<1x16xi32>,
      %mul3A_2684 = arith.constant 8 : i32
      %mul3A_2685 = arith.muli %add3A_2577, %mul3A_2684 : i32
      %add3A_2686 = arith.addi %mul3A_5, %mul3A_2685 : i32
      %add3A_2687 = arith.constant 7 : i32
      %add3A_2688 = arith.addi %add3A_2686, %add3A_2687 : i32
      %broadcast_in_dim3A_2689 = vector.broadcast %add3A_2688 : i32 to vector<16xi32>
      %swap3A_2690 = arith.constant 1 : i32
      %swap3A_2691 = arith.index_cast %swap3A_2690 : i32 to index
      %swap3A_2692 = arith.constant 112 : index
      %swap3A_2693 = tpu.vector_load %arg13[%swap3A_2691, %swap3A_2692] {strides = array<i32>} : memref<4x128xi32, #tpu.memory_space<vmem>>, vector<1x16xi32>,
      %swap3A_2694 = vector.shape_cast %swap3A_2693 : vector<1x16xi32> to vector<16xi32>
      %swap3A_2695 = vector.shape_cast %broadcast_in_dim3A_2689 : vector<16xi32> to vector<1x16xi32>
      tpu.vector_store %arg13[%swap3A_2691, %swap3A_2692], %swap3A_2695 {strides = array<i32>} : memref<4x128xi32, #tpu.memory_space<vmem>>, vector<1x16xi32>,
      %dma_start3A_2696 = arith.constant 1 : i32
      %dma_start3A_2697 = arith.constant 1 : i32
      %dma_start3A_2698 = arith.constant 0 : i32
      %dma_start3A_2699 = arith.constant 0 : i32
      %dma_start3A_2700 = tpu.memref_slice %arg11[%dma_start3A_2696, %dma_start3A_2698, %dma_start3A_2699] : memref<4x128x128xf32, #tpu.memory_space<vmem>> -> memref<1x128x128xf32, #tpu.memory_space<vmem>>
      %dma_start3A_2701 = tpu.memref_squeeze %dma_start3A_2700 : memref<1x128x128xf32, #tpu.memory_space<vmem>> -> memref<128x128xf32, #tpu.memory_space<vmem>>
      %dma_start3A_2702 = arith.constant 0 : i32
      %dma_start3A_2703 = tpu.memref_slice %arg13[%dma_start3A_2697, %dma_start3A_2702] : memref<4x128xi32, #tpu.memory_space<vmem>> -> memref<1x128xi32, #tpu.memory_space<vmem>>
      %dma_start3A_2704 = tpu.memref_squeeze %dma_start3A_2703 : memref<1x128xi32, #tpu.memory_space<vmem>> -> memref<128xi32, #tpu.memory_space<vmem>>
      %dma_start3A_2705 = arith.constant 0 : i32
      %dma_start3A_2706 = arith.constant 0 : i32
      %dma_start3A_2707 = tpu.memref_slice %arg14[%dma_start3A_2705, %dma_start3A_2706] : memref<5120x128xf32, #tpu.memory_space<vmem_shared>> -> memref<5120x128xf32, #tpu.memory_space<vmem_shared>>
      tpu.enqueue_indirect_dma source(%dma_start3A_2701 : memref<128x128xf32, #tpu.memory_space<vmem>>) target(%dma_start3A_2707 : memref<5120x128xf32, #tpu.memory_space<vmem_shared>>) offsets(%dma_start3A_2704 : memref<128xi32, #tpu.memory_space<vmem>>) semaphore(%arg20 : memref<!tpu.dma_semaphore, #tpu.memory_space<semaphore_mem>>) {add = true}
      %add3A_2708 = arith.constant 2 : i32
      %add3A_2709 = arith.addi %add3A_2449, %add3A_2708 : i32
      %sub3A_2710 = arith.constant 1 : i32
      %sub3A_2711 = arith.subi %add3A_2709, %sub3A_2710 : i32
      %ge3A_2712 = arith.constant 0 : i32
      %ge3A_2713 = arith.cmpi sge, %sub3A_2711, %ge3A_2712 : i32
      %add3A_2714 = arith.constant 4 : i32
      %add3A_2715 = arith.addi %sub3A_2711, %add3A_2714 : i32
      %lt3A_2716 = arith.constant 40 : i32
      %lt3A_2717 = arith.cmpi slt, %add3A_2715, %lt3A_2716 : i32
      %and3A_2718 = arith.andi %ge3A_2713, %lt3A_2717 : i1
      %convert_element_type3A_2719 = arith.extui %and3A_2718 : i1 to i32
      %cond3A_2720 = arith.constant 0 : i32
      %cond3A_2721 = arith.cmpi ne, %convert_element_type3A_2719, %cond3A_2720 : i32
      scf.if %cond3A_2721 {
        %dma_wait3A_2972 = arith.constant 1 : i32
        %dma_wait3A_2973 = arith.constant 1 : i32
        %dma_wait3A_2974 = arith.constant 0 : i32
        %dma_wait3A_2975 = arith.constant 0 : i32
        %dma_wait3A_2976 = tpu.memref_slice %arg11[%dma_wait3A_2972, %dma_wait3A_2974, %dma_wait3A_2975] : memref<4x128x128xf32, #tpu.memory_space<vmem>> -> memref<1x128x128xf32, #tpu.memory_space<vmem>>
        %dma_wait3A_2977 = tpu.memref_squeeze %dma_wait3A_2976 : memref<1x128x128xf32, #tpu.memory_space<vmem>> -> memref<128x128xf32, #tpu.memory_space<vmem>>
        %dma_wait3A_2978 = arith.constant 0 : i32
        %dma_wait3A_2979 = tpu.memref_slice %arg13[%dma_wait3A_2973, %dma_wait3A_2978] : memref<4x128xi32, #tpu.memory_space<vmem>> -> memref<1x128xi32, #tpu.memory_space<vmem>>
        %dma_wait3A_2980 = tpu.memref_squeeze %dma_wait3A_2979 : memref<1x128xi32, #tpu.memory_space<vmem>> -> memref<128xi32, #tpu.memory_space<vmem>>
        %dma_wait3A_2981 = arith.constant 0 : i32
        %dma_wait3A_2982 = arith.constant 0 : i32
        %dma_wait3A_2983 = tpu.memref_slice %arg14[%dma_wait3A_2981, %dma_wait3A_2982] : memref<5120x128xf32, #tpu.memory_space<vmem_shared>> -> memref<5120x128xf32, #tpu.memory_space<vmem_shared>>
        tpu.wait_indirect_dma semaphore(%arg20 : memref<!tpu.dma_semaphore, #tpu.memory_space<semaphore_mem>>) src(%dma_wait3A_2977 : memref<128x128xf32, #tpu.memory_space<vmem>>) dst(%dma_wait3A_2983 : memref<5120x128xf32, #tpu.memory_space<vmem_shared>>)
        %add3A_2984 = arith.constant 4 : i32
        %add3A_2985 = arith.addi %sub3A_2711, %add3A_2984 : i32
        %mul3A_2986 = arith.constant 128 : i32
        %mul3A_2987 = arith.muli %add3A_2985, %mul3A_2986 : i32
        %dma_start3A_2988 = arith.constant 1 : i32
        %dma_start3A_2989 = arith.constant 0 : i32
        %dma_start3A_2990 = arith.constant 0 : i32
        %dma_start3A_2991 = tpu.memref_slice %arg11[%dma_start3A_2988, %dma_start3A_2989, %dma_start3A_2990] : memref<4x128x128xf32, #tpu.memory_space<vmem>> -> memref<1x128x128xf32, #tpu.memory_space<vmem>>
        %dma_start3A_2992 = tpu.memref_squeeze %dma_start3A_2991 : memref<1x128x128xf32, #tpu.memory_space<vmem>> -> memref<128x128xf32, #tpu.memory_space<vmem>>
        %dma_start3A_2993 = tpu.memref_slice %arg10[%mul3A_2987] : memref<5120xi32, #tpu.memory_space<vmem>> -> memref<128xi32, #tpu.memory_space<vmem>>
        %dma_start3A_2994 = arith.constant 0 : i32
        %dma_start3A_2995 = arith.constant 0 : i32
        %dma_start3A_2996 = tpu.memref_slice %arg2[%dma_start3A_2994, %dma_start3A_2995] : memref<100000x128xf32, #tpu.memory_space<hbm>> -> memref<100000x128xf32, #tpu.memory_space<hbm>>
        tpu.enqueue_indirect_dma source(%dma_start3A_2996 : memref<100000x128xf32, #tpu.memory_space<hbm>>) target(%dma_start3A_2992 : memref<128x128xf32, #tpu.memory_space<vmem>>) offsets(%dma_start3A_2993 : memref<128xi32, #tpu.memory_space<vmem>>) semaphore(%arg16 : memref<!tpu.dma_semaphore, #tpu.memory_space<semaphore_mem>>)
      } else {
      }
      %dma_wait3A_2722 = arith.constant 2 : i32
      %dma_wait3A_2723 = arith.constant 0 : i32
      %dma_wait3A_2724 = arith.constant 0 : i32
      %dma_wait3A_2725 = tpu.memref_slice %arg11[%dma_wait3A_2722, %dma_wait3A_2723, %dma_wait3A_2724] : memref<4x128x128xf32, #tpu.memory_space<vmem>> -> memref<1x128x128xf32, #tpu.memory_space<vmem>>
      %dma_wait3A_2726 = tpu.memref_squeeze %dma_wait3A_2725 : memref<1x128x128xf32, #tpu.memory_space<vmem>> -> memref<128x128xf32, #tpu.memory_space<vmem>>
      %dma_wait3A_2727 = arith.constant 0 : i32
      %dma_wait3A_2728 = tpu.memref_slice %arg10[%dma_wait3A_2727] : memref<5120xi32, #tpu.memory_space<vmem>> -> memref<128xi32, #tpu.memory_space<vmem>>
      %dma_wait3A_2729 = arith.constant 0 : i32
      %dma_wait3A_2730 = arith.constant 0 : i32
      %dma_wait3A_2731 = tpu.memref_slice %arg2[%dma_wait3A_2729, %dma_wait3A_2730] : memref<100000x128xf32, #tpu.memory_space<hbm>> -> memref<100000x128xf32, #tpu.memory_space<hbm>>
      tpu.wait_indirect_dma semaphore(%arg17 : memref<!tpu.dma_semaphore, #tpu.memory_space<semaphore_mem>>) src(%dma_wait3A_2731 : memref<100000x128xf32, #tpu.memory_space<hbm>>) dst(%dma_wait3A_2726 : memref<128x128xf32, #tpu.memory_space<vmem>>)
      %mul3A_2732 = arith.constant 8 : i32
      %mul3A_2733 = arith.muli %add3A_2709, %mul3A_2732 : i32
      %add3A_2734 = arith.addi %mul3A_5, %mul3A_2733 : i32
      %add3A_2735 = arith.constant 0 : i32
      %add3A_2736 = arith.addi %add3A_2734, %add3A_2735 : i32
      %broadcast_in_dim3A_2737 = vector.broadcast %add3A_2736 : i32 to vector<16xi32>
      %swap3A_2738 = arith.constant 2 : i32
      %swap3A_2739 = arith.index_cast %swap3A_2738 : i32 to index
      %swap3A_2740 = arith.constant 0 : index
      %swap3A_2741 = tpu.vector_load %arg13[%swap3A_2739, %swap3A_2740] {strides = array<i32>} : memref<4x128xi32, #tpu.memory_space<vmem>>, vector<1x16xi32>,
      %swap3A_2742 = vector.shape_cast %swap3A_2741 : vector<1x16xi32> to vector<16xi32>
      %swap3A_2743 = vector.shape_cast %broadcast_in_dim3A_2737 : vector<16xi32> to vector<1x16xi32>
      tpu.vector_store %arg13[%swap3A_2739, %swap3A_2740], %swap3A_2743 {strides = array<i32>} : memref<4x128xi32, #tpu.memory_space<vmem>>, vector<1x16xi32>,
      %mul3A_2744 = arith.constant 8 : i32
      %mul3A_2745 = arith.muli %add3A_2709, %mul3A_2744 : i32
      %add3A_2746 = arith.addi %mul3A_5, %mul3A_2745 : i32
      %add3A_2747 = arith.constant 1 : i32
      %add3A_2748 = arith.addi %add3A_2746, %add3A_2747 : i32
      %broadcast_in_dim3A_2749 = vector.broadcast %add3A_2748 : i32 to vector<16xi32>
      %swap3A_2750 = arith.constant 2 : i32
      %swap3A_2751 = arith.index_cast %swap3A_2750 : i32 to index
      %swap3A_2752 = arith.constant 16 : index
      %swap3A_2753 = tpu.vector_load %arg13[%swap3A_2751, %swap3A_2752] {strides = array<i32>} : memref<4x128xi32, #tpu.memory_space<vmem>>, vector<1x16xi32>,
      %swap3A_2754 = vector.shape_cast %swap3A_2753 : vector<1x16xi32> to vector<16xi32>
      %swap3A_2755 = vector.shape_cast %broadcast_in_dim3A_2749 : vector<16xi32> to vector<1x16xi32>
      tpu.vector_store %arg13[%swap3A_2751, %swap3A_2752], %swap3A_2755 {strides = array<i32>} : memref<4x128xi32, #tpu.memory_space<vmem>>, vector<1x16xi32>,
      %mul3A_2756 = arith.constant 8 : i32
      %mul3A_2757 = arith.muli %add3A_2709, %mul3A_2756 : i32
      %add3A_2758 = arith.addi %mul3A_5, %mul3A_2757 : i32
      %add3A_2759 = arith.constant 2 : i32
      %add3A_2760 = arith.addi %add3A_2758, %add3A_2759 : i32
      %broadcast_in_dim3A_2761 = vector.broadcast %add3A_2760 : i32 to vector<16xi32>
      %swap3A_2762 = arith.constant 2 : i32
      %swap3A_2763 = arith.index_cast %swap3A_2762 : i32 to index
      %swap3A_2764 = arith.constant 32 : index
      %swap3A_2765 = tpu.vector_load %arg13[%swap3A_2763, %swap3A_2764] {strides = array<i32>} : memref<4x128xi32, #tpu.memory_space<vmem>>, vector<1x16xi32>,
      %swap3A_2766 = vector.shape_cast %swap3A_2765 : vector<1x16xi32> to vector<16xi32>
      %swap3A_2767 = vector.shape_cast %broadcast_in_dim3A_2761 : vector<16xi32> to vector<1x16xi32>
      tpu.vector_store %arg13[%swap3A_2763, %swap3A_2764], %swap3A_2767 {strides = array<i32>} : memref<4x128xi32, #tpu.memory_space<vmem>>, vector<1x16xi32>,
      %mul3A_2768 = arith.constant 8 : i32
      %mul3A_2769 = arith.muli %add3A_2709, %mul3A_2768 : i32
      %add3A_2770 = arith.addi %mul3A_5, %mul3A_2769 : i32
      %add3A_2771 = arith.constant 3 : i32
      %add3A_2772 = arith.addi %add3A_2770, %add3A_2771 : i32
      %broadcast_in_dim3A_2773 = vector.broadcast %add3A_2772 : i32 to vector<16xi32>
      %swap3A_2774 = arith.constant 2 : i32
      %swap3A_2775 = arith.index_cast %swap3A_2774 : i32 to index
      %swap3A_2776 = arith.constant 48 : index
      %swap3A_2777 = tpu.vector_load %arg13[%swap3A_2775, %swap3A_2776] {strides = array<i32>} : memref<4x128xi32, #tpu.memory_space<vmem>>, vector<1x16xi32>,
      %swap3A_2778 = vector.shape_cast %swap3A_2777 : vector<1x16xi32> to vector<16xi32>
      %swap3A_2779 = vector.shape_cast %broadcast_in_dim3A_2773 : vector<16xi32> to vector<1x16xi32>
      tpu.vector_store %arg13[%swap3A_2775, %swap3A_2776], %swap3A_2779 {strides = array<i32>} : memref<4x128xi32, #tpu.memory_space<vmem>>, vector<1x16xi32>,
      %mul3A_2780 = arith.constant 8 : i32
      %mul3A_2781 = arith.muli %add3A_2709, %mul3A_2780 : i32
      %add3A_2782 = arith.addi %mul3A_5, %mul3A_2781 : i32
      %add3A_2783 = arith.constant 4 : i32
      %add3A_2784 = arith.addi %add3A_2782, %add3A_2783 : i32
      %broadcast_in_dim3A_2785 = vector.broadcast %add3A_2784 : i32 to vector<16xi32>
      %swap3A_2786 = arith.constant 2 : i32
      %swap3A_2787 = arith.index_cast %swap3A_2786 : i32 to index
      %swap3A_2788 = arith.constant 64 : index
      %swap3A_2789 = tpu.vector_load %arg13[%swap3A_2787, %swap3A_2788] {strides = array<i32>} : memref<4x128xi32, #tpu.memory_space<vmem>>, vector<1x16xi32>,
      %swap3A_2790 = vector.shape_cast %swap3A_2789 : vector<1x16xi32> to vector<16xi32>
      %swap3A_2791 = vector.shape_cast %broadcast_in_dim3A_2785 : vector<16xi32> to vector<1x16xi32>
      tpu.vector_store %arg13[%swap3A_2787, %swap3A_2788], %swap3A_2791 {strides = array<i32>} : memref<4x128xi32, #tpu.memory_space<vmem>>, vector<1x16xi32>,
      %mul3A_2792 = arith.constant 8 : i32
      %mul3A_2793 = arith.muli %add3A_2709, %mul3A_2792 : i32
      %add3A_2794 = arith.addi %mul3A_5, %mul3A_2793 : i32
      %add3A_2795 = arith.constant 5 : i32
      %add3A_2796 = arith.addi %add3A_2794, %add3A_2795 : i32
      %broadcast_in_dim3A_2797 = vector.broadcast %add3A_2796 : i32 to vector<16xi32>
      %swap3A_2798 = arith.constant 2 : i32
      %swap3A_2799 = arith.index_cast %swap3A_2798 : i32 to index
      %swap3A_2800 = arith.constant 80 : index
      %swap3A_2801 = tpu.vector_load %arg13[%swap3A_2799, %swap3A_2800] {strides = array<i32>} : memref<4x128xi32, #tpu.memory_space<vmem>>, vector<1x16xi32>,
      %swap3A_2802 = vector.shape_cast %swap3A_2801 : vector<1x16xi32> to vector<16xi32>
      %swap3A_2803 = vector.shape_cast %broadcast_in_dim3A_2797 : vector<16xi32> to vector<1x16xi32>
      tpu.vector_store %arg13[%swap3A_2799, %swap3A_2800], %swap3A_2803 {strides = array<i32>} : memref<4x128xi32, #tpu.memory_space<vmem>>, vector<1x16xi32>,
      %mul3A_2804 = arith.constant 8 : i32
      %mul3A_2805 = arith.muli %add3A_2709, %mul3A_2804 : i32
      %add3A_2806 = arith.addi %mul3A_5, %mul3A_2805 : i32
      %add3A_2807 = arith.constant 6 : i32
      %add3A_2808 = arith.addi %add3A_2806, %add3A_2807 : i32
      %broadcast_in_dim3A_2809 = vector.broadcast %add3A_2808 : i32 to vector<16xi32>
      %swap3A_2810 = arith.constant 2 : i32
      %swap3A_2811 = arith.index_cast %swap3A_2810 : i32 to index
      %swap3A_2812 = arith.constant 96 : index
      %swap3A_2813 = tpu.vector_load %arg13[%swap3A_2811, %swap3A_2812] {strides = array<i32>} : memref<4x128xi32, #tpu.memory_space<vmem>>, vector<1x16xi32>,
      %swap3A_2814 = vector.shape_cast %swap3A_2813 : vector<1x16xi32> to vector<16xi32>
      %swap3A_2815 = vector.shape_cast %broadcast_in_dim3A_2809 : vector<16xi32> to vector<1x16xi32>
      tpu.vector_store %arg13[%swap3A_2811, %swap3A_2812], %swap3A_2815 {strides = array<i32>} : memref<4x128xi32, #tpu.memory_space<vmem>>, vector<1x16xi32>,
      %mul3A_2816 = arith.constant 8 : i32
      %mul3A_2817 = arith.muli %add3A_2709, %mul3A_2816 : i32
      %add3A_2818 = arith.addi %mul3A_5, %mul3A_2817 : i32
      %add3A_2819 = arith.constant 7 : i32
      %add3A_2820 = arith.addi %add3A_2818, %add3A_2819 : i32
      %broadcast_in_dim3A_2821 = vector.broadcast %add3A_2820 : i32 to vector<16xi32>
      %swap3A_2822 = arith.constant 2 : i32
      %swap3A_2823 = arith.index_cast %swap3A_2822 : i32 to index
      %swap3A_2824 = arith.constant 112 : index
      %swap3A_2825 = tpu.vector_load %arg13[%swap3A_2823, %swap3A_2824] {strides = array<i32>} : memref<4x128xi32, #tpu.memory_space<vmem>>, vector<1x16xi32>,
      %swap3A_2826 = vector.shape_cast %swap3A_2825 : vector<1x16xi32> to vector<16xi32>
      %swap3A_2827 = vector.shape_cast %broadcast_in_dim3A_2821 : vector<16xi32> to vector<1x16xi32>
      tpu.vector_store %arg13[%swap3A_2823, %swap3A_2824], %swap3A_2827 {strides = array<i32>} : memref<4x128xi32, #tpu.memory_space<vmem>>, vector<1x16xi32>,
      %dma_start3A_2828 = arith.constant 2 : i32
      %dma_start3A_2829 = arith.constant 2 : i32
      %dma_start3A_2830 = arith.constant 0 : i32
      %dma_start3A_2831 = arith.constant 0 : i32
      %dma_start3A_2832 = tpu.memref_slice %arg11[%dma_start3A_2828, %dma_start3A_2830, %dma_start3A_2831] : memref<4x128x128xf32, #tpu.memory_space<vmem>> -> memref<1x128x128xf32, #tpu.memory_space<vmem>>
      %dma_start3A_2833 = tpu.memref_squeeze %dma_start3A_2832 : memref<1x128x128xf32, #tpu.memory_space<vmem>> -> memref<128x128xf32, #tpu.memory_space<vmem>>
      %dma_start3A_2834 = arith.constant 0 : i32
      %dma_start3A_2835 = tpu.memref_slice %arg13[%dma_start3A_2829, %dma_start3A_2834] : memref<4x128xi32, #tpu.memory_space<vmem>> -> memref<1x128xi32, #tpu.memory_space<vmem>>
      %dma_start3A_2836 = tpu.memref_squeeze %dma_start3A_2835 : memref<1x128xi32, #tpu.memory_space<vmem>> -> memref<128xi32, #tpu.memory_space<vmem>>
      %dma_start3A_2837 = arith.constant 0 : i32
      %dma_start3A_2838 = arith.constant 0 : i32
      %dma_start3A_2839 = tpu.memref_slice %arg14[%dma_start3A_2837, %dma_start3A_2838] : memref<5120x128xf32, #tpu.memory_space<vmem_shared>> -> memref<5120x128xf32, #tpu.memory_space<vmem_shared>>
      tpu.enqueue_indirect_dma source(%dma_start3A_2833 : memref<128x128xf32, #tpu.memory_space<vmem>>) target(%dma_start3A_2839 : memref<5120x128xf32, #tpu.memory_space<vmem_shared>>) offsets(%dma_start3A_2836 : memref<128xi32, #tpu.memory_space<vmem>>) semaphore(%arg21 : memref<!tpu.dma_semaphore, #tpu.memory_space<semaphore_mem>>) {add = true}
      %add3A_2840 = arith.constant 3 : i32
      %add3A_2841 = arith.addi %add3A_2449, %add3A_2840 : i32
      %sub3A_2842 = arith.constant 1 : i32
      %sub3A_2843 = arith.subi %add3A_2841, %sub3A_2842 : i32
      %ge3A_2844 = arith.constant 0 : i32
      %ge3A_2845 = arith.cmpi sge, %sub3A_2843, %ge3A_2844 : i32
      %add3A_2846 = arith.constant 4 : i32
      %add3A_2847 = arith.addi %sub3A_2843, %add3A_2846 : i32
      %lt3A_2848 = arith.constant 40 : i32
      %lt3A_2849 = arith.cmpi slt, %add3A_2847, %lt3A_2848 : i32
      %and3A_2850 = arith.andi %ge3A_2845, %lt3A_2849 : i1
      %convert_element_type3A_2851 = arith.extui %and3A_2850 : i1 to i32
      %cond3A_2852 = arith.constant 0 : i32
      %cond3A_2853 = arith.cmpi ne, %convert_element_type3A_2851, %cond3A_2852 : i32
      scf.if %cond3A_2853 {
        %dma_wait3A_2972 = arith.constant 2 : i32
        %dma_wait3A_2973 = arith.constant 2 : i32
        %dma_wait3A_2974 = arith.constant 0 : i32
        %dma_wait3A_2975 = arith.constant 0 : i32
        %dma_wait3A_2976 = tpu.memref_slice %arg11[%dma_wait3A_2972, %dma_wait3A_2974, %dma_wait3A_2975] : memref<4x128x128xf32, #tpu.memory_space<vmem>> -> memref<1x128x128xf32, #tpu.memory_space<vmem>>
        %dma_wait3A_2977 = tpu.memref_squeeze %dma_wait3A_2976 : memref<1x128x128xf32, #tpu.memory_space<vmem>> -> memref<128x128xf32, #tpu.memory_space<vmem>>
        %dma_wait3A_2978 = arith.constant 0 : i32
        %dma_wait3A_2979 = tpu.memref_slice %arg13[%dma_wait3A_2973, %dma_wait3A_2978] : memref<4x128xi32, #tpu.memory_space<vmem>> -> memref<1x128xi32, #tpu.memory_space<vmem>>
        %dma_wait3A_2980 = tpu.memref_squeeze %dma_wait3A_2979 : memref<1x128xi32, #tpu.memory_space<vmem>> -> memref<128xi32, #tpu.memory_space<vmem>>
        %dma_wait3A_2981 = arith.constant 0 : i32
        %dma_wait3A_2982 = arith.constant 0 : i32
        %dma_wait3A_2983 = tpu.memref_slice %arg14[%dma_wait3A_2981, %dma_wait3A_2982] : memref<5120x128xf32, #tpu.memory_space<vmem_shared>> -> memref<5120x128xf32, #tpu.memory_space<vmem_shared>>
        tpu.wait_indirect_dma semaphore(%arg21 : memref<!tpu.dma_semaphore, #tpu.memory_space<semaphore_mem>>) src(%dma_wait3A_2977 : memref<128x128xf32, #tpu.memory_space<vmem>>) dst(%dma_wait3A_2983 : memref<5120x128xf32, #tpu.memory_space<vmem_shared>>)
        %add3A_2984 = arith.constant 4 : i32
        %add3A_2985 = arith.addi %sub3A_2843, %add3A_2984 : i32
        %mul3A_2986 = arith.constant 128 : i32
        %mul3A_2987 = arith.muli %add3A_2985, %mul3A_2986 : i32
        %dma_start3A_2988 = arith.constant 2 : i32
        %dma_start3A_2989 = arith.constant 0 : i32
        %dma_start3A_2990 = arith.constant 0 : i32
        %dma_start3A_2991 = tpu.memref_slice %arg11[%dma_start3A_2988, %dma_start3A_2989, %dma_start3A_2990] : memref<4x128x128xf32, #tpu.memory_space<vmem>> -> memref<1x128x128xf32, #tpu.memory_space<vmem>>
        %dma_start3A_2992 = tpu.memref_squeeze %dma_start3A_2991 : memref<1x128x128xf32, #tpu.memory_space<vmem>> -> memref<128x128xf32, #tpu.memory_space<vmem>>
        %dma_start3A_2993 = tpu.memref_slice %arg10[%mul3A_2987] : memref<5120xi32, #tpu.memory_space<vmem>> -> memref<128xi32, #tpu.memory_space<vmem>>
        %dma_start3A_2994 = arith.constant 0 : i32
        %dma_start3A_2995 = arith.constant 0 : i32
        %dma_start3A_2996 = tpu.memref_slice %arg2[%dma_start3A_2994, %dma_start3A_2995] : memref<100000x128xf32, #tpu.memory_space<hbm>> -> memref<100000x128xf32, #tpu.memory_space<hbm>>
        tpu.enqueue_indirect_dma source(%dma_start3A_2996 : memref<100000x128xf32, #tpu.memory_space<hbm>>) target(%dma_start3A_2992 : memref<128x128xf32, #tpu.memory_space<vmem>>) offsets(%dma_start3A_2993 : memref<128xi32, #tpu.memory_space<vmem>>) semaphore(%arg17 : memref<!tpu.dma_semaphore, #tpu.memory_space<semaphore_mem>>)
      } else {
      }
      %dma_wait3A_2854 = arith.constant 3 : i32
      %dma_wait3A_2855 = arith.constant 0 : i32
      %dma_wait3A_2856 = arith.constant 0 : i32
      %dma_wait3A_2857 = tpu.memref_slice %arg11[%dma_wait3A_2854, %dma_wait3A_2855, %dma_wait3A_2856] : memref<4x128x128xf32, #tpu.memory_space<vmem>> -> memref<1x128x128xf32, #tpu.memory_space<vmem>>
      %dma_wait3A_2858 = tpu.memref_squeeze %dma_wait3A_2857 : memref<1x128x128xf32, #tpu.memory_space<vmem>> -> memref<128x128xf32, #tpu.memory_space<vmem>>
      %dma_wait3A_2859 = arith.constant 0 : i32
      %dma_wait3A_2860 = tpu.memref_slice %arg10[%dma_wait3A_2859] : memref<5120xi32, #tpu.memory_space<vmem>> -> memref<128xi32, #tpu.memory_space<vmem>>
      %dma_wait3A_2861 = arith.constant 0 : i32
      %dma_wait3A_2862 = arith.constant 0 : i32
      %dma_wait3A_2863 = tpu.memref_slice %arg2[%dma_wait3A_2861, %dma_wait3A_2862] : memref<100000x128xf32, #tpu.memory_space<hbm>> -> memref<100000x128xf32, #tpu.memory_space<hbm>>
      tpu.wait_indirect_dma semaphore(%arg18 : memref<!tpu.dma_semaphore, #tpu.memory_space<semaphore_mem>>) src(%dma_wait3A_2863 : memref<100000x128xf32, #tpu.memory_space<hbm>>) dst(%dma_wait3A_2858 : memref<128x128xf32, #tpu.memory_space<vmem>>)
      %mul3A_2864 = arith.constant 8 : i32
      %mul3A_2865 = arith.muli %add3A_2841, %mul3A_2864 : i32
      %add3A_2866 = arith.addi %mul3A_5, %mul3A_2865 : i32
      %add3A_2867 = arith.constant 0 : i32
      %add3A_2868 = arith.addi %add3A_2866, %add3A_2867 : i32
      %broadcast_in_dim3A_2869 = vector.broadcast %add3A_2868 : i32 to vector<16xi32>
      %swap3A_2870 = arith.constant 3 : i32
      %swap3A_2871 = arith.index_cast %swap3A_2870 : i32 to index
      %swap3A_2872 = arith.constant 0 : index
      %swap3A_2873 = tpu.vector_load %arg13[%swap3A_2871, %swap3A_2872] {strides = array<i32>} : memref<4x128xi32, #tpu.memory_space<vmem>>, vector<1x16xi32>,
      %swap3A_2874 = vector.shape_cast %swap3A_2873 : vector<1x16xi32> to vector<16xi32>
      %swap3A_2875 = vector.shape_cast %broadcast_in_dim3A_2869 : vector<16xi32> to vector<1x16xi32>
      tpu.vector_store %arg13[%swap3A_2871, %swap3A_2872], %swap3A_2875 {strides = array<i32>} : memref<4x128xi32, #tpu.memory_space<vmem>>, vector<1x16xi32>,
      %mul3A_2876 = arith.constant 8 : i32
      %mul3A_2877 = arith.muli %add3A_2841, %mul3A_2876 : i32
      %add3A_2878 = arith.addi %mul3A_5, %mul3A_2877 : i32
      %add3A_2879 = arith.constant 1 : i32
      %add3A_2880 = arith.addi %add3A_2878, %add3A_2879 : i32
      %broadcast_in_dim3A_2881 = vector.broadcast %add3A_2880 : i32 to vector<16xi32>
      %swap3A_2882 = arith.constant 3 : i32
      %swap3A_2883 = arith.index_cast %swap3A_2882 : i32 to index
      %swap3A_2884 = arith.constant 16 : index
      %swap3A_2885 = tpu.vector_load %arg13[%swap3A_2883, %swap3A_2884] {strides = array<i32>} : memref<4x128xi32, #tpu.memory_space<vmem>>, vector<1x16xi32>,
      %swap3A_2886 = vector.shape_cast %swap3A_2885 : vector<1x16xi32> to vector<16xi32>
      %swap3A_2887 = vector.shape_cast %broadcast_in_dim3A_2881 : vector<16xi32> to vector<1x16xi32>
      tpu.vector_store %arg13[%swap3A_2883, %swap3A_2884], %swap3A_2887 {strides = array<i32>} : memref<4x128xi32, #tpu.memory_space<vmem>>, vector<1x16xi32>,
      %mul3A_2888 = arith.constant 8 : i32
      %mul3A_2889 = arith.muli %add3A_2841, %mul3A_2888 : i32
      %add3A_2890 = arith.addi %mul3A_5, %mul3A_2889 : i32
      %add3A_2891 = arith.constant 2 : i32
      %add3A_2892 = arith.addi %add3A_2890, %add3A_2891 : i32
      %broadcast_in_dim3A_2893 = vector.broadcast %add3A_2892 : i32 to vector<16xi32>
      %swap3A_2894 = arith.constant 3 : i32
      %swap3A_2895 = arith.index_cast %swap3A_2894 : i32 to index
      %swap3A_2896 = arith.constant 32 : index
      %swap3A_2897 = tpu.vector_load %arg13[%swap3A_2895, %swap3A_2896] {strides = array<i32>} : memref<4x128xi32, #tpu.memory_space<vmem>>, vector<1x16xi32>,
      %swap3A_2898 = vector.shape_cast %swap3A_2897 : vector<1x16xi32> to vector<16xi32>
      %swap3A_2899 = vector.shape_cast %broadcast_in_dim3A_2893 : vector<16xi32> to vector<1x16xi32>
      tpu.vector_store %arg13[%swap3A_2895, %swap3A_2896], %swap3A_2899 {strides = array<i32>} : memref<4x128xi32, #tpu.memory_space<vmem>>, vector<1x16xi32>,
      %mul3A_2900 = arith.constant 8 : i32
      %mul3A_2901 = arith.muli %add3A_2841, %mul3A_2900 : i32
      %add3A_2902 = arith.addi %mul3A_5, %mul3A_2901 : i32
      %add3A_2903 = arith.constant 3 : i32
      %add3A_2904 = arith.addi %add3A_2902, %add3A_2903 : i32
      %broadcast_in_dim3A_2905 = vector.broadcast %add3A_2904 : i32 to vector<16xi32>
      %swap3A_2906 = arith.constant 3 : i32
      %swap3A_2907 = arith.index_cast %swap3A_2906 : i32 to index
      %swap3A_2908 = arith.constant 48 : index
      %swap3A_2909 = tpu.vector_load %arg13[%swap3A_2907, %swap3A_2908] {strides = array<i32>} : memref<4x128xi32, #tpu.memory_space<vmem>>, vector<1x16xi32>,
      %swap3A_2910 = vector.shape_cast %swap3A_2909 : vector<1x16xi32> to vector<16xi32>
      %swap3A_2911 = vector.shape_cast %broadcast_in_dim3A_2905 : vector<16xi32> to vector<1x16xi32>
      tpu.vector_store %arg13[%swap3A_2907, %swap3A_2908], %swap3A_2911 {strides = array<i32>} : memref<4x128xi32, #tpu.memory_space<vmem>>, vector<1x16xi32>,
      %mul3A_2912 = arith.constant 8 : i32
      %mul3A_2913 = arith.muli %add3A_2841, %mul3A_2912 : i32
      %add3A_2914 = arith.addi %mul3A_5, %mul3A_2913 : i32
      %add3A_2915 = arith.constant 4 : i32
      %add3A_2916 = arith.addi %add3A_2914, %add3A_2915 : i32
      %broadcast_in_dim3A_2917 = vector.broadcast %add3A_2916 : i32 to vector<16xi32>
      %swap3A_2918 = arith.constant 3 : i32
      %swap3A_2919 = arith.index_cast %swap3A_2918 : i32 to index
      %swap3A_2920 = arith.constant 64 : index
      %swap3A_2921 = tpu.vector_load %arg13[%swap3A_2919, %swap3A_2920] {strides = array<i32>} : memref<4x128xi32, #tpu.memory_space<vmem>>, vector<1x16xi32>,
      %swap3A_2922 = vector.shape_cast %swap3A_2921 : vector<1x16xi32> to vector<16xi32>
      %swap3A_2923 = vector.shape_cast %broadcast_in_dim3A_2917 : vector<16xi32> to vector<1x16xi32>
      tpu.vector_store %arg13[%swap3A_2919, %swap3A_2920], %swap3A_2923 {strides = array<i32>} : memref<4x128xi32, #tpu.memory_space<vmem>>, vector<1x16xi32>,
      %mul3A_2924 = arith.constant 8 : i32
      %mul3A_2925 = arith.muli %add3A_2841, %mul3A_2924 : i32
      %add3A_2926 = arith.addi %mul3A_5, %mul3A_2925 : i32
      %add3A_2927 = arith.constant 5 : i32
      %add3A_2928 = arith.addi %add3A_2926, %add3A_2927 : i32
      %broadcast_in_dim3A_2929 = vector.broadcast %add3A_2928 : i32 to vector<16xi32>
      %swap3A_2930 = arith.constant 3 : i32
      %swap3A_2931 = arith.index_cast %swap3A_2930 : i32 to index
      %swap3A_2932 = arith.constant 80 : index
      %swap3A_2933 = tpu.vector_load %arg13[%swap3A_2931, %swap3A_2932] {strides = array<i32>} : memref<4x128xi32, #tpu.memory_space<vmem>>, vector<1x16xi32>,
      %swap3A_2934 = vector.shape_cast %swap3A_2933 : vector<1x16xi32> to vector<16xi32>
      %swap3A_2935 = vector.shape_cast %broadcast_in_dim3A_2929 : vector<16xi32> to vector<1x16xi32>
      tpu.vector_store %arg13[%swap3A_2931, %swap3A_2932], %swap3A_2935 {strides = array<i32>} : memref<4x128xi32, #tpu.memory_space<vmem>>, vector<1x16xi32>,
      %mul3A_2936 = arith.constant 8 : i32
      %mul3A_2937 = arith.muli %add3A_2841, %mul3A_2936 : i32
      %add3A_2938 = arith.addi %mul3A_5, %mul3A_2937 : i32
      %add3A_2939 = arith.constant 6 : i32
      %add3A_2940 = arith.addi %add3A_2938, %add3A_2939 : i32
      %broadcast_in_dim3A_2941 = vector.broadcast %add3A_2940 : i32 to vector<16xi32>
      %swap3A_2942 = arith.constant 3 : i32
      %swap3A_2943 = arith.index_cast %swap3A_2942 : i32 to index
      %swap3A_2944 = arith.constant 96 : index
      %swap3A_2945 = tpu.vector_load %arg13[%swap3A_2943, %swap3A_2944] {strides = array<i32>} : memref<4x128xi32, #tpu.memory_space<vmem>>, vector<1x16xi32>,
      %swap3A_2946 = vector.shape_cast %swap3A_2945 : vector<1x16xi32> to vector<16xi32>
      %swap3A_2947 = vector.shape_cast %broadcast_in_dim3A_2941 : vector<16xi32> to vector<1x16xi32>
      tpu.vector_store %arg13[%swap3A_2943, %swap3A_2944], %swap3A_2947 {strides = array<i32>} : memref<4x128xi32, #tpu.memory_space<vmem>>, vector<1x16xi32>,
      %mul3A_2948 = arith.constant 8 : i32
      %mul3A_2949 = arith.muli %add3A_2841, %mul3A_2948 : i32
      %add3A_2950 = arith.addi %mul3A_5, %mul3A_2949 : i32
      %add3A_2951 = arith.constant 7 : i32
      %add3A_2952 = arith.addi %add3A_2950, %add3A_2951 : i32
      %broadcast_in_dim3A_2953 = vector.broadcast %add3A_2952 : i32 to vector<16xi32>
      %swap3A_2954 = arith.constant 3 : i32
      %swap3A_2955 = arith.index_cast %swap3A_2954 : i32 to index
      %swap3A_2956 = arith.constant 112 : index
      %swap3A_2957 = tpu.vector_load %arg13[%swap3A_2955, %swap3A_2956] {strides = array<i32>} : memref<4x128xi32, #tpu.memory_space<vmem>>, vector<1x16xi32>,
      %swap3A_2958 = vector.shape_cast %swap3A_2957 : vector<1x16xi32> to vector<16xi32>
      %swap3A_2959 = vector.shape_cast %broadcast_in_dim3A_2953 : vector<16xi32> to vector<1x16xi32>
      tpu.vector_store %arg13[%swap3A_2955, %swap3A_2956], %swap3A_2959 {strides = array<i32>} : memref<4x128xi32, #tpu.memory_space<vmem>>, vector<1x16xi32>,
      %dma_start3A_2960 = arith.constant 3 : i32
      %dma_start3A_2961 = arith.constant 3 : i32
      %dma_start3A_2962 = arith.constant 0 : i32
      %dma_start3A_2963 = arith.constant 0 : i32
      %dma_start3A_2964 = tpu.memref_slice %arg11[%dma_start3A_2960, %dma_start3A_2962, %dma_start3A_2963] : memref<4x128x128xf32, #tpu.memory_space<vmem>> -> memref<1x128x128xf32, #tpu.memory_space<vmem>>
      %dma_start3A_2965 = tpu.memref_squeeze %dma_start3A_2964 : memref<1x128x128xf32, #tpu.memory_space<vmem>> -> memref<128x128xf32, #tpu.memory_space<vmem>>
      %dma_start3A_2966 = arith.constant 0 : i32
      %dma_start3A_2967 = tpu.memref_slice %arg13[%dma_start3A_2961, %dma_start3A_2966] : memref<4x128xi32, #tpu.memory_space<vmem>> -> memref<1x128xi32, #tpu.memory_space<vmem>>
      %dma_start3A_2968 = tpu.memref_squeeze %dma_start3A_2967 : memref<1x128xi32, #tpu.memory_space<vmem>> -> memref<128xi32, #tpu.memory_space<vmem>>
      %dma_start3A_2969 = arith.constant 0 : i32
      %dma_start3A_2970 = arith.constant 0 : i32
      %dma_start3A_2971 = tpu.memref_slice %arg14[%dma_start3A_2969, %dma_start3A_2970] : memref<5120x128xf32, #tpu.memory_space<vmem_shared>> -> memref<5120x128xf32, #tpu.memory_space<vmem_shared>>
      tpu.enqueue_indirect_dma source(%dma_start3A_2965 : memref<128x128xf32, #tpu.memory_space<vmem>>) target(%dma_start3A_2971 : memref<5120x128xf32, #tpu.memory_space<vmem_shared>>) offsets(%dma_start3A_2968 : memref<128xi32, #tpu.memory_space<vmem>>) semaphore(%arg22 : memref<!tpu.dma_semaphore, #tpu.memory_space<semaphore_mem>>) {add = true}
    }
    %scan3A_2388 = arith.constant 10 : i32
    %dma_wait3A_2389 = arith.constant 0 : i32
    %dma_wait3A_2390 = arith.constant 0 : i32
    %dma_wait3A_2391 = arith.constant 0 : i32
    %dma_wait3A_2392 = arith.constant 0 : i32
    %dma_wait3A_2393 = tpu.memref_slice %arg11[%dma_wait3A_2389, %dma_wait3A_2391, %dma_wait3A_2392] : memref<4x128x128xf32, #tpu.memory_space<vmem>> -> memref<1x128x128xf32, #tpu.memory_space<vmem>>
    %dma_wait3A_2394 = tpu.memref_squeeze %dma_wait3A_2393 : memref<1x128x128xf32, #tpu.memory_space<vmem>> -> memref<128x128xf32, #tpu.memory_space<vmem>>
    %dma_wait3A_2395 = arith.constant 0 : i32
    %dma_wait3A_2396 = tpu.memref_slice %arg13[%dma_wait3A_2390, %dma_wait3A_2395] : memref<4x128xi32, #tpu.memory_space<vmem>> -> memref<1x128xi32, #tpu.memory_space<vmem>>
    %dma_wait3A_2397 = tpu.memref_squeeze %dma_wait3A_2396 : memref<1x128xi32, #tpu.memory_space<vmem>> -> memref<128xi32, #tpu.memory_space<vmem>>
    %dma_wait3A_2398 = arith.constant 0 : i32
    %dma_wait3A_2399 = arith.constant 0 : i32
    %dma_wait3A_2400 = tpu.memref_slice %arg14[%dma_wait3A_2398, %dma_wait3A_2399] : memref<5120x128xf32, #tpu.memory_space<vmem_shared>> -> memref<5120x128xf32, #tpu.memory_space<vmem_shared>>
    tpu.wait_indirect_dma semaphore(%arg19 : memref<!tpu.dma_semaphore, #tpu.memory_space<semaphore_mem>>) src(%dma_wait3A_2394 : memref<128x128xf32, #tpu.memory_space<vmem>>) dst(%dma_wait3A_2400 : memref<5120x128xf32, #tpu.memory_space<vmem_shared>>)
    %dma_wait3A_2401 = arith.constant 1 : i32
    %dma_wait3A_2402 = arith.constant 1 : i32
    %dma_wait3A_2403 = arith.constant 0 : i32
    %dma_wait3A_2404 = arith.constant 0 : i32
    %dma_wait3A_2405 = tpu.memref_slice %arg11[%dma_wait3A_2401, %dma_wait3A_2403, %dma_wait3A_2404] : memref<4x128x128xf32, #tpu.memory_space<vmem>> -> memref<1x128x128xf32, #tpu.memory_space<vmem>>
    %dma_wait3A_2406 = tpu.memref_squeeze %dma_wait3A_2405 : memref<1x128x128xf32, #tpu.memory_space<vmem>> -> memref<128x128xf32, #tpu.memory_space<vmem>>
    %dma_wait3A_2407 = arith.constant 0 : i32
    %dma_wait3A_2408 = tpu.memref_slice %arg13[%dma_wait3A_2402, %dma_wait3A_2407] : memref<4x128xi32, #tpu.memory_space<vmem>> -> memref<1x128xi32, #tpu.memory_space<vmem>>
    %dma_wait3A_2409 = tpu.memref_squeeze %dma_wait3A_2408 : memref<1x128xi32, #tpu.memory_space<vmem>> -> memref<128xi32, #tpu.memory_space<vmem>>
    %dma_wait3A_2410 = arith.constant 0 : i32
    %dma_wait3A_2411 = arith.constant 0 : i32
    %dma_wait3A_2412 = tpu.memref_slice %arg14[%dma_wait3A_2410, %dma_wait3A_2411] : memref<5120x128xf32, #tpu.memory_space<vmem_shared>> -> memref<5120x128xf32, #tpu.memory_space<vmem_shared>>
    tpu.wait_indirect_dma semaphore(%arg20 : memref<!tpu.dma_semaphore, #tpu.memory_space<semaphore_mem>>) src(%dma_wait3A_2406 : memref<128x128xf32, #tpu.memory_space<vmem>>) dst(%dma_wait3A_2412 : memref<5120x128xf32, #tpu.memory_space<vmem_shared>>)
    %dma_wait3A_2413 = arith.constant 2 : i32
    %dma_wait3A_2414 = arith.constant 2 : i32
    %dma_wait3A_2415 = arith.constant 0 : i32
    %dma_wait3A_2416 = arith.constant 0 : i32
    %dma_wait3A_2417 = tpu.memref_slice %arg11[%dma_wait3A_2413, %dma_wait3A_2415, %dma_wait3A_2416] : memref<4x128x128xf32, #tpu.memory_space<vmem>> -> memref<1x128x128xf32, #tpu.memory_space<vmem>>
    %dma_wait3A_2418 = tpu.memref_squeeze %dma_wait3A_2417 : memref<1x128x128xf32, #tpu.memory_space<vmem>> -> memref<128x128xf32, #tpu.memory_space<vmem>>
    %dma_wait3A_2419 = arith.constant 0 : i32
    %dma_wait3A_2420 = tpu.memref_slice %arg13[%dma_wait3A_2414, %dma_wait3A_2419] : memref<4x128xi32, #tpu.memory_space<vmem>> -> memref<1x128xi32, #tpu.memory_space<vmem>>
    %dma_wait3A_2421 = tpu.memref_squeeze %dma_wait3A_2420 : memref<1x128xi32, #tpu.memory_space<vmem>> -> memref<128xi32, #tpu.memory_space<vmem>>
    %dma_wait3A_2422 = arith.constant 0 : i32
    %dma_wait3A_2423 = arith.constant 0 : i32
    %dma_wait3A_2424 = tpu.memref_slice %arg14[%dma_wait3A_2422, %dma_wait3A_2423] : memref<5120x128xf32, #tpu.memory_space<vmem_shared>> -> memref<5120x128xf32, #tpu.memory_space<vmem_shared>>
    tpu.wait_indirect_dma semaphore(%arg21 : memref<!tpu.dma_semaphore, #tpu.memory_space<semaphore_mem>>) src(%dma_wait3A_2418 : memref<128x128xf32, #tpu.memory_space<vmem>>) dst(%dma_wait3A_2424 : memref<5120x128xf32, #tpu.memory_space<vmem_shared>>)
    %dma_wait3A_2425 = arith.constant 3 : i32
    %dma_wait3A_2426 = arith.constant 3 : i32
    %dma_wait3A_2427 = arith.constant 0 : i32
    %dma_wait3A_2428 = arith.constant 0 : i32
    %dma_wait3A_2429 = tpu.memref_slice %arg11[%dma_wait3A_2425, %dma_wait3A_2427, %dma_wait3A_2428] : memref<4x128x128xf32, #tpu.memory_space<vmem>> -> memref<1x128x128xf32, #tpu.memory_space<vmem>>
    %dma_wait3A_2430 = tpu.memref_squeeze %dma_wait3A_2429 : memref<1x128x128xf32, #tpu.memory_space<vmem>> -> memref<128x128xf32, #tpu.memory_space<vmem>>
    %dma_wait3A_2431 = arith.constant 0 : i32
    %dma_wait3A_2432 = tpu.memref_slice %arg13[%dma_wait3A_2426, %dma_wait3A_2431] : memref<4x128xi32, #tpu.memory_space<vmem>> -> memref<1x128xi32, #tpu.memory_space<vmem>>
    %dma_wait3A_2433 = tpu.memref_squeeze %dma_wait3A_2432 : memref<1x128xi32, #tpu.memory_space<vmem>> -> memref<128xi32, #tpu.memory_space<vmem>>
    %dma_wait3A_2434 = arith.constant 0 : i32
    %dma_wait3A_2435 = arith.constant 0 : i32
    %dma_wait3A_2436 = tpu.memref_slice %arg14[%dma_wait3A_2434, %dma_wait3A_2435] : memref<5120x128xf32, #tpu.memory_space<vmem_shared>> -> memref<5120x128xf32, #tpu.memory_space<vmem_shared>>
    tpu.wait_indirect_dma semaphore(%arg22 : memref<!tpu.dma_semaphore, #tpu.memory_space<semaphore_mem>>) src(%dma_wait3A_2430 : memref<128x128xf32, #tpu.memory_space<vmem>>) dst(%dma_wait3A_2436 : memref<5120x128xf32, #tpu.memory_space<vmem_shared>>)
    %dma_start3A_2437 = arith.constant 0 : i32
    %dma_start3A_2438 = tpu.memref_slice %arg8[%min3A_3, %dma_start3A_2437] : memref<10240x128xf32, #tpu.memory_space<hbm>> -> memref<320x128xf32, #tpu.memory_space<hbm>>
    %dma_start3A_2439 = arith.constant 0 : i32
    %dma_start3A_2440 = tpu.memref_slice %arg14[%mul3A_5, %dma_start3A_2439] : memref<5120x128xf32, #tpu.memory_space<vmem_shared>> -> memref<320x128xf32, #tpu.memory_space<vmem_shared>>
    tpu.enqueue_dma source(%dma_start3A_2440 : memref<320x128xf32, #tpu.memory_space<vmem_shared>>) target(%dma_start3A_2438 : memref<320x128xf32, #tpu.memory_space<hbm>>) target_semaphore(%arg24 : memref<!tpu.dma_semaphore, #tpu.memory_space<semaphore_mem>>)
    %dma_wait3A_2441 = arith.constant 0 : i32
    %dma_wait3A_2442 = tpu.memref_slice %arg8[%min3A_3, %dma_wait3A_2441] : memref<10240x128xf32, #tpu.memory_space<hbm>> -> memref<320x128xf32, #tpu.memory_space<hbm>>
    %dma_wait3A_2443 = arith.constant 0 : i32
    %dma_wait3A_2444 = tpu.memref_slice %arg14[%mul3A_5, %dma_wait3A_2443] : memref<5120x128xf32, #tpu.memory_space<vmem_shared>> -> memref<320x128xf32, #tpu.memory_space<vmem_shared>>
    tpu.wait_dma2 semaphore(%arg24 : memref<!tpu.dma_semaphore, #tpu.memory_space<semaphore_mem>>) src(%dma_wait3A_2444 : memref<320x128xf32, #tpu.memory_space<vmem_shared>>) dst(%dma_wait3A_2442 : memref<320x128xf32, #tpu.memory_space<hbm>>)
    return
  }
}

module attributes {stable_mosaic.version = 14 : i64} {
  func.func @body(%arg0: i32, %arg1: memref<128x384xf32, #tpu.memory_space<vmem>>, %arg2: memref<512x128xf32, #tpu.memory_space<vmem>>, %arg3: memref<512x128xf32, #tpu.memory_space<vmem>>, %arg4: memref<512x128xf32, #tpu.memory_space<vmem>>, %arg5: memref<128x512xf32, #tpu.memory_space<vmem>>) attributes {dimension_semantics = [#tpu.dimension_semantics<arbitrary>], iteration_bounds = array<i64: 20>, scalar_prefetch = 0 : i64, scratch_operands = 0 : i64, tpu.core_type = #tpu.core_type<tc>, window_params = [{pipeline_mode = #tpu.pipeline_mode<synchronous>, transform_indices = @transform_0, window_bounds = array<i64: 128, 384>}, {transform_indices = @transform_1, window_bounds = array<i64: 512, 128>}, {transform_indices = @transform_2, window_bounds = array<i64: 512, 128>}, {transform_indices = @transform_3, window_bounds = array<i64: 512, 128>}, {transform_indices = @transform_4, window_bounds = array<i64: 128, 512>}]} {
    %get3A = arith.constant 0 : index
    %get3A_0 = arith.constant 0 : index
    %get3A_1 = vector.load %arg1[%get3A, %get3A_0] : memref<128x384xf32, #tpu.memory_space<vmem>>, vector<128x384xf32>
    %slice3A = vector.extract_strided_slice %get3A_1 {offsets = [0, 0], sizes = [128, 128], strides = [1, 1]} : vector<128x384xf32> to vector<128x128xf32>
    %get3A_2 = arith.constant 0 : index
    %get3A_3 = arith.constant 0 : index
    %get3A_4 = vector.load %arg2[%get3A_2, %get3A_3] : memref<512x128xf32, #tpu.memory_space<vmem>>, vector<512x128xf32>
    %dot_general3A = arith.constant dense<0.000000e+00> : vector<128x512xf32>
    %dot_general3A_5 = tpu.matmul %slice3A, %get3A_4, %dot_general3A {dimension_numbers = #tpu.dot_dimension_numbers<[1], [1], [0], [0], [0, 0, 1, 0], [], []>, transpose_lhs_hint = false} : vector<128x128xf32>, vector<512x128xf32>, vector<128x512xf32> -> vector<128x512xf32>
    %slice3A_6 = vector.extract_strided_slice %get3A_1 {offsets = [0, 128], sizes = [128, 256], strides = [1, 1]} : vector<128x384xf32> to vector<128x256xf32>
    %mul3A = arith.constant 6.250000e-02 : f32
    %mul3A_7 = vector.broadcast %mul3A : f32 to vector<128x256xf32>
    %mul3A_8 = arith.mulf %slice3A_6, %mul3A_7 : vector<128x256xf32>
    %slice3A_9 = vector.extract_strided_slice %mul3A_8 {offsets = [0, 0], sizes = [128, 128], strides = [1, 1]} : vector<128x256xf32> to vector<128x128xf32>
    %get3A_10 = arith.constant 0 : index
    %get3A_11 = arith.constant 0 : index
    %get3A_12 = vector.load %arg3[%get3A_10, %get3A_11] : memref<512x128xf32, #tpu.memory_space<vmem>>, vector<512x128xf32>
    %dot_general3A_13 = arith.constant dense<0.000000e+00> : vector<128x512xf32>
    %dot_general3A_14 = tpu.matmul %slice3A_9, %get3A_12, %dot_general3A_13 {dimension_numbers = #tpu.dot_dimension_numbers<[1], [1], [0], [0], [0, 0, 1, 0], [], []>, transpose_lhs_hint = false} : vector<128x128xf32>, vector<512x128xf32>, vector<128x512xf32> -> vector<128x512xf32>
    %add3A = arith.addf %dot_general3A_5, %dot_general3A_14 : vector<128x512xf32>
    %slice3A_15 = vector.extract_strided_slice %mul3A_8 {offsets = [0, 128], sizes = [128, 128], strides = [1, 1]} : vector<128x256xf32> to vector<128x128xf32>
    %get3A_16 = arith.constant 0 : index
    %get3A_17 = arith.constant 0 : index
    %get3A_18 = vector.load %arg4[%get3A_16, %get3A_17] : memref<512x128xf32, #tpu.memory_space<vmem>>, vector<512x128xf32>
    %dot_general3A_19 = arith.constant dense<0.000000e+00> : vector<128x512xf32>
    %dot_general3A_20 = tpu.matmul %slice3A_15, %get3A_18, %dot_general3A_19 {dimension_numbers = #tpu.dot_dimension_numbers<[1], [1], [0], [0], [0, 0, 1, 0], [], []>, transpose_lhs_hint = false} : vector<128x128xf32>, vector<512x128xf32>, vector<128x512xf32> -> vector<128x512xf32>
    %add3A_21 = arith.addf %add3A, %dot_general3A_20 : vector<128x512xf32>
    %max3A = arith.constant 0.000000e+00 : f32
    %max3A_22 = vector.broadcast %max3A : f32 to vector<128x512xf32>
    %max3A_23 = arith.maximumf %add3A_21, %max3A_22 : vector<128x512xf32>
    %swap3A = arith.constant 0 : index
    %swap3A_24 = arith.constant 0 : index
    %swap3A_25 = vector.load %arg5[%swap3A, %swap3A_24] : memref<128x512xf32, #tpu.memory_space<vmem>>, vector<128x512xf32>
    tpu.vector_store %arg5[%swap3A, %swap3A_24], %max3A_23 {strides = array<i32>} : memref<128x512xf32, #tpu.memory_space<vmem>>, vector<128x512xf32>,
    return
  }
  func.func @transform_0(%arg0: i32) -> (i32, i32) {
    %c0_i32 = arith.constant 0 : i32
    %c0_i32_0 = arith.constant 0 : i32
    %c0_i32_1 = arith.constant 0 : i32
    return %c0_i32, %c0_i32_0 : i32, i32
  }
  func.func @transform_1(%arg0: i32) -> (i32, i32) {
    %c0_i32 = arith.constant 0 : i32
    %c0_i32_0 = arith.constant 0 : i32
    return %arg0, %c0_i32 : i32, i32
  }
  func.func @transform_2(%arg0: i32) -> (i32, i32) {
    %c0_i32 = arith.constant 0 : i32
    %c0_i32_0 = arith.constant 0 : i32
    return %arg0, %c0_i32 : i32, i32
  }
  func.func @transform_3(%arg0: i32) -> (i32, i32) {
    %c0_i32 = arith.constant 0 : i32
    %c0_i32_0 = arith.constant 0 : i32
    return %arg0, %c0_i32 : i32, i32
  }
  func.func @transform_4(%arg0: i32) -> (i32, i32) {
    %c0_i32 = arith.constant 0 : i32
    %c0_i32_0 = arith.constant 0 : i32
    return %c0_i32, %arg0 : i32, i32
  }
}

</mosaic_0001>

<sc_bundles>
// kernel: kernel.4.cloned.1.call-start
scs
__scs_entry_jumppad:
0x0: {  	(pc) =	sbr.rel $0x88, $3  }
0x1: {  	(tag) =	ssettag $0x0;
	lr =	simm.s32 $0x1  }
0x2: {  	[smem:$0x3F9C] =	sst lr;
	_ =	strace $0xD0000000  }
0x3: {  	_ = 	snop  }
0x4: {  	_ = 	snop  }
0x5: {  	_ = 	snop  }
0x6: {  	_ = 	snop  }
0x7: {  	_ = 	snop  }
__scs_overlays_trampoline_lowered:
0x8: {  	[smem:$0x3FAB] =	sst s0  }
0x9: {  	[smem:$0x3FAC] =	sst s1  }
0xa: {  	[smem:$0x3FAD] =	sst s2  }
0xb: {  	[smem:$0x3FAE] =	sst s3  }
0xc: {  	[smem:$0x3FAF] =	sst s4  }
0xd: {  	[smem:$0x3FB0] =	sst s5  }
0xe: {  	[smem:$0x3FB1] =	sst s6  }
0xf: {  	[smem:$0x3FB2] =	sst s7  }
0x10: {  	[smem:$0x3FB3] =	sst s8  }
0x11: {  	[smem:$0x3FB4] =	sst s9;
	s0 =	simm.s32 @!p0 $0x0  }
0x12: {  	s1 =	sld [smem:$0x3F9A];
	s0 =	simm.s32 @p0 $0x1  }
0x13: {  	[smem:$0x3FB5] =	sst s0;
	s0 =	simm.s32 @!p1 $0x0  }
0x14: {  	s2 =	sld [smem:$0x3F99];
	s0 =	simm.s32 @p1 $0x1  }
0x15: {  	[smem:$0x3FB6] =	sst s0;
	s0 =	simm.s32 @!p2 $0x0  }
0x16: {  	s3 =	sld [smem:$0x3FDB];
	s0 =	simm.s32 @p2 $0x1  }
0x17: {  	s4 =	simm.s32 $0x1BF5;
	[smem:$0x3FB8] =	sst s0  }
0x18: {  	s0 =	sld [smem:$0x3F9B];
	_ =	swait.ge [sflag:s4], $0x0  }
0x19: {  	s7 =	sld [smem:$0x3F9C]  }
0x1a: {  	s8 =	sadd.s32 $0xFFFFE003, lr  }
0x1b: {  	s9 =	sadd.s32 $0xFFFFFEF7, lr;
	s5 =	simm.s32 $0xFFFFFFFF;
	p2 =	slt.u32 s8, $0xFFFFF086  }
0x1c: {  	p1 =	slt.u32 s9, $0xF7A;
	s5 =	simm.s32 @!p2 $0x0  }
0x1d: {  	s5 =	simm.s32 @p1 $0x1;
	p0 =	seq.s32 s7, s2  }
0x1e: {  	s7 =	smul.u32 @!p0 $0xF7A, s2;
	p2 =	seq.s32 @!p0 s5, $0x0  }
0x1f: {  	s9 =	smul.u32 $0xF7A, s1;
	s8 =	simm.s32 @!p0 $0x1BF5;
	p2 =	por !p2, p0  }
0x20: {  	[sflag:s8] =	ssyncset.s32 @!p0 $0xFFFFF086;
	s6 =	sadd.s32 @!p0 s3, s7;
	s7 =	simm.s32 @!p0 $0x108  }
0x21: {  	s3 =	sadd.s32 s3, s9;
	s6 =	sadd.s32 @!p0 $0x88, s6;
	s7 =	simm.s32 @p2 $0x1082  }
0x22: {  	[simem:s7], [sflag:s8] =	dma.local @!p0 [hbm:s6], $0xF7A  }
0x23: {  	s9 =	sor.u32 $0xD0000000, s2;
	s6 =	simm.s32 $0x108;
	_ =	swait.ge @!p0 [sflag:s8], $0x0  }
0x24: {  	s3 =	sadd.s32 $0x88, s3;
	s6 =	simm.s32 @!p1 $0x1082;
	[sflag:s4] =	ssyncset.s32 $0xFFFFF086  }
0x25: {  	[simem:s6], [sflag:s4] =	dma.local [hbm:s3], $0xF7A  }
0x26: {  	[smem:$0x3F9C] =	sst s1;
	(tag) =	ssettag s2;
	_ =	strace s9  }
0x27: {  	s1 =	sld [smem:$0x3FAC]  }
0x28: {  	s2 =	sld [smem:$0x3FAD]  }
0x29: {  	s4 =	sld [smem:$0x3FAF]  }
0x2a: {  	p0 =	seq.s32 s5, $0x0;
	s5 =	sld [smem:$0x3FB0]  }
0x2b: {  	s6 =	sld [smem:$0x3FB1]  }
0x2c: {  	s7 =	sld [smem:$0x3FB2]  }
0x2d: {  	s3 =	simm.s32 $0x108;
	s8 =	sld [smem:$0x3FB3]  }
0x2e: {  	s3 =	simm.s32 @!p0 $0x1082;
	s9 =	sld [smem:$0x3FB4]  }
0x2f: {  	lr =	sadd.s32 s0, s3;
	s0 =	sld [smem:$0x3FAB]  }
0x30: {  	s3 =	sld [smem:$0x3FAE]  }
0x31: {  	[smem:$0x3FB7] =	sst s10  }
0x32: {  	s10 =	sld [smem:$0x3FB5];
	_ =	sdelay $0x3  }
0x33: {  	p0 =	seq.s32 s10, $0x1;
	s10 =	sld [smem:$0x3FB7];
	_ =	sdelay $0x3  }
0x34: {  	[smem:$0x3FB7] =	sst s10  }
0x35: {  	s10 =	sld [smem:$0x3FB6];
	_ =	sdelay $0x3  }
0x36: {  	p1 =	seq.s32 s10, $0x1;
	s10 =	sld [smem:$0x3FB7];
	_ =	sdelay $0x3  }
0x37: {  	[smem:$0x3FB7] =	sst s10  }
0x38: {  	s10 =	sld [smem:$0x3FB8]  }
0x39: {  	_ = 	snop;
	(pc) =	sbr.ind lr, $3  }
0x3a: {  	_ = 	snop  }
0x3b: {  	_ = 	snop  }
0x3c: {  	p2 =	seq.s32 s10, $0x1;
	s10 =	sld [smem:$0x3FB7]  }
0x3d: {  	_ =	shalt  }
0x3e: {  	_ =	shalt  }
0x3f: {  	_ =	shalt  }
0x40: {  	_ =	shalt  }
0x41: {  	_ =	shalt  }
0x42: {  	_ =	shalt  }
0x43: {  	_ =	shalt  }
0x44: {  	_ =	shalt  }
0x45: {  	_ =	shalt  }
0x46: {  	_ =	shalt  }
0x47: {  	_ =	shalt  }
0x48: {  	_ =	shalt  }
0x49: {  	_ =	shalt  }
0x4a: {  	_ =	shalt  }
0x4b: {  	_ =	shalt  }
0x4c: {  	_ =	shalt  }
0x4d: {  	_ =	shalt  }
0x4e: {  	_ =	shalt  }
0x4f: {  	_ =	shalt  }
0x50: {  	_ =	shalt  }
0x51: {  	_ =	shalt  }
0x52: {  	_ =	shalt  }
0x53: {  	_ =	shalt  }
0x54: {  	_ =	shalt  }
0x55: {  	_ =	shalt  }
0x56: {  	_ =	shalt  }
0x57: {  	_ =	shalt  }
0x58: {  	_ =	shalt  }
0x59: {  	_ =	shalt  }
0x5a: {  	_ =	shalt  }
0x5b: {  	_ =	shalt  }
0x5c: {  	_ =	shalt  }
0x5d: {  	_ =	shalt  }
0x5e: {  	_ =	shalt  }
0x5f: {  	_ =	shalt  }
0x60: {  	_ =	shalt  }
0x61: {  	_ =	shalt  }
0x62: {  	_ =	shalt  }
0x63: {  	_ =	shalt  }
0x64: {  	_ =	shalt  }
0x65: {  	_ =	shalt  }
0x66: {  	_ =	shalt  }
0x67: {  	_ =	shalt  }
0x68: {  	_ =	shalt  }
0x69: {  	_ =	shalt  }
0x6a: {  	_ =	shalt  }
0x6b: {  	_ =	shalt  }
0x6c: {  	_ =	shalt  }
0x6d: {  	_ =	shalt  }
0x6e: {  	_ =	shalt  }
0x6f: {  	_ =	shalt  }
0x70: {  	_ =	shalt  }
0x71: {  	_ =	shalt  }
0x72: {  	_ =	shalt  }
0x73: {  	_ =	shalt  }
0x74: {  	_ =	shalt  }
0x75: {  	_ =	shalt  }
0x76: {  	_ =	shalt  }
0x77: {  	_ =	shalt  }
0x78: {  	_ =	shalt  }
0x79: {  	_ =	shalt  }
0x7a: {  	_ =	shalt  }
0x7b: {  	_ =	shalt  }
0x7c: {  	_ =	shalt  }
0x7d: {  	_ =	shalt  }
0x7e: {  	_ =	shalt  }
0x7f: {  	_ =	shalt  }
0x80: {  	_ =	shalt  }
0x81: {  	_ =	shalt  }
0x82: {  	_ =	shalt  }
0x83: {  	_ =	shalt  }
0x84: {  	_ =	shalt  }
0x85: {  	_ =	shalt  }
0x86: {  	_ =	shalt  }
0x87: {  	_ =	shalt  }
.Lfunc_end0:
.L_simem_size_0:
called_computation_lowered:
.L_overlay_start_0:
0x88: {  	s2 =	sld [smem:$0x3FD9]  }
0x89: {  	s3 =	sld [smem:$0x3FFE];
	_ =	sdelay $0x1  }
0x8a: {  	s1 =	srdreg.scid  }
0x8b: {  	s0 =	sand.u32 $0x1, s1  }
0x8c: {  	s17 =	sshll.u32 s0, $0xA;
	s2 =	sadd.s32 s3, s2  }
0x8d: {  	s2 =	sadd.s32 s2, s17  }
0x8e: {  	[smem:$0x3FC3] =	sst s2  }
0x8f: {  	_ = 	snop  }
0x90: {  	s2 =	sld [smem:$0x3FC9]  }
0x91: {  	s18 =	sld [smem:$0x3FC6]  }
0x92: {  	s4 =	sld [smem:$0x3FD0];
	(tm) =	ssettm $0x1  }
0x93: {  	s5 =	sld [smem:$0x3FFB];
	_ =	sdelay $0x3  }
0x94: {  	_ =	strace s5  }
0x95: {  	s5 =	sld [smem:$0x3FFC];
	_ =	sdelay $0x3  }
0x96: {  	_ =	strace s5  }
0x97: {  	s5 =	sld [smem:$0x3FFD];
	_ =	sdelay $0x3  }
0x98: {  	_ =	strace s5  }
0x99: {  	_ =	strace $0x8FFFFFFF  }
0x9a: {  	s19 =	sld [smem:$0x3FDB];
	_ =	sdelay $0x1  }
0x9b: {  	s6 =	simm.s32 $_scs_section_size  }
0x9c: {  	s7 =	simm.s32 $_size__tile_overlayer_lowered;
	s8 =	simm.s32 $_tile_overlayer_lowered  }
0x9d: {  	s22 =	simm.s32 $0x1BFF;
	s21 =	sshll.u32 s8, $0x1;
	s5 =	sadd.s32 s6, s19  }
0x9e: {  	s9 =	simm.s32 $0x0;
	s20 =	sshll.u32 s7, $0x1;
	s7 =	sadd.s32 s21, s5  }
0x9f: {  	[timem:s9], [sflag:s22] =	dma.local [hbm:s7], s20  }
0xa0: {  	_ =	swait.ge [sflag:s22], s20  }
0xa1: {  	s6 =	ssub.s32 $0x0, s20;
	[sflag:s22] =	ssyncset.done $0x0  }
0xa2: {  	[sflag:s22] =	ssyncadd.s32 s6;
	_ =	sdelay $0x1  }
0xa3: {  	s23 =	simm.s32 $0x1B8B  }
0xa4: {  	_ =	swait.ge [sflag:s23], $0x1  }
0xa5: {  	[sflag:s23] =	ssyncset.done $0x0  }
0xa6: {  	s25 =	simm.s32 $0x1B8E;
	s24 =	sld [smem:$0x3FFE];
	[sflag:s23] =	ssyncadd.s32 $0xFFFFFFFF  }
0xa7: {  	s26 =	simm.s32 $execute0_lowered;
	[smem:$0x3FD2] =	sst s25  }
0xa8: {  	s7 =	sshll.u32 s26, $0x1;
	_ =	strace $0x80000046;
	[dreg:$0x1] =	wrdreg $0xFFFFFFFF  }
0xa9: {  	s28 =	simm.s32 $_size_execute0_lowered;
	s5 =	sadd.s32 s5, s7;
	[dreg:$0x0] =	wrdreg $0x0  }
0xaa: {  	s7 =	sshll.u32 s28, $0x1;
	[dreg:$0x2] =	wrdreg s5  }
0xab: {  	[dreg:$0x3] =	wrdreg s7  }
0xac: {  	[dreg:$0x4] =	wrdreg $0xC0  }
0xad: {  	_ =	task [dreg:s9], $0x5FFFF  }
0xae: {  	[dreg:$0x1] =	wrdreg $0xFFFFFFFF  }
0xaf: {  	[dreg:$0x0] =	wrdreg $0x60  }
0xb0: {  	[dreg:$0x2] =	wrdreg s18  }
0xb1: {  	[dreg:$0x3] =	wrdreg s2  }
0xb2: {  	[dreg:$0x4] =	wrdreg s4  }
0xb3: {  	[dreg:$0x5] =	wrdreg s24  }
0xb4: {  	[dreg:$0x6] =	wrdreg $0x127800  }
0xb5: {  	[dreg:$0x7] =	wrdreg $0x9  }
0xb6: {  	_ =	task.clear_ibuf [dreg:s9], $0x8FFFF;
	_ =	strace $0x90000046  }
0xb7: {  	s29 =	simm.s32 $0x9;
	_ =	strace $0x80000048  }
0xb8: {  	_ =	swait.ge [sflag:s29], $0x1  }
0xb9: {  	[sflag:s29] =	ssyncadd.s32 $0xFFFFFFFF  }
0xba: {  	_ =	strace $0x90000048  }
0xbb: {  	_ =	sfence  }
0xbc: {  	s30 =	sld [smem:$0x0];
	_ =	sdelay $0x2  }
0xbd: {  	s31 =	sshll.u32 s1, $0xD;
	s1 =	sshrl.u32 s1, $0x2  }
0xbe: {  	s3 =	sand.u32 $0x4000, s31;
	s1 =	sadd.s32 s1, s30  }
0xbf: {  	s0 =	sor.u32 s3, s0;
	s1 =	sshll.u32 s1, $0x11  }
0xc0: {  	s0 =	sor.u32 s1, s0  }
0xc1: {  	s0 =	sadd.s32 $0x8F2B, s0  }
0xc2: {  	[sflag:s0] =	ssyncadd.remote.s32 $0x1  }
0xc3: {  	_ =	sfence.sel $0xFFFF  }
0xc4: {  	[dreg:$0x0] =	wrdreg $0xFFFFFFFF;
	(pc) =	sbr.abs _section_cstart, $3  }
0xc5: {  	[dreg:$0x1] =	wrdreg $0xFFFFFFFF  }
0xc6: {  	_ =	task.clear_ibuf [dreg:s9], $0x2FFFF;
	_ =	strace $0x9FFFFFFF  }
0xc7: {  	(tm) =	ssettm $0x7FFFFFFF  }
tec
execute0_lowered:
.L_overlay_start_1:
0x0: {  	(tag) =	ssettag $0x1  }
0x1: {  	s1 =	rddreg [dreg:$0x0];
	s0 =	srdreg.scid  }
0x2: {  	s12 =	stileid.u32;
	s2 =	rddreg [dreg:$0x1]  }
0x3: {  	s4 =	rddreg [dreg:$0x2];
	s0 =	sand.u32 $0x1, s0;
	s3 =	sshll.u32 s12, $0x1  }
0x4: {  	s5 =	rddreg [dreg:$0x3];
	s8 =	simm.s32 $0x0;
	s3 =	sor.u32 s0, s3  }
0x5: {  	[smem:$0x7FF] =	sst s8;
	s0 =	ssub.s32 $0x2, s0;
	s6 =	smul.u32 $0x140, s3  }
0x6: {  	s28 =	smul.u32 $0x28000, s12;
	s3 =	rddreg [dreg:$0x4];
	s11 =	sshrl.u32 s0, $0x1  }
0x7: {  	_ =	strace $0x80000047;
	s0 =	ssub.s32 s0, s11;
	s7 =	smin.u32 s6, $0x25D0  }
0x8: {  	s6 =	sshrl.u32 s28, $0x2;
	s0 =	smax.u32 s0, $0x1;
	s26 =	sshll.u32 s7, $0x1  }
0x9: {  	s10 =	sshll.u32 s7, $0x4;
	s7 =	sshrl.u32 s7, $0x3;
	[dreg:$0x16] =	wrdreg s0  }
0xa: {  	s9 =	sadd.s32 s26, s5;
	s10 =	sadd.s32 s10, s5;
	s2 =	sadd.s32 s2, s7  }
0xb: {  	s5 =	sadd.s32 s6, s3;
	s20 =	sadd.s32 s4, s26;
	[dreg:$0xe] =	wrdreg s2  }
0xc: {  	s6 =	smul.u32 $0x140, s12;
	s12 =	sadd.s32 $0x2000, s5;
	[dreg:$0xf] =	wrdreg s20  }
0xd: {  	s13 =	sadd.s32 $0x3000, s5;
	[dreg:$0x6] =	wrdreg s12  }
0xe: {  	s14 =	sadd.s32 $0x4000, s5;
	[dreg:$0x7] =	wrdreg s13  }
0xf: {  	s29 =	simm.s32 $0x80;
	s15 =	sadd.s32 $0x5000, s5;
	[dreg:$0x8] =	wrdreg s14  }
0x10: {  	s30 =	simm.s32 $0x1580;
	s16 =	sadd.s32 $0x6000, s5;
	[dreg:$0x9] =	wrdreg s15  }
0x11: {  	s31 =	simm.s32 $0x12580;
	s17 =	sadd.s32 $0x7000, s5;
	[dreg:$0xa] =	wrdreg s16  }
0x12: {  	s11 =	simm.s32 $0x0;
	s18 =	sadd.s32 $0x8000, s5;
	[dreg:$0xb] =	wrdreg s17  }
0x13: {  	s0 =	simm.s32 $0x3;
	s19 =	sadd.s32 $0x9000, s5;
	[dreg:$0xc] =	wrdreg s18  }
0x14: {  	s4 =	simm.s32 $0x9580;
	s21 =	sadd.s32 $0x2E200, s10;
	[dreg:$0xd] =	wrdreg s19  }
0x15: {  	s24 =	sadd.s32 $0x1000, s5;
	s22 =	sadd.s32 $0x6200, s10;
	[dreg:$0x10] =	wrdreg s21  }
0x16: {  	s23 =	sadd.s32 $0x6A00, s10;
	s25 =	sadd.s32 $0x7200, s10;
	[dreg:$0x11] =	wrdreg s22  }
0x17: {  	s26 =	sadd.s32 $0x1200, s9;
	s28 =	sadd.s32 $0x56200, s10;
	[dreg:$0x12] =	wrdreg s23  }
0x18: {  	s2 =	simm.s32 $0x5580;
	s20 =	simm.s32 $0x12600;
	[dreg:$0x13] =	wrdreg s25  }
0x19: {  	s9 =	simm.s32 $0xA;
	s10 =	simm.s32 $0x9;
	[dreg:$0x14] =	wrdreg s26  }
0x1a: {  	[dreg:$0x15] =	wrdreg s28;
	s25 =	simm.s32 $0x11580;
	s26 =	simm.s32 $0xB  }
0x1b: {  	s17 =	simm.s32 $0xD580;
	s18 =	simm.s32 $0x1;
	s19 =	simm.s32 $0x2  }
0x1c: {  	v0 =	vimm.f32 $0.0e+00;
	s21 =	simm.s32 $0x12680;
	s22 =	simm.s32 $0x4;
	s16 =	simm.s32 $0x12700  }
.LBB2_1:
0x1d: {  	[tilespmem:$0x11580] =	vst v0  }
0x1e: {  	[tilespmem:$0x11590] =	vst v0  }
0x1f: {  	[tilespmem:$0x115A0] =	vst v0  }
0x20: {  	[tilespmem:$0x115B0] =	vst v0  }
0x21: {  	[tilespmem:$0x115C0] =	vst v0  }
0x22: {  	[tilespmem:$0x115D0] =	vst v0  }
0x23: {  	[tilespmem:$0x115E0] =	vst v0  }
0x24: {  	[tilespmem:$0x115F0] =	vst v0  }
0x25: {  	[tilespmem:$0x11600] =	vst v0  }
0x26: {  	[tilespmem:$0x11610] =	vst v0  }
0x27: {  	[tilespmem:$0x11620] =	vst v0  }
0x28: {  	[tilespmem:$0x11630] =	vst v0  }
0x29: {  	[tilespmem:$0x11640] =	vst v0  }
0x2a: {  	[tilespmem:$0x11650] =	vst v0  }
0x2b: {  	[tilespmem:$0x11660] =	vst v0  }
0x2c: {  	[tilespmem:$0x11670] =	vst v0  }
0x2d: {  	[tilespmem:$0x11680] =	vst v0  }
0x2e: {  	[tilespmem:$0x11690] =	vst v0  }
0x2f: {  	[tilespmem:$0x116A0] =	vst v0  }
0x30: {  	[tilespmem:$0x116B0] =	vst v0  }
0x31: {  	[tilespmem:$0x116C0] =	vst v0  }
0x32: {  	[tilespmem:$0x116D0] =	vst v0  }
0x33: {  	[tilespmem:$0x116E0] =	vst v0  }
0x34: {  	[tilespmem:$0x116F0] =	vst v0  }
0x35: {  	[tilespmem:$0x11700] =	vst v0  }
0x36: {  	[tilespmem:$0x11710] =	vst v0  }
0x37: {  	[tilespmem:$0x11720] =	vst v0  }
0x38: {  	[tilespmem:$0x11730] =	vst v0  }
0x39: {  	[tilespmem:$0x11740] =	vst v0  }
0x3a: {  	[tilespmem:$0x11750] =	vst v0  }
0x3b: {  	[tilespmem:$0x11760] =	vst v0  }
0x3c: {  	[tilespmem:$0x11770] =	vst v0  }
0x3d: {  	[tilespmem:$0x11780] =	vst v0  }
0x3e: {  	[tilespmem:$0x11790] =	vst v0  }
0x3f: {  	[tilespmem:$0x117A0] =	vst v0  }
0x40: {  	[tilespmem:$0x117B0] =	vst v0  }
0x41: {  	[tilespmem:$0x117C0] =	vst v0  }
0x42: {  	[tilespmem:$0x117D0] =	vst v0  }
0x43: {  	[tilespmem:$0x117E0] =	vst v0  }
0x44: {  	[tilespmem:$0x117F0] =	vst v0  }
0x45: {  	[tilespmem:$0x11800] =	vst v0  }
0x46: {  	[tilespmem:$0x11810] =	vst v0  }
0x47: {  	[tilespmem:$0x11820] =	vst v0  }
0x48: {  	[tilespmem:$0x11830] =	vst v0  }
0x49: {  	[tilespmem:$0x11840] =	vst v0  }
0x4a: {  	[tilespmem:$0x11850] =	vst v0  }
0x4b: {  	[tilespmem:$0x11860] =	vst v0  }
0x4c: {  	[tilespmem:$0x11870] =	vst v0  }
0x4d: {  	[tilespmem:$0x11880] =	vst v0  }
0x4e: {  	[tilespmem:$0x11890] =	vst v0  }
0x4f: {  	[tilespmem:$0x118A0] =	vst v0  }
0x50: {  	[tilespmem:$0x118B0] =	vst v0  }
0x51: {  	[tilespmem:$0x118C0] =	vst v0  }
0x52: {  	[tilespmem:$0x118D0] =	vst v0  }
0x53: {  	[tilespmem:$0x118E0] =	vst v0  }
0x54: {  	[tilespmem:$0x118F0] =	vst v0  }
0x55: {  	[tilespmem:$0x11900] =	vst v0  }
0x56: {  	[tilespmem:$0x11910] =	vst v0  }
0x57: {  	[tilespmem:$0x11920] =	vst v0  }
0x58: {  	[tilespmem:$0x11930] =	vst v0  }
0x59: {  	[tilespmem:$0x11940] =	vst v0  }
0x5a: {  	[tilespmem:$0x11950] =	vst v0  }
0x5b: {  	[tilespmem:$0x11960] =	vst v0  }
0x5c: {  	[tilespmem:$0x11970] =	vst v0  }
0x5d: {  	[tilespmem:$0x11980] =	vst v0  }
0x5e: {  	[tilespmem:$0x11990] =	vst v0  }
0x5f: {  	[tilespmem:$0x119A0] =	vst v0  }
0x60: {  	[tilespmem:$0x119B0] =	vst v0  }
0x61: {  	[tilespmem:$0x119C0] =	vst v0  }
0x62: {  	[tilespmem:$0x119D0] =	vst v0  }
0x63: {  	[tilespmem:$0x119E0] =	vst v0  }
0x64: {  	[tilespmem:$0x119F0] =	vst v0  }
0x65: {  	[tilespmem:$0x11A00] =	vst v0  }
0x66: {  	[tilespmem:$0x11A10] =	vst v0  }
0x67: {  	[tilespmem:$0x11A20] =	vst v0  }
0x68: {  	[tilespmem:$0x11A30] =	vst v0  }
0x69: {  	[tilespmem:$0x11A40] =	vst v0  }
0x6a: {  	[tilespmem:$0x11A50] =	vst v0  }
0x6b: {  	[tilespmem:$0x11A60] =	vst v0  }
0x6c: {  	[tilespmem:$0x11A70] =	vst v0  }
0x6d: {  	[tilespmem:$0x11A80] =	vst v0  }
0x6e: {  	[tilespmem:$0x11A90] =	vst v0  }
0x6f: {  	[tilespmem:$0x11AA0] =	vst v0  }
0x70: {  	[tilespmem:$0x11AB0] =	vst v0  }
0x71: {  	[tilespmem:$0x11AC0] =	vst v0  }
0x72: {  	[tilespmem:$0x11AD0] =	vst v0  }
0x73: {  	[tilespmem:$0x11AE0] =	vst v0  }
0x74: {  	[tilespmem:$0x11AF0] =	vst v0  }
0x75: {  	[tilespmem:$0x11B00] =	vst v0  }
0x76: {  	[tilespmem:$0x11B10] =	vst v0  }
0x77: {  	[tilespmem:$0x11B20] =	vst v0  }
0x78: {  	[tilespmem:$0x11B30] =	vst v0  }
0x79: {  	[tilespmem:$0x11B40] =	vst v0  }
0x7a: {  	[tilespmem:$0x11B50] =	vst v0  }
0x7b: {  	[tilespmem:$0x11B60] =	vst v0  }
0x7c: {  	[tilespmem:$0x11B70] =	vst v0  }
0x7d: {  	[tilespmem:$0x11B80] =	vst v0  }
0x7e: {  	[tilespmem:$0x11B90] =	vst v0  }
0x7f: {  	[tilespmem:$0x11BA0] =	vst v0  }
0x80: {  	[tilespmem:$0x11BB0] =	vst v0  }
0x81: {  	[tilespmem:$0x11BC0] =	vst v0  }
0x82: {  	[tilespmem:$0x11BD0] =	vst v0  }
0x83: {  	[tilespmem:$0x11BE0] =	vst v0  }
0x84: {  	[tilespmem:$0x11BF0] =	vst v0  }
0x85: {  	[tilespmem:$0x11C00] =	vst v0  }
0x86: {  	[tilespmem:$0x11C10] =	vst v0  }
0x87: {  	[tilespmem:$0x11C20] =	vst v0  }
0x88: {  	[tilespmem:$0x11C30] =	vst v0  }
0x89: {  	[tilespmem:$0x11C40] =	vst v0  }
0x8a: {  	[tilespmem:$0x11C50] =	vst v0  }
0x8b: {  	[tilespmem:$0x11C60] =	vst v0  }
0x8c: {  	[tilespmem:$0x11C70] =	vst v0  }
0x8d: {  	[tilespmem:$0x11C80] =	vst v0  }
0x8e: {  	[tilespmem:$0x11C90] =	vst v0  }
0x8f: {  	[tilespmem:$0x11CA0] =	vst v0  }
0x90: {  	[tilespmem:$0x11CB0] =	vst v0  }
0x91: {  	[tilespmem:$0x11CC0] =	vst v0  }
0x92: {  	[tilespmem:$0x11CD0] =	vst v0  }
0x93: {  	[tilespmem:$0x11CE0] =	vst v0  }
0x94: {  	[tilespmem:$0x11CF0] =	vst v0  }
0x95: {  	[tilespmem:$0x11D00] =	vst v0  }
0x96: {  	[tilespmem:$0x11D10] =	vst v0  }
0x97: {  	[tilespmem:$0x11D20] =	vst v0  }
0x98: {  	[tilespmem:$0x11D30] =	vst v0  }
0x99: {  	[tilespmem:$0x11D40] =	vst v0  }
0x9a: {  	[tilespmem:$0x11D50] =	vst v0  }
0x9b: {  	[tilespmem:$0x11D60] =	vst v0  }
0x9c: {  	[tilespmem:$0x11D70] =	vst v0  }
0x9d: {  	[tilespmem:$0x11D80] =	vst v0  }
0x9e: {  	[tilespmem:$0x11D90] =	vst v0  }
0x9f: {  	[tilespmem:$0x11DA0] =	vst v0  }
0xa0: {  	[tilespmem:$0x11DB0] =	vst v0  }
0xa1: {  	[tilespmem:$0x11DC0] =	vst v0  }
0xa2: {  	[tilespmem:$0x11DD0] =	vst v0  }
0xa3: {  	[tilespmem:$0x11DE0] =	vst v0  }
0xa4: {  	[tilespmem:$0x11DF0] =	vst v0  }
0xa5: {  	[tilespmem:$0x11E00] =	vst v0  }
0xa6: {  	[tilespmem:$0x11E10] =	vst v0  }
0xa7: {  	[tilespmem:$0x11E20] =	vst v0  }
0xa8: {  	[tilespmem:$0x11E30] =	vst v0  }
0xa9: {  	[tilespmem:$0x11E40] =	vst v0  }
0xaa: {  	[tilespmem:$0x11E50] =	vst v0  }
0xab: {  	[tilespmem:$0x11E60] =	vst v0  }
0xac: {  	[tilespmem:$0x11E70] =	vst v0  }
0xad: {  	[tilespmem:$0x11E80] =	vst v0  }
0xae: {  	[tilespmem:$0x11E90] =	vst v0  }
0xaf: {  	[tilespmem:$0x11EA0] =	vst v0  }
0xb0: {  	[tilespmem:$0x11EB0] =	vst v0  }
0xb1: {  	[tilespmem:$0x11EC0] =	vst v0  }
0xb2: {  	[tilespmem:$0x11ED0] =	vst v0  }
0xb3: {  	[tilespmem:$0x11EE0] =	vst v0  }
0xb4: {  	[tilespmem:$0x11EF0] =	vst v0  }
0xb5: {  	[tilespmem:$0x11F00] =	vst v0  }
0xb6: {  	[tilespmem:$0x11F10] =	vst v0  }
0xb7: {  	[tilespmem:$0x11F20] =	vst v0  }
0xb8: {  	[tilespmem:$0x11F30] =	vst v0  }
0xb9: {  	[tilespmem:$0x11F40] =	vst v0  }
0xba: {  	[tilespmem:$0x11F50] =	vst v0  }
0xbb: {  	[tilespmem:$0x11F60] =	vst v0  }
0xbc: {  	[tilespmem:$0x11F70] =	vst v0  }
0xbd: {  	[tilespmem:$0x11F80] =	vst v0  }
0xbe: {  	[tilespmem:$0x11F90] =	vst v0  }
0xbf: {  	[tilespmem:$0x11FA0] =	vst v0  }
0xc0: {  	[tilespmem:$0x11FB0] =	vst v0  }
0xc1: {  	[tilespmem:$0x11FC0] =	vst v0  }
0xc2: {  	[tilespmem:$0x11FD0] =	vst v0  }
0xc3: {  	[tilespmem:$0x11FE0] =	vst v0  }
0xc4: {  	[tilespmem:$0x11FF0] =	vst v0  }
0xc5: {  	[tilespmem:$0x12000] =	vst v0  }
0xc6: {  	[tilespmem:$0x12010] =	vst v0  }
0xc7: {  	[tilespmem:$0x12020] =	vst v0  }
0xc8: {  	[tilespmem:$0x12030] =	vst v0  }
0xc9: {  	[tilespmem:$0x12040] =	vst v0  }
0xca: {  	[tilespmem:$0x12050] =	vst v0  }
0xcb: {  	[tilespmem:$0x12060] =	vst v0  }
0xcc: {  	[tilespmem:$0x12070] =	vst v0  }
0xcd: {  	[tilespmem:$0x12080] =	vst v0  }
0xce: {  	[tilespmem:$0x12090] =	vst v0  }
0xcf: {  	[tilespmem:$0x120A0] =	vst v0  }
0xd0: {  	[tilespmem:$0x120B0] =	vst v0  }
0xd1: {  	[tilespmem:$0x120C0] =	vst v0  }
0xd2: {  	[tilespmem:$0x120D0] =	vst v0  }
0xd3: {  	[tilespmem:$0x120E0] =	vst v0  }
0xd4: {  	[tilespmem:$0x120F0] =	vst v0  }
0xd5: {  	[tilespmem:$0x12100] =	vst v0  }
0xd6: {  	[tilespmem:$0x12110] =	vst v0  }
0xd7: {  	[tilespmem:$0x12120] =	vst v0  }
0xd8: {  	[tilespmem:$0x12130] =	vst v0  }
0xd9: {  	[tilespmem:$0x12140] =	vst v0  }
0xda: {  	[tilespmem:$0x12150] =	vst v0  }
0xdb: {  	[tilespmem:$0x12160] =	vst v0  }
0xdc: {  	[tilespmem:$0x12170] =	vst v0  }
0xdd: {  	[tilespmem:$0x12180] =	vst v0  }
0xde: {  	[tilespmem:$0x12190] =	vst v0  }
0xdf: {  	[tilespmem:$0x121A0] =	vst v0  }
0xe0: {  	[tilespmem:$0x121B0] =	vst v0  }
0xe1: {  	[tilespmem:$0x121C0] =	vst v0  }
0xe2: {  	[tilespmem:$0x121D0] =	vst v0  }
0xe3: {  	[tilespmem:$0x121E0] =	vst v0  }
0xe4: {  	[tilespmem:$0x121F0] =	vst v0  }
0xe5: {  	[tilespmem:$0x12200] =	vst v0  }
0xe6: {  	[tilespmem:$0x12210] =	vst v0  }
0xe7: {  	[tilespmem:$0x12220] =	vst v0  }
0xe8: {  	[tilespmem:$0x12230] =	vst v0  }
0xe9: {  	[tilespmem:$0x12240] =	vst v0  }
0xea: {  	[tilespmem:$0x12250] =	vst v0  }
0xeb: {  	[tilespmem:$0x12260] =	vst v0  }
0xec: {  	[tilespmem:$0x12270] =	vst v0  }
0xed: {  	[tilespmem:$0x12280] =	vst v0  }
0xee: {  	[tilespmem:$0x12290] =	vst v0  }
0xef: {  	[tilespmem:$0x122A0] =	vst v0  }
0xf0: {  	[tilespmem:$0x122B0] =	vst v0  }
0xf1: {  	[tilespmem:$0x122C0] =	vst v0  }
0xf2: {  	[tilespmem:$0x122D0] =	vst v0  }
0xf3: {  	[tilespmem:$0x122E0] =	vst v0  }
0xf4: {  	[tilespmem:$0x122F0] =	vst v0  }
0xf5: {  	[tilespmem:$0x12300] =	vst v0  }
0xf6: {  	[tilespmem:$0x12310] =	vst v0  }
0xf7: {  	[tilespmem:$0x12320] =	vst v0  }
0xf8: {  	[tilespmem:$0x12330] =	vst v0  }
0xf9: {  	[tilespmem:$0x12340] =	vst v0  }
0xfa: {  	[tilespmem:$0x12350] =	vst v0  }
0xfb: {  	[tilespmem:$0x12360] =	vst v0  }
0xfc: {  	[tilespmem:$0x12370] =	vst v0  }
0xfd: {  	[tilespmem:$0x12380] =	vst v0  }
0xfe: {  	[tilespmem:$0x12390] =	vst v0  }
0xff: {  	[tilespmem:$0x123A0] =	vst v0  }
0x100: {  	[tilespmem:$0x123B0] =	vst v0  }
0x101: {  	[tilespmem:$0x123C0] =	vst v0  }
0x102: {  	[tilespmem:$0x123D0] =	vst v0  }
0x103: {  	[tilespmem:$0x123E0] =	vst v0  }
0x104: {  	[tilespmem:$0x123F0] =	vst v0  }
0x105: {  	[tilespmem:$0x12400] =	vst v0  }
0x106: {  	[tilespmem:$0x12410] =	vst v0  }
0x107: {  	[tilespmem:$0x12420] =	vst v0  }
0x108: {  	[tilespmem:$0x12430] =	vst v0  }
0x109: {  	[tilespmem:$0x12440] =	vst v0  }
0x10a: {  	[tilespmem:$0x12450] =	vst v0  }
0x10b: {  	[tilespmem:$0x12460] =	vst v0  }
0x10c: {  	[tilespmem:$0x12470] =	vst v0  }
0x10d: {  	[tilespmem:$0x12480] =	vst v0  }
0x10e: {  	[tilespmem:$0x12490] =	vst v0  }
0x10f: {  	[tilespmem:$0x124A0] =	vst v0  }
0x110: {  	[tilespmem:$0x124B0] =	vst v0  }
0x111: {  	[tilespmem:$0x124C0] =	vst v0  }
0x112: {  	[tilespmem:$0x124D0] =	vst v0  }
0x113: {  	[tilespmem:$0x124E0] =	vst v0  }
0x114: {  	[tilespmem:$0x124F0] =	vst v0  }
0x115: {  	[tilespmem:$0x12500] =	vst v0  }
0x116: {  	[tilespmem:$0x12510] =	vst v0  }
0x117: {  	[tilespmem:$0x12520] =	vst v0  }
0x118: {  	[tilespmem:$0x12530] =	vst v0  }
0x119: {  	[tilespmem:$0x12540] =	vst v0  }
0x11a: {  	[tilespmem:$0x12550] =	vst v0  }
0x11b: {  	[tilespmem:$0x12560] =	vst v0  }
0x11c: {  	[tilespmem:$0x12570] =	vst v0  }
0x11d: {  	[spmem:s5] =	stream.linear.scatter [tilespmem:s25], [sflag:$0xB], $0x1000, $0x38;
	[tilespmem:$0x1C780] =	vst v63  }
0x11e: {  	_ =	swait.ge [sflag:s26], $0x1000  }
0x11f: {  	[sflag:s26] =	ssyncset.done $0x0  }
0x120: {  	[sflag:s26] =	ssyncadd.s32 $0xFFFFF000  }
0x121: {  	[spmem:s24] =	stream.linear.scatter [tilespmem:s25], [sflag:$0xB], $0x1000, $0x38;
	[tilespmem:$0x1C780] =	vst v63  }
0x122: {  	_ =	swait.ge [sflag:s26], $0x1000  }
0x123: {  	[sflag:s26] =	ssyncset.done $0x0  }
0x124: {  	s7 =	rddreg [dreg:$0x6];
	[sflag:s26] =	ssyncadd.s32 $0xFFFFF000  }
0x125: {  	[spmem:s7] =	stream.linear.scatter [tilespmem:s25], [sflag:$0xB], $0x1000, $0x38;
	[tilespmem:$0x1C780] =	vst v63  }
0x126: {  	_ =	swait.ge [sflag:s26], $0x1000  }
0x127: {  	[sflag:s26] =	ssyncset.done $0x0  }
0x128: {  	s13 =	rddreg [dreg:$0x7];
	[sflag:s26] =	ssyncadd.s32 $0xFFFFF000  }
0x129: {  	[spmem:s13] =	stream.linear.scatter [tilespmem:s25], [sflag:$0xB], $0x1000, $0x38;
	[tilespmem:$0x1C780] =	vst v63  }
0x12a: {  	_ =	swait.ge [sflag:s26], $0x1000  }
0x12b: {  	[sflag:s26] =	ssyncset.done $0x0  }
0x12c: {  	s14 =	rddreg [dreg:$0x8];
	[sflag:s26] =	ssyncadd.s32 $0xFFFFF000  }
0x12d: {  	[spmem:s14] =	stream.linear.scatter [tilespmem:s25], [sflag:$0xB], $0x1000, $0x38;
	[tilespmem:$0x1C780] =	vst v63  }
0x12e: {  	_ =	swait.ge [sflag:s26], $0x1000  }
0x12f: {  	[sflag:s26] =	ssyncset.done $0x0  }
0x130: {  	s15 =	rddreg [dreg:$0x9];
	[sflag:s26] =	ssyncadd.s32 $0xFFFFF000  }
0x131: {  	[spmem:s15] =	stream.linear.scatter [tilespmem:s25], [sflag:$0xB], $0x1000, $0x38;
	[tilespmem:$0x1C780] =	vst v63  }
0x132: {  	_ =	swait.ge [sflag:s26], $0x1000  }
0x133: {  	[sflag:s26] =	ssyncset.done $0x0  }
0x134: {  	s23 =	rddreg [dreg:$0xa];
	[sflag:s26] =	ssyncadd.s32 $0xFFFFF000  }
0x135: {  	[spmem:s23] =	stream.linear.scatter [tilespmem:s25], [sflag:$0xB], $0x1000, $0x38;
	[tilespmem:$0x1C780] =	vst v63  }
0x136: {  	_ =	swait.ge [sflag:s26], $0x1000  }
0x137: {  	[sflag:s26] =	ssyncset.done $0x0  }
0x138: {  	s28 =	rddreg [dreg:$0xb];
	[sflag:s26] =	ssyncadd.s32 $0xFFFFF000  }
0x139: {  	[spmem:s28] =	stream.linear.scatter [tilespmem:s25], [sflag:$0xB], $0x1000, $0x38;
	[tilespmem:$0x1C780] =	vst v63  }
0x13a: {  	_ =	swait.ge [sflag:s26], $0x1000  }
0x13b: {  	[sflag:s26] =	ssyncset.done $0x0  }
0x13c: {  	s8 =	rddreg [dreg:$0xc];
	[sflag:s26] =	ssyncadd.s32 $0xFFFFF000  }
0x13d: {  	[spmem:s8] =	stream.linear.scatter [tilespmem:s25], [sflag:$0xB], $0x1000, $0x38;
	[tilespmem:$0x1C780] =	vst v63  }
0x13e: {  	_ =	swait.ge [sflag:s26], $0x1000  }
0x13f: {  	[sflag:s26] =	ssyncset.done $0x0  }
0x140: {  	s12 =	rddreg [dreg:$0xd];
	[sflag:s26] =	ssyncadd.s32 $0xFFFFF000  }
0x141: {  	[spmem:s12] =	stream.linear.scatter [tilespmem:s25], [sflag:$0xB], $0x1000, $0x38;
	[tilespmem:$0x1C780] =	vst v63  }
0x142: {  	_ =	swait.ge [sflag:s26], $0x1000  }
0x143: {  	[sflag:s26] =	ssyncset.done $0x0  }
0x144: {  	s13 =	simm.s32 $0x0;
	s8 =	rddreg [dreg:$0xe];
	[sflag:s26] =	ssyncadd.s32 $0xFFFFF000  }
0x145: {  	[tilespmem:s13], [sflag:$0xB] =	stream.linear.gather [hbm4b:s8+s13], $0x140, $0x38;
	[tilespmem:$0x1C780] =	vst v63  }
0x146: {  	_ =	swait.ge [sflag:s26], $0x140  }
0x147: {  	[sflag:s26] =	ssyncset.done $0x0  }
0x148: {  	s12 =	simm.s32 $0x180;
	s14 =	rddreg [dreg:$0xf];
	[sflag:s26] =	ssyncadd.s32 $0xFFFFFEC0  }
0x149: {  	[tilespmem:s12], [sflag:$0xB] =	stream.linear.gather [hbm4b:s14+s13], $0x1400, $0x38;
	[tilespmem:$0x1C780] =	vst v63  }
0x14a: {  	_ =	swait.ge [sflag:s26], $0x1400  }
0x14b: {  	[sflag:s26] =	ssyncset.done $0x0  }
0x14c: {  	[sflag:s26] =	ssyncadd.s32 $0xFFFFEC00  }
0x14d: {  	[tilespmem:s30], [sflag:$0x1] =	stream.indirect.gather [hbm4b:s1+s29], $0x80, s12, s29, $0xb8;
	[tilespmem:$0x1C780] =	vst v63  }
0x14e: {  	s15 =	simm.s32 $0x200  }
0x14f: {  	[tilespmem:s2], [sflag:$0x2] =	stream.indirect.gather [hbm4b:s1+s29], $0x80, s15, s29, $0xb8;
	[tilespmem:$0x1C780] =	vst v63  }
0x150: {  	s23 =	simm.s32 $0x280  }
0x151: {  	[tilespmem:s4], [sflag:$0x3] =	stream.indirect.gather [hbm4b:s1+s29], $0x80, s23, s29, $0xb8;
	[tilespmem:$0x1C780] =	vst v63  }
0x152: {  	s28 =	simm.s32 $0x300;
	s13 =	simm.s32 $0x0;
	s12 =	simm.s32 $0x480  }
0x153: {  	[tilespmem:s17], [sflag:$0x4] =	stream.indirect.gather [hbm4b:s1+s29], $0x80, s28, s29, $0xb8;
	[tilespmem:$0x1C780] =	vst v63  }
.LBB2_2:
0x154: {  	p0 =	seq.s32 s13, $0x0  }
0x155: {  	s14 =	simm.s32 @!p0 $0x8  }
0x156: {  	_ =	swait.ge @!p0 [sflag:s14], $0x4000  }
0x157: {  	s15 =	simm.s32 @!p0 $0x80;
	[sflag:s14] =	ssyncset.done @!p0 $0x0  }
0x158: {  	s23 =	simm.s32 @!p0 $0xD580;
	[sflag:s14] =	ssyncadd.s32 @!p0 $0xFFFFC000;
	s14 =	sadd.s32 @!p0 $0xFFFFFE80, s12  }
0x159: {  	[tilespmem:s23], [sflag:$0x4] =	stream.indirect.gather @!p0 [hbm4b:s1+s15], $0x80, s14, s15, $0xb8;
	[tilespmem:$0x1C780] =	vst v63  }
0x15a: {  	_ =	swait.ge [sflag:s18], $0x4000  }
0x15b: {  	s14 =	sadd.s32 s13, s6;
	[sflag:s18] =	ssyncset.done $0x0  }
0x15c: {  	v1 =	vmov s14;
	s8 =	sadd.s32 $0x1, s14;
	[sflag:s18] =	ssyncadd.s32 $0xFFFFC000  }
0x15d: {  	s23 =	sadd.s32 $0x2, s14;
	[tilespmem:$0x12580] =	vst v1;
	v1 =	vmov s8  }
0x15e: {  	s28 =	sadd.s32 $0x3, s14;
	[tilespmem:$0x12590] =	vst v1;
	v1 =	vmov s23  }
0x15f: {  	s7 =	sadd.s32 $0x4, s14;
	[tilespmem:$0x125A0] =	vst v1;
	v1 =	vmov s28  }
0x160: {  	s8 =	sadd.s32 $0x5, s14;
	[tilespmem:$0x125B0] =	vst v1;
	v1 =	vmov s7  }
0x161: {  	s23 =	sadd.s32 $0x6, s14;
	[tilespmem:$0x125C0] =	vst v1;
	v1 =	vmov s8  }
0x162: {  	s28 =	sadd.s32 $0x7, s14;
	[tilespmem:$0x125D0] =	vst v1;
	v1 =	vmov s23  }
0x163: {  	p0 =	seq.s32 s13, $0x120;
	[tilespmem:$0x125E0] =	vst v1;
	v1 =	vmov s28  }
0x164: {  	s15 =	simm.s32 @!p0 $0x5;
	[tilespmem:$0x125F0] =	vst v1  }
0x165: {  	[spmem:s3] =	stream.indirect.scatter.add.f32 [tilespmem:s30], [sflag:$0x5], $0x80, s31, s29, $0xb8;
	[tilespmem:$0x1C780] =	vst v63  }
0x166: {  	_ =	swait.ge @!p0 [sflag:s15], $0x4000  }
0x167: {  	s23 =	sadd.s32 @!p0 $0xFFFFFF00, s12;
	[sflag:s15] =	ssyncset.done @!p0 $0x0  }
0x168: {  	s28 =	simm.s32 @!p0 $0x1580;
	[sflag:s15] =	ssyncadd.s32 @!p0 $0xFFFFC000;
	s15 =	simm.s32 @!p0 $0x80  }
0x169: {  	[tilespmem:s28], [sflag:$0x1] =	stream.indirect.gather @!p0 [hbm4b:s1+s15], $0x80, s23, s15, $0xb8;
	[tilespmem:$0x1C780] =	vst v63  }
0x16a: {  	_ =	swait.ge [sflag:s19], $0x4000  }
0x16b: {  	s7 =	sadd.s32 $0x8, s14;
	[sflag:s19] =	ssyncset.done $0x0  }
0x16c: {  	s8 =	sadd.s32 $0x9, s14;
	v1 =	vmov s7;
	[sflag:s19] =	ssyncadd.s32 $0xFFFFC000  }
0x16d: {  	s28 =	sadd.s32 $0xA, s14;
	[tilespmem:$0x12600] =	vst v1;
	v1 =	vmov s8  }
0x16e: {  	s7 =	sadd.s32 $0xB, s14;
	[tilespmem:$0x12610] =	vst v1;
	v1 =	vmov s28  }
0x16f: {  	s8 =	sadd.s32 $0xC, s14;
	[tilespmem:$0x12620] =	vst v1;
	v1 =	vmov s7  }
0x170: {  	s28 =	sadd.s32 $0xD, s14;
	[tilespmem:$0x12630] =	vst v1;
	v1 =	vmov s8  }
0x171: {  	s7 =	sadd.s32 $0xE, s14;
	[tilespmem:$0x12640] =	vst v1;
	v1 =	vmov s28  }
0x172: {  	s8 =	sadd.s32 $0xF, s14;
	[tilespmem:$0x12650] =	vst v1;
	v1 =	vmov s7  }
0x173: {  	[tilespmem:$0x12660] =	vst v1;
	v1 =	vmov s8  }
0x174: {  	s23 =	simm.s32 @!p0 $0x6;
	[tilespmem:$0x12670] =	vst v1  }
0x175: {  	[spmem:s3] =	stream.indirect.scatter.add.f32 [tilespmem:s2], [sflag:$0x6], $0x80, s20, s29, $0xb8;
	[tilespmem:$0x1C780] =	vst v63  }
0x176: {  	_ =	swait.ge @!p0 [sflag:s23], $0x4000  }
0x177: {  	[sflag:s23] =	ssyncset.done @!p0 $0x0  }
0x178: {  	s28 =	simm.s32 @!p0 $0x5580;
	[sflag:s23] =	ssyncadd.s32 @!p0 $0xFFFFC000;
	s23 =	sadd.s32 @!p0 $0xFFFFFF80, s12  }
0x179: {  	[tilespmem:s28], [sflag:$0x2] =	stream.indirect.gather @!p0 [hbm4b:s1+s15], $0x80, s23, s15, $0xb8;
	[tilespmem:$0x1C780] =	vst v63  }
0x17a: {  	_ =	swait.ge [sflag:s0], $0x4000  }
0x17b: {  	s28 =	sadd.s32 $0x10, s14;
	[sflag:s0] =	ssyncset.done $0x0  }
0x17c: {  	s7 =	sadd.s32 $0x11, s14;
	v1 =	vmov s28;
	[sflag:s0] =	ssyncadd.s32 $0xFFFFC000  }
0x17d: {  	s8 =	sadd.s32 $0x12, s14;
	[tilespmem:$0x12680] =	vst v1;
	v1 =	vmov s7  }
0x17e: {  	s28 =	sadd.s32 $0x13, s14;
	[tilespmem:$0x12690] =	vst v1;
	v1 =	vmov s8  }
0x17f: {  	s7 =	sadd.s32 $0x14, s14;
	[tilespmem:$0x126A0] =	vst v1;
	v1 =	vmov s28  }
0x180: {  	s8 =	sadd.s32 $0x15, s14;
	[tilespmem:$0x126B0] =	vst v1;
	v1 =	vmov s7  }
0x181: {  	s28 =	sadd.s32 $0x16, s14;
	[tilespmem:$0x126C0] =	vst v1;
	v1 =	vmov s8  }
0x182: {  	s7 =	sadd.s32 $0x17, s14;
	[tilespmem:$0x126D0] =	vst v1;
	v1 =	vmov s28  }
0x183: {  	[tilespmem:$0x126E0] =	vst v1;
	v1 =	vmov s7  }
0x184: {  	s23 =	simm.s32 @!p0 $0x7;
	[tilespmem:$0x126F0] =	vst v1  }
0x185: {  	[spmem:s3] =	stream.indirect.scatter.add.f32 [tilespmem:s4], [sflag:$0x7], $0x80, s21, s29, $0xb8;
	[tilespmem:$0x1C780] =	vst v63  }
0x186: {  	_ =	swait.ge @!p0 [sflag:s23], $0x4000  }
0x187: {  	[sflag:s23] =	ssyncset.done @!p0 $0x0  }
0x188: {  	[sflag:s23] =	ssyncadd.s32 @!p0 $0xFFFFC000;
	s23 =	simm.s32 @!p0 $0x9580  }
0x189: {  	[tilespmem:s23], [sflag:$0x3] =	stream.indirect.gather @!p0 [hbm4b:s1+s15], $0x80, s12, s15, $0xb8;
	[tilespmem:$0x1C780] =	vst v63  }
0x18a: {  	_ =	swait.ge [sflag:s22], $0x4000  }
0x18b: {  	s8 =	sadd.s32 $0x18, s14;
	[sflag:s22] =	ssyncset.done $0x0  }
0x18c: {  	v1 =	vmov s8;
	s23 =	sadd.s32 $0x19, s14;
	[sflag:s22] =	ssyncadd.s32 $0xFFFFC000  }
0x18d: {  	s28 =	sadd.s32 $0x1A, s14;
	[tilespmem:$0x12700] =	vst v1;
	v1 =	vmov s23  }
0x18e: {  	s7 =	sadd.s32 $0x1B, s14;
	[tilespmem:$0x12710] =	vst v1;
	v1 =	vmov s28  }
0x18f: {  	s13 =	sadd.s32 $0x20, s13;
	s8 =	sadd.s32 $0x1C, s14;
	[tilespmem:$0x12720] =	vst v1;
	v1 =	vmov s7  }
0x190: {  	p0 =	sne.s32 s13, $0x140;
	s23 =	sadd.s32 $0x1D, s14;
	[tilespmem:$0x12730] =	vst v1;
	v1 =	vmov s8  }
.Ltmp0:
0x191: {  	s28 =	sadd.s32 $0x1E, s14;
	[tilespmem:$0x12740] =	vst v1;
	v1 =	vmov s23;
	(pc) =	sbr.rel @p0 .LBB2_2-.Ltmp0, $4  }
0x192: {  	s14 =	sadd.s32 $0x1F, s14;
	[tilespmem:$0x12750] =	vst v1;
	v1 =	vmov s28  }
0x193: {  	[tilespmem:$0x12760] =	vst v1;
	v1 =	vmov s14  }
0x194: {  	s12 =	sadd.s32 $0x200, s12;
	[tilespmem:$0x12770] =	vst v1  }
0x195: {  	[spmem:s3] =	stream.indirect.scatter.add.f32 [tilespmem:s17], [sflag:$0x8], $0x80, s16, s29, $0xb8;
	[tilespmem:$0x1C780] =	vst v63  }
0x196: {  	s7 =	simm.s32 $0x5  }
0x197: {  	_ =	swait.ge [sflag:s7], $0x4000  }
0x198: {  	[sflag:s7] =	ssyncset.done $0x0  }
0x199: {  	s12 =	simm.s32 $0x6;
	[sflag:s7] =	ssyncadd.s32 $0xFFFFC000  }
0x19a: {  	_ =	swait.ge [sflag:s12], $0x4000  }
0x19b: {  	[sflag:s12] =	ssyncset.done $0x0  }
0x19c: {  	s13 =	simm.s32 $0x7;
	[sflag:s12] =	ssyncadd.s32 $0xFFFFC000  }
0x19d: {  	_ =	swait.ge [sflag:s13], $0x4000  }
0x19e: {  	[sflag:s13] =	ssyncset.done $0x0  }
0x19f: {  	s8 =	simm.s32 $0x8;
	s14 =	stileid.u32;
	[sflag:s13] =	ssyncadd.s32 $0xFFFFC000  }
0x1a0: {  	s12 =	sshll.u32 s14, $0x6;
	_ =	swait.ge [sflag:s8], $0x4000  }
0x1a1: {  	s14 =	simm.s32 $0x0;
	s12 =	sor.u32 $0x1C0A, s12;
	[sflag:s8] =	ssyncset.done $0x0  }
0x1a2: {  	s13 =	sshrl.u32 s5, $0x3;
	s15 =	rddreg [dreg:$0x10];
	[sflag:s8] =	ssyncadd.s32 $0xFFFFC000  }
0x1a3: {  	[hbm:s15], [sflag:s12] =	dma.local [spmem:s13], $0x1400  }
0x1a4: {  	[tilespmem:s30], [sflag:$0x1] =	stream.indirect.gather [hbm4b:s1+s29], $0x80, s14, s29, $0xb8;
	[tilespmem:$0x1C780] =	vst v63  }
0x1a5: {  	_ = 	snop  }
0x1a6: {  	[tilespmem:s2], [sflag:$0x2] =	stream.indirect.gather [hbm4b:s1+s29], $0x80, s29, s29, $0xb8;
	[tilespmem:$0x1C780] =	vst v63  }
0x1a7: {  	s23 =	simm.s32 $0x40;
	s28 =	simm.s32 $0x100  }
0x1a8: {  	[tilespmem:s4], [sflag:$0x3] =	stream.indirect.gather [hbm4b:s1+s23], $0x80, s28, s23, $0xb8;
	[tilespmem:$0x1C780] =	vst v63  }
0x1a9: {  	_ =	swait.ge [sflag:s18], $0x4000  }
0x1aa: {  	[sflag:s18] =	ssyncset.done $0x0  }
0x1ab: {  	s8 =	rddreg [dreg:$0x11];
	[sflag:s18] =	ssyncadd.s32 $0xFFFFC000  }
0x1ac: {  	[hbm4b:s8+s14] =	stream.linear.scatter [tilespmem:s30], [sflag:$0x9], $0x4000, $0x38;
	[tilespmem:$0x1C780] =	vst v63  }
0x1ad: {  	_ =	swait.ge [sflag:s19], $0x4000  }
0x1ae: {  	[sflag:s19] =	ssyncset.done $0x0  }
0x1af: {  	s15 =	rddreg [dreg:$0x12];
	[sflag:s19] =	ssyncadd.s32 $0xFFFFC000  }
0x1b0: {  	[hbm4b:s15+s14] =	stream.linear.scatter [tilespmem:s2], [sflag:$0x9], $0x4000, $0x38;
	[tilespmem:$0x1C780] =	vst v63  }
0x1b1: {  	_ =	swait.ge [sflag:s0], $0x2000  }
0x1b2: {  	[sflag:s0] =	ssyncset.done $0x0  }
0x1b3: {  	s23 =	rddreg [dreg:$0x13];
	[sflag:s0] =	ssyncadd.s32 $0xFFFFE000  }
0x1b4: {  	[hbm4b:s23+s14] =	stream.linear.scatter [tilespmem:s4], [sflag:$0x9], $0x2000, $0x38;
	[tilespmem:$0x1C780] =	vst v63  }
0x1b5: {  	_ =	swait.ge [sflag:s9], $0x1400  }
0x1b6: {  	[sflag:s9] =	ssyncset.done $0x0  }
0x1b7: {  	[sflag:s9] =	ssyncadd.s32 $0xFFFFEC00  }
0x1b8: {  	[spmem:s5] =	stream.linear.scatter [tilespmem:s25], [sflag:$0xB], $0x1000, $0x38;
	[tilespmem:$0x1C780] =	vst v63  }
0x1b9: {  	_ =	swait.ge [sflag:s26], $0x1000  }
0x1ba: {  	[sflag:s26] =	ssyncset.done $0x0  }
0x1bb: {  	[sflag:s26] =	ssyncadd.s32 $0xFFFFF000  }
0x1bc: {  	[spmem:s24] =	stream.linear.scatter [tilespmem:s25], [sflag:$0xB], $0x1000, $0x38;
	[tilespmem:$0x1C780] =	vst v63  }
0x1bd: {  	_ =	swait.ge [sflag:s26], $0x1000  }
0x1be: {  	[sflag:s26] =	ssyncset.done $0x0  }
0x1bf: {  	s28 =	rddreg [dreg:$0x6];
	[sflag:s26] =	ssyncadd.s32 $0xFFFFF000  }
0x1c0: {  	[spmem:s28] =	stream.linear.scatter [tilespmem:s25], [sflag:$0xB], $0x1000, $0x38;
	[tilespmem:$0x1C780] =	vst v63  }
0x1c1: {  	_ =	swait.ge [sflag:s26], $0x1000  }
0x1c2: {  	[sflag:s26] =	ssyncset.done $0x0  }
0x1c3: {  	s15 =	rddreg [dreg:$0x7];
	[sflag:s26] =	ssyncadd.s32 $0xFFFFF000  }
0x1c4: {  	[spmem:s15] =	stream.linear.scatter [tilespmem:s25], [sflag:$0xB], $0x1000, $0x38;
	[tilespmem:$0x1C780] =	vst v63  }
0x1c5: {  	_ =	swait.ge [sflag:s26], $0x1000  }
0x1c6: {  	[sflag:s26] =	ssyncset.done $0x0  }
0x1c7: {  	s23 =	rddreg [dreg:$0x8];
	[sflag:s26] =	ssyncadd.s32 $0xFFFFF000  }
0x1c8: {  	[spmem:s23] =	stream.linear.scatter [tilespmem:s25], [sflag:$0xB], $0x1000, $0x38;
	[tilespmem:$0x1C780] =	vst v63  }
0x1c9: {  	_ =	swait.ge [sflag:s26], $0x1000  }
0x1ca: {  	[sflag:s26] =	ssyncset.done $0x0  }
0x1cb: {  	s8 =	smov.u32 s24;
	s24 =	rddreg [dreg:$0x9];
	[sflag:s26] =	ssyncadd.s32 $0xFFFFF000  }
0x1cc: {  	[spmem:s24] =	stream.linear.scatter [tilespmem:s25], [sflag:$0xB], $0x1000, $0x38;
	[tilespmem:$0x1C780] =	vst v63  }
0x1cd: {  	_ =	swait.ge [sflag:s26], $0x1000  }
0x1ce: {  	[sflag:s26] =	ssyncset.done $0x0  }
0x1cf: {  	s28 =	rddreg [dreg:$0xa];
	[sflag:s26] =	ssyncadd.s32 $0xFFFFF000  }
0x1d0: {  	[spmem:s28] =	stream.linear.scatter [tilespmem:s25], [sflag:$0xB], $0x1000, $0x38;
	[tilespmem:$0x1C780] =	vst v63  }
0x1d1: {  	_ =	swait.ge [sflag:s26], $0x1000  }
0x1d2: {  	[sflag:s26] =	ssyncset.done $0x0  }
0x1d3: {  	s15 =	rddreg [dreg:$0xb];
	[sflag:s26] =	ssyncadd.s32 $0xFFFFF000  }
0x1d4: {  	[spmem:s15] =	stream.linear.scatter [tilespmem:s25], [sflag:$0xB], $0x1000, $0x38;
	[tilespmem:$0x1C780] =	vst v63  }
0x1d5: {  	_ =	swait.ge [sflag:s26], $0x1000  }
0x1d6: {  	[sflag:s26] =	ssyncset.done $0x0  }
0x1d7: {  	s23 =	rddreg [dreg:$0xc];
	[sflag:s26] =	ssyncadd.s32 $0xFFFFF000  }
0x1d8: {  	[spmem:s23] =	stream.linear.scatter [tilespmem:s25], [sflag:$0xB], $0x1000, $0x38;
	[tilespmem:$0x1C780] =	vst v63  }
0x1d9: {  	_ =	swait.ge [sflag:s26], $0x1000  }
0x1da: {  	[sflag:s26] =	ssyncset.done $0x0  }
0x1db: {  	s24 =	rddreg [dreg:$0xd];
	[sflag:s26] =	ssyncadd.s32 $0xFFFFF000  }
0x1dc: {  	[spmem:s24] =	stream.linear.scatter [tilespmem:s25], [sflag:$0xB], $0x1000, $0x38;
	[tilespmem:$0x1C780] =	vst v63  }
0x1dd: {  	_ =	swait.ge [sflag:s26], $0x1000  }
0x1de: {  	[sflag:s26] =	ssyncset.done $0x0  }
0x1df: {  	[sflag:s26] =	ssyncadd.s32 $0xFFFFF000  }
0x1e0: {  	_ =	swait.ge [sflag:s10], $0x4000  }
0x1e1: {  	[sflag:s10] =	ssyncset.done $0x0  }
0x1e2: {  	[sflag:s10] =	ssyncadd.s32 $0xFFFFC000  }
0x1e3: {  	_ =	swait.ge [sflag:s10], $0x4000  }
0x1e4: {  	[sflag:s10] =	ssyncset.done $0x0  }
0x1e5: {  	[sflag:s10] =	ssyncadd.s32 $0xFFFFC000  }
0x1e6: {  	_ =	swait.ge [sflag:s10], $0x2000  }
0x1e7: {  	[sflag:s10] =	ssyncset.done $0x0  }
0x1e8: {  	s15 =	simm.s32 $0x180;
	s28 =	rddreg [dreg:$0x14];
	[sflag:s10] =	ssyncadd.s32 $0xFFFFE000  }
0x1e9: {  	[tilespmem:s15], [sflag:$0xB] =	stream.linear.gather [hbm4b:s28+s14], $0x1400, $0x38;
	[tilespmem:$0x1C780] =	vst v63  }
0x1ea: {  	_ =	swait.ge [sflag:s26], $0x1400  }
0x1eb: {  	[sflag:s26] =	ssyncset.done $0x0  }
0x1ec: {  	[sflag:s26] =	ssyncadd.s32 $0xFFFFEC00  }
0x1ed: {  	[tilespmem:s30], [sflag:$0x1] =	stream.indirect.gather [hbm4b:s1+s29], $0x80, s15, s29, $0xb8;
	[tilespmem:$0x1C780] =	vst v63  }
0x1ee: {  	s23 =	simm.s32 $0x200  }
0x1ef: {  	[tilespmem:s2], [sflag:$0x2] =	stream.indirect.gather [hbm4b:s1+s29], $0x80, s23, s29, $0xb8;
	[tilespmem:$0x1C780] =	vst v63  }
0x1f0: {  	s24 =	simm.s32 $0x280  }
0x1f1: {  	[tilespmem:s4], [sflag:$0x3] =	stream.indirect.gather [hbm4b:s1+s29], $0x80, s24, s29, $0xb8;
	[tilespmem:$0x1C780] =	vst v63  }
0x1f2: {  	s28 =	simm.s32 $0x300;
	s15 =	simm.s32 $0x480  }
0x1f3: {  	[tilespmem:s17], [sflag:$0x4] =	stream.indirect.gather [hbm4b:s1+s29], $0x80, s28, s29, $0xb8;
	[tilespmem:$0x1C780] =	vst v63  }
.LBB2_4:
0x1f4: {  	p0 =	seq.s32 s14, $0x0  }
0x1f5: {  	s23 =	simm.s32 @!p0 $0x8  }
0x1f6: {  	_ =	swait.ge @!p0 [sflag:s23], $0x4000  }
0x1f7: {  	s28 =	simm.s32 @!p0 $0x80;
	[sflag:s23] =	ssyncset.done @!p0 $0x0  }
0x1f8: {  	s24 =	simm.s32 @!p0 $0xD580;
	[sflag:s23] =	ssyncadd.s32 @!p0 $0xFFFFC000;
	s23 =	sadd.s32 @!p0 $0xFFFFFE80, s15  }
0x1f9: {  	[tilespmem:s24], [sflag:$0x4] =	stream.indirect.gather @!p0 [hbm4b:s1+s28], $0x80, s23, s28, $0xb8;
	[tilespmem:$0x1C780] =	vst v63  }
0x1fa: {  	_ =	swait.ge [sflag:s18], $0x4000  }
0x1fb: {  	s28 =	sadd.s32 s14, s6;
	[sflag:s18] =	ssyncset.done $0x0  }
0x1fc: {  	v1 =	vmov s28;
	s7 =	sadd.s32 $0x1, s28;
	[sflag:s18] =	ssyncadd.s32 $0xFFFFC000  }
0x1fd: {  	s24 =	sadd.s32 $0x2, s28;
	[tilespmem:$0x12580] =	vst v1;
	v1 =	vmov s7  }
0x1fe: {  	s7 =	sadd.s32 $0x3, s28;
	[tilespmem:$0x12590] =	vst v1;
	v1 =	vmov s24  }
0x1ff: {  	s24 =	sadd.s32 $0x4, s28;
	[tilespmem:$0x125A0] =	vst v1;
	v1 =	vmov s7  }
0x200: {  	s7 =	sadd.s32 $0x5, s28;
	[tilespmem:$0x125B0] =	vst v1;
	v1 =	vmov s24  }
0x201: {  	s24 =	sadd.s32 $0x6, s28;
	[tilespmem:$0x125C0] =	vst v1;
	v1 =	vmov s7  }
0x202: {  	s7 =	sadd.s32 $0x7, s28;
	[tilespmem:$0x125D0] =	vst v1;
	v1 =	vmov s24  }
0x203: {  	p0 =	seq.s32 s14, $0x120;
	[tilespmem:$0x125E0] =	vst v1;
	v1 =	vmov s7  }
0x204: {  	s23 =	simm.s32 @!p0 $0x5;
	[tilespmem:$0x125F0] =	vst v1  }
0x205: {  	[spmem:s3] =	stream.indirect.scatter.add.f32 [tilespmem:s30], [sflag:$0x5], $0x80, s31, s29, $0xb8;
	[tilespmem:$0x1C780] =	vst v63  }
0x206: {  	_ =	swait.ge @!p0 [sflag:s23], $0x4000  }
0x207: {  	s24 =	sadd.s32 @!p0 $0xFFFFFF00, s15;
	[sflag:s23] =	ssyncset.done @!p0 $0x0  }
0x208: {  	s7 =	simm.s32 @!p0 $0x1580;
	[sflag:s23] =	ssyncadd.s32 @!p0 $0xFFFFC000;
	s23 =	simm.s32 @!p0 $0x80  }
0x209: {  	[tilespmem:s7], [sflag:$0x1] =	stream.indirect.gather @!p0 [hbm4b:s1+s23], $0x80, s24, s23, $0xb8;
	[tilespmem:$0x1C780] =	vst v63  }
0x20a: {  	_ =	swait.ge [sflag:s19], $0x4000  }
0x20b: {  	s24 =	sadd.s32 $0x8, s28;
	[sflag:s19] =	ssyncset.done $0x0  }
0x20c: {  	v1 =	vmov s24;
	s24 =	sadd.s32 $0x9, s28;
	[sflag:s19] =	ssyncadd.s32 $0xFFFFC000  }
0x20d: {  	[tilespmem:$0x12600] =	vst v1;
	v1 =	vmov s24;
	s24 =	sadd.s32 $0xA, s28  }
0x20e: {  	[tilespmem:$0x12610] =	vst v1;
	v1 =	vmov s24;
	s24 =	sadd.s32 $0xB, s28  }
0x20f: {  	[tilespmem:$0x12620] =	vst v1;
	v1 =	vmov s24;
	s24 =	sadd.s32 $0xC, s28  }
0x210: {  	[tilespmem:$0x12630] =	vst v1;
	v1 =	vmov s24;
	s24 =	sadd.s32 $0xD, s28  }
0x211: {  	[tilespmem:$0x12640] =	vst v1;
	v1 =	vmov s24;
	s24 =	sadd.s32 $0xE, s28  }
0x212: {  	[tilespmem:$0x12650] =	vst v1;
	v1 =	vmov s24;
	s24 =	sadd.s32 $0xF, s28  }
0x213: {  	[tilespmem:$0x12660] =	vst v1;
	v1 =	vmov s24  }
0x214: {  	s7 =	simm.s32 @!p0 $0x6;
	[tilespmem:$0x12670] =	vst v1  }
0x215: {  	[spmem:s3] =	stream.indirect.scatter.add.f32 [tilespmem:s2], [sflag:$0x6], $0x80, s20, s29, $0xb8;
	[tilespmem:$0x1C780] =	vst v63  }
0x216: {  	_ =	swait.ge @!p0 [sflag:s7], $0x4000  }
0x217: {  	[sflag:s7] =	ssyncset.done @!p0 $0x0  }
0x218: {  	s24 =	simm.s32 @!p0 $0x5580;
	[sflag:s7] =	ssyncadd.s32 @!p0 $0xFFFFC000;
	s7 =	sadd.s32 @!p0 $0xFFFFFF80, s15  }
0x219: {  	[tilespmem:s24], [sflag:$0x2] =	stream.indirect.gather @!p0 [hbm4b:s1+s23], $0x80, s7, s23, $0xb8;
	[tilespmem:$0x1C780] =	vst v63  }
0x21a: {  	_ =	swait.ge [sflag:s0], $0x4000  }
0x21b: {  	s24 =	sadd.s32 $0x10, s28;
	[sflag:s0] =	ssyncset.done $0x0  }
0x21c: {  	v1 =	vmov s24;
	s24 =	sadd.s32 $0x11, s28;
	[sflag:s0] =	ssyncadd.s32 $0xFFFFC000  }
0x21d: {  	[tilespmem:$0x12680] =	vst v1;
	v1 =	vmov s24;
	s24 =	sadd.s32 $0x12, s28  }
0x21e: {  	[tilespmem:$0x12690] =	vst v1;
	v1 =	vmov s24;
	s24 =	sadd.s32 $0x13, s28  }
0x21f: {  	[tilespmem:$0x126A0] =	vst v1;
	v1 =	vmov s24;
	s24 =	sadd.s32 $0x14, s28  }
0x220: {  	[tilespmem:$0x126B0] =	vst v1;
	v1 =	vmov s24;
	s24 =	sadd.s32 $0x15, s28  }
0x221: {  	[tilespmem:$0x126C0] =	vst v1;
	v1 =	vmov s24;
	s24 =	sadd.s32 $0x16, s28  }
0x222: {  	[tilespmem:$0x126D0] =	vst v1;
	v1 =	vmov s24;
	s24 =	sadd.s32 $0x17, s28  }
0x223: {  	[tilespmem:$0x126E0] =	vst v1;
	v1 =	vmov s24  }
0x224: {  	s7 =	simm.s32 @!p0 $0x7;
	[tilespmem:$0x126F0] =	vst v1  }
0x225: {  	[spmem:s3] =	stream.indirect.scatter.add.f32 [tilespmem:s4], [sflag:$0x7], $0x80, s21, s29, $0xb8;
	[tilespmem:$0x1C780] =	vst v63  }
0x226: {  	_ =	swait.ge @!p0 [sflag:s7], $0x4000  }
0x227: {  	[sflag:s7] =	ssyncset.done @!p0 $0x0  }
0x228: {  	[sflag:s7] =	ssyncadd.s32 @!p0 $0xFFFFC000;
	s7 =	simm.s32 @!p0 $0x9580  }
0x229: {  	[tilespmem:s7], [sflag:$0x3] =	stream.indirect.gather @!p0 [hbm4b:s1+s23], $0x80, s15, s23, $0xb8;
	[tilespmem:$0x1C780] =	vst v63  }
0x22a: {  	_ =	swait.ge [sflag:s22], $0x4000  }
0x22b: {  	s24 =	sadd.s32 $0x18, s28;
	[sflag:s22] =	ssyncset.done $0x0  }
0x22c: {  	v1 =	vmov s24;
	s23 =	sadd.s32 $0x19, s28;
	[sflag:s22] =	ssyncadd.s32 $0xFFFFC000  }
0x22d: {  	s24 =	sadd.s32 $0x1A, s28;
	[tilespmem:$0x12700] =	vst v1;
	v1 =	vmov s23  }
0x22e: {  	s23 =	sadd.s32 $0x1B, s28;
	[tilespmem:$0x12710] =	vst v1;
	v1 =	vmov s24  }
0x22f: {  	s14 =	sadd.s32 $0x20, s14;
	s24 =	sadd.s32 $0x1C, s28;
	[tilespmem:$0x12720] =	vst v1;
	v1 =	vmov s23  }
0x230: {  	p0 =	sne.s32 s14, $0x140;
	s23 =	sadd.s32 $0x1D, s28;
	[tilespmem:$0x12730] =	vst v1;
	v1 =	vmov s24  }
.Ltmp1:
0x231: {  	s24 =	sadd.s32 $0x1E, s28;
	[tilespmem:$0x12740] =	vst v1;
	v1 =	vmov s23;
	(pc) =	sbr.rel @p0 .LBB2_4-.Ltmp1, $4  }
0x232: {  	s28 =	sadd.s32 $0x1F, s28;
	[tilespmem:$0x12750] =	vst v1;
	v1 =	vmov s24  }
0x233: {  	[tilespmem:$0x12760] =	vst v1;
	v1 =	vmov s28  }
0x234: {  	s15 =	sadd.s32 $0x200, s15;
	[tilespmem:$0x12770] =	vst v1  }
0x235: {  	[spmem:s3] =	stream.indirect.scatter.add.f32 [tilespmem:s17], [sflag:$0x8], $0x80, s16, s29, $0xb8;
	[tilespmem:$0x1C780] =	vst v63  }
0x236: {  	s7 =	simm.s32 $0x5  }
0x237: {  	_ =	swait.ge [sflag:s7], $0x4000  }
0x238: {  	[sflag:s7] =	ssyncset.done $0x0  }
0x239: {  	s14 =	simm.s32 $0x6;
	[sflag:s7] =	ssyncadd.s32 $0xFFFFC000  }
0x23a: {  	_ =	swait.ge [sflag:s14], $0x4000  }
0x23b: {  	[sflag:s14] =	ssyncset.done $0x0  }
0x23c: {  	s15 =	simm.s32 $0x7;
	[sflag:s14] =	ssyncadd.s32 $0xFFFFC000  }
0x23d: {  	_ =	swait.ge [sflag:s15], $0x4000  }
0x23e: {  	[sflag:s15] =	ssyncset.done $0x0  }
0x23f: {  	s23 =	simm.s32 $0x8;
	[sflag:s15] =	ssyncadd.s32 $0xFFFFC000  }
0x240: {  	_ =	swait.ge [sflag:s23], $0x4000  }
0x241: {  	[sflag:s23] =	ssyncset.done $0x0  }
0x242: {  	s24 =	rddreg [dreg:$0x15];
	[sflag:s23] =	ssyncadd.s32 $0xFFFFC000  }
0x243: {  	[hbm:s24], [sflag:s12] =	dma.local [spmem:s13], $0x1400  }
0x244: {  	_ =	swait.ge [sflag:s9], $0x1400  }
0x245: {  	s11 =	sadd.s32 $0x1, s11;
	s28 =	rddreg [dreg:$0x16]  }
0x246: {  	p0 =	sne.s32 s11, s28  }
.Ltmp2:
0x247: {  	_ = 	snop;
	(pc) =	sbr.rel @p0 .LBB2_1-.Ltmp2, $3  }
0x248: {  	_ =	sdelay $0x1  }
0x249: {  	[sflag:s9] =	ssyncset.done $0x0  }
0x24a: {  	s24 =	smov.u32 s8;
	[sflag:s9] =	ssyncadd.s32 $0xFFFFEC00  }
0x24b: {  	_ =	sfence.sel $0x180000  }
0x24c: {  	[bflag:$0x0] =	sbarrier.arrive $0xFFFF  }
0x24d: {  	_ =	strace $0x90000047  }
0x24e: {  	s0 =	stileid.u32;
	[bflag:$0x2] =	sbarrier.arrive $0xFFFF  }
0x24f: {  	p0 =	sne.s32 s0, $0x0;
	s0 =	rddreg [dreg:$0x5]  }
0x250: {  	s0 =	sadd.s32 @!p0 $0x100000, s0  }
0x251: {  	[sflag:s0] =	ssyncadd.tile.s32 @!p0 $0x1;
	_ =	shalt  }
.Lfunc_end2:
_tile_overlayer_lowered:
.L_overlay_start_2:
0x252: {  	(tag) =	ssettag $0x2  }
0x253: {  	s0 =	rddreg [dreg:$0x0];
	s2 =	stileid.u32  }
0x254: {  	s1 =	rddreg [dreg:$0x1];
	p0 =	sne.s32 s2, $0x0  }
0x255: {  	s3 =	rddreg [dreg:$0x2];
	[bflag:$0x3] =	sbarrier.arrive $0xFFFF;
	s2 =	simm.s32 @!p0 $0x1C0B  }
0x256: {  	[timem:s3], [sflag:s2] =	dma.local @!p0 [hbm:s0], s1  }
0x257: {  	s0 =	simm.s32 @!p0 $0xB  }
0x258: {  	_ =	swait.ge @!p0 [sflag:s0], s1  }
0x259: {  	s1 =	ssub.s32 @!p0 $0x0, s1;
	[sflag:s0] =	ssyncset.done @!p0 $0x0  }
0x25a: {  	[sflag:s0] =	ssyncadd.s32 @!p0 s1  }
0x25b: {  	[bflag:$0x3] =	sbarrier.arrive $0xFFFF  }
0x25c: {  	_ =	shalt  }

</sc_bundles>
